<compile_context>
chip_gen: v7x
topology: tpu7x:2x2x1
jax: 0.10.2.dev20260603
libtpu: 0.0.44.dev20260713+nightly
codegen_flags: <defaults>
</compile_context>

<pallas_src>
import functools

import jax
import jax.numpy as jnp
from jax import lax
from jax.experimental import pallas as pl
from jax.experimental.pallas import tpu as pltpu
from jax.experimental.pallas import tpu_sc as plsc

N = 160000
D = 256
C = 1000
CP = 1024
CHUNK = 128
NCHUNKS = N // CHUNK
NCORES = 2
NSUB = 16
NW = NCORES * NSUB

BR = 2000
NB = N // BR



def _centers_body(feat_ref, lab_ref, cen_ref, cnt_ref, sums_acc, cnt_acc):
    i = pl.program_id(0)

    @pl.when(i == 0)
    def _():
        sums_acc[...] = jnp.zeros((CP, D), jnp.float32)
        cnt_acc[...] = jnp.zeros((CP, 128), jnp.float32)

    lab = lab_ref[0, 0, :]
    fbf = feat_ref[...].astype(jnp.bfloat16)
    b0 = jnp.minimum(jnp.min(lab) // 8 * 8, CP - 256)

    def window(k):
        base = pl.multiple_of(b0 + 256 * k, 8)
        rel = lab - base

        @pl.when(jnp.any((rel >= 0) & (rel < 256)))
        def _():
            oh = (rel[:, None] ==
                  lax.broadcasted_iota(jnp.int32, (BR, 256), 1)
                  ).astype(jnp.float32)
            part = lax.dot_general(
                oh.astype(jnp.bfloat16), fbf, (((0,), (0,)), ((), ())),
                preferred_element_type=jnp.float32)
            sums_acc[pl.ds(base, 256), :] += part
            cnt_acc[pl.ds(base, 256), :] += jnp.sum(oh, axis=0)[:, None]

    for k in range(4):
        window(k)

    @pl.when(i == NB - 1)
    def _():
        cnt = cnt_acc[...][:, 0:1]
        safe = jnp.where(cnt > 0, cnt, 1.0)
        cen = jnp.where(cnt > 0, sums_acc[...] / safe, 0.0)
        lo = lax.bitcast_convert_type(
            cen[:, :128].astype(jnp.bfloat16), jnp.uint16).astype(jnp.uint32)
        hi = lax.bitcast_convert_type(
            cen[:, 128:].astype(jnp.bfloat16), jnp.uint16).astype(jnp.uint32)
        cen_ref[...] = lax.bitcast_convert_type((hi << 16) | lo, jnp.float32)
        cnt_ref[...] = cnt_acc[...]


def _compute_centers(features, lab3d):
    return pl.pallas_call(
        _centers_body,
        grid=(NB,),
        in_specs=[
            pl.BlockSpec((BR, D), lambda i: (i, 0)),
            pl.BlockSpec((1, 1, BR), lambda i: (i, 0, 0)),
        ],
        out_specs=[
            pl.BlockSpec((CP, 128), lambda i: (0, 0)),
            pl.BlockSpec((CP, 128), lambda i: (0, 0)),
        ],
        out_shape=[
            jax.ShapeDtypeStruct((CP, 128), jnp.float32),
            jax.ShapeDtypeStruct((CP, 128), jnp.float32),
        ],
        scratch_shapes=[
            pltpu.VMEM((CP, D), jnp.float32),
            pltpu.VMEM((CP, 128), jnp.float32),
        ],
    )(features, lab3d)



NSLICE = 5
SROWS = N // NSLICE
SCHUNKS = SROWS // CHUNK
STAGE = 8


def _gather_body(cbase, centers, lab1d, out, bufa, bufb, idxb,
                 sg1, sg2, sg3, sg4, sw1, sw2, sw3):
    cid = lax.axis_index("c")
    sid = lax.axis_index("s")
    wid = sid * NCORES + cid
    c0 = (wid * SCHUNKS) // NW
    lrow = c0 * CHUNK

    pltpu.sync_copy(
        lab1d.at[pl.ds((cbase + c0) * CHUNK, STAGE * CHUNK)], idxb)

    g1 = pltpu.async_copy(centers.at[idxb.at[pl.ds(0, 3 * CHUNK)]],
                          bufa.at[pl.ds(0, 3 * CHUNK)], sg1)
    g2 = pltpu.async_copy(centers.at[idxb.at[pl.ds(3 * CHUNK, 3 * CHUNK)]],
                          bufb, sg2)
    g3 = pltpu.async_copy(centers.at[idxb.at[pl.ds(6 * CHUNK, CHUNK)]],
                          bufa.at[pl.ds(3 * CHUNK, CHUNK)], sg3)
    g1.wait()
    w1 = pltpu.async_copy(bufa.at[pl.ds(0, 3 * CHUNK)],
                          out.at[pl.ds(lrow, 3 * CHUNK)], sw1)
    g2.wait()
    w2 = pltpu.async_copy(bufb, out.at[pl.ds(lrow + 3 * CHUNK, 3 * CHUNK)], sw2)
    g3.wait()
    w3 = pltpu.async_copy(bufa.at[pl.ds(3 * CHUNK, CHUNK)],
                          out.at[pl.ds(lrow + 6 * CHUNK, CHUNK)], sw3)
    w1.wait()
    g4 = pltpu.async_copy(centers.at[idxb.at[pl.ds(7 * CHUNK, CHUNK)]],
                          bufa.at[pl.ds(0, CHUNK)], sg4)
    g4.wait()
    w4 = pltpu.async_copy(bufa.at[pl.ds(0, CHUNK)],
                          out.at[pl.ds(lrow + 7 * CHUNK, CHUNK)], sw1)
    w2.wait()
    w3.wait()
    w4.wait()


@functools.lru_cache(maxsize=None)
def _gather_kernel(slice_idx):
    mesh = plsc.VectorSubcoreMesh(core_axis_name="c", subcore_axis_name="s")
    return pl.kernel(
        functools.partial(_gather_body, slice_idx * SCHUNKS),
        out_type=jax.ShapeDtypeStruct((SROWS, 128), jnp.float32),
        mesh=mesh,
        scratch_types=(
            [
                pltpu.VMEM((4 * CHUNK, 128), jnp.float32),
                pltpu.VMEM((3 * CHUNK, 128), jnp.float32),
                pltpu.VMEM((STAGE * CHUNK,), jnp.int32),
            ]
            + [pltpu.SemaphoreType.DMA] * 7
        ),
    )



NBS = SROWS // BR


def _dist_body(feat_ref, gath_ref, lab_ref, part_ref, acc_ref):
    i = pl.program_id(0)

    @pl.when(i == 0)
    def _():
        acc_ref[...] = jnp.zeros((CP, 128), jnp.float32)

    gp = lax.bitcast_convert_type(gath_ref[...], jnp.uint32)
    clo = lax.bitcast_convert_type(
        (gp & 0xFFFF).astype(jnp.uint16), jnp.bfloat16).astype(jnp.float32)
    chi = lax.bitcast_convert_type(
        (gp >> 16).astype(jnp.uint16), jnp.bfloat16).astype(jnp.float32)
    f = feat_ref[...]
    dlo = f[:, :128] - clo + 1e-6
    dhi = f[:, 128:] - chi + 1e-6
    dist = jnp.sqrt(jnp.sum(dlo * dlo, axis=1) +
                    jnp.sum(dhi * dhi, axis=1))[:, None]
    lab = lab_ref[0, 0, :]
    b0 = jnp.minimum(jnp.min(lab) // 8 * 8, CP - 256)

    for k in range(4):
        base = pl.multiple_of(b0 + 256 * k, 8)
        rel = lab - base

        @pl.when(jnp.any((rel >= 0) & (rel < 256)))
        def _():
            oh = (rel[:, None] ==
                  lax.broadcasted_iota(jnp.int32, (BR, 256), 1)
                  ).astype(jnp.float32)
            part = lax.dot_general(
                oh, dist, (((0,), (0,)), ((), ())),
                preferred_element_type=jnp.float32)
            acc_ref[pl.ds(base, 256), :] += part

    @pl.when(i == NBS - 1)
    def _():
        part_ref[...] = acc_ref[...]


def _dist_partial(s, features, gathered, lab3d):
    return pl.pallas_call(
        _dist_body,
        grid=(NBS,),
        in_specs=[
            pl.BlockSpec((BR, D), lambda i, s=s: (s * NBS + i, 0)),
            pl.BlockSpec((BR, 128), lambda i: (i, 0)),
            pl.BlockSpec((1, 1, BR), lambda i, s=s: (s * NBS + i, 0, 0)),
        ],
        out_specs=pl.BlockSpec((CP, 128), lambda i: (0, 0)),
        out_shape=jax.ShapeDtypeStruct((CP, 128), jnp.float32),
        scratch_shapes=[pltpu.VMEM((CP, 128), jnp.float32)],
    )(features, gathered, lab3d)


def _final_body(parts_ref, cnt_ref, loss_ref):
    cnt = cnt_ref[...][:, 0]
    ds = jnp.sum(parts_ref[...][:, 0].reshape(NSLICE, CP), axis=0)
    safe = jnp.where(cnt > 0, cnt, 1.0)
    loss_ref[...] = jnp.sum(jnp.where(cnt > 0, ds / safe, 0.0))[None, None]


def _final_loss(parts, cnt):
    return pl.pallas_call(
        _final_body,
        out_shape=jax.ShapeDtypeStruct((1, 1), jnp.float32),
    )(parts, cnt)


def kernel(features, labels):
    lab32 = labels.astype(jnp.int32)
    lab3d = lab32.reshape(NB, 1, BR)
    centers, cnt = _compute_centers(features, lab3d)
    parts = []
    for s in range(NSLICE):
        gathered = _gather_kernel(s)(centers, lab32)
        parts.append(_dist_partial(s, features, gathered, lab3d))
    loss = _final_loss(jnp.concatenate(parts, axis=0), cnt)
    return loss[0, 0]

# --- scband reference (transcript-rebuilt; emitter-appended) ---
"""Pipeline reference for scband-class-consistency-module-86895778333084 (READ-ONLY COPY).

The authoritative reference and input builder live on the scoring server;
editing this copy changes nothing except your own understanding.
"""

import jax, jax.numpy as jnp
import numpy as np

NUM_CLASSES = 1000
N = 160000
D = 256


def setup_inputs(seed: int = 0) -> dict:
    key = jax.random.key(seed)
    k1, k2 = jax.random.split(key)
    features = jax.random.normal(k1, (N, D), dtype=jnp.float32)
    labels = jnp.sort(jax.random.randint(k2, (N,), 0, NUM_CLASSES, dtype=jnp.int64))
    return {"features": features, "labels": labels}


def reference(features, labels):
    labels32 = labels.astype(jnp.int32)
    ones = jnp.ones((features.shape[0],), dtype=features.dtype)
    counts = jax.ops.segment_sum(ones, labels32, num_segments=NUM_CLASSES, indices_are_sorted=True)
    sums = jax.ops.segment_sum(features, labels32, num_segments=NUM_CLASSES, indices_are_sorted=True)
    nonempty = counts > 0
    safe_counts = jnp.where(nonempty, counts, 1.0)
    centers = jnp.where(nonempty[:, None], sums / safe_counts[:, None], 0.0)
    # F.pairwise_distance with default eps=1e-6, p=2: ||x1 - x2 + eps||_2
    diff = features - centers[labels32] + 1e-6
    dist = jnp.sqrt(jnp.sum(diff * diff, axis=1))
    per_class_dist_sum = jax.ops.segment_sum(dist, labels32, num_segments=NUM_CLASSES, indices_are_sorted=True)
    per_class_mean = jnp.where(nonempty, per_class_dist_sum / safe_counts, 0.0)
    loss = jnp.sum(per_class_mean)
    return loss

if __name__ == "__main__":
    import jax
    _d = setup_inputs()
    print(jax.jit(kernel)(*tuple(_d.values())))

</pallas_src>

<mosaic_0001>
#map = affine_map<(d0, d1) -> (0, 0)>
#map1 = affine_map<(d0, d1) -> (0)>
module attributes {stable_mosaic.version = 14 : i64} {
  func.func @_gather_body(%arg0: i32, %arg1: i32, %arg2: memref<1024x128xf32, #tpu.memory_space<hbm>>, %arg3: memref<160000xi32, #tpu.memory_space<hbm>>, %arg4: memref<32000x128xf32, #tpu.memory_space<hbm>>, %arg5: memref<512x128xf32, #tpu.memory_space<vmem>>, %arg6: memref<384x128xf32, #tpu.memory_space<vmem>>, %arg7: memref<1024xi32, #tpu.memory_space<vmem>>, %arg8: memref<!tpu.dma_semaphore, #tpu.memory_space<semaphore_mem>>, %arg9: memref<!tpu.dma_semaphore, #tpu.memory_space<semaphore_mem>>, %arg10: memref<!tpu.dma_semaphore, #tpu.memory_space<semaphore_mem>>, %arg11: memref<!tpu.dma_semaphore, #tpu.memory_space<semaphore_mem>>, %arg12: memref<!tpu.dma_semaphore, #tpu.memory_space<semaphore_mem>>, %arg13: memref<!tpu.dma_semaphore, #tpu.memory_space<semaphore_mem>>, %arg14: memref<!tpu.dma_semaphore, #tpu.memory_space<semaphore_mem>>) attributes {dimension_semantics = [#tpu.dimension_semantics<core_parallel>, #tpu.dimension_semantics<subcore_parallel>], iteration_bounds = array<i64: 2, 16>, scalar_prefetch = 0 : i64, scratch_operands = 10 : i64, tpu.core_type = #tpu.core_type<sc_vector_subcore>, window_params = [{transform_indices = #map}, {transform_indices = #map1}, {transform_indices = #map}]} {
    %mul3A = arith.constant 2 : i32
    %mul3A_0 = arith.muli %arg1, %mul3A : i32
    %add3A = arith.addi %mul3A_0, %arg0 : i32
    %mul3A_1 = arith.constant 250 : i32
    %mul3A_2 = arith.muli %add3A, %mul3A_1 : i32
    %jit3A = arith.constant 32 : i32
    %div3A = arith.divsi %mul3A_2, %jit3A : i32
    %sign3A = arith.constant 0 : i32
    %sign3A_3 = arith.cmpi sgt, %mul3A_2, %sign3A : i32
    %sign3A_4 = arith.extui %sign3A_3 : i1 to i32
    %sign3A_5 = arith.constant 0 : i32
    %sign3A_6 = arith.cmpi slt, %mul3A_2, %sign3A_5 : i32
    %sign3A_7 = arith.extui %sign3A_6 : i1 to i32
    %sign3A_8 = arith.subi %sign3A_4, %sign3A_7 : i32
    %sign3A_9 = arith.constant 0 : i32
    %sign3A_10 = arith.cmpi sgt, %jit3A, %sign3A_9 : i32
    %sign3A_11 = arith.extui %sign3A_10 : i1 to i32
    %sign3A_12 = arith.constant 0 : i32
    %sign3A_13 = arith.cmpi slt, %jit3A, %sign3A_12 : i32
    %sign3A_14 = arith.extui %sign3A_13 : i1 to i32
    %sign3A_15 = arith.subi %sign3A_11, %sign3A_14 : i32
    %ne3A = arith.cmpi ne, %sign3A_8, %sign3A_15 : i32
    %rem3A = arith.remsi %mul3A_2, %jit3A : i32
    %ne3A_16 = arith.constant 0 : i32
    %ne3A_17 = arith.cmpi ne, %rem3A, %ne3A_16 : i32
    %and3A = arith.andi %ne3A, %ne3A_17 : i1
    %sub3A = arith.constant 1 : i32
    %sub3A_18 = arith.subi %div3A, %sub3A : i32
    %select_n3A = arith.select %and3A, %sub3A_18, %div3A : i32
    %mul3A_19 = arith.constant 128 : i32
    %mul3A_20 = arith.muli %select_n3A, %mul3A_19 : i32
    %add3A_21 = arith.constant 250 : i32
    %add3A_22 = arith.addi %add3A_21, %select_n3A : i32
    %mul3A_23 = arith.constant 128 : i32
    %mul3A_24 = arith.muli %add3A_22, %mul3A_23 : i32
    "tpu.region"() ({
      %run_scoped3A = tpu.sem_alloc : memref<!tpu.dma_semaphore, #tpu.memory_space<semaphore_mem>>
      %dma_start3A_155 = tpu.memref_slice %arg3[%mul3A_24] : memref<160000xi32, #tpu.memory_space<hbm>> -> memref<1024xi32, #tpu.memory_space<hbm>>
      %dma_start3A_156 = tpu.memref_slice %arg3[%mul3A_24] : memref<160000xi32, #tpu.memory_space<hbm>> -> memref<1024xi32, #tpu.memory_space<hbm>>
      tpu.enqueue_dma source(%dma_start3A_156 : memref<1024xi32, #tpu.memory_space<hbm>>) target(%arg7 : memref<1024xi32, #tpu.memory_space<vmem>>) target_semaphore(%run_scoped3A : memref<!tpu.dma_semaphore, #tpu.memory_space<semaphore_mem>>)
      %dma_wait3A_157 = tpu.memref_slice %arg3[%mul3A_24] : memref<160000xi32, #tpu.memory_space<hbm>> -> memref<1024xi32, #tpu.memory_space<hbm>>
      %dma_wait3A_158 = tpu.memref_slice %arg3[%mul3A_24] : memref<160000xi32, #tpu.memory_space<hbm>> -> memref<1024xi32, #tpu.memory_space<hbm>>
      tpu.wait_dma2 semaphore(%run_scoped3A : memref<!tpu.dma_semaphore, #tpu.memory_space<semaphore_mem>>) src(%dma_wait3A_158 : memref<1024xi32, #tpu.memory_space<hbm>>) dst(%arg7 : memref<1024xi32, #tpu.memory_space<vmem>>)
      tpu.yield
    }) : () -> ()
    %dma_start3A = arith.constant 0 : i32
    %dma_start3A_25 = arith.constant 0 : i32
    %dma_start3A_26 = tpu.memref_slice %arg5[%dma_start3A, %dma_start3A_25] : memref<512x128xf32, #tpu.memory_space<vmem>> -> memref<384x128xf32, #tpu.memory_space<vmem>>
    %dma_start3A_27 = arith.constant 0 : i32
    %dma_start3A_28 = tpu.memref_slice %arg7[%dma_start3A_27] : memref<1024xi32, #tpu.memory_space<vmem>> -> memref<384xi32, #tpu.memory_space<vmem>>
    %dma_start3A_29 = arith.constant 0 : i32
    %dma_start3A_30 = arith.constant 0 : i32
    %dma_start3A_31 = tpu.memref_slice %arg2[%dma_start3A_29, %dma_start3A_30] : memref<1024x128xf32, #tpu.memory_space<hbm>> -> memref<1024x128xf32, #tpu.memory_space<hbm>>
    tpu.enqueue_indirect_dma source(%dma_start3A_31 : memref<1024x128xf32, #tpu.memory_space<hbm>>) target(%dma_start3A_26 : memref<384x128xf32, #tpu.memory_space<vmem>>) offsets(%dma_start3A_28 : memref<384xi32, #tpu.memory_space<vmem>>) semaphore(%arg8 : memref<!tpu.dma_semaphore, #tpu.memory_space<semaphore_mem>>)
    %dma_start3A_32 = arith.constant 384 : i32
    %dma_start3A_33 = tpu.memref_slice %arg7[%dma_start3A_32] : memref<1024xi32, #tpu.memory_space<vmem>> -> memref<384xi32, #tpu.memory_space<vmem>>
    %dma_start3A_34 = arith.constant 0 : i32
    %dma_start3A_35 = arith.constant 0 : i32
    %dma_start3A_36 = tpu.memref_slice %arg2[%dma_start3A_34, %dma_start3A_35] : memref<1024x128xf32, #tpu.memory_space<hbm>> -> memref<1024x128xf32, #tpu.memory_space<hbm>>
    tpu.enqueue_indirect_dma source(%dma_start3A_36 : memref<1024x128xf32, #tpu.memory_space<hbm>>) target(%arg6 : memref<384x128xf32, #tpu.memory_space<vmem>>) offsets(%dma_start3A_33 : memref<384xi32, #tpu.memory_space<vmem>>) semaphore(%arg9 : memref<!tpu.dma_semaphore, #tpu.memory_space<semaphore_mem>>)
    %dma_start3A_37 = arith.constant 384 : i32
    %dma_start3A_38 = arith.constant 0 : i32
    %dma_start3A_39 = tpu.memref_slice %arg5[%dma_start3A_37, %dma_start3A_38] : memref<512x128xf32, #tpu.memory_space<vmem>> -> memref<128x128xf32, #tpu.memory_space<vmem>>
    %dma_start3A_40 = arith.constant 768 : i32
    %dma_start3A_41 = tpu.memref_slice %arg7[%dma_start3A_40] : memref<1024xi32, #tpu.memory_space<vmem>> -> memref<128xi32, #tpu.memory_space<vmem>>
    %dma_start3A_42 = arith.constant 0 : i32
    %dma_start3A_43 = arith.constant 0 : i32
    %dma_start3A_44 = tpu.memref_slice %arg2[%dma_start3A_42, %dma_start3A_43] : memref<1024x128xf32, #tpu.memory_space<hbm>> -> memref<1024x128xf32, #tpu.memory_space<hbm>>
    tpu.enqueue_indirect_dma source(%dma_start3A_44 : memref<1024x128xf32, #tpu.memory_space<hbm>>) target(%dma_start3A_39 : memref<128x128xf32, #tpu.memory_space<vmem>>) offsets(%dma_start3A_41 : memref<128xi32, #tpu.memory_space<vmem>>) semaphore(%arg10 : memref<!tpu.dma_semaphore, #tpu.memory_space<semaphore_mem>>)
    %dma_wait3A = arith.constant 0 : i32
    %dma_wait3A_45 = arith.constant 0 : i32
    %dma_wait3A_46 = tpu.memref_slice %arg5[%dma_wait3A, %dma_wait3A_45] : memref<512x128xf32, #tpu.memory_space<vmem>> -> memref<384x128xf32, #tpu.memory_space<vmem>>
    %dma_wait3A_47 = arith.constant 0 : i32
    %dma_wait3A_48 = tpu.memref_slice %arg7[%dma_wait3A_47] : memref<1024xi32, #tpu.memory_space<vmem>> -> memref<384xi32, #tpu.memory_space<vmem>>
    %dma_wait3A_49 = arith.constant 0 : i32
    %dma_wait3A_50 = arith.constant 0 : i32
    %dma_wait3A_51 = tpu.memref_slice %arg2[%dma_wait3A_49, %dma_wait3A_50] : memref<1024x128xf32, #tpu.memory_space<hbm>> -> memref<1024x128xf32, #tpu.memory_space<hbm>>
    tpu.wait_indirect_dma semaphore(%arg8 : memref<!tpu.dma_semaphore, #tpu.memory_space<semaphore_mem>>) src(%dma_wait3A_51 : memref<1024x128xf32, #tpu.memory_space<hbm>>) dst(%dma_wait3A_46 : memref<384x128xf32, #tpu.memory_space<vmem>>)
    %dma_start3A_52 = arith.constant 0 : i32
    %dma_start3A_53 = arith.constant 0 : i32
    %dma_start3A_54 = tpu.memref_slice %arg5[%dma_start3A_52, %dma_start3A_53] : memref<512x128xf32, #tpu.memory_space<vmem>> -> memref<384x128xf32, #tpu.memory_space<vmem>>
    %dma_start3A_55 = arith.constant 0 : i32
    %dma_start3A_56 = tpu.memref_slice %arg4[%mul3A_20, %dma_start3A_55] : memref<32000x128xf32, #tpu.memory_space<hbm>> -> memref<384x128xf32, #tpu.memory_space<hbm>>
    %dma_start3A_57 = arith.constant 0 : i32
    %dma_start3A_58 = tpu.memref_slice %arg4[%mul3A_20, %dma_start3A_57] : memref<32000x128xf32, #tpu.memory_space<hbm>> -> memref<384x128xf32, #tpu.memory_space<hbm>>
    %dma_start3A_59 = arith.constant 0 : i32
    %dma_start3A_60 = arith.constant 0 : i32
    %dma_start3A_61 = tpu.memref_slice %arg5[%dma_start3A_59, %dma_start3A_60] : memref<512x128xf32, #tpu.memory_space<vmem>> -> memref<384x128xf32, #tpu.memory_space<vmem>>
    tpu.enqueue_dma source(%dma_start3A_61 : memref<384x128xf32, #tpu.memory_space<vmem>>) target(%dma_start3A_58 : memref<384x128xf32, #tpu.memory_space<hbm>>) target_semaphore(%arg12 : memref<!tpu.dma_semaphore, #tpu.memory_space<semaphore_mem>>)
    %dma_wait3A_62 = arith.constant 384 : i32
    %dma_wait3A_63 = tpu.memref_slice %arg7[%dma_wait3A_62] : memref<1024xi32, #tpu.memory_space<vmem>> -> memref<384xi32, #tpu.memory_space<vmem>>
    %dma_wait3A_64 = arith.constant 0 : i32
    %dma_wait3A_65 = arith.constant 0 : i32
    %dma_wait3A_66 = tpu.memref_slice %arg2[%dma_wait3A_64, %dma_wait3A_65] : memref<1024x128xf32, #tpu.memory_space<hbm>> -> memref<1024x128xf32, #tpu.memory_space<hbm>>
    tpu.wait_indirect_dma semaphore(%arg9 : memref<!tpu.dma_semaphore, #tpu.memory_space<semaphore_mem>>) src(%dma_wait3A_66 : memref<1024x128xf32, #tpu.memory_space<hbm>>) dst(%arg6 : memref<384x128xf32, #tpu.memory_space<vmem>>)
    %add3A_67 = arith.constant 384 : i32
    %add3A_68 = arith.addi %mul3A_20, %add3A_67 : i32
    %dma_start3A_69 = arith.constant 0 : i32
    %dma_start3A_70 = tpu.memref_slice %arg4[%add3A_68, %dma_start3A_69] : memref<32000x128xf32, #tpu.memory_space<hbm>> -> memref<384x128xf32, #tpu.memory_space<hbm>>
    %dma_start3A_71 = arith.constant 0 : i32
    %dma_start3A_72 = tpu.memref_slice %arg4[%add3A_68, %dma_start3A_71] : memref<32000x128xf32, #tpu.memory_space<hbm>> -> memref<384x128xf32, #tpu.memory_space<hbm>>
    tpu.enqueue_dma source(%arg6 : memref<384x128xf32, #tpu.memory_space<vmem>>) target(%dma_start3A_72 : memref<384x128xf32, #tpu.memory_space<hbm>>) target_semaphore(%arg13 : memref<!tpu.dma_semaphore, #tpu.memory_space<semaphore_mem>>)
    %dma_wait3A_73 = arith.constant 384 : i32
    %dma_wait3A_74 = arith.constant 0 : i32
    %dma_wait3A_75 = tpu.memref_slice %arg5[%dma_wait3A_73, %dma_wait3A_74] : memref<512x128xf32, #tpu.memory_space<vmem>> -> memref<128x128xf32, #tpu.memory_space<vmem>>
    %dma_wait3A_76 = arith.constant 768 : i32
    %dma_wait3A_77 = tpu.memref_slice %arg7[%dma_wait3A_76] : memref<1024xi32, #tpu.memory_space<vmem>> -> memref<128xi32, #tpu.memory_space<vmem>>
    %dma_wait3A_78 = arith.constant 0 : i32
    %dma_wait3A_79 = arith.constant 0 : i32
    %dma_wait3A_80 = tpu.memref_slice %arg2[%dma_wait3A_78, %dma_wait3A_79] : memref<1024x128xf32, #tpu.memory_space<hbm>> -> memref<1024x128xf32, #tpu.memory_space<hbm>>
    tpu.wait_indirect_dma semaphore(%arg10 : memref<!tpu.dma_semaphore, #tpu.memory_space<semaphore_mem>>) src(%dma_wait3A_80 : memref<1024x128xf32, #tpu.memory_space<hbm>>) dst(%dma_wait3A_75 : memref<128x128xf32, #tpu.memory_space<vmem>>)
    %add3A_81 = arith.constant 768 : i32
    %add3A_82 = arith.addi %mul3A_20, %add3A_81 : i32
    %dma_start3A_83 = arith.constant 384 : i32
    %dma_start3A_84 = arith.constant 0 : i32
    %dma_start3A_85 = tpu.memref_slice %arg5[%dma_start3A_83, %dma_start3A_84] : memref<512x128xf32, #tpu.memory_space<vmem>> -> memref<128x128xf32, #tpu.memory_space<vmem>>
    %dma_start3A_86 = arith.constant 0 : i32
    %dma_start3A_87 = tpu.memref_slice %arg4[%add3A_82, %dma_start3A_86] : memref<32000x128xf32, #tpu.memory_space<hbm>> -> memref<128x128xf32, #tpu.memory_space<hbm>>
    %dma_start3A_88 = arith.constant 0 : i32
    %dma_start3A_89 = tpu.memref_slice %arg4[%add3A_82, %dma_start3A_88] : memref<32000x128xf32, #tpu.memory_space<hbm>> -> memref<128x128xf32, #tpu.memory_space<hbm>>
    %dma_start3A_90 = arith.constant 384 : i32
    %dma_start3A_91 = arith.constant 0 : i32
    %dma_start3A_92 = tpu.memref_slice %arg5[%dma_start3A_90, %dma_start3A_91] : memref<512x128xf32, #tpu.memory_space<vmem>> -> memref<128x128xf32, #tpu.memory_space<vmem>>
    tpu.enqueue_dma source(%dma_start3A_92 : memref<128x128xf32, #tpu.memory_space<vmem>>) target(%dma_start3A_89 : memref<128x128xf32, #tpu.memory_space<hbm>>) target_semaphore(%arg14 : memref<!tpu.dma_semaphore, #tpu.memory_space<semaphore_mem>>)
    %dma_wait3A_93 = arith.constant 0 : i32
    %dma_wait3A_94 = arith.constant 0 : i32
    %dma_wait3A_95 = tpu.memref_slice %arg5[%dma_wait3A_93, %dma_wait3A_94] : memref<512x128xf32, #tpu.memory_space<vmem>> -> memref<384x128xf32, #tpu.memory_space<vmem>>
    %dma_wait3A_96 = arith.constant 0 : i32
    %dma_wait3A_97 = tpu.memref_slice %arg4[%mul3A_20, %dma_wait3A_96] : memref<32000x128xf32, #tpu.memory_space<hbm>> -> memref<384x128xf32, #tpu.memory_space<hbm>>
    %dma_wait3A_98 = arith.constant 0 : i32
    %dma_wait3A_99 = tpu.memref_slice %arg4[%mul3A_20, %dma_wait3A_98] : memref<32000x128xf32, #tpu.memory_space<hbm>> -> memref<384x128xf32, #tpu.memory_space<hbm>>
    %dma_wait3A_100 = arith.constant 0 : i32
    %dma_wait3A_101 = arith.constant 0 : i32
    %dma_wait3A_102 = tpu.memref_slice %arg5[%dma_wait3A_100, %dma_wait3A_101] : memref<512x128xf32, #tpu.memory_space<vmem>> -> memref<384x128xf32, #tpu.memory_space<vmem>>
    tpu.wait_dma2 semaphore(%arg12 : memref<!tpu.dma_semaphore, #tpu.memory_space<semaphore_mem>>) src(%dma_wait3A_102 : memref<384x128xf32, #tpu.memory_space<vmem>>) dst(%dma_wait3A_99 : memref<384x128xf32, #tpu.memory_space<hbm>>)
    %dma_start3A_103 = arith.constant 0 : i32
    %dma_start3A_104 = arith.constant 0 : i32
    %dma_start3A_105 = tpu.memref_slice %arg5[%dma_start3A_103, %dma_start3A_104] : memref<512x128xf32, #tpu.memory_space<vmem>> -> memref<128x128xf32, #tpu.memory_space<vmem>>
    %dma_start3A_106 = arith.constant 896 : i32
    %dma_start3A_107 = tpu.memref_slice %arg7[%dma_start3A_106] : memref<1024xi32, #tpu.memory_space<vmem>> -> memref<128xi32, #tpu.memory_space<vmem>>
    %dma_start3A_108 = arith.constant 0 : i32
    %dma_start3A_109 = arith.constant 0 : i32
    %dma_start3A_110 = tpu.memref_slice %arg2[%dma_start3A_108, %dma_start3A_109] : memref<1024x128xf32, #tpu.memory_space<hbm>> -> memref<1024x128xf32, #tpu.memory_space<hbm>>
    tpu.enqueue_indirect_dma source(%dma_start3A_110 : memref<1024x128xf32, #tpu.memory_space<hbm>>) target(%dma_start3A_105 : memref<128x128xf32, #tpu.memory_space<vmem>>) offsets(%dma_start3A_107 : memref<128xi32, #tpu.memory_space<vmem>>) semaphore(%arg11 : memref<!tpu.dma_semaphore, #tpu.memory_space<semaphore_mem>>)
    %dma_wait3A_111 = arith.constant 0 : i32
    %dma_wait3A_112 = arith.constant 0 : i32
    %dma_wait3A_113 = tpu.memref_slice %arg5[%dma_wait3A_111, %dma_wait3A_112] : memref<512x128xf32, #tpu.memory_space<vmem>> -> memref<128x128xf32, #tpu.memory_space<vmem>>
    %dma_wait3A_114 = arith.constant 896 : i32
    %dma_wait3A_115 = tpu.memref_slice %arg7[%dma_wait3A_114] : memref<1024xi32, #tpu.memory_space<vmem>> -> memref<128xi32, #tpu.memory_space<vmem>>
    %dma_wait3A_116 = arith.constant 0 : i32
    %dma_wait3A_117 = arith.constant 0 : i32
    %dma_wait3A_118 = tpu.memref_slice %arg2[%dma_wait3A_116, %dma_wait3A_117] : memref<1024x128xf32, #tpu.memory_space<hbm>> -> memref<1024x128xf32, #tpu.memory_space<hbm>>
    tpu.wait_indirect_dma semaphore(%arg11 : memref<!tpu.dma_semaphore, #tpu.memory_space<semaphore_mem>>) src(%dma_wait3A_118 : memref<1024x128xf32, #tpu.memory_space<hbm>>) dst(%dma_wait3A_113 : memref<128x128xf32, #tpu.memory_space<vmem>>)
    %add3A_119 = arith.constant 896 : i32
    %add3A_120 = arith.addi %mul3A_20, %add3A_119 : i32
    %dma_start3A_121 = arith.constant 0 : i32
    %dma_start3A_122 = arith.constant 0 : i32
    %dma_start3A_123 = tpu.memref_slice %arg5[%dma_start3A_121, %dma_start3A_122] : memref<512x128xf32, #tpu.memory_space<vmem>> -> memref<128x128xf32, #tpu.memory_space<vmem>>
    %dma_start3A_124 = arith.constant 0 : i32
    %dma_start3A_125 = tpu.memref_slice %arg4[%add3A_120, %dma_start3A_124] : memref<32000x128xf32, #tpu.memory_space<hbm>> -> memref<128x128xf32, #tpu.memory_space<hbm>>
    %dma_start3A_126 = arith.constant 0 : i32
    %dma_start3A_127 = tpu.memref_slice %arg4[%add3A_120, %dma_start3A_126] : memref<32000x128xf32, #tpu.memory_space<hbm>> -> memref<128x128xf32, #tpu.memory_space<hbm>>
    %dma_start3A_128 = arith.constant 0 : i32
    %dma_start3A_129 = arith.constant 0 : i32
    %dma_start3A_130 = tpu.memref_slice %arg5[%dma_start3A_128, %dma_start3A_129] : memref<512x128xf32, #tpu.memory_space<vmem>> -> memref<128x128xf32, #tpu.memory_space<vmem>>
    tpu.enqueue_dma source(%dma_start3A_130 : memref<128x128xf32, #tpu.memory_space<vmem>>) target(%dma_start3A_127 : memref<128x128xf32, #tpu.memory_space<hbm>>) target_semaphore(%arg12 : memref<!tpu.dma_semaphore, #tpu.memory_space<semaphore_mem>>)
    %dma_wait3A_131 = arith.constant 0 : i32
    %dma_wait3A_132 = tpu.memref_slice %arg4[%add3A_68, %dma_wait3A_131] : memref<32000x128xf32, #tpu.memory_space<hbm>> -> memref<384x128xf32, #tpu.memory_space<hbm>>
    %dma_wait3A_133 = arith.constant 0 : i32
    %dma_wait3A_134 = tpu.memref_slice %arg4[%add3A_68, %dma_wait3A_133] : memref<32000x128xf32, #tpu.memory_space<hbm>> -> memref<384x128xf32, #tpu.memory_space<hbm>>
    tpu.wait_dma2 semaphore(%arg13 : memref<!tpu.dma_semaphore, #tpu.memory_space<semaphore_mem>>) src(%arg6 : memref<384x128xf32, #tpu.memory_space<vmem>>) dst(%dma_wait3A_134 : memref<384x128xf32, #tpu.memory_space<hbm>>)
    %dma_wait3A_135 = arith.constant 384 : i32
    %dma_wait3A_136 = arith.constant 0 : i32
    %dma_wait3A_137 = tpu.memref_slice %arg5[%dma_wait3A_135, %dma_wait3A_136] : memref<512x128xf32, #tpu.memory_space<vmem>> -> memref<128x128xf32, #tpu.memory_space<vmem>>
    %dma_wait3A_138 = arith.constant 0 : i32
    %dma_wait3A_139 = tpu.memref_slice %arg4[%add3A_82, %dma_wait3A_138] : memref<32000x128xf32, #tpu.memory_space<hbm>> -> memref<128x128xf32, #tpu.memory_space<hbm>>
    %dma_wait3A_140 = arith.constant 0 : i32
    %dma_wait3A_141 = tpu.memref_slice %arg4[%add3A_82, %dma_wait3A_140] : memref<32000x128xf32, #tpu.memory_space<hbm>> -> memref<128x128xf32, #tpu.memory_space<hbm>>
    %dma_wait3A_142 = arith.constant 384 : i32
    %dma_wait3A_143 = arith.constant 0 : i32
    %dma_wait3A_144 = tpu.memref_slice %arg5[%dma_wait3A_142, %dma_wait3A_143] : memref<512x128xf32, #tpu.memory_space<vmem>> -> memref<128x128xf32, #tpu.memory_space<vmem>>
    tpu.wait_dma2 semaphore(%arg14 : memref<!tpu.dma_semaphore, #tpu.memory_space<semaphore_mem>>) src(%dma_wait3A_144 : memref<128x128xf32, #tpu.memory_space<vmem>>) dst(%dma_wait3A_141 : memref<128x128xf32, #tpu.memory_space<hbm>>)
    %dma_wait3A_145 = arith.constant 0 : i32
    %dma_wait3A_146 = arith.constant 0 : i32
    %dma_wait3A_147 = tpu.memref_slice %arg5[%dma_wait3A_145, %dma_wait3A_146] : memref<512x128xf32, #tpu.memory_space<vmem>> -> memref<128x128xf32, #tpu.memory_space<vmem>>
    %dma_wait3A_148 = arith.constant 0 : i32
    %dma_wait3A_149 = tpu.memref_slice %arg4[%add3A_120, %dma_wait3A_148] : memref<32000x128xf32, #tpu.memory_space<hbm>> -> memref<128x128xf32, #tpu.memory_space<hbm>>
    %dma_wait3A_150 = arith.constant 0 : i32
    %dma_wait3A_151 = tpu.memref_slice %arg4[%add3A_120, %dma_wait3A_150] : memref<32000x128xf32, #tpu.memory_space<hbm>> -> memref<128x128xf32, #tpu.memory_space<hbm>>
    %dma_wait3A_152 = arith.constant 0 : i32
    %dma_wait3A_153 = arith.constant 0 : i32
    %dma_wait3A_154 = tpu.memref_slice %arg5[%dma_wait3A_152, %dma_wait3A_153] : memref<512x128xf32, #tpu.memory_space<vmem>> -> memref<128x128xf32, #tpu.memory_space<vmem>>
    tpu.wait_dma2 semaphore(%arg12 : memref<!tpu.dma_semaphore, #tpu.memory_space<semaphore_mem>>) src(%dma_wait3A_154 : memref<128x128xf32, #tpu.memory_space<vmem>>) dst(%dma_wait3A_151 : memref<128x128xf32, #tpu.memory_space<hbm>>)
    return
  }
}

#map = affine_map<(d0, d1) -> (0, 0)>
#map1 = affine_map<(d0, d1) -> (0)>
module attributes {stable_mosaic.version = 14 : i64} {
  func.func @_gather_body(%arg0: i32, %arg1: i32, %arg2: memref<1024x128xf32, #tpu.memory_space<hbm>>, %arg3: memref<160000xi32, #tpu.memory_space<hbm>>, %arg4: memref<32000x128xf32, #tpu.memory_space<hbm>>, %arg5: memref<512x128xf32, #tpu.memory_space<vmem>>, %arg6: memref<384x128xf32, #tpu.memory_space<vmem>>, %arg7: memref<1024xi32, #tpu.memory_space<vmem>>, %arg8: memref<!tpu.dma_semaphore, #tpu.memory_space<semaphore_mem>>, %arg9: memref<!tpu.dma_semaphore, #tpu.memory_space<semaphore_mem>>, %arg10: memref<!tpu.dma_semaphore, #tpu.memory_space<semaphore_mem>>, %arg11: memref<!tpu.dma_semaphore, #tpu.memory_space<semaphore_mem>>, %arg12: memref<!tpu.dma_semaphore, #tpu.memory_space<semaphore_mem>>, %arg13: memref<!tpu.dma_semaphore, #tpu.memory_space<semaphore_mem>>, %arg14: memref<!tpu.dma_semaphore, #tpu.memory_space<semaphore_mem>>) attributes {dimension_semantics = [#tpu.dimension_semantics<core_parallel>, #tpu.dimension_semantics<subcore_parallel>], iteration_bounds = array<i64: 2, 16>, scalar_prefetch = 0 : i64, scratch_operands = 10 : i64, tpu.core_type = #tpu.core_type<sc_vector_subcore>, window_params = [{transform_indices = #map}, {transform_indices = #map1}, {transform_indices = #map}]} {
    %mul3A = arith.constant 2 : i32
    %mul3A_0 = arith.muli %arg1, %mul3A : i32
    %add3A = arith.addi %mul3A_0, %arg0 : i32
    %mul3A_1 = arith.constant 250 : i32
    %mul3A_2 = arith.muli %add3A, %mul3A_1 : i32
    %jit3A = arith.constant 32 : i32
    %div3A = arith.divsi %mul3A_2, %jit3A : i32
    %sign3A = arith.constant 0 : i32
    %sign3A_3 = arith.cmpi sgt, %mul3A_2, %sign3A : i32
    %sign3A_4 = arith.extui %sign3A_3 : i1 to i32
    %sign3A_5 = arith.constant 0 : i32
    %sign3A_6 = arith.cmpi slt, %mul3A_2, %sign3A_5 : i32
    %sign3A_7 = arith.extui %sign3A_6 : i1 to i32
    %sign3A_8 = arith.subi %sign3A_4, %sign3A_7 : i32
    %sign3A_9 = arith.constant 0 : i32
    %sign3A_10 = arith.cmpi sgt, %jit3A, %sign3A_9 : i32
    %sign3A_11 = arith.extui %sign3A_10 : i1 to i32
    %sign3A_12 = arith.constant 0 : i32
    %sign3A_13 = arith.cmpi slt, %jit3A, %sign3A_12 : i32
    %sign3A_14 = arith.extui %sign3A_13 : i1 to i32
    %sign3A_15 = arith.subi %sign3A_11, %sign3A_14 : i32
    %ne3A = arith.cmpi ne, %sign3A_8, %sign3A_15 : i32
    %rem3A = arith.remsi %mul3A_2, %jit3A : i32
    %ne3A_16 = arith.constant 0 : i32
    %ne3A_17 = arith.cmpi ne, %rem3A, %ne3A_16 : i32
    %and3A = arith.andi %ne3A, %ne3A_17 : i1
    %sub3A = arith.constant 1 : i32
    %sub3A_18 = arith.subi %div3A, %sub3A : i32
    %select_n3A = arith.select %and3A, %sub3A_18, %div3A : i32
    %mul3A_19 = arith.constant 128 : i32
    %mul3A_20 = arith.muli %select_n3A, %mul3A_19 : i32
    %add3A_21 = arith.constant 0 : i32
    %add3A_22 = arith.addi %add3A_21, %select_n3A : i32
    %mul3A_23 = arith.constant 128 : i32
    %mul3A_24 = arith.muli %add3A_22, %mul3A_23 : i32
    "tpu.region"() ({
      %run_scoped3A = tpu.sem_alloc : memref<!tpu.dma_semaphore, #tpu.memory_space<semaphore_mem>>
      %dma_start3A_155 = tpu.memref_slice %arg3[%mul3A_24] : memref<160000xi32, #tpu.memory_space<hbm>> -> memref<1024xi32, #tpu.memory_space<hbm>>
      %dma_start3A_156 = tpu.memref_slice %arg3[%mul3A_24] : memref<160000xi32, #tpu.memory_space<hbm>> -> memref<1024xi32, #tpu.memory_space<hbm>>
      tpu.enqueue_dma source(%dma_start3A_156 : memref<1024xi32, #tpu.memory_space<hbm>>) target(%arg7 : memref<1024xi32, #tpu.memory_space<vmem>>) target_semaphore(%run_scoped3A : memref<!tpu.dma_semaphore, #tpu.memory_space<semaphore_mem>>)
      %dma_wait3A_157 = tpu.memref_slice %arg3[%mul3A_24] : memref<160000xi32, #tpu.memory_space<hbm>> -> memref<1024xi32, #tpu.memory_space<hbm>>
      %dma_wait3A_158 = tpu.memref_slice %arg3[%mul3A_24] : memref<160000xi32, #tpu.memory_space<hbm>> -> memref<1024xi32, #tpu.memory_space<hbm>>
      tpu.wait_dma2 semaphore(%run_scoped3A : memref<!tpu.dma_semaphore, #tpu.memory_space<semaphore_mem>>) src(%dma_wait3A_158 : memref<1024xi32, #tpu.memory_space<hbm>>) dst(%arg7 : memref<1024xi32, #tpu.memory_space<vmem>>)
      tpu.yield
    }) : () -> ()
    %dma_start3A = arith.constant 0 : i32
    %dma_start3A_25 = arith.constant 0 : i32
    %dma_start3A_26 = tpu.memref_slice %arg5[%dma_start3A, %dma_start3A_25] : memref<512x128xf32, #tpu.memory_space<vmem>> -> memref<384x128xf32, #tpu.memory_space<vmem>>
    %dma_start3A_27 = arith.constant 0 : i32
    %dma_start3A_28 = tpu.memref_slice %arg7[%dma_start3A_27] : memref<1024xi32, #tpu.memory_space<vmem>> -> memref<384xi32, #tpu.memory_space<vmem>>
    %dma_start3A_29 = arith.constant 0 : i32
    %dma_start3A_30 = arith.constant 0 : i32
    %dma_start3A_31 = tpu.memref_slice %arg2[%dma_start3A_29, %dma_start3A_30] : memref<1024x128xf32, #tpu.memory_space<hbm>> -> memref<1024x128xf32, #tpu.memory_space<hbm>>
    tpu.enqueue_indirect_dma source(%dma_start3A_31 : memref<1024x128xf32, #tpu.memory_space<hbm>>) target(%dma_start3A_26 : memref<384x128xf32, #tpu.memory_space<vmem>>) offsets(%dma_start3A_28 : memref<384xi32, #tpu.memory_space<vmem>>) semaphore(%arg8 : memref<!tpu.dma_semaphore, #tpu.memory_space<semaphore_mem>>)
    %dma_start3A_32 = arith.constant 384 : i32
    %dma_start3A_33 = tpu.memref_slice %arg7[%dma_start3A_32] : memref<1024xi32, #tpu.memory_space<vmem>> -> memref<384xi32, #tpu.memory_space<vmem>>
    %dma_start3A_34 = arith.constant 0 : i32
    %dma_start3A_35 = arith.constant 0 : i32
    %dma_start3A_36 = tpu.memref_slice %arg2[%dma_start3A_34, %dma_start3A_35] : memref<1024x128xf32, #tpu.memory_space<hbm>> -> memref<1024x128xf32, #tpu.memory_space<hbm>>
    tpu.enqueue_indirect_dma source(%dma_start3A_36 : memref<1024x128xf32, #tpu.memory_space<hbm>>) target(%arg6 : memref<384x128xf32, #tpu.memory_space<vmem>>) offsets(%dma_start3A_33 : memref<384xi32, #tpu.memory_space<vmem>>) semaphore(%arg9 : memref<!tpu.dma_semaphore, #tpu.memory_space<semaphore_mem>>)
    %dma_start3A_37 = arith.constant 384 : i32
    %dma_start3A_38 = arith.constant 0 : i32
    %dma_start3A_39 = tpu.memref_slice %arg5[%dma_start3A_37, %dma_start3A_38] : memref<512x128xf32, #tpu.memory_space<vmem>> -> memref<128x128xf32, #tpu.memory_space<vmem>>
    %dma_start3A_40 = arith.constant 768 : i32
    %dma_start3A_41 = tpu.memref_slice %arg7[%dma_start3A_40] : memref<1024xi32, #tpu.memory_space<vmem>> -> memref<128xi32, #tpu.memory_space<vmem>>
    %dma_start3A_42 = arith.constant 0 : i32
    %dma_start3A_43 = arith.constant 0 : i32
    %dma_start3A_44 = tpu.memref_slice %arg2[%dma_start3A_42, %dma_start3A_43] : memref<1024x128xf32, #tpu.memory_space<hbm>> -> memref<1024x128xf32, #tpu.memory_space<hbm>>
    tpu.enqueue_indirect_dma source(%dma_start3A_44 : memref<1024x128xf32, #tpu.memory_space<hbm>>) target(%dma_start3A_39 : memref<128x128xf32, #tpu.memory_space<vmem>>) offsets(%dma_start3A_41 : memref<128xi32, #tpu.memory_space<vmem>>) semaphore(%arg10 : memref<!tpu.dma_semaphore, #tpu.memory_space<semaphore_mem>>)
    %dma_wait3A = arith.constant 0 : i32
    %dma_wait3A_45 = arith.constant 0 : i32
    %dma_wait3A_46 = tpu.memref_slice %arg5[%dma_wait3A, %dma_wait3A_45] : memref<512x128xf32, #tpu.memory_space<vmem>> -> memref<384x128xf32, #tpu.memory_space<vmem>>
    %dma_wait3A_47 = arith.constant 0 : i32
    %dma_wait3A_48 = tpu.memref_slice %arg7[%dma_wait3A_47] : memref<1024xi32, #tpu.memory_space<vmem>> -> memref<384xi32, #tpu.memory_space<vmem>>
    %dma_wait3A_49 = arith.constant 0 : i32
    %dma_wait3A_50 = arith.constant 0 : i32
    %dma_wait3A_51 = tpu.memref_slice %arg2[%dma_wait3A_49, %dma_wait3A_50] : memref<1024x128xf32, #tpu.memory_space<hbm>> -> memref<1024x128xf32, #tpu.memory_space<hbm>>
    tpu.wait_indirect_dma semaphore(%arg8 : memref<!tpu.dma_semaphore, #tpu.memory_space<semaphore_mem>>) src(%dma_wait3A_51 : memref<1024x128xf32, #tpu.memory_space<hbm>>) dst(%dma_wait3A_46 : memref<384x128xf32, #tpu.memory_space<vmem>>)
    %dma_start3A_52 = arith.constant 0 : i32
    %dma_start3A_53 = arith.constant 0 : i32
    %dma_start3A_54 = tpu.memref_slice %arg5[%dma_start3A_52, %dma_start3A_53] : memref<512x128xf32, #tpu.memory_space<vmem>> -> memref<384x128xf32, #tpu.memory_space<vmem>>
    %dma_start3A_55 = arith.constant 0 : i32
    %dma_start3A_56 = tpu.memref_slice %arg4[%mul3A_20, %dma_start3A_55] : memref<32000x128xf32, #tpu.memory_space<hbm>> -> memref<384x128xf32, #tpu.memory_space<hbm>>
    %dma_start3A_57 = arith.constant 0 : i32
    %dma_start3A_58 = tpu.memref_slice %arg4[%mul3A_20, %dma_start3A_57] : memref<32000x128xf32, #tpu.memory_space<hbm>> -> memref<384x128xf32, #tpu.memory_space<hbm>>
    %dma_start3A_59 = arith.constant 0 : i32
    %dma_start3A_60 = arith.constant 0 : i32
    %dma_start3A_61 = tpu.memref_slice %arg5[%dma_start3A_59, %dma_start3A_60] : memref<512x128xf32, #tpu.memory_space<vmem>> -> memref<384x128xf32, #tpu.memory_space<vmem>>
    tpu.enqueue_dma source(%dma_start3A_61 : memref<384x128xf32, #tpu.memory_space<vmem>>) target(%dma_start3A_58 : memref<384x128xf32, #tpu.memory_space<hbm>>) target_semaphore(%arg12 : memref<!tpu.dma_semaphore, #tpu.memory_space<semaphore_mem>>)
    %dma_wait3A_62 = arith.constant 384 : i32
    %dma_wait3A_63 = tpu.memref_slice %arg7[%dma_wait3A_62] : memref<1024xi32, #tpu.memory_space<vmem>> -> memref<384xi32, #tpu.memory_space<vmem>>
    %dma_wait3A_64 = arith.constant 0 : i32
    %dma_wait3A_65 = arith.constant 0 : i32
    %dma_wait3A_66 = tpu.memref_slice %arg2[%dma_wait3A_64, %dma_wait3A_65] : memref<1024x128xf32, #tpu.memory_space<hbm>> -> memref<1024x128xf32, #tpu.memory_space<hbm>>
    tpu.wait_indirect_dma semaphore(%arg9 : memref<!tpu.dma_semaphore, #tpu.memory_space<semaphore_mem>>) src(%dma_wait3A_66 : memref<1024x128xf32, #tpu.memory_space<hbm>>) dst(%arg6 : memref<384x128xf32, #tpu.memory_space<vmem>>)
    %add3A_67 = arith.constant 384 : i32
    %add3A_68 = arith.addi %mul3A_20, %add3A_67 : i32
    %dma_start3A_69 = arith.constant 0 : i32
    %dma_start3A_70 = tpu.memref_slice %arg4[%add3A_68, %dma_start3A_69] : memref<32000x128xf32, #tpu.memory_space<hbm>> -> memref<384x128xf32, #tpu.memory_space<hbm>>
    %dma_start3A_71 = arith.constant 0 : i32
    %dma_start3A_72 = tpu.memref_slice %arg4[%add3A_68, %dma_start3A_71] : memref<32000x128xf32, #tpu.memory_space<hbm>> -> memref<384x128xf32, #tpu.memory_space<hbm>>
    tpu.enqueue_dma source(%arg6 : memref<384x128xf32, #tpu.memory_space<vmem>>) target(%dma_start3A_72 : memref<384x128xf32, #tpu.memory_space<hbm>>) target_semaphore(%arg13 : memref<!tpu.dma_semaphore, #tpu.memory_space<semaphore_mem>>)
    %dma_wait3A_73 = arith.constant 384 : i32
    %dma_wait3A_74 = arith.constant 0 : i32
    %dma_wait3A_75 = tpu.memref_slice %arg5[%dma_wait3A_73, %dma_wait3A_74] : memref<512x128xf32, #tpu.memory_space<vmem>> -> memref<128x128xf32, #tpu.memory_space<vmem>>
    %dma_wait3A_76 = arith.constant 768 : i32
    %dma_wait3A_77 = tpu.memref_slice %arg7[%dma_wait3A_76] : memref<1024xi32, #tpu.memory_space<vmem>> -> memref<128xi32, #tpu.memory_space<vmem>>
    %dma_wait3A_78 = arith.constant 0 : i32
    %dma_wait3A_79 = arith.constant 0 : i32
    %dma_wait3A_80 = tpu.memref_slice %arg2[%dma_wait3A_78, %dma_wait3A_79] : memref<1024x128xf32, #tpu.memory_space<hbm>> -> memref<1024x128xf32, #tpu.memory_space<hbm>>
    tpu.wait_indirect_dma semaphore(%arg10 : memref<!tpu.dma_semaphore, #tpu.memory_space<semaphore_mem>>) src(%dma_wait3A_80 : memref<1024x128xf32, #tpu.memory_space<hbm>>) dst(%dma_wait3A_75 : memref<128x128xf32, #tpu.memory_space<vmem>>)
    %add3A_81 = arith.constant 768 : i32
    %add3A_82 = arith.addi %mul3A_20, %add3A_81 : i32
    %dma_start3A_83 = arith.constant 384 : i32
    %dma_start3A_84 = arith.constant 0 : i32
    %dma_start3A_85 = tpu.memref_slice %arg5[%dma_start3A_83, %dma_start3A_84] : memref<512x128xf32, #tpu.memory_space<vmem>> -> memref<128x128xf32, #tpu.memory_space<vmem>>
    %dma_start3A_86 = arith.constant 0 : i32
    %dma_start3A_87 = tpu.memref_slice %arg4[%add3A_82, %dma_start3A_86] : memref<32000x128xf32, #tpu.memory_space<hbm>> -> memref<128x128xf32, #tpu.memory_space<hbm>>
    %dma_start3A_88 = arith.constant 0 : i32
    %dma_start3A_89 = tpu.memref_slice %arg4[%add3A_82, %dma_start3A_88] : memref<32000x128xf32, #tpu.memory_space<hbm>> -> memref<128x128xf32, #tpu.memory_space<hbm>>
    %dma_start3A_90 = arith.constant 384 : i32
    %dma_start3A_91 = arith.constant 0 : i32
    %dma_start3A_92 = tpu.memref_slice %arg5[%dma_start3A_90, %dma_start3A_91] : memref<512x128xf32, #tpu.memory_space<vmem>> -> memref<128x128xf32, #tpu.memory_space<vmem>>
    tpu.enqueue_dma source(%dma_start3A_92 : memref<128x128xf32, #tpu.memory_space<vmem>>) target(%dma_start3A_89 : memref<128x128xf32, #tpu.memory_space<hbm>>) target_semaphore(%arg14 : memref<!tpu.dma_semaphore, #tpu.memory_space<semaphore_mem>>)
    %dma_wait3A_93 = arith.constant 0 : i32
    %dma_wait3A_94 = arith.constant 0 : i32
    %dma_wait3A_95 = tpu.memref_slice %arg5[%dma_wait3A_93, %dma_wait3A_94] : memref<512x128xf32, #tpu.memory_space<vmem>> -> memref<384x128xf32, #tpu.memory_space<vmem>>
    %dma_wait3A_96 = arith.constant 0 : i32
    %dma_wait3A_97 = tpu.memref_slice %arg4[%mul3A_20, %dma_wait3A_96] : memref<32000x128xf32, #tpu.memory_space<hbm>> -> memref<384x128xf32, #tpu.memory_space<hbm>>
    %dma_wait3A_98 = arith.constant 0 : i32
    %dma_wait3A_99 = tpu.memref_slice %arg4[%mul3A_20, %dma_wait3A_98] : memref<32000x128xf32, #tpu.memory_space<hbm>> -> memref<384x128xf32, #tpu.memory_space<hbm>>
    %dma_wait3A_100 = arith.constant 0 : i32
    %dma_wait3A_101 = arith.constant 0 : i32
    %dma_wait3A_102 = tpu.memref_slice %arg5[%dma_wait3A_100, %dma_wait3A_101] : memref<512x128xf32, #tpu.memory_space<vmem>> -> memref<384x128xf32, #tpu.memory_space<vmem>>
    tpu.wait_dma2 semaphore(%arg12 : memref<!tpu.dma_semaphore, #tpu.memory_space<semaphore_mem>>) src(%dma_wait3A_102 : memref<384x128xf32, #tpu.memory_space<vmem>>) dst(%dma_wait3A_99 : memref<384x128xf32, #tpu.memory_space<hbm>>)
    %dma_start3A_103 = arith.constant 0 : i32
    %dma_start3A_104 = arith.constant 0 : i32
    %dma_start3A_105 = tpu.memref_slice %arg5[%dma_start3A_103, %dma_start3A_104] : memref<512x128xf32, #tpu.memory_space<vmem>> -> memref<128x128xf32, #tpu.memory_space<vmem>>
    %dma_start3A_106 = arith.constant 896 : i32
    %dma_start3A_107 = tpu.memref_slice %arg7[%dma_start3A_106] : memref<1024xi32, #tpu.memory_space<vmem>> -> memref<128xi32, #tpu.memory_space<vmem>>
    %dma_start3A_108 = arith.constant 0 : i32
    %dma_start3A_109 = arith.constant 0 : i32
    %dma_start3A_110 = tpu.memref_slice %arg2[%dma_start3A_108, %dma_start3A_109] : memref<1024x128xf32, #tpu.memory_space<hbm>> -> memref<1024x128xf32, #tpu.memory_space<hbm>>
    tpu.enqueue_indirect_dma source(%dma_start3A_110 : memref<1024x128xf32, #tpu.memory_space<hbm>>) target(%dma_start3A_105 : memref<128x128xf32, #tpu.memory_space<vmem>>) offsets(%dma_start3A_107 : memref<128xi32, #tpu.memory_space<vmem>>) semaphore(%arg11 : memref<!tpu.dma_semaphore, #tpu.memory_space<semaphore_mem>>)
    %dma_wait3A_111 = arith.constant 0 : i32
    %dma_wait3A_112 = arith.constant 0 : i32
    %dma_wait3A_113 = tpu.memref_slice %arg5[%dma_wait3A_111, %dma_wait3A_112] : memref<512x128xf32, #tpu.memory_space<vmem>> -> memref<128x128xf32, #tpu.memory_space<vmem>>
    %dma_wait3A_114 = arith.constant 896 : i32
    %dma_wait3A_115 = tpu.memref_slice %arg7[%dma_wait3A_114] : memref<1024xi32, #tpu.memory_space<vmem>> -> memref<128xi32, #tpu.memory_space<vmem>>
    %dma_wait3A_116 = arith.constant 0 : i32
    %dma_wait3A_117 = arith.constant 0 : i32
    %dma_wait3A_118 = tpu.memref_slice %arg2[%dma_wait3A_116, %dma_wait3A_117] : memref<1024x128xf32, #tpu.memory_space<hbm>> -> memref<1024x128xf32, #tpu.memory_space<hbm>>
    tpu.wait_indirect_dma semaphore(%arg11 : memref<!tpu.dma_semaphore, #tpu.memory_space<semaphore_mem>>) src(%dma_wait3A_118 : memref<1024x128xf32, #tpu.memory_space<hbm>>) dst(%dma_wait3A_113 : memref<128x128xf32, #tpu.memory_space<vmem>>)
    %add3A_119 = arith.constant 896 : i32
    %add3A_120 = arith.addi %mul3A_20, %add3A_119 : i32
    %dma_start3A_121 = arith.constant 0 : i32
    %dma_start3A_122 = arith.constant 0 : i32
    %dma_start3A_123 = tpu.memref_slice %arg5[%dma_start3A_121, %dma_start3A_122] : memref<512x128xf32, #tpu.memory_space<vmem>> -> memref<128x128xf32, #tpu.memory_space<vmem>>
    %dma_start3A_124 = arith.constant 0 : i32
    %dma_start3A_125 = tpu.memref_slice %arg4[%add3A_120, %dma_start3A_124] : memref<32000x128xf32, #tpu.memory_space<hbm>> -> memref<128x128xf32, #tpu.memory_space<hbm>>
    %dma_start3A_126 = arith.constant 0 : i32
    %dma_start3A_127 = tpu.memref_slice %arg4[%add3A_120, %dma_start3A_126] : memref<32000x128xf32, #tpu.memory_space<hbm>> -> memref<128x128xf32, #tpu.memory_space<hbm>>
    %dma_start3A_128 = arith.constant 0 : i32
    %dma_start3A_129 = arith.constant 0 : i32
    %dma_start3A_130 = tpu.memref_slice %arg5[%dma_start3A_128, %dma_start3A_129] : memref<512x128xf32, #tpu.memory_space<vmem>> -> memref<128x128xf32, #tpu.memory_space<vmem>>
    tpu.enqueue_dma source(%dma_start3A_130 : memref<128x128xf32, #tpu.memory_space<vmem>>) target(%dma_start3A_127 : memref<128x128xf32, #tpu.memory_space<hbm>>) target_semaphore(%arg12 : memref<!tpu.dma_semaphore, #tpu.memory_space<semaphore_mem>>)
    %dma_wait3A_131 = arith.constant 0 : i32
    %dma_wait3A_132 = tpu.memref_slice %arg4[%add3A_68, %dma_wait3A_131] : memref<32000x128xf32, #tpu.memory_space<hbm>> -> memref<384x128xf32, #tpu.memory_space<hbm>>
    %dma_wait3A_133 = arith.constant 0 : i32
    %dma_wait3A_134 = tpu.memref_slice %arg4[%add3A_68, %dma_wait3A_133] : memref<32000x128xf32, #tpu.memory_space<hbm>> -> memref<384x128xf32, #tpu.memory_space<hbm>>
    tpu.wait_dma2 semaphore(%arg13 : memref<!tpu.dma_semaphore, #tpu.memory_space<semaphore_mem>>) src(%arg6 : memref<384x128xf32, #tpu.memory_space<vmem>>) dst(%dma_wait3A_134 : memref<384x128xf32, #tpu.memory_space<hbm>>)
    %dma_wait3A_135 = arith.constant 384 : i32
    %dma_wait3A_136 = arith.constant 0 : i32
    %dma_wait3A_137 = tpu.memref_slice %arg5[%dma_wait3A_135, %dma_wait3A_136] : memref<512x128xf32, #tpu.memory_space<vmem>> -> memref<128x128xf32, #tpu.memory_space<vmem>>
    %dma_wait3A_138 = arith.constant 0 : i32
    %dma_wait3A_139 = tpu.memref_slice %arg4[%add3A_82, %dma_wait3A_138] : memref<32000x128xf32, #tpu.memory_space<hbm>> -> memref<128x128xf32, #tpu.memory_space<hbm>>
    %dma_wait3A_140 = arith.constant 0 : i32
    %dma_wait3A_141 = tpu.memref_slice %arg4[%add3A_82, %dma_wait3A_140] : memref<32000x128xf32, #tpu.memory_space<hbm>> -> memref<128x128xf32, #tpu.memory_space<hbm>>
    %dma_wait3A_142 = arith.constant 384 : i32
    %dma_wait3A_143 = arith.constant 0 : i32
    %dma_wait3A_144 = tpu.memref_slice %arg5[%dma_wait3A_142, %dma_wait3A_143] : memref<512x128xf32, #tpu.memory_space<vmem>> -> memref<128x128xf32, #tpu.memory_space<vmem>>
    tpu.wait_dma2 semaphore(%arg14 : memref<!tpu.dma_semaphore, #tpu.memory_space<semaphore_mem>>) src(%dma_wait3A_144 : memref<128x128xf32, #tpu.memory_space<vmem>>) dst(%dma_wait3A_141 : memref<128x128xf32, #tpu.memory_space<hbm>>)
    %dma_wait3A_145 = arith.constant 0 : i32
    %dma_wait3A_146 = arith.constant 0 : i32
    %dma_wait3A_147 = tpu.memref_slice %arg5[%dma_wait3A_145, %dma_wait3A_146] : memref<512x128xf32, #tpu.memory_space<vmem>> -> memref<128x128xf32, #tpu.memory_space<vmem>>
    %dma_wait3A_148 = arith.constant 0 : i32
    %dma_wait3A_149 = tpu.memref_slice %arg4[%add3A_120, %dma_wait3A_148] : memref<32000x128xf32, #tpu.memory_space<hbm>> -> memref<128x128xf32, #tpu.memory_space<hbm>>
    %dma_wait3A_150 = arith.constant 0 : i32
    %dma_wait3A_151 = tpu.memref_slice %arg4[%add3A_120, %dma_wait3A_150] : memref<32000x128xf32, #tpu.memory_space<hbm>> -> memref<128x128xf32, #tpu.memory_space<hbm>>
    %dma_wait3A_152 = arith.constant 0 : i32
    %dma_wait3A_153 = arith.constant 0 : i32
    %dma_wait3A_154 = tpu.memref_slice %arg5[%dma_wait3A_152, %dma_wait3A_153] : memref<512x128xf32, #tpu.memory_space<vmem>> -> memref<128x128xf32, #tpu.memory_space<vmem>>
    tpu.wait_dma2 semaphore(%arg12 : memref<!tpu.dma_semaphore, #tpu.memory_space<semaphore_mem>>) src(%dma_wait3A_154 : memref<128x128xf32, #tpu.memory_space<vmem>>) dst(%dma_wait3A_151 : memref<128x128xf32, #tpu.memory_space<hbm>>)
    return
  }
}

#map = affine_map<(d0, d1) -> (0, 0)>
#map1 = affine_map<(d0, d1) -> (0)>
module attributes {stable_mosaic.version = 14 : i64} {
  func.func @_gather_body(%arg0: i32, %arg1: i32, %arg2: memref<1024x128xf32, #tpu.memory_space<hbm>>, %arg3: memref<160000xi32, #tpu.memory_space<hbm>>, %arg4: memref<32000x128xf32, #tpu.memory_space<hbm>>, %arg5: memref<512x128xf32, #tpu.memory_space<vmem>>, %arg6: memref<384x128xf32, #tpu.memory_space<vmem>>, %arg7: memref<1024xi32, #tpu.memory_space<vmem>>, %arg8: memref<!tpu.dma_semaphore, #tpu.memory_space<semaphore_mem>>, %arg9: memref<!tpu.dma_semaphore, #tpu.memory_space<semaphore_mem>>, %arg10: memref<!tpu.dma_semaphore, #tpu.memory_space<semaphore_mem>>, %arg11: memref<!tpu.dma_semaphore, #tpu.memory_space<semaphore_mem>>, %arg12: memref<!tpu.dma_semaphore, #tpu.memory_space<semaphore_mem>>, %arg13: memref<!tpu.dma_semaphore, #tpu.memory_space<semaphore_mem>>, %arg14: memref<!tpu.dma_semaphore, #tpu.memory_space<semaphore_mem>>) attributes {dimension_semantics = [#tpu.dimension_semantics<core_parallel>, #tpu.dimension_semantics<subcore_parallel>], iteration_bounds = array<i64: 2, 16>, scalar_prefetch = 0 : i64, scratch_operands = 10 : i64, tpu.core_type = #tpu.core_type<sc_vector_subcore>, window_params = [{transform_indices = #map}, {transform_indices = #map1}, {transform_indices = #map}]} {
    %mul3A = arith.constant 2 : i32
    %mul3A_0 = arith.muli %arg1, %mul3A : i32
    %add3A = arith.addi %mul3A_0, %arg0 : i32
    %mul3A_1 = arith.constant 250 : i32
    %mul3A_2 = arith.muli %add3A, %mul3A_1 : i32
    %jit3A = arith.constant 32 : i32
    %div3A = arith.divsi %mul3A_2, %jit3A : i32
    %sign3A = arith.constant 0 : i32
    %sign3A_3 = arith.cmpi sgt, %mul3A_2, %sign3A : i32
    %sign3A_4 = arith.extui %sign3A_3 : i1 to i32
    %sign3A_5 = arith.constant 0 : i32
    %sign3A_6 = arith.cmpi slt, %mul3A_2, %sign3A_5 : i32
    %sign3A_7 = arith.extui %sign3A_6 : i1 to i32
    %sign3A_8 = arith.subi %sign3A_4, %sign3A_7 : i32
    %sign3A_9 = arith.constant 0 : i32
    %sign3A_10 = arith.cmpi sgt, %jit3A, %sign3A_9 : i32
    %sign3A_11 = arith.extui %sign3A_10 : i1 to i32
    %sign3A_12 = arith.constant 0 : i32
    %sign3A_13 = arith.cmpi slt, %jit3A, %sign3A_12 : i32
    %sign3A_14 = arith.extui %sign3A_13 : i1 to i32
    %sign3A_15 = arith.subi %sign3A_11, %sign3A_14 : i32
    %ne3A = arith.cmpi ne, %sign3A_8, %sign3A_15 : i32
    %rem3A = arith.remsi %mul3A_2, %jit3A : i32
    %ne3A_16 = arith.constant 0 : i32
    %ne3A_17 = arith.cmpi ne, %rem3A, %ne3A_16 : i32
    %and3A = arith.andi %ne3A, %ne3A_17 : i1
    %sub3A = arith.constant 1 : i32
    %sub3A_18 = arith.subi %div3A, %sub3A : i32
    %select_n3A = arith.select %and3A, %sub3A_18, %div3A : i32
    %mul3A_19 = arith.constant 128 : i32
    %mul3A_20 = arith.muli %select_n3A, %mul3A_19 : i32
    %add3A_21 = arith.constant 500 : i32
    %add3A_22 = arith.addi %add3A_21, %select_n3A : i32
    %mul3A_23 = arith.constant 128 : i32
    %mul3A_24 = arith.muli %add3A_22, %mul3A_23 : i32
    "tpu.region"() ({
      %run_scoped3A = tpu.sem_alloc : memref<!tpu.dma_semaphore, #tpu.memory_space<semaphore_mem>>
      %dma_start3A_155 = tpu.memref_slice %arg3[%mul3A_24] : memref<160000xi32, #tpu.memory_space<hbm>> -> memref<1024xi32, #tpu.memory_space<hbm>>
      %dma_start3A_156 = tpu.memref_slice %arg3[%mul3A_24] : memref<160000xi32, #tpu.memory_space<hbm>> -> memref<1024xi32, #tpu.memory_space<hbm>>
      tpu.enqueue_dma source(%dma_start3A_156 : memref<1024xi32, #tpu.memory_space<hbm>>) target(%arg7 : memref<1024xi32, #tpu.memory_space<vmem>>) target_semaphore(%run_scoped3A : memref<!tpu.dma_semaphore, #tpu.memory_space<semaphore_mem>>)
      %dma_wait3A_157 = tpu.memref_slice %arg3[%mul3A_24] : memref<160000xi32, #tpu.memory_space<hbm>> -> memref<1024xi32, #tpu.memory_space<hbm>>
      %dma_wait3A_158 = tpu.memref_slice %arg3[%mul3A_24] : memref<160000xi32, #tpu.memory_space<hbm>> -> memref<1024xi32, #tpu.memory_space<hbm>>
      tpu.wait_dma2 semaphore(%run_scoped3A : memref<!tpu.dma_semaphore, #tpu.memory_space<semaphore_mem>>) src(%dma_wait3A_158 : memref<1024xi32, #tpu.memory_space<hbm>>) dst(%arg7 : memref<1024xi32, #tpu.memory_space<vmem>>)
      tpu.yield
    }) : () -> ()
    %dma_start3A = arith.constant 0 : i32
    %dma_start3A_25 = arith.constant 0 : i32
    %dma_start3A_26 = tpu.memref_slice %arg5[%dma_start3A, %dma_start3A_25] : memref<512x128xf32, #tpu.memory_space<vmem>> -> memref<384x128xf32, #tpu.memory_space<vmem>>
    %dma_start3A_27 = arith.constant 0 : i32
    %dma_start3A_28 = tpu.memref_slice %arg7[%dma_start3A_27] : memref<1024xi32, #tpu.memory_space<vmem>> -> memref<384xi32, #tpu.memory_space<vmem>>
    %dma_start3A_29 = arith.constant 0 : i32
    %dma_start3A_30 = arith.constant 0 : i32
    %dma_start3A_31 = tpu.memref_slice %arg2[%dma_start3A_29, %dma_start3A_30] : memref<1024x128xf32, #tpu.memory_space<hbm>> -> memref<1024x128xf32, #tpu.memory_space<hbm>>
    tpu.enqueue_indirect_dma source(%dma_start3A_31 : memref<1024x128xf32, #tpu.memory_space<hbm>>) target(%dma_start3A_26 : memref<384x128xf32, #tpu.memory_space<vmem>>) offsets(%dma_start3A_28 : memref<384xi32, #tpu.memory_space<vmem>>) semaphore(%arg8 : memref<!tpu.dma_semaphore, #tpu.memory_space<semaphore_mem>>)
    %dma_start3A_32 = arith.constant 384 : i32
    %dma_start3A_33 = tpu.memref_slice %arg7[%dma_start3A_32] : memref<1024xi32, #tpu.memory_space<vmem>> -> memref<384xi32, #tpu.memory_space<vmem>>
    %dma_start3A_34 = arith.constant 0 : i32
    %dma_start3A_35 = arith.constant 0 : i32
    %dma_start3A_36 = tpu.memref_slice %arg2[%dma_start3A_34, %dma_start3A_35] : memref<1024x128xf32, #tpu.memory_space<hbm>> -> memref<1024x128xf32, #tpu.memory_space<hbm>>
    tpu.enqueue_indirect_dma source(%dma_start3A_36 : memref<1024x128xf32, #tpu.memory_space<hbm>>) target(%arg6 : memref<384x128xf32, #tpu.memory_space<vmem>>) offsets(%dma_start3A_33 : memref<384xi32, #tpu.memory_space<vmem>>) semaphore(%arg9 : memref<!tpu.dma_semaphore, #tpu.memory_space<semaphore_mem>>)
    %dma_start3A_37 = arith.constant 384 : i32
    %dma_start3A_38 = arith.constant 0 : i32
    %dma_start3A_39 = tpu.memref_slice %arg5[%dma_start3A_37, %dma_start3A_38] : memref<512x128xf32, #tpu.memory_space<vmem>> -> memref<128x128xf32, #tpu.memory_space<vmem>>
    %dma_start3A_40 = arith.constant 768 : i32
    %dma_start3A_41 = tpu.memref_slice %arg7[%dma_start3A_40] : memref<1024xi32, #tpu.memory_space<vmem>> -> memref<128xi32, #tpu.memory_space<vmem>>
    %dma_start3A_42 = arith.constant 0 : i32
    %dma_start3A_43 = arith.constant 0 : i32
    %dma_start3A_44 = tpu.memref_slice %arg2[%dma_start3A_42, %dma_start3A_43] : memref<1024x128xf32, #tpu.memory_space<hbm>> -> memref<1024x128xf32, #tpu.memory_space<hbm>>
    tpu.enqueue_indirect_dma source(%dma_start3A_44 : memref<1024x128xf32, #tpu.memory_space<hbm>>) target(%dma_start3A_39 : memref<128x128xf32, #tpu.memory_space<vmem>>) offsets(%dma_start3A_41 : memref<128xi32, #tpu.memory_space<vmem>>) semaphore(%arg10 : memref<!tpu.dma_semaphore, #tpu.memory_space<semaphore_mem>>)
    %dma_wait3A = arith.constant 0 : i32
    %dma_wait3A_45 = arith.constant 0 : i32
    %dma_wait3A_46 = tpu.memref_slice %arg5[%dma_wait3A, %dma_wait3A_45] : memref<512x128xf32, #tpu.memory_space<vmem>> -> memref<384x128xf32, #tpu.memory_space<vmem>>
    %dma_wait3A_47 = arith.constant 0 : i32
    %dma_wait3A_48 = tpu.memref_slice %arg7[%dma_wait3A_47] : memref<1024xi32, #tpu.memory_space<vmem>> -> memref<384xi32, #tpu.memory_space<vmem>>
    %dma_wait3A_49 = arith.constant 0 : i32
    %dma_wait3A_50 = arith.constant 0 : i32
    %dma_wait3A_51 = tpu.memref_slice %arg2[%dma_wait3A_49, %dma_wait3A_50] : memref<1024x128xf32, #tpu.memory_space<hbm>> -> memref<1024x128xf32, #tpu.memory_space<hbm>>
    tpu.wait_indirect_dma semaphore(%arg8 : memref<!tpu.dma_semaphore, #tpu.memory_space<semaphore_mem>>) src(%dma_wait3A_51 : memref<1024x128xf32, #tpu.memory_space<hbm>>) dst(%dma_wait3A_46 : memref<384x128xf32, #tpu.memory_space<vmem>>)
    %dma_start3A_52 = arith.constant 0 : i32
    %dma_start3A_53 = arith.constant 0 : i32
    %dma_start3A_54 = tpu.memref_slice %arg5[%dma_start3A_52, %dma_start3A_53] : memref<512x128xf32, #tpu.memory_space<vmem>> -> memref<384x128xf32, #tpu.memory_space<vmem>>
    %dma_start3A_55 = arith.constant 0 : i32
    %dma_start3A_56 = tpu.memref_slice %arg4[%mul3A_20, %dma_start3A_55] : memref<32000x128xf32, #tpu.memory_space<hbm>> -> memref<384x128xf32, #tpu.memory_space<hbm>>
    %dma_start3A_57 = arith.constant 0 : i32
    %dma_start3A_58 = tpu.memref_slice %arg4[%mul3A_20, %dma_start3A_57] : memref<32000x128xf32, #tpu.memory_space<hbm>> -> memref<384x128xf32, #tpu.memory_space<hbm>>
    %dma_start3A_59 = arith.constant 0 : i32
    %dma_start3A_60 = arith.constant 0 : i32
    %dma_start3A_61 = tpu.memref_slice %arg5[%dma_start3A_59, %dma_start3A_60] : memref<512x128xf32, #tpu.memory_space<vmem>> -> memref<384x128xf32, #tpu.memory_space<vmem>>
    tpu.enqueue_dma source(%dma_start3A_61 : memref<384x128xf32, #tpu.memory_space<vmem>>) target(%dma_start3A_58 : memref<384x128xf32, #tpu.memory_space<hbm>>) target_semaphore(%arg12 : memref<!tpu.dma_semaphore, #tpu.memory_space<semaphore_mem>>)
    %dma_wait3A_62 = arith.constant 384 : i32
    %dma_wait3A_63 = tpu.memref_slice %arg7[%dma_wait3A_62] : memref<1024xi32, #tpu.memory_space<vmem>> -> memref<384xi32, #tpu.memory_space<vmem>>
    %dma_wait3A_64 = arith.constant 0 : i32
    %dma_wait3A_65 = arith.constant 0 : i32
    %dma_wait3A_66 = tpu.memref_slice %arg2[%dma_wait3A_64, %dma_wait3A_65] : memref<1024x128xf32, #tpu.memory_space<hbm>> -> memref<1024x128xf32, #tpu.memory_space<hbm>>
    tpu.wait_indirect_dma semaphore(%arg9 : memref<!tpu.dma_semaphore, #tpu.memory_space<semaphore_mem>>) src(%dma_wait3A_66 : memref<1024x128xf32, #tpu.memory_space<hbm>>) dst(%arg6 : memref<384x128xf32, #tpu.memory_space<vmem>>)
    %add3A_67 = arith.constant 384 : i32
    %add3A_68 = arith.addi %mul3A_20, %add3A_67 : i32
    %dma_start3A_69 = arith.constant 0 : i32
    %dma_start3A_70 = tpu.memref_slice %arg4[%add3A_68, %dma_start3A_69] : memref<32000x128xf32, #tpu.memory_space<hbm>> -> memref<384x128xf32, #tpu.memory_space<hbm>>
    %dma_start3A_71 = arith.constant 0 : i32
    %dma_start3A_72 = tpu.memref_slice %arg4[%add3A_68, %dma_start3A_71] : memref<32000x128xf32, #tpu.memory_space<hbm>> -> memref<384x128xf32, #tpu.memory_space<hbm>>
    tpu.enqueue_dma source(%arg6 : memref<384x128xf32, #tpu.memory_space<vmem>>) target(%dma_start3A_72 : memref<384x128xf32, #tpu.memory_space<hbm>>) target_semaphore(%arg13 : memref<!tpu.dma_semaphore, #tpu.memory_space<semaphore_mem>>)
    %dma_wait3A_73 = arith.constant 384 : i32
    %dma_wait3A_74 = arith.constant 0 : i32
    %dma_wait3A_75 = tpu.memref_slice %arg5[%dma_wait3A_73, %dma_wait3A_74] : memref<512x128xf32, #tpu.memory_space<vmem>> -> memref<128x128xf32, #tpu.memory_space<vmem>>
    %dma_wait3A_76 = arith.constant 768 : i32
    %dma_wait3A_77 = tpu.memref_slice %arg7[%dma_wait3A_76] : memref<1024xi32, #tpu.memory_space<vmem>> -> memref<128xi32, #tpu.memory_space<vmem>>
    %dma_wait3A_78 = arith.constant 0 : i32
    %dma_wait3A_79 = arith.constant 0 : i32
    %dma_wait3A_80 = tpu.memref_slice %arg2[%dma_wait3A_78, %dma_wait3A_79] : memref<1024x128xf32, #tpu.memory_space<hbm>> -> memref<1024x128xf32, #tpu.memory_space<hbm>>
    tpu.wait_indirect_dma semaphore(%arg10 : memref<!tpu.dma_semaphore, #tpu.memory_space<semaphore_mem>>) src(%dma_wait3A_80 : memref<1024x128xf32, #tpu.memory_space<hbm>>) dst(%dma_wait3A_75 : memref<128x128xf32, #tpu.memory_space<vmem>>)
    %add3A_81 = arith.constant 768 : i32
    %add3A_82 = arith.addi %mul3A_20, %add3A_81 : i32
    %dma_start3A_83 = arith.constant 384 : i32
    %dma_start3A_84 = arith.constant 0 : i32
    %dma_start3A_85 = tpu.memref_slice %arg5[%dma_start3A_83, %dma_start3A_84] : memref<512x128xf32, #tpu.memory_space<vmem>> -> memref<128x128xf32, #tpu.memory_space<vmem>>
    %dma_start3A_86 = arith.constant 0 : i32
    %dma_start3A_87 = tpu.memref_slice %arg4[%add3A_82, %dma_start3A_86] : memref<32000x128xf32, #tpu.memory_space<hbm>> -> memref<128x128xf32, #tpu.memory_space<hbm>>
    %dma_start3A_88 = arith.constant 0 : i32
    %dma_start3A_89 = tpu.memref_slice %arg4[%add3A_82, %dma_start3A_88] : memref<32000x128xf32, #tpu.memory_space<hbm>> -> memref<128x128xf32, #tpu.memory_space<hbm>>
    %dma_start3A_90 = arith.constant 384 : i32
    %dma_start3A_91 = arith.constant 0 : i32
    %dma_start3A_92 = tpu.memref_slice %arg5[%dma_start3A_90, %dma_start3A_91] : memref<512x128xf32, #tpu.memory_space<vmem>> -> memref<128x128xf32, #tpu.memory_space<vmem>>
    tpu.enqueue_dma source(%dma_start3A_92 : memref<128x128xf32, #tpu.memory_space<vmem>>) target(%dma_start3A_89 : memref<128x128xf32, #tpu.memory_space<hbm>>) target_semaphore(%arg14 : memref<!tpu.dma_semaphore, #tpu.memory_space<semaphore_mem>>)
    %dma_wait3A_93 = arith.constant 0 : i32
    %dma_wait3A_94 = arith.constant 0 : i32
    %dma_wait3A_95 = tpu.memref_slice %arg5[%dma_wait3A_93, %dma_wait3A_94] : memref<512x128xf32, #tpu.memory_space<vmem>> -> memref<384x128xf32, #tpu.memory_space<vmem>>
    %dma_wait3A_96 = arith.constant 0 : i32
    %dma_wait3A_97 = tpu.memref_slice %arg4[%mul3A_20, %dma_wait3A_96] : memref<32000x128xf32, #tpu.memory_space<hbm>> -> memref<384x128xf32, #tpu.memory_space<hbm>>
    %dma_wait3A_98 = arith.constant 0 : i32
    %dma_wait3A_99 = tpu.memref_slice %arg4[%mul3A_20, %dma_wait3A_98] : memref<32000x128xf32, #tpu.memory_space<hbm>> -> memref<384x128xf32, #tpu.memory_space<hbm>>
    %dma_wait3A_100 = arith.constant 0 : i32
    %dma_wait3A_101 = arith.constant 0 : i32
    %dma_wait3A_102 = tpu.memref_slice %arg5[%dma_wait3A_100, %dma_wait3A_101] : memref<512x128xf32, #tpu.memory_space<vmem>> -> memref<384x128xf32, #tpu.memory_space<vmem>>
    tpu.wait_dma2 semaphore(%arg12 : memref<!tpu.dma_semaphore, #tpu.memory_space<semaphore_mem>>) src(%dma_wait3A_102 : memref<384x128xf32, #tpu.memory_space<vmem>>) dst(%dma_wait3A_99 : memref<384x128xf32, #tpu.memory_space<hbm>>)
    %dma_start3A_103 = arith.constant 0 : i32
    %dma_start3A_104 = arith.constant 0 : i32
    %dma_start3A_105 = tpu.memref_slice %arg5[%dma_start3A_103, %dma_start3A_104] : memref<512x128xf32, #tpu.memory_space<vmem>> -> memref<128x128xf32, #tpu.memory_space<vmem>>
    %dma_start3A_106 = arith.constant 896 : i32
    %dma_start3A_107 = tpu.memref_slice %arg7[%dma_start3A_106] : memref<1024xi32, #tpu.memory_space<vmem>> -> memref<128xi32, #tpu.memory_space<vmem>>
    %dma_start3A_108 = arith.constant 0 : i32
    %dma_start3A_109 = arith.constant 0 : i32
    %dma_start3A_110 = tpu.memref_slice %arg2[%dma_start3A_108, %dma_start3A_109] : memref<1024x128xf32, #tpu.memory_space<hbm>> -> memref<1024x128xf32, #tpu.memory_space<hbm>>
    tpu.enqueue_indirect_dma source(%dma_start3A_110 : memref<1024x128xf32, #tpu.memory_space<hbm>>) target(%dma_start3A_105 : memref<128x128xf32, #tpu.memory_space<vmem>>) offsets(%dma_start3A_107 : memref<128xi32, #tpu.memory_space<vmem>>) semaphore(%arg11 : memref<!tpu.dma_semaphore, #tpu.memory_space<semaphore_mem>>)
    %dma_wait3A_111 = arith.constant 0 : i32
    %dma_wait3A_112 = arith.constant 0 : i32
    %dma_wait3A_113 = tpu.memref_slice %arg5[%dma_wait3A_111, %dma_wait3A_112] : memref<512x128xf32, #tpu.memory_space<vmem>> -> memref<128x128xf32, #tpu.memory_space<vmem>>
    %dma_wait3A_114 = arith.constant 896 : i32
    %dma_wait3A_115 = tpu.memref_slice %arg7[%dma_wait3A_114] : memref<1024xi32, #tpu.memory_space<vmem>> -> memref<128xi32, #tpu.memory_space<vmem>>
    %dma_wait3A_116 = arith.constant 0 : i32
    %dma_wait3A_117 = arith.constant 0 : i32
    %dma_wait3A_118 = tpu.memref_slice %arg2[%dma_wait3A_116, %dma_wait3A_117] : memref<1024x128xf32, #tpu.memory_space<hbm>> -> memref<1024x128xf32, #tpu.memory_space<hbm>>
    tpu.wait_indirect_dma semaphore(%arg11 : memref<!tpu.dma_semaphore, #tpu.memory_space<semaphore_mem>>) src(%dma_wait3A_118 : memref<1024x128xf32, #tpu.memory_space<hbm>>) dst(%dma_wait3A_113 : memref<128x128xf32, #tpu.memory_space<vmem>>)
    %add3A_119 = arith.constant 896 : i32
    %add3A_120 = arith.addi %mul3A_20, %add3A_119 : i32
    %dma_start3A_121 = arith.constant 0 : i32
    %dma_start3A_122 = arith.constant 0 : i32
    %dma_start3A_123 = tpu.memref_slice %arg5[%dma_start3A_121, %dma_start3A_122] : memref<512x128xf32, #tpu.memory_space<vmem>> -> memref<128x128xf32, #tpu.memory_space<vmem>>
    %dma_start3A_124 = arith.constant 0 : i32
    %dma_start3A_125 = tpu.memref_slice %arg4[%add3A_120, %dma_start3A_124] : memref<32000x128xf32, #tpu.memory_space<hbm>> -> memref<128x128xf32, #tpu.memory_space<hbm>>
    %dma_start3A_126 = arith.constant 0 : i32
    %dma_start3A_127 = tpu.memref_slice %arg4[%add3A_120, %dma_start3A_126] : memref<32000x128xf32, #tpu.memory_space<hbm>> -> memref<128x128xf32, #tpu.memory_space<hbm>>
    %dma_start3A_128 = arith.constant 0 : i32
    %dma_start3A_129 = arith.constant 0 : i32
    %dma_start3A_130 = tpu.memref_slice %arg5[%dma_start3A_128, %dma_start3A_129] : memref<512x128xf32, #tpu.memory_space<vmem>> -> memref<128x128xf32, #tpu.memory_space<vmem>>
    tpu.enqueue_dma source(%dma_start3A_130 : memref<128x128xf32, #tpu.memory_space<vmem>>) target(%dma_start3A_127 : memref<128x128xf32, #tpu.memory_space<hbm>>) target_semaphore(%arg12 : memref<!tpu.dma_semaphore, #tpu.memory_space<semaphore_mem>>)
    %dma_wait3A_131 = arith.constant 0 : i32
    %dma_wait3A_132 = tpu.memref_slice %arg4[%add3A_68, %dma_wait3A_131] : memref<32000x128xf32, #tpu.memory_space<hbm>> -> memref<384x128xf32, #tpu.memory_space<hbm>>
    %dma_wait3A_133 = arith.constant 0 : i32
    %dma_wait3A_134 = tpu.memref_slice %arg4[%add3A_68, %dma_wait3A_133] : memref<32000x128xf32, #tpu.memory_space<hbm>> -> memref<384x128xf32, #tpu.memory_space<hbm>>
    tpu.wait_dma2 semaphore(%arg13 : memref<!tpu.dma_semaphore, #tpu.memory_space<semaphore_mem>>) src(%arg6 : memref<384x128xf32, #tpu.memory_space<vmem>>) dst(%dma_wait3A_134 : memref<384x128xf32, #tpu.memory_space<hbm>>)
    %dma_wait3A_135 = arith.constant 384 : i32
    %dma_wait3A_136 = arith.constant 0 : i32
    %dma_wait3A_137 = tpu.memref_slice %arg5[%dma_wait3A_135, %dma_wait3A_136] : memref<512x128xf32, #tpu.memory_space<vmem>> -> memref<128x128xf32, #tpu.memory_space<vmem>>
    %dma_wait3A_138 = arith.constant 0 : i32
    %dma_wait3A_139 = tpu.memref_slice %arg4[%add3A_82, %dma_wait3A_138] : memref<32000x128xf32, #tpu.memory_space<hbm>> -> memref<128x128xf32, #tpu.memory_space<hbm>>
    %dma_wait3A_140 = arith.constant 0 : i32
    %dma_wait3A_141 = tpu.memref_slice %arg4[%add3A_82, %dma_wait3A_140] : memref<32000x128xf32, #tpu.memory_space<hbm>> -> memref<128x128xf32, #tpu.memory_space<hbm>>
    %dma_wait3A_142 = arith.constant 384 : i32
    %dma_wait3A_143 = arith.constant 0 : i32
    %dma_wait3A_144 = tpu.memref_slice %arg5[%dma_wait3A_142, %dma_wait3A_143] : memref<512x128xf32, #tpu.memory_space<vmem>> -> memref<128x128xf32, #tpu.memory_space<vmem>>
    tpu.wait_dma2 semaphore(%arg14 : memref<!tpu.dma_semaphore, #tpu.memory_space<semaphore_mem>>) src(%dma_wait3A_144 : memref<128x128xf32, #tpu.memory_space<vmem>>) dst(%dma_wait3A_141 : memref<128x128xf32, #tpu.memory_space<hbm>>)
    %dma_wait3A_145 = arith.constant 0 : i32
    %dma_wait3A_146 = arith.constant 0 : i32
    %dma_wait3A_147 = tpu.memref_slice %arg5[%dma_wait3A_145, %dma_wait3A_146] : memref<512x128xf32, #tpu.memory_space<vmem>> -> memref<128x128xf32, #tpu.memory_space<vmem>>
    %dma_wait3A_148 = arith.constant 0 : i32
    %dma_wait3A_149 = tpu.memref_slice %arg4[%add3A_120, %dma_wait3A_148] : memref<32000x128xf32, #tpu.memory_space<hbm>> -> memref<128x128xf32, #tpu.memory_space<hbm>>
    %dma_wait3A_150 = arith.constant 0 : i32
    %dma_wait3A_151 = tpu.memref_slice %arg4[%add3A_120, %dma_wait3A_150] : memref<32000x128xf32, #tpu.memory_space<hbm>> -> memref<128x128xf32, #tpu.memory_space<hbm>>
    %dma_wait3A_152 = arith.constant 0 : i32
    %dma_wait3A_153 = arith.constant 0 : i32
    %dma_wait3A_154 = tpu.memref_slice %arg5[%dma_wait3A_152, %dma_wait3A_153] : memref<512x128xf32, #tpu.memory_space<vmem>> -> memref<128x128xf32, #tpu.memory_space<vmem>>
    tpu.wait_dma2 semaphore(%arg12 : memref<!tpu.dma_semaphore, #tpu.memory_space<semaphore_mem>>) src(%dma_wait3A_154 : memref<128x128xf32, #tpu.memory_space<vmem>>) dst(%dma_wait3A_151 : memref<128x128xf32, #tpu.memory_space<hbm>>)
    return
  }
}

#map = affine_map<(d0, d1) -> (0, 0)>
#map1 = affine_map<(d0, d1) -> (0)>
module attributes {stable_mosaic.version = 14 : i64} {
  func.func @_gather_body(%arg0: i32, %arg1: i32, %arg2: memref<1024x128xf32, #tpu.memory_space<hbm>>, %arg3: memref<160000xi32, #tpu.memory_space<hbm>>, %arg4: memref<32000x128xf32, #tpu.memory_space<hbm>>, %arg5: memref<512x128xf32, #tpu.memory_space<vmem>>, %arg6: memref<384x128xf32, #tpu.memory_space<vmem>>, %arg7: memref<1024xi32, #tpu.memory_space<vmem>>, %arg8: memref<!tpu.dma_semaphore, #tpu.memory_space<semaphore_mem>>, %arg9: memref<!tpu.dma_semaphore, #tpu.memory_space<semaphore_mem>>, %arg10: memref<!tpu.dma_semaphore, #tpu.memory_space<semaphore_mem>>, %arg11: memref<!tpu.dma_semaphore, #tpu.memory_space<semaphore_mem>>, %arg12: memref<!tpu.dma_semaphore, #tpu.memory_space<semaphore_mem>>, %arg13: memref<!tpu.dma_semaphore, #tpu.memory_space<semaphore_mem>>, %arg14: memref<!tpu.dma_semaphore, #tpu.memory_space<semaphore_mem>>) attributes {dimension_semantics = [#tpu.dimension_semantics<core_parallel>, #tpu.dimension_semantics<subcore_parallel>], iteration_bounds = array<i64: 2, 16>, scalar_prefetch = 0 : i64, scratch_operands = 10 : i64, tpu.core_type = #tpu.core_type<sc_vector_subcore>, window_params = [{transform_indices = #map}, {transform_indices = #map1}, {transform_indices = #map}]} {
    %mul3A = arith.constant 2 : i32
    %mul3A_0 = arith.muli %arg1, %mul3A : i32
    %add3A = arith.addi %mul3A_0, %arg0 : i32
    %mul3A_1 = arith.constant 250 : i32
    %mul3A_2 = arith.muli %add3A, %mul3A_1 : i32
    %jit3A = arith.constant 32 : i32
    %div3A = arith.divsi %mul3A_2, %jit3A : i32
    %sign3A = arith.constant 0 : i32
    %sign3A_3 = arith.cmpi sgt, %mul3A_2, %sign3A : i32
    %sign3A_4 = arith.extui %sign3A_3 : i1 to i32
    %sign3A_5 = arith.constant 0 : i32
    %sign3A_6 = arith.cmpi slt, %mul3A_2, %sign3A_5 : i32
    %sign3A_7 = arith.extui %sign3A_6 : i1 to i32
    %sign3A_8 = arith.subi %sign3A_4, %sign3A_7 : i32
    %sign3A_9 = arith.constant 0 : i32
    %sign3A_10 = arith.cmpi sgt, %jit3A, %sign3A_9 : i32
    %sign3A_11 = arith.extui %sign3A_10 : i1 to i32
    %sign3A_12 = arith.constant 0 : i32
    %sign3A_13 = arith.cmpi slt, %jit3A, %sign3A_12 : i32
    %sign3A_14 = arith.extui %sign3A_13 : i1 to i32
    %sign3A_15 = arith.subi %sign3A_11, %sign3A_14 : i32
    %ne3A = arith.cmpi ne, %sign3A_8, %sign3A_15 : i32
    %rem3A = arith.remsi %mul3A_2, %jit3A : i32
    %ne3A_16 = arith.constant 0 : i32
    %ne3A_17 = arith.cmpi ne, %rem3A, %ne3A_16 : i32
    %and3A = arith.andi %ne3A, %ne3A_17 : i1
    %sub3A = arith.constant 1 : i32
    %sub3A_18 = arith.subi %div3A, %sub3A : i32
    %select_n3A = arith.select %and3A, %sub3A_18, %div3A : i32
    %mul3A_19 = arith.constant 128 : i32
    %mul3A_20 = arith.muli %select_n3A, %mul3A_19 : i32
    %add3A_21 = arith.constant 750 : i32
    %add3A_22 = arith.addi %add3A_21, %select_n3A : i32
    %mul3A_23 = arith.constant 128 : i32
    %mul3A_24 = arith.muli %add3A_22, %mul3A_23 : i32
    "tpu.region"() ({
      %run_scoped3A = tpu.sem_alloc : memref<!tpu.dma_semaphore, #tpu.memory_space<semaphore_mem>>
      %dma_start3A_155 = tpu.memref_slice %arg3[%mul3A_24] : memref<160000xi32, #tpu.memory_space<hbm>> -> memref<1024xi32, #tpu.memory_space<hbm>>
      %dma_start3A_156 = tpu.memref_slice %arg3[%mul3A_24] : memref<160000xi32, #tpu.memory_space<hbm>> -> memref<1024xi32, #tpu.memory_space<hbm>>
      tpu.enqueue_dma source(%dma_start3A_156 : memref<1024xi32, #tpu.memory_space<hbm>>) target(%arg7 : memref<1024xi32, #tpu.memory_space<vmem>>) target_semaphore(%run_scoped3A : memref<!tpu.dma_semaphore, #tpu.memory_space<semaphore_mem>>)
      %dma_wait3A_157 = tpu.memref_slice %arg3[%mul3A_24] : memref<160000xi32, #tpu.memory_space<hbm>> -> memref<1024xi32, #tpu.memory_space<hbm>>
      %dma_wait3A_158 = tpu.memref_slice %arg3[%mul3A_24] : memref<160000xi32, #tpu.memory_space<hbm>> -> memref<1024xi32, #tpu.memory_space<hbm>>
      tpu.wait_dma2 semaphore(%run_scoped3A : memref<!tpu.dma_semaphore, #tpu.memory_space<semaphore_mem>>) src(%dma_wait3A_158 : memref<1024xi32, #tpu.memory_space<hbm>>) dst(%arg7 : memref<1024xi32, #tpu.memory_space<vmem>>)
      tpu.yield
    }) : () -> ()
    %dma_start3A = arith.constant 0 : i32
    %dma_start3A_25 = arith.constant 0 : i32
    %dma_start3A_26 = tpu.memref_slice %arg5[%dma_start3A, %dma_start3A_25] : memref<512x128xf32, #tpu.memory_space<vmem>> -> memref<384x128xf32, #tpu.memory_space<vmem>>
    %dma_start3A_27 = arith.constant 0 : i32
    %dma_start3A_28 = tpu.memref_slice %arg7[%dma_start3A_27] : memref<1024xi32, #tpu.memory_space<vmem>> -> memref<384xi32, #tpu.memory_space<vmem>>
    %dma_start3A_29 = arith.constant 0 : i32
    %dma_start3A_30 = arith.constant 0 : i32
    %dma_start3A_31 = tpu.memref_slice %arg2[%dma_start3A_29, %dma_start3A_30] : memref<1024x128xf32, #tpu.memory_space<hbm>> -> memref<1024x128xf32, #tpu.memory_space<hbm>>
    tpu.enqueue_indirect_dma source(%dma_start3A_31 : memref<1024x128xf32, #tpu.memory_space<hbm>>) target(%dma_start3A_26 : memref<384x128xf32, #tpu.memory_space<vmem>>) offsets(%dma_start3A_28 : memref<384xi32, #tpu.memory_space<vmem>>) semaphore(%arg8 : memref<!tpu.dma_semaphore, #tpu.memory_space<semaphore_mem>>)
    %dma_start3A_32 = arith.constant 384 : i32
    %dma_start3A_33 = tpu.memref_slice %arg7[%dma_start3A_32] : memref<1024xi32, #tpu.memory_space<vmem>> -> memref<384xi32, #tpu.memory_space<vmem>>
    %dma_start3A_34 = arith.constant 0 : i32
    %dma_start3A_35 = arith.constant 0 : i32
    %dma_start3A_36 = tpu.memref_slice %arg2[%dma_start3A_34, %dma_start3A_35] : memref<1024x128xf32, #tpu.memory_space<hbm>> -> memref<1024x128xf32, #tpu.memory_space<hbm>>
    tpu.enqueue_indirect_dma source(%dma_start3A_36 : memref<1024x128xf32, #tpu.memory_space<hbm>>) target(%arg6 : memref<384x128xf32, #tpu.memory_space<vmem>>) offsets(%dma_start3A_33 : memref<384xi32, #tpu.memory_space<vmem>>) semaphore(%arg9 : memref<!tpu.dma_semaphore, #tpu.memory_space<semaphore_mem>>)
    %dma_start3A_37 = arith.constant 384 : i32
    %dma_start3A_38 = arith.constant 0 : i32
    %dma_start3A_39 = tpu.memref_slice %arg5[%dma_start3A_37, %dma_start3A_38] : memref<512x128xf32, #tpu.memory_space<vmem>> -> memref<128x128xf32, #tpu.memory_space<vmem>>
    %dma_start3A_40 = arith.constant 768 : i32
    %dma_start3A_41 = tpu.memref_slice %arg7[%dma_start3A_40] : memref<1024xi32, #tpu.memory_space<vmem>> -> memref<128xi32, #tpu.memory_space<vmem>>
    %dma_start3A_42 = arith.constant 0 : i32
    %dma_start3A_43 = arith.constant 0 : i32
    %dma_start3A_44 = tpu.memref_slice %arg2[%dma_start3A_42, %dma_start3A_43] : memref<1024x128xf32, #tpu.memory_space<hbm>> -> memref<1024x128xf32, #tpu.memory_space<hbm>>
    tpu.enqueue_indirect_dma source(%dma_start3A_44 : memref<1024x128xf32, #tpu.memory_space<hbm>>) target(%dma_start3A_39 : memref<128x128xf32, #tpu.memory_space<vmem>>) offsets(%dma_start3A_41 : memref<128xi32, #tpu.memory_space<vmem>>) semaphore(%arg10 : memref<!tpu.dma_semaphore, #tpu.memory_space<semaphore_mem>>)
    %dma_wait3A = arith.constant 0 : i32
    %dma_wait3A_45 = arith.constant 0 : i32
    %dma_wait3A_46 = tpu.memref_slice %arg5[%dma_wait3A, %dma_wait3A_45] : memref<512x128xf32, #tpu.memory_space<vmem>> -> memref<384x128xf32, #tpu.memory_space<vmem>>
    %dma_wait3A_47 = arith.constant 0 : i32
    %dma_wait3A_48 = tpu.memref_slice %arg7[%dma_wait3A_47] : memref<1024xi32, #tpu.memory_space<vmem>> -> memref<384xi32, #tpu.memory_space<vmem>>
    %dma_wait3A_49 = arith.constant 0 : i32
    %dma_wait3A_50 = arith.constant 0 : i32
    %dma_wait3A_51 = tpu.memref_slice %arg2[%dma_wait3A_49, %dma_wait3A_50] : memref<1024x128xf32, #tpu.memory_space<hbm>> -> memref<1024x128xf32, #tpu.memory_space<hbm>>
    tpu.wait_indirect_dma semaphore(%arg8 : memref<!tpu.dma_semaphore, #tpu.memory_space<semaphore_mem>>) src(%dma_wait3A_51 : memref<1024x128xf32, #tpu.memory_space<hbm>>) dst(%dma_wait3A_46 : memref<384x128xf32, #tpu.memory_space<vmem>>)
    %dma_start3A_52 = arith.constant 0 : i32
    %dma_start3A_53 = arith.constant 0 : i32
    %dma_start3A_54 = tpu.memref_slice %arg5[%dma_start3A_52, %dma_start3A_53] : memref<512x128xf32, #tpu.memory_space<vmem>> -> memref<384x128xf32, #tpu.memory_space<vmem>>
    %dma_start3A_55 = arith.constant 0 : i32
    %dma_start3A_56 = tpu.memref_slice %arg4[%mul3A_20, %dma_start3A_55] : memref<32000x128xf32, #tpu.memory_space<hbm>> -> memref<384x128xf32, #tpu.memory_space<hbm>>
    %dma_start3A_57 = arith.constant 0 : i32
    %dma_start3A_58 = tpu.memref_slice %arg4[%mul3A_20, %dma_start3A_57] : memref<32000x128xf32, #tpu.memory_space<hbm>> -> memref<384x128xf32, #tpu.memory_space<hbm>>
    %dma_start3A_59 = arith.constant 0 : i32
    %dma_start3A_60 = arith.constant 0 : i32
    %dma_start3A_61 = tpu.memref_slice %arg5[%dma_start3A_59, %dma_start3A_60] : memref<512x128xf32, #tpu.memory_space<vmem>> -> memref<384x128xf32, #tpu.memory_space<vmem>>
    tpu.enqueue_dma source(%dma_start3A_61 : memref<384x128xf32, #tpu.memory_space<vmem>>) target(%dma_start3A_58 : memref<384x128xf32, #tpu.memory_space<hbm>>) target_semaphore(%arg12 : memref<!tpu.dma_semaphore, #tpu.memory_space<semaphore_mem>>)
    %dma_wait3A_62 = arith.constant 384 : i32
    %dma_wait3A_63 = tpu.memref_slice %arg7[%dma_wait3A_62] : memref<1024xi32, #tpu.memory_space<vmem>> -> memref<384xi32, #tpu.memory_space<vmem>>
    %dma_wait3A_64 = arith.constant 0 : i32
    %dma_wait3A_65 = arith.constant 0 : i32
    %dma_wait3A_66 = tpu.memref_slice %arg2[%dma_wait3A_64, %dma_wait3A_65] : memref<1024x128xf32, #tpu.memory_space<hbm>> -> memref<1024x128xf32, #tpu.memory_space<hbm>>
    tpu.wait_indirect_dma semaphore(%arg9 : memref<!tpu.dma_semaphore, #tpu.memory_space<semaphore_mem>>) src(%dma_wait3A_66 : memref<1024x128xf32, #tpu.memory_space<hbm>>) dst(%arg6 : memref<384x128xf32, #tpu.memory_space<vmem>>)
    %add3A_67 = arith.constant 384 : i32
    %add3A_68 = arith.addi %mul3A_20, %add3A_67 : i32
    %dma_start3A_69 = arith.constant 0 : i32
    %dma_start3A_70 = tpu.memref_slice %arg4[%add3A_68, %dma_start3A_69] : memref<32000x128xf32, #tpu.memory_space<hbm>> -> memref<384x128xf32, #tpu.memory_space<hbm>>
    %dma_start3A_71 = arith.constant 0 : i32
    %dma_start3A_72 = tpu.memref_slice %arg4[%add3A_68, %dma_start3A_71] : memref<32000x128xf32, #tpu.memory_space<hbm>> -> memref<384x128xf32, #tpu.memory_space<hbm>>
    tpu.enqueue_dma source(%arg6 : memref<384x128xf32, #tpu.memory_space<vmem>>) target(%dma_start3A_72 : memref<384x128xf32, #tpu.memory_space<hbm>>) target_semaphore(%arg13 : memref<!tpu.dma_semaphore, #tpu.memory_space<semaphore_mem>>)
    %dma_wait3A_73 = arith.constant 384 : i32
    %dma_wait3A_74 = arith.constant 0 : i32
    %dma_wait3A_75 = tpu.memref_slice %arg5[%dma_wait3A_73, %dma_wait3A_74] : memref<512x128xf32, #tpu.memory_space<vmem>> -> memref<128x128xf32, #tpu.memory_space<vmem>>
    %dma_wait3A_76 = arith.constant 768 : i32
    %dma_wait3A_77 = tpu.memref_slice %arg7[%dma_wait3A_76] : memref<1024xi32, #tpu.memory_space<vmem>> -> memref<128xi32, #tpu.memory_space<vmem>>
    %dma_wait3A_78 = arith.constant 0 : i32
    %dma_wait3A_79 = arith.constant 0 : i32
    %dma_wait3A_80 = tpu.memref_slice %arg2[%dma_wait3A_78, %dma_wait3A_79] : memref<1024x128xf32, #tpu.memory_space<hbm>> -> memref<1024x128xf32, #tpu.memory_space<hbm>>
    tpu.wait_indirect_dma semaphore(%arg10 : memref<!tpu.dma_semaphore, #tpu.memory_space<semaphore_mem>>) src(%dma_wait3A_80 : memref<1024x128xf32, #tpu.memory_space<hbm>>) dst(%dma_wait3A_75 : memref<128x128xf32, #tpu.memory_space<vmem>>)
    %add3A_81 = arith.constant 768 : i32
    %add3A_82 = arith.addi %mul3A_20, %add3A_81 : i32
    %dma_start3A_83 = arith.constant 384 : i32
    %dma_start3A_84 = arith.constant 0 : i32
    %dma_start3A_85 = tpu.memref_slice %arg5[%dma_start3A_83, %dma_start3A_84] : memref<512x128xf32, #tpu.memory_space<vmem>> -> memref<128x128xf32, #tpu.memory_space<vmem>>
    %dma_start3A_86 = arith.constant 0 : i32
    %dma_start3A_87 = tpu.memref_slice %arg4[%add3A_82, %dma_start3A_86] : memref<32000x128xf32, #tpu.memory_space<hbm>> -> memref<128x128xf32, #tpu.memory_space<hbm>>
    %dma_start3A_88 = arith.constant 0 : i32
    %dma_start3A_89 = tpu.memref_slice %arg4[%add3A_82, %dma_start3A_88] : memref<32000x128xf32, #tpu.memory_space<hbm>> -> memref<128x128xf32, #tpu.memory_space<hbm>>
    %dma_start3A_90 = arith.constant 384 : i32
    %dma_start3A_91 = arith.constant 0 : i32
    %dma_start3A_92 = tpu.memref_slice %arg5[%dma_start3A_90, %dma_start3A_91] : memref<512x128xf32, #tpu.memory_space<vmem>> -> memref<128x128xf32, #tpu.memory_space<vmem>>
    tpu.enqueue_dma source(%dma_start3A_92 : memref<128x128xf32, #tpu.memory_space<vmem>>) target(%dma_start3A_89 : memref<128x128xf32, #tpu.memory_space<hbm>>) target_semaphore(%arg14 : memref<!tpu.dma_semaphore, #tpu.memory_space<semaphore_mem>>)
    %dma_wait3A_93 = arith.constant 0 : i32
    %dma_wait3A_94 = arith.constant 0 : i32
    %dma_wait3A_95 = tpu.memref_slice %arg5[%dma_wait3A_93, %dma_wait3A_94] : memref<512x128xf32, #tpu.memory_space<vmem>> -> memref<384x128xf32, #tpu.memory_space<vmem>>
    %dma_wait3A_96 = arith.constant 0 : i32
    %dma_wait3A_97 = tpu.memref_slice %arg4[%mul3A_20, %dma_wait3A_96] : memref<32000x128xf32, #tpu.memory_space<hbm>> -> memref<384x128xf32, #tpu.memory_space<hbm>>
    %dma_wait3A_98 = arith.constant 0 : i32
    %dma_wait3A_99 = tpu.memref_slice %arg4[%mul3A_20, %dma_wait3A_98] : memref<32000x128xf32, #tpu.memory_space<hbm>> -> memref<384x128xf32, #tpu.memory_space<hbm>>
    %dma_wait3A_100 = arith.constant 0 : i32
    %dma_wait3A_101 = arith.constant 0 : i32
    %dma_wait3A_102 = tpu.memref_slice %arg5[%dma_wait3A_100, %dma_wait3A_101] : memref<512x128xf32, #tpu.memory_space<vmem>> -> memref<384x128xf32, #tpu.memory_space<vmem>>
    tpu.wait_dma2 semaphore(%arg12 : memref<!tpu.dma_semaphore, #tpu.memory_space<semaphore_mem>>) src(%dma_wait3A_102 : memref<384x128xf32, #tpu.memory_space<vmem>>) dst(%dma_wait3A_99 : memref<384x128xf32, #tpu.memory_space<hbm>>)
    %dma_start3A_103 = arith.constant 0 : i32
    %dma_start3A_104 = arith.constant 0 : i32
    %dma_start3A_105 = tpu.memref_slice %arg5[%dma_start3A_103, %dma_start3A_104] : memref<512x128xf32, #tpu.memory_space<vmem>> -> memref<128x128xf32, #tpu.memory_space<vmem>>
    %dma_start3A_106 = arith.constant 896 : i32
    %dma_start3A_107 = tpu.memref_slice %arg7[%dma_start3A_106] : memref<1024xi32, #tpu.memory_space<vmem>> -> memref<128xi32, #tpu.memory_space<vmem>>
    %dma_start3A_108 = arith.constant 0 : i32
    %dma_start3A_109 = arith.constant 0 : i32
    %dma_start3A_110 = tpu.memref_slice %arg2[%dma_start3A_108, %dma_start3A_109] : memref<1024x128xf32, #tpu.memory_space<hbm>> -> memref<1024x128xf32, #tpu.memory_space<hbm>>
    tpu.enqueue_indirect_dma source(%dma_start3A_110 : memref<1024x128xf32, #tpu.memory_space<hbm>>) target(%dma_start3A_105 : memref<128x128xf32, #tpu.memory_space<vmem>>) offsets(%dma_start3A_107 : memref<128xi32, #tpu.memory_space<vmem>>) semaphore(%arg11 : memref<!tpu.dma_semaphore, #tpu.memory_space<semaphore_mem>>)
    %dma_wait3A_111 = arith.constant 0 : i32
    %dma_wait3A_112 = arith.constant 0 : i32
    %dma_wait3A_113 = tpu.memref_slice %arg5[%dma_wait3A_111, %dma_wait3A_112] : memref<512x128xf32, #tpu.memory_space<vmem>> -> memref<128x128xf32, #tpu.memory_space<vmem>>
    %dma_wait3A_114 = arith.constant 896 : i32
    %dma_wait3A_115 = tpu.memref_slice %arg7[%dma_wait3A_114] : memref<1024xi32, #tpu.memory_space<vmem>> -> memref<128xi32, #tpu.memory_space<vmem>>
    %dma_wait3A_116 = arith.constant 0 : i32
    %dma_wait3A_117 = arith.constant 0 : i32
    %dma_wait3A_118 = tpu.memref_slice %arg2[%dma_wait3A_116, %dma_wait3A_117] : memref<1024x128xf32, #tpu.memory_space<hbm>> -> memref<1024x128xf32, #tpu.memory_space<hbm>>
    tpu.wait_indirect_dma semaphore(%arg11 : memref<!tpu.dma_semaphore, #tpu.memory_space<semaphore_mem>>) src(%dma_wait3A_118 : memref<1024x128xf32, #tpu.memory_space<hbm>>) dst(%dma_wait3A_113 : memref<128x128xf32, #tpu.memory_space<vmem>>)
    %add3A_119 = arith.constant 896 : i32
    %add3A_120 = arith.addi %mul3A_20, %add3A_119 : i32
    %dma_start3A_121 = arith.constant 0 : i32
    %dma_start3A_122 = arith.constant 0 : i32
    %dma_start3A_123 = tpu.memref_slice %arg5[%dma_start3A_121, %dma_start3A_122] : memref<512x128xf32, #tpu.memory_space<vmem>> -> memref<128x128xf32, #tpu.memory_space<vmem>>
    %dma_start3A_124 = arith.constant 0 : i32
    %dma_start3A_125 = tpu.memref_slice %arg4[%add3A_120, %dma_start3A_124] : memref<32000x128xf32, #tpu.memory_space<hbm>> -> memref<128x128xf32, #tpu.memory_space<hbm>>
    %dma_start3A_126 = arith.constant 0 : i32
    %dma_start3A_127 = tpu.memref_slice %arg4[%add3A_120, %dma_start3A_126] : memref<32000x128xf32, #tpu.memory_space<hbm>> -> memref<128x128xf32, #tpu.memory_space<hbm>>
    %dma_start3A_128 = arith.constant 0 : i32
    %dma_start3A_129 = arith.constant 0 : i32
    %dma_start3A_130 = tpu.memref_slice %arg5[%dma_start3A_128, %dma_start3A_129] : memref<512x128xf32, #tpu.memory_space<vmem>> -> memref<128x128xf32, #tpu.memory_space<vmem>>
    tpu.enqueue_dma source(%dma_start3A_130 : memref<128x128xf32, #tpu.memory_space<vmem>>) target(%dma_start3A_127 : memref<128x128xf32, #tpu.memory_space<hbm>>) target_semaphore(%arg12 : memref<!tpu.dma_semaphore, #tpu.memory_space<semaphore_mem>>)
    %dma_wait3A_131 = arith.constant 0 : i32
    %dma_wait3A_132 = tpu.memref_slice %arg4[%add3A_68, %dma_wait3A_131] : memref<32000x128xf32, #tpu.memory_space<hbm>> -> memref<384x128xf32, #tpu.memory_space<hbm>>
    %dma_wait3A_133 = arith.constant 0 : i32
    %dma_wait3A_134 = tpu.memref_slice %arg4[%add3A_68, %dma_wait3A_133] : memref<32000x128xf32, #tpu.memory_space<hbm>> -> memref<384x128xf32, #tpu.memory_space<hbm>>
    tpu.wait_dma2 semaphore(%arg13 : memref<!tpu.dma_semaphore, #tpu.memory_space<semaphore_mem>>) src(%arg6 : memref<384x128xf32, #tpu.memory_space<vmem>>) dst(%dma_wait3A_134 : memref<384x128xf32, #tpu.memory_space<hbm>>)
    %dma_wait3A_135 = arith.constant 384 : i32
    %dma_wait3A_136 = arith.constant 0 : i32
    %dma_wait3A_137 = tpu.memref_slice %arg5[%dma_wait3A_135, %dma_wait3A_136] : memref<512x128xf32, #tpu.memory_space<vmem>> -> memref<128x128xf32, #tpu.memory_space<vmem>>
    %dma_wait3A_138 = arith.constant 0 : i32
    %dma_wait3A_139 = tpu.memref_slice %arg4[%add3A_82, %dma_wait3A_138] : memref<32000x128xf32, #tpu.memory_space<hbm>> -> memref<128x128xf32, #tpu.memory_space<hbm>>
    %dma_wait3A_140 = arith.constant 0 : i32
    %dma_wait3A_141 = tpu.memref_slice %arg4[%add3A_82, %dma_wait3A_140] : memref<32000x128xf32, #tpu.memory_space<hbm>> -> memref<128x128xf32, #tpu.memory_space<hbm>>
    %dma_wait3A_142 = arith.constant 384 : i32
    %dma_wait3A_143 = arith.constant 0 : i32
    %dma_wait3A_144 = tpu.memref_slice %arg5[%dma_wait3A_142, %dma_wait3A_143] : memref<512x128xf32, #tpu.memory_space<vmem>> -> memref<128x128xf32, #tpu.memory_space<vmem>>
    tpu.wait_dma2 semaphore(%arg14 : memref<!tpu.dma_semaphore, #tpu.memory_space<semaphore_mem>>) src(%dma_wait3A_144 : memref<128x128xf32, #tpu.memory_space<vmem>>) dst(%dma_wait3A_141 : memref<128x128xf32, #tpu.memory_space<hbm>>)
    %dma_wait3A_145 = arith.constant 0 : i32
    %dma_wait3A_146 = arith.constant 0 : i32
    %dma_wait3A_147 = tpu.memref_slice %arg5[%dma_wait3A_145, %dma_wait3A_146] : memref<512x128xf32, #tpu.memory_space<vmem>> -> memref<128x128xf32, #tpu.memory_space<vmem>>
    %dma_wait3A_148 = arith.constant 0 : i32
    %dma_wait3A_149 = tpu.memref_slice %arg4[%add3A_120, %dma_wait3A_148] : memref<32000x128xf32, #tpu.memory_space<hbm>> -> memref<128x128xf32, #tpu.memory_space<hbm>>
    %dma_wait3A_150 = arith.constant 0 : i32
    %dma_wait3A_151 = tpu.memref_slice %arg4[%add3A_120, %dma_wait3A_150] : memref<32000x128xf32, #tpu.memory_space<hbm>> -> memref<128x128xf32, #tpu.memory_space<hbm>>
    %dma_wait3A_152 = arith.constant 0 : i32
    %dma_wait3A_153 = arith.constant 0 : i32
    %dma_wait3A_154 = tpu.memref_slice %arg5[%dma_wait3A_152, %dma_wait3A_153] : memref<512x128xf32, #tpu.memory_space<vmem>> -> memref<128x128xf32, #tpu.memory_space<vmem>>
    tpu.wait_dma2 semaphore(%arg12 : memref<!tpu.dma_semaphore, #tpu.memory_space<semaphore_mem>>) src(%dma_wait3A_154 : memref<128x128xf32, #tpu.memory_space<vmem>>) dst(%dma_wait3A_151 : memref<128x128xf32, #tpu.memory_space<hbm>>)
    return
  }
}

#map = affine_map<(d0, d1) -> (0, 0)>
#map1 = affine_map<(d0, d1) -> (0)>
module attributes {stable_mosaic.version = 14 : i64} {
  func.func @_gather_body(%arg0: i32, %arg1: i32, %arg2: memref<1024x128xf32, #tpu.memory_space<hbm>>, %arg3: memref<160000xi32, #tpu.memory_space<hbm>>, %arg4: memref<32000x128xf32, #tpu.memory_space<hbm>>, %arg5: memref<512x128xf32, #tpu.memory_space<vmem>>, %arg6: memref<384x128xf32, #tpu.memory_space<vmem>>, %arg7: memref<1024xi32, #tpu.memory_space<vmem>>, %arg8: memref<!tpu.dma_semaphore, #tpu.memory_space<semaphore_mem>>, %arg9: memref<!tpu.dma_semaphore, #tpu.memory_space<semaphore_mem>>, %arg10: memref<!tpu.dma_semaphore, #tpu.memory_space<semaphore_mem>>, %arg11: memref<!tpu.dma_semaphore, #tpu.memory_space<semaphore_mem>>, %arg12: memref<!tpu.dma_semaphore, #tpu.memory_space<semaphore_mem>>, %arg13: memref<!tpu.dma_semaphore, #tpu.memory_space<semaphore_mem>>, %arg14: memref<!tpu.dma_semaphore, #tpu.memory_space<semaphore_mem>>) attributes {dimension_semantics = [#tpu.dimension_semantics<core_parallel>, #tpu.dimension_semantics<subcore_parallel>], iteration_bounds = array<i64: 2, 16>, scalar_prefetch = 0 : i64, scratch_operands = 10 : i64, tpu.core_type = #tpu.core_type<sc_vector_subcore>, window_params = [{transform_indices = #map}, {transform_indices = #map1}, {transform_indices = #map}]} {
    %mul3A = arith.constant 2 : i32
    %mul3A_0 = arith.muli %arg1, %mul3A : i32
    %add3A = arith.addi %mul3A_0, %arg0 : i32
    %mul3A_1 = arith.constant 250 : i32
    %mul3A_2 = arith.muli %add3A, %mul3A_1 : i32
    %jit3A = arith.constant 32 : i32
    %div3A = arith.divsi %mul3A_2, %jit3A : i32
    %sign3A = arith.constant 0 : i32
    %sign3A_3 = arith.cmpi sgt, %mul3A_2, %sign3A : i32
    %sign3A_4 = arith.extui %sign3A_3 : i1 to i32
    %sign3A_5 = arith.constant 0 : i32
    %sign3A_6 = arith.cmpi slt, %mul3A_2, %sign3A_5 : i32
    %sign3A_7 = arith.extui %sign3A_6 : i1 to i32
    %sign3A_8 = arith.subi %sign3A_4, %sign3A_7 : i32
    %sign3A_9 = arith.constant 0 : i32
    %sign3A_10 = arith.cmpi sgt, %jit3A, %sign3A_9 : i32
    %sign3A_11 = arith.extui %sign3A_10 : i1 to i32
    %sign3A_12 = arith.constant 0 : i32
    %sign3A_13 = arith.cmpi slt, %jit3A, %sign3A_12 : i32
    %sign3A_14 = arith.extui %sign3A_13 : i1 to i32
    %sign3A_15 = arith.subi %sign3A_11, %sign3A_14 : i32
    %ne3A = arith.cmpi ne, %sign3A_8, %sign3A_15 : i32
    %rem3A = arith.remsi %mul3A_2, %jit3A : i32
    %ne3A_16 = arith.constant 0 : i32
    %ne3A_17 = arith.cmpi ne, %rem3A, %ne3A_16 : i32
    %and3A = arith.andi %ne3A, %ne3A_17 : i1
    %sub3A = arith.constant 1 : i32
    %sub3A_18 = arith.subi %div3A, %sub3A : i32
    %select_n3A = arith.select %and3A, %sub3A_18, %div3A : i32
    %mul3A_19 = arith.constant 128 : i32
    %mul3A_20 = arith.muli %select_n3A, %mul3A_19 : i32
    %add3A_21 = arith.constant 1000 : i32
    %add3A_22 = arith.addi %add3A_21, %select_n3A : i32
    %mul3A_23 = arith.constant 128 : i32
    %mul3A_24 = arith.muli %add3A_22, %mul3A_23 : i32
    "tpu.region"() ({
      %run_scoped3A = tpu.sem_alloc : memref<!tpu.dma_semaphore, #tpu.memory_space<semaphore_mem>>
      %dma_start3A_155 = tpu.memref_slice %arg3[%mul3A_24] : memref<160000xi32, #tpu.memory_space<hbm>> -> memref<1024xi32, #tpu.memory_space<hbm>>
      %dma_start3A_156 = tpu.memref_slice %arg3[%mul3A_24] : memref<160000xi32, #tpu.memory_space<hbm>> -> memref<1024xi32, #tpu.memory_space<hbm>>
      tpu.enqueue_dma source(%dma_start3A_156 : memref<1024xi32, #tpu.memory_space<hbm>>) target(%arg7 : memref<1024xi32, #tpu.memory_space<vmem>>) target_semaphore(%run_scoped3A : memref<!tpu.dma_semaphore, #tpu.memory_space<semaphore_mem>>)
      %dma_wait3A_157 = tpu.memref_slice %arg3[%mul3A_24] : memref<160000xi32, #tpu.memory_space<hbm>> -> memref<1024xi32, #tpu.memory_space<hbm>>
      %dma_wait3A_158 = tpu.memref_slice %arg3[%mul3A_24] : memref<160000xi32, #tpu.memory_space<hbm>> -> memref<1024xi32, #tpu.memory_space<hbm>>
      tpu.wait_dma2 semaphore(%run_scoped3A : memref<!tpu.dma_semaphore, #tpu.memory_space<semaphore_mem>>) src(%dma_wait3A_158 : memref<1024xi32, #tpu.memory_space<hbm>>) dst(%arg7 : memref<1024xi32, #tpu.memory_space<vmem>>)
      tpu.yield
    }) : () -> ()
    %dma_start3A = arith.constant 0 : i32
    %dma_start3A_25 = arith.constant 0 : i32
    %dma_start3A_26 = tpu.memref_slice %arg5[%dma_start3A, %dma_start3A_25] : memref<512x128xf32, #tpu.memory_space<vmem>> -> memref<384x128xf32, #tpu.memory_space<vmem>>
    %dma_start3A_27 = arith.constant 0 : i32
    %dma_start3A_28 = tpu.memref_slice %arg7[%dma_start3A_27] : memref<1024xi32, #tpu.memory_space<vmem>> -> memref<384xi32, #tpu.memory_space<vmem>>
    %dma_start3A_29 = arith.constant 0 : i32
    %dma_start3A_30 = arith.constant 0 : i32
    %dma_start3A_31 = tpu.memref_slice %arg2[%dma_start3A_29, %dma_start3A_30] : memref<1024x128xf32, #tpu.memory_space<hbm>> -> memref<1024x128xf32, #tpu.memory_space<hbm>>
    tpu.enqueue_indirect_dma source(%dma_start3A_31 : memref<1024x128xf32, #tpu.memory_space<hbm>>) target(%dma_start3A_26 : memref<384x128xf32, #tpu.memory_space<vmem>>) offsets(%dma_start3A_28 : memref<384xi32, #tpu.memory_space<vmem>>) semaphore(%arg8 : memref<!tpu.dma_semaphore, #tpu.memory_space<semaphore_mem>>)
    %dma_start3A_32 = arith.constant 384 : i32
    %dma_start3A_33 = tpu.memref_slice %arg7[%dma_start3A_32] : memref<1024xi32, #tpu.memory_space<vmem>> -> memref<384xi32, #tpu.memory_space<vmem>>
    %dma_start3A_34 = arith.constant 0 : i32
    %dma_start3A_35 = arith.constant 0 : i32
    %dma_start3A_36 = tpu.memref_slice %arg2[%dma_start3A_34, %dma_start3A_35] : memref<1024x128xf32, #tpu.memory_space<hbm>> -> memref<1024x128xf32, #tpu.memory_space<hbm>>
    tpu.enqueue_indirect_dma source(%dma_start3A_36 : memref<1024x128xf32, #tpu.memory_space<hbm>>) target(%arg6 : memref<384x128xf32, #tpu.memory_space<vmem>>) offsets(%dma_start3A_33 : memref<384xi32, #tpu.memory_space<vmem>>) semaphore(%arg9 : memref<!tpu.dma_semaphore, #tpu.memory_space<semaphore_mem>>)
    %dma_start3A_37 = arith.constant 384 : i32
    %dma_start3A_38 = arith.constant 0 : i32
    %dma_start3A_39 = tpu.memref_slice %arg5[%dma_start3A_37, %dma_start3A_38] : memref<512x128xf32, #tpu.memory_space<vmem>> -> memref<128x128xf32, #tpu.memory_space<vmem>>
    %dma_start3A_40 = arith.constant 768 : i32
    %dma_start3A_41 = tpu.memref_slice %arg7[%dma_start3A_40] : memref<1024xi32, #tpu.memory_space<vmem>> -> memref<128xi32, #tpu.memory_space<vmem>>
    %dma_start3A_42 = arith.constant 0 : i32
    %dma_start3A_43 = arith.constant 0 : i32
    %dma_start3A_44 = tpu.memref_slice %arg2[%dma_start3A_42, %dma_start3A_43] : memref<1024x128xf32, #tpu.memory_space<hbm>> -> memref<1024x128xf32, #tpu.memory_space<hbm>>
    tpu.enqueue_indirect_dma source(%dma_start3A_44 : memref<1024x128xf32, #tpu.memory_space<hbm>>) target(%dma_start3A_39 : memref<128x128xf32, #tpu.memory_space<vmem>>) offsets(%dma_start3A_41 : memref<128xi32, #tpu.memory_space<vmem>>) semaphore(%arg10 : memref<!tpu.dma_semaphore, #tpu.memory_space<semaphore_mem>>)
    %dma_wait3A = arith.constant 0 : i32
    %dma_wait3A_45 = arith.constant 0 : i32
    %dma_wait3A_46 = tpu.memref_slice %arg5[%dma_wait3A, %dma_wait3A_45] : memref<512x128xf32, #tpu.memory_space<vmem>> -> memref<384x128xf32, #tpu.memory_space<vmem>>
    %dma_wait3A_47 = arith.constant 0 : i32
    %dma_wait3A_48 = tpu.memref_slice %arg7[%dma_wait3A_47] : memref<1024xi32, #tpu.memory_space<vmem>> -> memref<384xi32, #tpu.memory_space<vmem>>
    %dma_wait3A_49 = arith.constant 0 : i32
    %dma_wait3A_50 = arith.constant 0 : i32
    %dma_wait3A_51 = tpu.memref_slice %arg2[%dma_wait3A_49, %dma_wait3A_50] : memref<1024x128xf32, #tpu.memory_space<hbm>> -> memref<1024x128xf32, #tpu.memory_space<hbm>>
    tpu.wait_indirect_dma semaphore(%arg8 : memref<!tpu.dma_semaphore, #tpu.memory_space<semaphore_mem>>) src(%dma_wait3A_51 : memref<1024x128xf32, #tpu.memory_space<hbm>>) dst(%dma_wait3A_46 : memref<384x128xf32, #tpu.memory_space<vmem>>)
    %dma_start3A_52 = arith.constant 0 : i32
    %dma_start3A_53 = arith.constant 0 : i32
    %dma_start3A_54 = tpu.memref_slice %arg5[%dma_start3A_52, %dma_start3A_53] : memref<512x128xf32, #tpu.memory_space<vmem>> -> memref<384x128xf32, #tpu.memory_space<vmem>>
    %dma_start3A_55 = arith.constant 0 : i32
    %dma_start3A_56 = tpu.memref_slice %arg4[%mul3A_20, %dma_start3A_55] : memref<32000x128xf32, #tpu.memory_space<hbm>> -> memref<384x128xf32, #tpu.memory_space<hbm>>
    %dma_start3A_57 = arith.constant 0 : i32
    %dma_start3A_58 = tpu.memref_slice %arg4[%mul3A_20, %dma_start3A_57] : memref<32000x128xf32, #tpu.memory_space<hbm>> -> memref<384x128xf32, #tpu.memory_space<hbm>>
    %dma_start3A_59 = arith.constant 0 : i32
    %dma_start3A_60 = arith.constant 0 : i32
    %dma_start3A_61 = tpu.memref_slice %arg5[%dma_start3A_59, %dma_start3A_60] : memref<512x128xf32, #tpu.memory_space<vmem>> -> memref<384x128xf32, #tpu.memory_space<vmem>>
    tpu.enqueue_dma source(%dma_start3A_61 : memref<384x128xf32, #tpu.memory_space<vmem>>) target(%dma_start3A_58 : memref<384x128xf32, #tpu.memory_space<hbm>>) target_semaphore(%arg12 : memref<!tpu.dma_semaphore, #tpu.memory_space<semaphore_mem>>)
    %dma_wait3A_62 = arith.constant 384 : i32
    %dma_wait3A_63 = tpu.memref_slice %arg7[%dma_wait3A_62] : memref<1024xi32, #tpu.memory_space<vmem>> -> memref<384xi32, #tpu.memory_space<vmem>>
    %dma_wait3A_64 = arith.constant 0 : i32
    %dma_wait3A_65 = arith.constant 0 : i32
    %dma_wait3A_66 = tpu.memref_slice %arg2[%dma_wait3A_64, %dma_wait3A_65] : memref<1024x128xf32, #tpu.memory_space<hbm>> -> memref<1024x128xf32, #tpu.memory_space<hbm>>
    tpu.wait_indirect_dma semaphore(%arg9 : memref<!tpu.dma_semaphore, #tpu.memory_space<semaphore_mem>>) src(%dma_wait3A_66 : memref<1024x128xf32, #tpu.memory_space<hbm>>) dst(%arg6 : memref<384x128xf32, #tpu.memory_space<vmem>>)
    %add3A_67 = arith.constant 384 : i32
    %add3A_68 = arith.addi %mul3A_20, %add3A_67 : i32
    %dma_start3A_69 = arith.constant 0 : i32
    %dma_start3A_70 = tpu.memref_slice %arg4[%add3A_68, %dma_start3A_69] : memref<32000x128xf32, #tpu.memory_space<hbm>> -> memref<384x128xf32, #tpu.memory_space<hbm>>
    %dma_start3A_71 = arith.constant 0 : i32
    %dma_start3A_72 = tpu.memref_slice %arg4[%add3A_68, %dma_start3A_71] : memref<32000x128xf32, #tpu.memory_space<hbm>> -> memref<384x128xf32, #tpu.memory_space<hbm>>
    tpu.enqueue_dma source(%arg6 : memref<384x128xf32, #tpu.memory_space<vmem>>) target(%dma_start3A_72 : memref<384x128xf32, #tpu.memory_space<hbm>>) target_semaphore(%arg13 : memref<!tpu.dma_semaphore, #tpu.memory_space<semaphore_mem>>)
    %dma_wait3A_73 = arith.constant 384 : i32
    %dma_wait3A_74 = arith.constant 0 : i32
    %dma_wait3A_75 = tpu.memref_slice %arg5[%dma_wait3A_73, %dma_wait3A_74] : memref<512x128xf32, #tpu.memory_space<vmem>> -> memref<128x128xf32, #tpu.memory_space<vmem>>
    %dma_wait3A_76 = arith.constant 768 : i32
    %dma_wait3A_77 = tpu.memref_slice %arg7[%dma_wait3A_76] : memref<1024xi32, #tpu.memory_space<vmem>> -> memref<128xi32, #tpu.memory_space<vmem>>
    %dma_wait3A_78 = arith.constant 0 : i32
    %dma_wait3A_79 = arith.constant 0 : i32
    %dma_wait3A_80 = tpu.memref_slice %arg2[%dma_wait3A_78, %dma_wait3A_79] : memref<1024x128xf32, #tpu.memory_space<hbm>> -> memref<1024x128xf32, #tpu.memory_space<hbm>>
    tpu.wait_indirect_dma semaphore(%arg10 : memref<!tpu.dma_semaphore, #tpu.memory_space<semaphore_mem>>) src(%dma_wait3A_80 : memref<1024x128xf32, #tpu.memory_space<hbm>>) dst(%dma_wait3A_75 : memref<128x128xf32, #tpu.memory_space<vmem>>)
    %add3A_81 = arith.constant 768 : i32
    %add3A_82 = arith.addi %mul3A_20, %add3A_81 : i32
    %dma_start3A_83 = arith.constant 384 : i32
    %dma_start3A_84 = arith.constant 0 : i32
    %dma_start3A_85 = tpu.memref_slice %arg5[%dma_start3A_83, %dma_start3A_84] : memref<512x128xf32, #tpu.memory_space<vmem>> -> memref<128x128xf32, #tpu.memory_space<vmem>>
    %dma_start3A_86 = arith.constant 0 : i32
    %dma_start3A_87 = tpu.memref_slice %arg4[%add3A_82, %dma_start3A_86] : memref<32000x128xf32, #tpu.memory_space<hbm>> -> memref<128x128xf32, #tpu.memory_space<hbm>>
    %dma_start3A_88 = arith.constant 0 : i32
    %dma_start3A_89 = tpu.memref_slice %arg4[%add3A_82, %dma_start3A_88] : memref<32000x128xf32, #tpu.memory_space<hbm>> -> memref<128x128xf32, #tpu.memory_space<hbm>>
    %dma_start3A_90 = arith.constant 384 : i32
    %dma_start3A_91 = arith.constant 0 : i32
    %dma_start3A_92 = tpu.memref_slice %arg5[%dma_start3A_90, %dma_start3A_91] : memref<512x128xf32, #tpu.memory_space<vmem>> -> memref<128x128xf32, #tpu.memory_space<vmem>>
    tpu.enqueue_dma source(%dma_start3A_92 : memref<128x128xf32, #tpu.memory_space<vmem>>) target(%dma_start3A_89 : memref<128x128xf32, #tpu.memory_space<hbm>>) target_semaphore(%arg14 : memref<!tpu.dma_semaphore, #tpu.memory_space<semaphore_mem>>)
    %dma_wait3A_93 = arith.constant 0 : i32
    %dma_wait3A_94 = arith.constant 0 : i32
    %dma_wait3A_95 = tpu.memref_slice %arg5[%dma_wait3A_93, %dma_wait3A_94] : memref<512x128xf32, #tpu.memory_space<vmem>> -> memref<384x128xf32, #tpu.memory_space<vmem>>
    %dma_wait3A_96 = arith.constant 0 : i32
    %dma_wait3A_97 = tpu.memref_slice %arg4[%mul3A_20, %dma_wait3A_96] : memref<32000x128xf32, #tpu.memory_space<hbm>> -> memref<384x128xf32, #tpu.memory_space<hbm>>
    %dma_wait3A_98 = arith.constant 0 : i32
    %dma_wait3A_99 = tpu.memref_slice %arg4[%mul3A_20, %dma_wait3A_98] : memref<32000x128xf32, #tpu.memory_space<hbm>> -> memref<384x128xf32, #tpu.memory_space<hbm>>
    %dma_wait3A_100 = arith.constant 0 : i32
    %dma_wait3A_101 = arith.constant 0 : i32
    %dma_wait3A_102 = tpu.memref_slice %arg5[%dma_wait3A_100, %dma_wait3A_101] : memref<512x128xf32, #tpu.memory_space<vmem>> -> memref<384x128xf32, #tpu.memory_space<vmem>>
    tpu.wait_dma2 semaphore(%arg12 : memref<!tpu.dma_semaphore, #tpu.memory_space<semaphore_mem>>) src(%dma_wait3A_102 : memref<384x128xf32, #tpu.memory_space<vmem>>) dst(%dma_wait3A_99 : memref<384x128xf32, #tpu.memory_space<hbm>>)
    %dma_start3A_103 = arith.constant 0 : i32
    %dma_start3A_104 = arith.constant 0 : i32
    %dma_start3A_105 = tpu.memref_slice %arg5[%dma_start3A_103, %dma_start3A_104] : memref<512x128xf32, #tpu.memory_space<vmem>> -> memref<128x128xf32, #tpu.memory_space<vmem>>
    %dma_start3A_106 = arith.constant 896 : i32
    %dma_start3A_107 = tpu.memref_slice %arg7[%dma_start3A_106] : memref<1024xi32, #tpu.memory_space<vmem>> -> memref<128xi32, #tpu.memory_space<vmem>>
    %dma_start3A_108 = arith.constant 0 : i32
    %dma_start3A_109 = arith.constant 0 : i32
    %dma_start3A_110 = tpu.memref_slice %arg2[%dma_start3A_108, %dma_start3A_109] : memref<1024x128xf32, #tpu.memory_space<hbm>> -> memref<1024x128xf32, #tpu.memory_space<hbm>>
    tpu.enqueue_indirect_dma source(%dma_start3A_110 : memref<1024x128xf32, #tpu.memory_space<hbm>>) target(%dma_start3A_105 : memref<128x128xf32, #tpu.memory_space<vmem>>) offsets(%dma_start3A_107 : memref<128xi32, #tpu.memory_space<vmem>>) semaphore(%arg11 : memref<!tpu.dma_semaphore, #tpu.memory_space<semaphore_mem>>)
    %dma_wait3A_111 = arith.constant 0 : i32
    %dma_wait3A_112 = arith.constant 0 : i32
    %dma_wait3A_113 = tpu.memref_slice %arg5[%dma_wait3A_111, %dma_wait3A_112] : memref<512x128xf32, #tpu.memory_space<vmem>> -> memref<128x128xf32, #tpu.memory_space<vmem>>
    %dma_wait3A_114 = arith.constant 896 : i32
    %dma_wait3A_115 = tpu.memref_slice %arg7[%dma_wait3A_114] : memref<1024xi32, #tpu.memory_space<vmem>> -> memref<128xi32, #tpu.memory_space<vmem>>
    %dma_wait3A_116 = arith.constant 0 : i32
    %dma_wait3A_117 = arith.constant 0 : i32
    %dma_wait3A_118 = tpu.memref_slice %arg2[%dma_wait3A_116, %dma_wait3A_117] : memref<1024x128xf32, #tpu.memory_space<hbm>> -> memref<1024x128xf32, #tpu.memory_space<hbm>>
    tpu.wait_indirect_dma semaphore(%arg11 : memref<!tpu.dma_semaphore, #tpu.memory_space<semaphore_mem>>) src(%dma_wait3A_118 : memref<1024x128xf32, #tpu.memory_space<hbm>>) dst(%dma_wait3A_113 : memref<128x128xf32, #tpu.memory_space<vmem>>)
    %add3A_119 = arith.constant 896 : i32
    %add3A_120 = arith.addi %mul3A_20, %add3A_119 : i32
    %dma_start3A_121 = arith.constant 0 : i32
    %dma_start3A_122 = arith.constant 0 : i32
    %dma_start3A_123 = tpu.memref_slice %arg5[%dma_start3A_121, %dma_start3A_122] : memref<512x128xf32, #tpu.memory_space<vmem>> -> memref<128x128xf32, #tpu.memory_space<vmem>>
    %dma_start3A_124 = arith.constant 0 : i32
    %dma_start3A_125 = tpu.memref_slice %arg4[%add3A_120, %dma_start3A_124] : memref<32000x128xf32, #tpu.memory_space<hbm>> -> memref<128x128xf32, #tpu.memory_space<hbm>>
    %dma_start3A_126 = arith.constant 0 : i32
    %dma_start3A_127 = tpu.memref_slice %arg4[%add3A_120, %dma_start3A_126] : memref<32000x128xf32, #tpu.memory_space<hbm>> -> memref<128x128xf32, #tpu.memory_space<hbm>>
    %dma_start3A_128 = arith.constant 0 : i32
    %dma_start3A_129 = arith.constant 0 : i32
    %dma_start3A_130 = tpu.memref_slice %arg5[%dma_start3A_128, %dma_start3A_129] : memref<512x128xf32, #tpu.memory_space<vmem>> -> memref<128x128xf32, #tpu.memory_space<vmem>>
    tpu.enqueue_dma source(%dma_start3A_130 : memref<128x128xf32, #tpu.memory_space<vmem>>) target(%dma_start3A_127 : memref<128x128xf32, #tpu.memory_space<hbm>>) target_semaphore(%arg12 : memref<!tpu.dma_semaphore, #tpu.memory_space<semaphore_mem>>)
    %dma_wait3A_131 = arith.constant 0 : i32
    %dma_wait3A_132 = tpu.memref_slice %arg4[%add3A_68, %dma_wait3A_131] : memref<32000x128xf32, #tpu.memory_space<hbm>> -> memref<384x128xf32, #tpu.memory_space<hbm>>
    %dma_wait3A_133 = arith.constant 0 : i32
    %dma_wait3A_134 = tpu.memref_slice %arg4[%add3A_68, %dma_wait3A_133] : memref<32000x128xf32, #tpu.memory_space<hbm>> -> memref<384x128xf32, #tpu.memory_space<hbm>>
    tpu.wait_dma2 semaphore(%arg13 : memref<!tpu.dma_semaphore, #tpu.memory_space<semaphore_mem>>) src(%arg6 : memref<384x128xf32, #tpu.memory_space<vmem>>) dst(%dma_wait3A_134 : memref<384x128xf32, #tpu.memory_space<hbm>>)
    %dma_wait3A_135 = arith.constant 384 : i32
    %dma_wait3A_136 = arith.constant 0 : i32
    %dma_wait3A_137 = tpu.memref_slice %arg5[%dma_wait3A_135, %dma_wait3A_136] : memref<512x128xf32, #tpu.memory_space<vmem>> -> memref<128x128xf32, #tpu.memory_space<vmem>>
    %dma_wait3A_138 = arith.constant 0 : i32
    %dma_wait3A_139 = tpu.memref_slice %arg4[%add3A_82, %dma_wait3A_138] : memref<32000x128xf32, #tpu.memory_space<hbm>> -> memref<128x128xf32, #tpu.memory_space<hbm>>
    %dma_wait3A_140 = arith.constant 0 : i32
    %dma_wait3A_141 = tpu.memref_slice %arg4[%add3A_82, %dma_wait3A_140] : memref<32000x128xf32, #tpu.memory_space<hbm>> -> memref<128x128xf32, #tpu.memory_space<hbm>>
    %dma_wait3A_142 = arith.constant 384 : i32
    %dma_wait3A_143 = arith.constant 0 : i32
    %dma_wait3A_144 = tpu.memref_slice %arg5[%dma_wait3A_142, %dma_wait3A_143] : memref<512x128xf32, #tpu.memory_space<vmem>> -> memref<128x128xf32, #tpu.memory_space<vmem>>
    tpu.wait_dma2 semaphore(%arg14 : memref<!tpu.dma_semaphore, #tpu.memory_space<semaphore_mem>>) src(%dma_wait3A_144 : memref<128x128xf32, #tpu.memory_space<vmem>>) dst(%dma_wait3A_141 : memref<128x128xf32, #tpu.memory_space<hbm>>)
    %dma_wait3A_145 = arith.constant 0 : i32
    %dma_wait3A_146 = arith.constant 0 : i32
    %dma_wait3A_147 = tpu.memref_slice %arg5[%dma_wait3A_145, %dma_wait3A_146] : memref<512x128xf32, #tpu.memory_space<vmem>> -> memref<128x128xf32, #tpu.memory_space<vmem>>
    %dma_wait3A_148 = arith.constant 0 : i32
    %dma_wait3A_149 = tpu.memref_slice %arg4[%add3A_120, %dma_wait3A_148] : memref<32000x128xf32, #tpu.memory_space<hbm>> -> memref<128x128xf32, #tpu.memory_space<hbm>>
    %dma_wait3A_150 = arith.constant 0 : i32
    %dma_wait3A_151 = tpu.memref_slice %arg4[%add3A_120, %dma_wait3A_150] : memref<32000x128xf32, #tpu.memory_space<hbm>> -> memref<128x128xf32, #tpu.memory_space<hbm>>
    %dma_wait3A_152 = arith.constant 0 : i32
    %dma_wait3A_153 = arith.constant 0 : i32
    %dma_wait3A_154 = tpu.memref_slice %arg5[%dma_wait3A_152, %dma_wait3A_153] : memref<512x128xf32, #tpu.memory_space<vmem>> -> memref<128x128xf32, #tpu.memory_space<vmem>>
    tpu.wait_dma2 semaphore(%arg12 : memref<!tpu.dma_semaphore, #tpu.memory_space<semaphore_mem>>) src(%dma_wait3A_154 : memref<128x128xf32, #tpu.memory_space<vmem>>) dst(%dma_wait3A_151 : memref<128x128xf32, #tpu.memory_space<hbm>>)
    return
  }
}

module attributes {stable_mosaic.version = 14 : i64} {
  func.func @_dist_body(%arg0: i32, %arg1: memref<2000x256xf32, #tpu.memory_space<vmem>>, %arg2: memref<2000x128xf32, #tpu.memory_space<vmem>>, %arg3: memref<1x1x2000xi32, #tpu.memory_space<vmem>>, %arg4: memref<1024x128xf32, #tpu.memory_space<vmem>>, %arg5: memref<1024x128xf32, #tpu.memory_space<vmem>>) attributes {dimension_semantics = [#tpu.dimension_semantics<arbitrary>], iteration_bounds = array<i64: 16>, scalar_prefetch = 0 : i64, scratch_operands = 1 : i64, tpu.core_type = #tpu.core_type<tc>, window_params = [{transform_indices = @transform_0, window_bounds = array<i64: 2000, 256>}, {transform_indices = @transform_1, window_bounds = array<i64: 2000, 128>}, {transform_indices = @transform_2, window_bounds = array<i64: 1, 1, 2000>}, {pipeline_mode = #tpu.pipeline_mode<synchronous>, transform_indices = @transform_3, window_bounds = array<i64: 1024, 128>}]} {
    %eq3A = arith.constant 0 : i32
    %eq3A_0 = arith.cmpi eq, %arg0, %eq3A : i32
    %convert_element_type3A = arith.extui %eq3A_0 : i1 to i32
    %cond3A = arith.constant 0 : i32
    %cond3A_1 = arith.cmpi ne, %convert_element_type3A, %cond3A : i32
    scf.if %cond3A_1 {
      %broadcast_in_dim3A_168 = arith.constant 0.000000e+00 : f32
      %broadcast_in_dim3A_169 = vector.broadcast %broadcast_in_dim3A_168 : f32 to vector<1024x128xf32>
      %swap3A = arith.constant 0 : index
      %swap3A_170 = arith.constant 0 : index
      %swap3A_171 = vector.load %arg5[%swap3A, %swap3A_170] : memref<1024x128xf32, #tpu.memory_space<vmem>>, vector<1024x128xf32>
      tpu.vector_store %arg5[%swap3A, %swap3A_170], %broadcast_in_dim3A_169 {strides = array<i32>} : memref<1024x128xf32, #tpu.memory_space<vmem>>, vector<1024x128xf32>,
    } else {
    }
    %get3A = arith.constant 0 : index
    %get3A_2 = arith.constant 0 : index
    %get3A_3 = vector.load %arg2[%get3A, %get3A_2] : memref<2000x128xf32, #tpu.memory_space<vmem>>, vector<2000x128xf32>
    %bitcast_convert_type3A = tpu.bitcast %get3A_3 : vector<2000x128xf32> -> vector<2000x128xi32>
    %and3A = arith.constant 65535 : i32
    %and3A_4 = vector.broadcast %and3A : i32 to vector<2000x128xi32>
    %and3A_5 = arith.andi %bitcast_convert_type3A, %and3A_4 : vector<2000x128xi32>
    %convert_element_type3A_6 = arith.trunci %and3A_5 : vector<2000x128xi32> to vector<2000x128xi16>
    %bitcast_convert_type3A_7 = tpu.bitcast %convert_element_type3A_6 : vector<2000x128xi16> -> vector<2000x128xbf16>
    %convert_element_type3A_8 = arith.extf %bitcast_convert_type3A_7 : vector<2000x128xbf16> to vector<2000x128xf32>
    %shift_right_logical3A = arith.constant 16 : i32
    %shift_right_logical3A_9 = vector.broadcast %shift_right_logical3A : i32 to vector<2000x128xi32>
    %shift_right_logical3A_10 = arith.shrui %bitcast_convert_type3A, %shift_right_logical3A_9 : vector<2000x128xi32>
    %convert_element_type3A_11 = arith.trunci %shift_right_logical3A_10 : vector<2000x128xi32> to vector<2000x128xi16>
    %bitcast_convert_type3A_12 = tpu.bitcast %convert_element_type3A_11 : vector<2000x128xi16> -> vector<2000x128xbf16>
    %convert_element_type3A_13 = arith.extf %bitcast_convert_type3A_12 : vector<2000x128xbf16> to vector<2000x128xf32>
    %get3A_14 = arith.constant 0 : index
    %get3A_15 = arith.constant 0 : index
    %get3A_16 = vector.load %arg1[%get3A_14, %get3A_15] : memref<2000x256xf32, #tpu.memory_space<vmem>>, vector<2000x256xf32>
    %slice3A = vector.extract_strided_slice %get3A_16 {offsets = [0, 0], sizes = [2000, 128], strides = [1, 1]} : vector<2000x256xf32> to vector<2000x128xf32>
    %sub3A = arith.subf %slice3A, %convert_element_type3A_8 : vector<2000x128xf32>
    %add3A = arith.constant 9.99999997E-7 : f32
    %add3A_17 = vector.broadcast %add3A : f32 to vector<2000x128xf32>
    %add3A_18 = arith.addf %sub3A, %add3A_17 : vector<2000x128xf32>
    %slice3A_19 = vector.extract_strided_slice %get3A_16 {offsets = [0, 128], sizes = [2000, 128], strides = [1, 1]} : vector<2000x256xf32> to vector<2000x128xf32>
    %sub3A_20 = arith.subf %slice3A_19, %convert_element_type3A_13 : vector<2000x128xf32>
    %add3A_21 = arith.constant 9.99999997E-7 : f32
    %add3A_22 = vector.broadcast %add3A_21 : f32 to vector<2000x128xf32>
    %add3A_23 = arith.addf %sub3A_20, %add3A_22 : vector<2000x128xf32>
    %mul3A = arith.mulf %add3A_18, %add3A_18 : vector<2000x128xf32>
    %reduce_sum3A = arith.constant dense<0.000000e+00> : vector<2000xf32>
    %reduce_sum3A_24 = vector.multi_reduction <add>, %mul3A, %reduce_sum3A [1] : vector<2000x128xf32> to vector<2000xf32>
    %mul3A_25 = arith.mulf %add3A_23, %add3A_23 : vector<2000x128xf32>
    %reduce_sum3A_26 = arith.constant dense<0.000000e+00> : vector<2000xf32>
    %reduce_sum3A_27 = vector.multi_reduction <add>, %mul3A_25, %reduce_sum3A_26 [1] : vector<2000x128xf32> to vector<2000xf32>
    %add3A_28 = arith.addf %reduce_sum3A_24, %reduce_sum3A_27 : vector<2000xf32>
    %sqrt3A = math.sqrt %add3A_28 : vector<2000xf32>
    %broadcast_in_dim3A = vector.shape_cast %sqrt3A : vector<2000xf32> to vector<2000x1xf32>
    %get3A_29 = arith.constant 0 : index
    %get3A_30 = arith.constant 0 : index
    %get3A_31 = arith.constant 0 : index
    %get3A_32 = vector.load %arg3[%get3A_29, %get3A_30, %get3A_31] : memref<1x1x2000xi32, #tpu.memory_space<vmem>>, vector<1x1x2000xi32>
    %get3A_33 = vector.shape_cast %get3A_32 : vector<1x1x2000xi32> to vector<2000xi32>
    %reduce_min3A = vector.shape_cast %get3A_33 : vector<2000xi32> to vector<1x2000xi32>
    %reduce_min3A_34 = arith.constant dense<2147483647> : vector<1xi32>
    %reduce_min3A_35 = vector.multi_reduction <minsi>, %reduce_min3A, %reduce_min3A_34 [1] : vector<1x2000xi32> to vector<1xi32>
    %reduce_min3A_36 = vector.shape_cast %reduce_min3A_35 : vector<1xi32> to vector<1x1xi32>
    %reduce_min3A_37 = vector.extract %reduce_min3A_36[0, 0] : i32 from vector<1x1xi32>
    %jit3A = arith.constant 8 : i32
    %div3A = arith.divsi %reduce_min3A_37, %jit3A : i32
    %sign3A = arith.constant 0 : i32
    %sign3A_38 = arith.cmpi sgt, %reduce_min3A_37, %sign3A : i32
    %sign3A_39 = arith.extui %sign3A_38 : i1 to i32
    %sign3A_40 = arith.constant 0 : i32
    %sign3A_41 = arith.cmpi slt, %reduce_min3A_37, %sign3A_40 : i32
    %sign3A_42 = arith.extui %sign3A_41 : i1 to i32
    %sign3A_43 = arith.subi %sign3A_39, %sign3A_42 : i32
    %sign3A_44 = arith.constant 0 : i32
    %sign3A_45 = arith.cmpi sgt, %jit3A, %sign3A_44 : i32
    %sign3A_46 = arith.extui %sign3A_45 : i1 to i32
    %sign3A_47 = arith.constant 0 : i32
    %sign3A_48 = arith.cmpi slt, %jit3A, %sign3A_47 : i32
    %sign3A_49 = arith.extui %sign3A_48 : i1 to i32
    %sign3A_50 = arith.subi %sign3A_46, %sign3A_49 : i32
    %ne3A = arith.cmpi ne, %sign3A_43, %sign3A_50 : i32
    %rem3A = arith.remsi %reduce_min3A_37, %jit3A : i32
    %ne3A_51 = arith.constant 0 : i32
    %ne3A_52 = arith.cmpi ne, %rem3A, %ne3A_51 : i32
    %and3A_53 = arith.andi %ne3A, %ne3A_52 : i1
    %sub3A_54 = arith.constant 1 : i32
    %sub3A_55 = arith.subi %div3A, %sub3A_54 : i32
    %select_n3A = arith.select %and3A_53, %sub3A_55, %div3A : i32
    %mul3A_56 = arith.constant 8 : i32
    %mul3A_57 = arith.muli %select_n3A, %mul3A_56 : i32
    %min3A = arith.constant 768 : i32
    %min3A_58 = arith.minsi %mul3A_57, %min3A : i32
    %add3A_59 = arith.constant 0 : i32
    %add3A_60 = arith.addi %min3A_58, %add3A_59 : i32
    %multiple_of3A = tpu.assume_multiple %add3A_60, 8 : i32
    %sub3A_61 = vector.broadcast %multiple_of3A : i32 to vector<2000xi32>
    %sub3A_62 = arith.subi %get3A_33, %sub3A_61 : vector<2000xi32>
    %ge3A = arith.constant 0 : i32
    %ge3A_63 = vector.broadcast %ge3A : i32 to vector<2000xi32>
    %ge3A_64 = arith.cmpi sge, %sub3A_62, %ge3A_63 : vector<2000xi32>
    %lt3A = arith.constant 256 : i32
    %lt3A_65 = vector.broadcast %lt3A : i32 to vector<2000xi32>
    %lt3A_66 = arith.cmpi slt, %sub3A_62, %lt3A_65 : vector<2000xi32>
    %and3A_67 = arith.andi %ge3A_64, %lt3A_66 : vector<2000xi1>
    %reduce_or3A = arith.constant 1.000000e+00 : f32
    %reduce_or3A_68 = arith.constant 0.000000e+00 : f32
    %reduce_or3A_69 = vector.broadcast %reduce_or3A : f32 to vector<2000xf32>
    %reduce_or3A_70 = vector.broadcast %reduce_or3A_68 : f32 to vector<2000xf32>
    %reduce_or3A_71 = arith.select %and3A_67, %reduce_or3A_69, %reduce_or3A_70 : vector<2000xi1>, vector<2000xf32>
    %reduce_or3A_72 = vector.shape_cast %reduce_or3A_71 : vector<2000xf32> to vector<1x2000xf32>
    %reduce_or3A_73 = arith.constant dense<0xFF800000> : vector<1xf32>
    %reduce_or3A_74 = vector.multi_reduction <maximumf>, %reduce_or3A_72, %reduce_or3A_73 [1] : vector<1x2000xf32> to vector<1xf32>
    %reduce_or3A_75 = vector.shape_cast %reduce_or3A_74 : vector<1xf32> to vector<1x1xf32>
    %reduce_or3A_76 = vector.extract %reduce_or3A_75[0, 0] : f32 from vector<1x1xf32>
    %reduce_or3A_77 = arith.constant 0.000000e+00 : f32
    %reduce_or3A_78 = arith.cmpf ogt, %reduce_or3A_76, %reduce_or3A_77 : f32
    %convert_element_type3A_79 = arith.extui %reduce_or3A_78 : i1 to i32
    %cond3A_80 = arith.constant 0 : i32
    %cond3A_81 = arith.cmpi ne, %convert_element_type3A_79, %cond3A_80 : i32
    scf.if %cond3A_81 {
      %broadcast_in_dim3A_168 = vector.shape_cast %sub3A_62 : vector<2000xi32> to vector<2000x1xi32>
      %iota3A = tpu.iota {dimensions = array<i32: 1>} : vector<2000x256xi32>
      %eq3A_169 = vector.broadcast %broadcast_in_dim3A_168 : vector<2000x1xi32> to vector<2000x256xi32>
      %eq3A_170 = arith.cmpi eq, %eq3A_169, %iota3A : vector<2000x256xi32>
      %convert_element_type3A_171 = arith.extui %eq3A_170 : vector<2000x256xi1> to vector<2000x256xi32>
      %convert_element_type3A_172 = arith.sitofp %convert_element_type3A_171 : vector<2000x256xi32> to vector<2000x256xf32>
      %dot_general3A = arith.constant dense<0.000000e+00> : vector<256x1xf32>
      %dot_general3A_173 = tpu.matmul %convert_element_type3A_172, %broadcast_in_dim3A, %dot_general3A {dimension_numbers = #tpu.dot_dimension_numbers<[0], [0], [1], [1], [0, 1, 1, 1], [], []>, transpose_lhs_hint = false} : vector<2000x256xf32>, vector<2000x1xf32>, vector<256x1xf32> -> vector<256x1xf32>
      %get3A_174 = arith.index_cast %multiple_of3A : i32 to index
      %get3A_175 = arith.constant 0 : index
      %get3A_176 = vector.load %arg5[%get3A_174, %get3A_175] : memref<1024x128xf32, #tpu.memory_space<vmem>>, vector<256x128xf32>
      %add3A_177 = vector.broadcast %dot_general3A_173 : vector<256x1xf32> to vector<256x128xf32>
      %add3A_178 = arith.addf %get3A_176, %add3A_177 : vector<256x128xf32>
      %swap3A = arith.index_cast %multiple_of3A : i32 to index
      %swap3A_179 = arith.constant 0 : index
      %swap3A_180 = vector.load %arg5[%swap3A, %swap3A_179] : memref<1024x128xf32, #tpu.memory_space<vmem>>, vector<256x128xf32>
      tpu.vector_store %arg5[%swap3A, %swap3A_179], %add3A_178 {strides = array<i32>} : memref<1024x128xf32, #tpu.memory_space<vmem>>, vector<256x128xf32>,
    } else {
    }
    %add3A_82 = arith.constant 256 : i32
    %add3A_83 = arith.addi %min3A_58, %add3A_82 : i32
    %multiple_of3A_84 = tpu.assume_multiple %add3A_83, 8 : i32
    %sub3A_85 = vector.broadcast %multiple_of3A_84 : i32 to vector<2000xi32>
    %sub3A_86 = arith.subi %get3A_33, %sub3A_85 : vector<2000xi32>
    %ge3A_87 = arith.constant 0 : i32
    %ge3A_88 = vector.broadcast %ge3A_87 : i32 to vector<2000xi32>
    %ge3A_89 = arith.cmpi sge, %sub3A_86, %ge3A_88 : vector<2000xi32>
    %lt3A_90 = arith.constant 256 : i32
    %lt3A_91 = vector.broadcast %lt3A_90 : i32 to vector<2000xi32>
    %lt3A_92 = arith.cmpi slt, %sub3A_86, %lt3A_91 : vector<2000xi32>
    %and3A_93 = arith.andi %ge3A_89, %lt3A_92 : vector<2000xi1>
    %reduce_or3A_94 = arith.constant 1.000000e+00 : f32
    %reduce_or3A_95 = arith.constant 0.000000e+00 : f32
    %reduce_or3A_96 = vector.broadcast %reduce_or3A_94 : f32 to vector<2000xf32>
    %reduce_or3A_97 = vector.broadcast %reduce_or3A_95 : f32 to vector<2000xf32>
    %reduce_or3A_98 = arith.select %and3A_93, %reduce_or3A_96, %reduce_or3A_97 : vector<2000xi1>, vector<2000xf32>
    %reduce_or3A_99 = vector.shape_cast %reduce_or3A_98 : vector<2000xf32> to vector<1x2000xf32>
    %reduce_or3A_100 = arith.constant dense<0xFF800000> : vector<1xf32>
    %reduce_or3A_101 = vector.multi_reduction <maximumf>, %reduce_or3A_99, %reduce_or3A_100 [1] : vector<1x2000xf32> to vector<1xf32>
    %reduce_or3A_102 = vector.shape_cast %reduce_or3A_101 : vector<1xf32> to vector<1x1xf32>
    %reduce_or3A_103 = vector.extract %reduce_or3A_102[0, 0] : f32 from vector<1x1xf32>
    %reduce_or3A_104 = arith.constant 0.000000e+00 : f32
    %reduce_or3A_105 = arith.cmpf ogt, %reduce_or3A_103, %reduce_or3A_104 : f32
    %convert_element_type3A_106 = arith.extui %reduce_or3A_105 : i1 to i32
    %cond3A_107 = arith.constant 0 : i32
    %cond3A_108 = arith.cmpi ne, %convert_element_type3A_106, %cond3A_107 : i32
    scf.if %cond3A_108 {
      %broadcast_in_dim3A_168 = vector.shape_cast %sub3A_86 : vector<2000xi32> to vector<2000x1xi32>
      %iota3A = tpu.iota {dimensions = array<i32: 1>} : vector<2000x256xi32>
      %eq3A_169 = vector.broadcast %broadcast_in_dim3A_168 : vector<2000x1xi32> to vector<2000x256xi32>
      %eq3A_170 = arith.cmpi eq, %eq3A_169, %iota3A : vector<2000x256xi32>
      %convert_element_type3A_171 = arith.extui %eq3A_170 : vector<2000x256xi1> to vector<2000x256xi32>
      %convert_element_type3A_172 = arith.sitofp %convert_element_type3A_171 : vector<2000x256xi32> to vector<2000x256xf32>
      %dot_general3A = arith.constant dense<0.000000e+00> : vector<256x1xf32>
      %dot_general3A_173 = tpu.matmul %convert_element_type3A_172, %broadcast_in_dim3A, %dot_general3A {dimension_numbers = #tpu.dot_dimension_numbers<[0], [0], [1], [1], [0, 1, 1, 1], [], []>, transpose_lhs_hint = false} : vector<2000x256xf32>, vector<2000x1xf32>, vector<256x1xf32> -> vector<256x1xf32>
      %get3A_174 = arith.index_cast %multiple_of3A_84 : i32 to index
      %get3A_175 = arith.constant 0 : index
      %get3A_176 = vector.load %arg5[%get3A_174, %get3A_175] : memref<1024x128xf32, #tpu.memory_space<vmem>>, vector<256x128xf32>
      %add3A_177 = vector.broadcast %dot_general3A_173 : vector<256x1xf32> to vector<256x128xf32>
      %add3A_178 = arith.addf %get3A_176, %add3A_177 : vector<256x128xf32>
      %swap3A = arith.index_cast %multiple_of3A_84 : i32 to index
      %swap3A_179 = arith.constant 0 : index
      %swap3A_180 = vector.load %arg5[%swap3A, %swap3A_179] : memref<1024x128xf32, #tpu.memory_space<vmem>>, vector<256x128xf32>
      tpu.vector_store %arg5[%swap3A, %swap3A_179], %add3A_178 {strides = array<i32>} : memref<1024x128xf32, #tpu.memory_space<vmem>>, vector<256x128xf32>,
    } else {
    }
    %add3A_109 = arith.constant 512 : i32
    %add3A_110 = arith.addi %min3A_58, %add3A_109 : i32
    %multiple_of3A_111 = tpu.assume_multiple %add3A_110, 8 : i32
    %sub3A_112 = vector.broadcast %multiple_of3A_111 : i32 to vector<2000xi32>
    %sub3A_113 = arith.subi %get3A_33, %sub3A_112 : vector<2000xi32>
    %ge3A_114 = arith.constant 0 : i32
    %ge3A_115 = vector.broadcast %ge3A_114 : i32 to vector<2000xi32>
    %ge3A_116 = arith.cmpi sge, %sub3A_113, %ge3A_115 : vector<2000xi32>
    %lt3A_117 = arith.constant 256 : i32
    %lt3A_118 = vector.broadcast %lt3A_117 : i32 to vector<2000xi32>
    %lt3A_119 = arith.cmpi slt, %sub3A_113, %lt3A_118 : vector<2000xi32>
    %and3A_120 = arith.andi %ge3A_116, %lt3A_119 : vector<2000xi1>
    %reduce_or3A_121 = arith.constant 1.000000e+00 : f32
    %reduce_or3A_122 = arith.constant 0.000000e+00 : f32
    %reduce_or3A_123 = vector.broadcast %reduce_or3A_121 : f32 to vector<2000xf32>
    %reduce_or3A_124 = vector.broadcast %reduce_or3A_122 : f32 to vector<2000xf32>
    %reduce_or3A_125 = arith.select %and3A_120, %reduce_or3A_123, %reduce_or3A_124 : vector<2000xi1>, vector<2000xf32>
    %reduce_or3A_126 = vector.shape_cast %reduce_or3A_125 : vector<2000xf32> to vector<1x2000xf32>
    %reduce_or3A_127 = arith.constant dense<0xFF800000> : vector<1xf32>
    %reduce_or3A_128 = vector.multi_reduction <maximumf>, %reduce_or3A_126, %reduce_or3A_127 [1] : vector<1x2000xf32> to vector<1xf32>
    %reduce_or3A_129 = vector.shape_cast %reduce_or3A_128 : vector<1xf32> to vector<1x1xf32>
    %reduce_or3A_130 = vector.extract %reduce_or3A_129[0, 0] : f32 from vector<1x1xf32>
    %reduce_or3A_131 = arith.constant 0.000000e+00 : f32
    %reduce_or3A_132 = arith.cmpf ogt, %reduce_or3A_130, %reduce_or3A_131 : f32
    %convert_element_type3A_133 = arith.extui %reduce_or3A_132 : i1 to i32
    %cond3A_134 = arith.constant 0 : i32
    %cond3A_135 = arith.cmpi ne, %convert_element_type3A_133, %cond3A_134 : i32
    scf.if %cond3A_135 {
      %broadcast_in_dim3A_168 = vector.shape_cast %sub3A_113 : vector<2000xi32> to vector<2000x1xi32>
      %iota3A = tpu.iota {dimensions = array<i32: 1>} : vector<2000x256xi32>
      %eq3A_169 = vector.broadcast %broadcast_in_dim3A_168 : vector<2000x1xi32> to vector<2000x256xi32>
      %eq3A_170 = arith.cmpi eq, %eq3A_169, %iota3A : vector<2000x256xi32>
      %convert_element_type3A_171 = arith.extui %eq3A_170 : vector<2000x256xi1> to vector<2000x256xi32>
      %convert_element_type3A_172 = arith.sitofp %convert_element_type3A_171 : vector<2000x256xi32> to vector<2000x256xf32>
      %dot_general3A = arith.constant dense<0.000000e+00> : vector<256x1xf32>
      %dot_general3A_173 = tpu.matmul %convert_element_type3A_172, %broadcast_in_dim3A, %dot_general3A {dimension_numbers = #tpu.dot_dimension_numbers<[0], [0], [1], [1], [0, 1, 1, 1], [], []>, transpose_lhs_hint = false} : vector<2000x256xf32>, vector<2000x1xf32>, vector<256x1xf32> -> vector<256x1xf32>
      %get3A_174 = arith.index_cast %multiple_of3A_111 : i32 to index
      %get3A_175 = arith.constant 0 : index
      %get3A_176 = vector.load %arg5[%get3A_174, %get3A_175] : memref<1024x128xf32, #tpu.memory_space<vmem>>, vector<256x128xf32>
      %add3A_177 = vector.broadcast %dot_general3A_173 : vector<256x1xf32> to vector<256x128xf32>
      %add3A_178 = arith.addf %get3A_176, %add3A_177 : vector<256x128xf32>
      %swap3A = arith.index_cast %multiple_of3A_111 : i32 to index
      %swap3A_179 = arith.constant 0 : index
      %swap3A_180 = vector.load %arg5[%swap3A, %swap3A_179] : memref<1024x128xf32, #tpu.memory_space<vmem>>, vector<256x128xf32>
      tpu.vector_store %arg5[%swap3A, %swap3A_179], %add3A_178 {strides = array<i32>} : memref<1024x128xf32, #tpu.memory_space<vmem>>, vector<256x128xf32>,
    } else {
    }
    %add3A_136 = arith.constant 768 : i32
    %add3A_137 = arith.addi %min3A_58, %add3A_136 : i32
    %multiple_of3A_138 = tpu.assume_multiple %add3A_137, 8 : i32
    %sub3A_139 = vector.broadcast %multiple_of3A_138 : i32 to vector<2000xi32>
    %sub3A_140 = arith.subi %get3A_33, %sub3A_139 : vector<2000xi32>
    %ge3A_141 = arith.constant 0 : i32
    %ge3A_142 = vector.broadcast %ge3A_141 : i32 to vector<2000xi32>
    %ge3A_143 = arith.cmpi sge, %sub3A_140, %ge3A_142 : vector<2000xi32>
    %lt3A_144 = arith.constant 256 : i32
    %lt3A_145 = vector.broadcast %lt3A_144 : i32 to vector<2000xi32>
    %lt3A_146 = arith.cmpi slt, %sub3A_140, %lt3A_145 : vector<2000xi32>
    %and3A_147 = arith.andi %ge3A_143, %lt3A_146 : vector<2000xi1>
    %reduce_or3A_148 = arith.constant 1.000000e+00 : f32
    %reduce_or3A_149 = arith.constant 0.000000e+00 : f32
    %reduce_or3A_150 = vector.broadcast %reduce_or3A_148 : f32 to vector<2000xf32>
    %reduce_or3A_151 = vector.broadcast %reduce_or3A_149 : f32 to vector<2000xf32>
    %reduce_or3A_152 = arith.select %and3A_147, %reduce_or3A_150, %reduce_or3A_151 : vector<2000xi1>, vector<2000xf32>
    %reduce_or3A_153 = vector.shape_cast %reduce_or3A_152 : vector<2000xf32> to vector<1x2000xf32>
    %reduce_or3A_154 = arith.constant dense<0xFF800000> : vector<1xf32>
    %reduce_or3A_155 = vector.multi_reduction <maximumf>, %reduce_or3A_153, %reduce_or3A_154 [1] : vector<1x2000xf32> to vector<1xf32>
    %reduce_or3A_156 = vector.shape_cast %reduce_or3A_155 : vector<1xf32> to vector<1x1xf32>
    %reduce_or3A_157 = vector.extract %reduce_or3A_156[0, 0] : f32 from vector<1x1xf32>
    %reduce_or3A_158 = arith.constant 0.000000e+00 : f32
    %reduce_or3A_159 = arith.cmpf ogt, %reduce_or3A_157, %reduce_or3A_158 : f32
    %convert_element_type3A_160 = arith.extui %reduce_or3A_159 : i1 to i32
    %cond3A_161 = arith.constant 0 : i32
    %cond3A_162 = arith.cmpi ne, %convert_element_type3A_160, %cond3A_161 : i32
    scf.if %cond3A_162 {
      %broadcast_in_dim3A_168 = vector.shape_cast %sub3A_140 : vector<2000xi32> to vector<2000x1xi32>
      %iota3A = tpu.iota {dimensions = array<i32: 1>} : vector<2000x256xi32>
      %eq3A_169 = vector.broadcast %broadcast_in_dim3A_168 : vector<2000x1xi32> to vector<2000x256xi32>
      %eq3A_170 = arith.cmpi eq, %eq3A_169, %iota3A : vector<2000x256xi32>
      %convert_element_type3A_171 = arith.extui %eq3A_170 : vector<2000x256xi1> to vector<2000x256xi32>
      %convert_element_type3A_172 = arith.sitofp %convert_element_type3A_171 : vector<2000x256xi32> to vector<2000x256xf32>
      %dot_general3A = arith.constant dense<0.000000e+00> : vector<256x1xf32>
      %dot_general3A_173 = tpu.matmul %convert_element_type3A_172, %broadcast_in_dim3A, %dot_general3A {dimension_numbers = #tpu.dot_dimension_numbers<[0], [0], [1], [1], [0, 1, 1, 1], [], []>, transpose_lhs_hint = false} : vector<2000x256xf32>, vector<2000x1xf32>, vector<256x1xf32> -> vector<256x1xf32>
      %get3A_174 = arith.index_cast %multiple_of3A_138 : i32 to index
      %get3A_175 = arith.constant 0 : index
      %get3A_176 = vector.load %arg5[%get3A_174, %get3A_175] : memref<1024x128xf32, #tpu.memory_space<vmem>>, vector<256x128xf32>
      %add3A_177 = vector.broadcast %dot_general3A_173 : vector<256x1xf32> to vector<256x128xf32>
      %add3A_178 = arith.addf %get3A_176, %add3A_177 : vector<256x128xf32>
      %swap3A = arith.index_cast %multiple_of3A_138 : i32 to index
      %swap3A_179 = arith.constant 0 : index
      %swap3A_180 = vector.load %arg5[%swap3A, %swap3A_179] : memref<1024x128xf32, #tpu.memory_space<vmem>>, vector<256x128xf32>
      tpu.vector_store %arg5[%swap3A, %swap3A_179], %add3A_178 {strides = array<i32>} : memref<1024x128xf32, #tpu.memory_space<vmem>>, vector<256x128xf32>,
    } else {
    }
    %eq3A_163 = arith.constant 15 : i32
    %eq3A_164 = arith.cmpi eq, %arg0, %eq3A_163 : i32
    %convert_element_type3A_165 = arith.extui %eq3A_164 : i1 to i32
    %cond3A_166 = arith.constant 0 : i32
    %cond3A_167 = arith.cmpi ne, %convert_element_type3A_165, %cond3A_166 : i32
    scf.if %cond3A_167 {
      %get3A_168 = arith.constant 0 : index
      %get3A_169 = arith.constant 0 : index
      %get3A_170 = vector.load %arg5[%get3A_168, %get3A_169] : memref<1024x128xf32, #tpu.memory_space<vmem>>, vector<1024x128xf32>
      %swap3A = arith.constant 0 : index
      %swap3A_171 = arith.constant 0 : index
      %swap3A_172 = vector.load %arg4[%swap3A, %swap3A_171] : memref<1024x128xf32, #tpu.memory_space<vmem>>, vector<1024x128xf32>
      tpu.vector_store %arg4[%swap3A, %swap3A_171], %get3A_170 {strides = array<i32>} : memref<1024x128xf32, #tpu.memory_space<vmem>>, vector<1024x128xf32>,
    } else {
    }
    return
  }
  func.func @transform_0(%arg0: i32) -> (i32, i32) {
    %add3A = arith.constant 32 : i32
    %add3A_0 = arith.addi %add3A, %arg0 : i32
    %c0_i32 = arith.constant 0 : i32
    %c0_i32_1 = arith.constant 0 : i32
    return %add3A_0, %c0_i32 : i32, i32
  }
  func.func @transform_1(%arg0: i32) -> (i32, i32) {
    %c0_i32 = arith.constant 0 : i32
    %c0_i32_0 = arith.constant 0 : i32
    return %arg0, %c0_i32 : i32, i32
  }
  func.func @transform_2(%arg0: i32) -> (i32, i32, i32) {
    %add3A = arith.constant 32 : i32
    %add3A_0 = arith.addi %add3A, %arg0 : i32
    %c0_i32 = arith.constant 0 : i32
    %c0_i32_1 = arith.constant 0 : i32
    %c0_i32_2 = arith.constant 0 : i32
    return %add3A_0, %c0_i32, %c0_i32_1 : i32, i32, i32
  }
  func.func @transform_3(%arg0: i32) -> (i32, i32) {
    %c0_i32 = arith.constant 0 : i32
    %c0_i32_0 = arith.constant 0 : i32
    %c0_i32_1 = arith.constant 0 : i32
    return %c0_i32, %c0_i32_0 : i32, i32
  }
}

module attributes {stable_mosaic.version = 14 : i64} {
  func.func @_dist_body(%arg0: i32, %arg1: memref<2000x256xf32, #tpu.memory_space<vmem>>, %arg2: memref<2000x128xf32, #tpu.memory_space<vmem>>, %arg3: memref<1x1x2000xi32, #tpu.memory_space<vmem>>, %arg4: memref<1024x128xf32, #tpu.memory_space<vmem>>, %arg5: memref<1024x128xf32, #tpu.memory_space<vmem>>) attributes {dimension_semantics = [#tpu.dimension_semantics<arbitrary>], iteration_bounds = array<i64: 16>, scalar_prefetch = 0 : i64, scratch_operands = 1 : i64, tpu.core_type = #tpu.core_type<tc>, window_params = [{transform_indices = @transform_0, window_bounds = array<i64: 2000, 256>}, {transform_indices = @transform_1, window_bounds = array<i64: 2000, 128>}, {transform_indices = @transform_2, window_bounds = array<i64: 1, 1, 2000>}, {pipeline_mode = #tpu.pipeline_mode<synchronous>, transform_indices = @transform_3, window_bounds = array<i64: 1024, 128>}]} {
    %eq3A = arith.constant 0 : i32
    %eq3A_0 = arith.cmpi eq, %arg0, %eq3A : i32
    %convert_element_type3A = arith.extui %eq3A_0 : i1 to i32
    %cond3A = arith.constant 0 : i32
    %cond3A_1 = arith.cmpi ne, %convert_element_type3A, %cond3A : i32
    scf.if %cond3A_1 {
      %broadcast_in_dim3A_168 = arith.constant 0.000000e+00 : f32
      %broadcast_in_dim3A_169 = vector.broadcast %broadcast_in_dim3A_168 : f32 to vector<1024x128xf32>
      %swap3A = arith.constant 0 : index
      %swap3A_170 = arith.constant 0 : index
      %swap3A_171 = vector.load %arg5[%swap3A, %swap3A_170] : memref<1024x128xf32, #tpu.memory_space<vmem>>, vector<1024x128xf32>
      tpu.vector_store %arg5[%swap3A, %swap3A_170], %broadcast_in_dim3A_169 {strides = array<i32>} : memref<1024x128xf32, #tpu.memory_space<vmem>>, vector<1024x128xf32>,
    } else {
    }
    %get3A = arith.constant 0 : index
    %get3A_2 = arith.constant 0 : index
    %get3A_3 = vector.load %arg2[%get3A, %get3A_2] : memref<2000x128xf32, #tpu.memory_space<vmem>>, vector<2000x128xf32>
    %bitcast_convert_type3A = tpu.bitcast %get3A_3 : vector<2000x128xf32> -> vector<2000x128xi32>
    %and3A = arith.constant 65535 : i32
    %and3A_4 = vector.broadcast %and3A : i32 to vector<2000x128xi32>
    %and3A_5 = arith.andi %bitcast_convert_type3A, %and3A_4 : vector<2000x128xi32>
    %convert_element_type3A_6 = arith.trunci %and3A_5 : vector<2000x128xi32> to vector<2000x128xi16>
    %bitcast_convert_type3A_7 = tpu.bitcast %convert_element_type3A_6 : vector<2000x128xi16> -> vector<2000x128xbf16>
    %convert_element_type3A_8 = arith.extf %bitcast_convert_type3A_7 : vector<2000x128xbf16> to vector<2000x128xf32>
    %shift_right_logical3A = arith.constant 16 : i32
    %shift_right_logical3A_9 = vector.broadcast %shift_right_logical3A : i32 to vector<2000x128xi32>
    %shift_right_logical3A_10 = arith.shrui %bitcast_convert_type3A, %shift_right_logical3A_9 : vector<2000x128xi32>
    %convert_element_type3A_11 = arith.trunci %shift_right_logical3A_10 : vector<2000x128xi32> to vector<2000x128xi16>
    %bitcast_convert_type3A_12 = tpu.bitcast %convert_element_type3A_11 : vector<2000x128xi16> -> vector<2000x128xbf16>
    %convert_element_type3A_13 = arith.extf %bitcast_convert_type3A_12 : vector<2000x128xbf16> to vector<2000x128xf32>
    %get3A_14 = arith.constant 0 : index
    %get3A_15 = arith.constant 0 : index
    %get3A_16 = vector.load %arg1[%get3A_14, %get3A_15] : memref<2000x256xf32, #tpu.memory_space<vmem>>, vector<2000x256xf32>
    %slice3A = vector.extract_strided_slice %get3A_16 {offsets = [0, 0], sizes = [2000, 128], strides = [1, 1]} : vector<2000x256xf32> to vector<2000x128xf32>
    %sub3A = arith.subf %slice3A, %convert_element_type3A_8 : vector<2000x128xf32>
    %add3A = arith.constant 9.99999997E-7 : f32
    %add3A_17 = vector.broadcast %add3A : f32 to vector<2000x128xf32>
    %add3A_18 = arith.addf %sub3A, %add3A_17 : vector<2000x128xf32>
    %slice3A_19 = vector.extract_strided_slice %get3A_16 {offsets = [0, 128], sizes = [2000, 128], strides = [1, 1]} : vector<2000x256xf32> to vector<2000x128xf32>
    %sub3A_20 = arith.subf %slice3A_19, %convert_element_type3A_13 : vector<2000x128xf32>
    %add3A_21 = arith.constant 9.99999997E-7 : f32
    %add3A_22 = vector.broadcast %add3A_21 : f32 to vector<2000x128xf32>
    %add3A_23 = arith.addf %sub3A_20, %add3A_22 : vector<2000x128xf32>
    %mul3A = arith.mulf %add3A_18, %add3A_18 : vector<2000x128xf32>
    %reduce_sum3A = arith.constant dense<0.000000e+00> : vector<2000xf32>
    %reduce_sum3A_24 = vector.multi_reduction <add>, %mul3A, %reduce_sum3A [1] : vector<2000x128xf32> to vector<2000xf32>
    %mul3A_25 = arith.mulf %add3A_23, %add3A_23 : vector<2000x128xf32>
    %reduce_sum3A_26 = arith.constant dense<0.000000e+00> : vector<2000xf32>
    %reduce_sum3A_27 = vector.multi_reduction <add>, %mul3A_25, %reduce_sum3A_26 [1] : vector<2000x128xf32> to vector<2000xf32>
    %add3A_28 = arith.addf %reduce_sum3A_24, %reduce_sum3A_27 : vector<2000xf32>
    %sqrt3A = math.sqrt %add3A_28 : vector<2000xf32>
    %broadcast_in_dim3A = vector.shape_cast %sqrt3A : vector<2000xf32> to vector<2000x1xf32>
    %get3A_29 = arith.constant 0 : index
    %get3A_30 = arith.constant 0 : index
    %get3A_31 = arith.constant 0 : index
    %get3A_32 = vector.load %arg3[%get3A_29, %get3A_30, %get3A_31] : memref<1x1x2000xi32, #tpu.memory_space<vmem>>, vector<1x1x2000xi32>
    %get3A_33 = vector.shape_cast %get3A_32 : vector<1x1x2000xi32> to vector<2000xi32>
    %reduce_min3A = vector.shape_cast %get3A_33 : vector<2000xi32> to vector<1x2000xi32>
    %reduce_min3A_34 = arith.constant dense<2147483647> : vector<1xi32>
    %reduce_min3A_35 = vector.multi_reduction <minsi>, %reduce_min3A, %reduce_min3A_34 [1] : vector<1x2000xi32> to vector<1xi32>
    %reduce_min3A_36 = vector.shape_cast %reduce_min3A_35 : vector<1xi32> to vector<1x1xi32>
    %reduce_min3A_37 = vector.extract %reduce_min3A_36[0, 0] : i32 from vector<1x1xi32>
    %jit3A = arith.constant 8 : i32
    %div3A = arith.divsi %reduce_min3A_37, %jit3A : i32
    %sign3A = arith.constant 0 : i32
    %sign3A_38 = arith.cmpi sgt, %reduce_min3A_37, %sign3A : i32
    %sign3A_39 = arith.extui %sign3A_38 : i1 to i32
    %sign3A_40 = arith.constant 0 : i32
    %sign3A_41 = arith.cmpi slt, %reduce_min3A_37, %sign3A_40 : i32
    %sign3A_42 = arith.extui %sign3A_41 : i1 to i32
    %sign3A_43 = arith.subi %sign3A_39, %sign3A_42 : i32
    %sign3A_44 = arith.constant 0 : i32
    %sign3A_45 = arith.cmpi sgt, %jit3A, %sign3A_44 : i32
    %sign3A_46 = arith.extui %sign3A_45 : i1 to i32
    %sign3A_47 = arith.constant 0 : i32
    %sign3A_48 = arith.cmpi slt, %jit3A, %sign3A_47 : i32
    %sign3A_49 = arith.extui %sign3A_48 : i1 to i32
    %sign3A_50 = arith.subi %sign3A_46, %sign3A_49 : i32
    %ne3A = arith.cmpi ne, %sign3A_43, %sign3A_50 : i32
    %rem3A = arith.remsi %reduce_min3A_37, %jit3A : i32
    %ne3A_51 = arith.constant 0 : i32
    %ne3A_52 = arith.cmpi ne, %rem3A, %ne3A_51 : i32
    %and3A_53 = arith.andi %ne3A, %ne3A_52 : i1
    %sub3A_54 = arith.constant 1 : i32
    %sub3A_55 = arith.subi %div3A, %sub3A_54 : i32
    %select_n3A = arith.select %and3A_53, %sub3A_55, %div3A : i32
    %mul3A_56 = arith.constant 8 : i32
    %mul3A_57 = arith.muli %select_n3A, %mul3A_56 : i32
    %min3A = arith.constant 768 : i32
    %min3A_58 = arith.minsi %mul3A_57, %min3A : i32
    %add3A_59 = arith.constant 0 : i32
    %add3A_60 = arith.addi %min3A_58, %add3A_59 : i32
    %multiple_of3A = tpu.assume_multiple %add3A_60, 8 : i32
    %sub3A_61 = vector.broadcast %multiple_of3A : i32 to vector<2000xi32>
    %sub3A_62 = arith.subi %get3A_33, %sub3A_61 : vector<2000xi32>
    %ge3A = arith.constant 0 : i32
    %ge3A_63 = vector.broadcast %ge3A : i32 to vector<2000xi32>
    %ge3A_64 = arith.cmpi sge, %sub3A_62, %ge3A_63 : vector<2000xi32>
    %lt3A = arith.constant 256 : i32
    %lt3A_65 = vector.broadcast %lt3A : i32 to vector<2000xi32>
    %lt3A_66 = arith.cmpi slt, %sub3A_62, %lt3A_65 : vector<2000xi32>
    %and3A_67 = arith.andi %ge3A_64, %lt3A_66 : vector<2000xi1>
    %reduce_or3A = arith.constant 1.000000e+00 : f32
    %reduce_or3A_68 = arith.constant 0.000000e+00 : f32
    %reduce_or3A_69 = vector.broadcast %reduce_or3A : f32 to vector<2000xf32>
    %reduce_or3A_70 = vector.broadcast %reduce_or3A_68 : f32 to vector<2000xf32>
    %reduce_or3A_71 = arith.select %and3A_67, %reduce_or3A_69, %reduce_or3A_70 : vector<2000xi1>, vector<2000xf32>
    %reduce_or3A_72 = vector.shape_cast %reduce_or3A_71 : vector<2000xf32> to vector<1x2000xf32>
    %reduce_or3A_73 = arith.constant dense<0xFF800000> : vector<1xf32>
    %reduce_or3A_74 = vector.multi_reduction <maximumf>, %reduce_or3A_72, %reduce_or3A_73 [1] : vector<1x2000xf32> to vector<1xf32>
    %reduce_or3A_75 = vector.shape_cast %reduce_or3A_74 : vector<1xf32> to vector<1x1xf32>
    %reduce_or3A_76 = vector.extract %reduce_or3A_75[0, 0] : f32 from vector<1x1xf32>
    %reduce_or3A_77 = arith.constant 0.000000e+00 : f32
    %reduce_or3A_78 = arith.cmpf ogt, %reduce_or3A_76, %reduce_or3A_77 : f32
    %convert_element_type3A_79 = arith.extui %reduce_or3A_78 : i1 to i32
    %cond3A_80 = arith.constant 0 : i32
    %cond3A_81 = arith.cmpi ne, %convert_element_type3A_79, %cond3A_80 : i32
    scf.if %cond3A_81 {
      %broadcast_in_dim3A_168 = vector.shape_cast %sub3A_62 : vector<2000xi32> to vector<2000x1xi32>
      %iota3A = tpu.iota {dimensions = array<i32: 1>} : vector<2000x256xi32>
      %eq3A_169 = vector.broadcast %broadcast_in_dim3A_168 : vector<2000x1xi32> to vector<2000x256xi32>
      %eq3A_170 = arith.cmpi eq, %eq3A_169, %iota3A : vector<2000x256xi32>
      %convert_element_type3A_171 = arith.extui %eq3A_170 : vector<2000x256xi1> to vector<2000x256xi32>
      %convert_element_type3A_172 = arith.sitofp %convert_element_type3A_171 : vector<2000x256xi32> to vector<2000x256xf32>
      %dot_general3A = arith.constant dense<0.000000e+00> : vector<256x1xf32>
      %dot_general3A_173 = tpu.matmul %convert_element_type3A_172, %broadcast_in_dim3A, %dot_general3A {dimension_numbers = #tpu.dot_dimension_numbers<[0], [0], [1], [1], [0, 1, 1, 1], [], []>, transpose_lhs_hint = false} : vector<2000x256xf32>, vector<2000x1xf32>, vector<256x1xf32> -> vector<256x1xf32>
      %get3A_174 = arith.index_cast %multiple_of3A : i32 to index
      %get3A_175 = arith.constant 0 : index
      %get3A_176 = vector.load %arg5[%get3A_174, %get3A_175] : memref<1024x128xf32, #tpu.memory_space<vmem>>, vector<256x128xf32>
      %add3A_177 = vector.broadcast %dot_general3A_173 : vector<256x1xf32> to vector<256x128xf32>
      %add3A_178 = arith.addf %get3A_176, %add3A_177 : vector<256x128xf32>
      %swap3A = arith.index_cast %multiple_of3A : i32 to index
      %swap3A_179 = arith.constant 0 : index
      %swap3A_180 = vector.load %arg5[%swap3A, %swap3A_179] : memref<1024x128xf32, #tpu.memory_space<vmem>>, vector<256x128xf32>
      tpu.vector_store %arg5[%swap3A, %swap3A_179], %add3A_178 {strides = array<i32>} : memref<1024x128xf32, #tpu.memory_space<vmem>>, vector<256x128xf32>,
    } else {
    }
    %add3A_82 = arith.constant 256 : i32
    %add3A_83 = arith.addi %min3A_58, %add3A_82 : i32
    %multiple_of3A_84 = tpu.assume_multiple %add3A_83, 8 : i32
    %sub3A_85 = vector.broadcast %multiple_of3A_84 : i32 to vector<2000xi32>
    %sub3A_86 = arith.subi %get3A_33, %sub3A_85 : vector<2000xi32>
    %ge3A_87 = arith.constant 0 : i32
    %ge3A_88 = vector.broadcast %ge3A_87 : i32 to vector<2000xi32>
    %ge3A_89 = arith.cmpi sge, %sub3A_86, %ge3A_88 : vector<2000xi32>
    %lt3A_90 = arith.constant 256 : i32
    %lt3A_91 = vector.broadcast %lt3A_90 : i32 to vector<2000xi32>
    %lt3A_92 = arith.cmpi slt, %sub3A_86, %lt3A_91 : vector<2000xi32>
    %and3A_93 = arith.andi %ge3A_89, %lt3A_92 : vector<2000xi1>
    %reduce_or3A_94 = arith.constant 1.000000e+00 : f32
    %reduce_or3A_95 = arith.constant 0.000000e+00 : f32
    %reduce_or3A_96 = vector.broadcast %reduce_or3A_94 : f32 to vector<2000xf32>
    %reduce_or3A_97 = vector.broadcast %reduce_or3A_95 : f32 to vector<2000xf32>
    %reduce_or3A_98 = arith.select %and3A_93, %reduce_or3A_96, %reduce_or3A_97 : vector<2000xi1>, vector<2000xf32>
    %reduce_or3A_99 = vector.shape_cast %reduce_or3A_98 : vector<2000xf32> to vector<1x2000xf32>
    %reduce_or3A_100 = arith.constant dense<0xFF800000> : vector<1xf32>
    %reduce_or3A_101 = vector.multi_reduction <maximumf>, %reduce_or3A_99, %reduce_or3A_100 [1] : vector<1x2000xf32> to vector<1xf32>
    %reduce_or3A_102 = vector.shape_cast %reduce_or3A_101 : vector<1xf32> to vector<1x1xf32>
    %reduce_or3A_103 = vector.extract %reduce_or3A_102[0, 0] : f32 from vector<1x1xf32>
    %reduce_or3A_104 = arith.constant 0.000000e+00 : f32
    %reduce_or3A_105 = arith.cmpf ogt, %reduce_or3A_103, %reduce_or3A_104 : f32
    %convert_element_type3A_106 = arith.extui %reduce_or3A_105 : i1 to i32
    %cond3A_107 = arith.constant 0 : i32
    %cond3A_108 = arith.cmpi ne, %convert_element_type3A_106, %cond3A_107 : i32
    scf.if %cond3A_108 {
      %broadcast_in_dim3A_168 = vector.shape_cast %sub3A_86 : vector<2000xi32> to vector<2000x1xi32>
      %iota3A = tpu.iota {dimensions = array<i32: 1>} : vector<2000x256xi32>
      %eq3A_169 = vector.broadcast %broadcast_in_dim3A_168 : vector<2000x1xi32> to vector<2000x256xi32>
      %eq3A_170 = arith.cmpi eq, %eq3A_169, %iota3A : vector<2000x256xi32>
      %convert_element_type3A_171 = arith.extui %eq3A_170 : vector<2000x256xi1> to vector<2000x256xi32>
      %convert_element_type3A_172 = arith.sitofp %convert_element_type3A_171 : vector<2000x256xi32> to vector<2000x256xf32>
      %dot_general3A = arith.constant dense<0.000000e+00> : vector<256x1xf32>
      %dot_general3A_173 = tpu.matmul %convert_element_type3A_172, %broadcast_in_dim3A, %dot_general3A {dimension_numbers = #tpu.dot_dimension_numbers<[0], [0], [1], [1], [0, 1, 1, 1], [], []>, transpose_lhs_hint = false} : vector<2000x256xf32>, vector<2000x1xf32>, vector<256x1xf32> -> vector<256x1xf32>
      %get3A_174 = arith.index_cast %multiple_of3A_84 : i32 to index
      %get3A_175 = arith.constant 0 : index
      %get3A_176 = vector.load %arg5[%get3A_174, %get3A_175] : memref<1024x128xf32, #tpu.memory_space<vmem>>, vector<256x128xf32>
      %add3A_177 = vector.broadcast %dot_general3A_173 : vector<256x1xf32> to vector<256x128xf32>
      %add3A_178 = arith.addf %get3A_176, %add3A_177 : vector<256x128xf32>
      %swap3A = arith.index_cast %multiple_of3A_84 : i32 to index
      %swap3A_179 = arith.constant 0 : index
      %swap3A_180 = vector.load %arg5[%swap3A, %swap3A_179] : memref<1024x128xf32, #tpu.memory_space<vmem>>, vector<256x128xf32>
      tpu.vector_store %arg5[%swap3A, %swap3A_179], %add3A_178 {strides = array<i32>} : memref<1024x128xf32, #tpu.memory_space<vmem>>, vector<256x128xf32>,
    } else {
    }
    %add3A_109 = arith.constant 512 : i32
    %add3A_110 = arith.addi %min3A_58, %add3A_109 : i32
    %multiple_of3A_111 = tpu.assume_multiple %add3A_110, 8 : i32
    %sub3A_112 = vector.broadcast %multiple_of3A_111 : i32 to vector<2000xi32>
    %sub3A_113 = arith.subi %get3A_33, %sub3A_112 : vector<2000xi32>
    %ge3A_114 = arith.constant 0 : i32
    %ge3A_115 = vector.broadcast %ge3A_114 : i32 to vector<2000xi32>
    %ge3A_116 = arith.cmpi sge, %sub3A_113, %ge3A_115 : vector<2000xi32>
    %lt3A_117 = arith.constant 256 : i32
    %lt3A_118 = vector.broadcast %lt3A_117 : i32 to vector<2000xi32>
    %lt3A_119 = arith.cmpi slt, %sub3A_113, %lt3A_118 : vector<2000xi32>
    %and3A_120 = arith.andi %ge3A_116, %lt3A_119 : vector<2000xi1>
    %reduce_or3A_121 = arith.constant 1.000000e+00 : f32
    %reduce_or3A_122 = arith.constant 0.000000e+00 : f32
    %reduce_or3A_123 = vector.broadcast %reduce_or3A_121 : f32 to vector<2000xf32>
    %reduce_or3A_124 = vector.broadcast %reduce_or3A_122 : f32 to vector<2000xf32>
    %reduce_or3A_125 = arith.select %and3A_120, %reduce_or3A_123, %reduce_or3A_124 : vector<2000xi1>, vector<2000xf32>
    %reduce_or3A_126 = vector.shape_cast %reduce_or3A_125 : vector<2000xf32> to vector<1x2000xf32>
    %reduce_or3A_127 = arith.constant dense<0xFF800000> : vector<1xf32>
    %reduce_or3A_128 = vector.multi_reduction <maximumf>, %reduce_or3A_126, %reduce_or3A_127 [1] : vector<1x2000xf32> to vector<1xf32>
    %reduce_or3A_129 = vector.shape_cast %reduce_or3A_128 : vector<1xf32> to vector<1x1xf32>
    %reduce_or3A_130 = vector.extract %reduce_or3A_129[0, 0] : f32 from vector<1x1xf32>
    %reduce_or3A_131 = arith.constant 0.000000e+00 : f32
    %reduce_or3A_132 = arith.cmpf ogt, %reduce_or3A_130, %reduce_or3A_131 : f32
    %convert_element_type3A_133 = arith.extui %reduce_or3A_132 : i1 to i32
    %cond3A_134 = arith.constant 0 : i32
    %cond3A_135 = arith.cmpi ne, %convert_element_type3A_133, %cond3A_134 : i32
    scf.if %cond3A_135 {
      %broadcast_in_dim3A_168 = vector.shape_cast %sub3A_113 : vector<2000xi32> to vector<2000x1xi32>
      %iota3A = tpu.iota {dimensions = array<i32: 1>} : vector<2000x256xi32>
      %eq3A_169 = vector.broadcast %broadcast_in_dim3A_168 : vector<2000x1xi32> to vector<2000x256xi32>
      %eq3A_170 = arith.cmpi eq, %eq3A_169, %iota3A : vector<2000x256xi32>
      %convert_element_type3A_171 = arith.extui %eq3A_170 : vector<2000x256xi1> to vector<2000x256xi32>
      %convert_element_type3A_172 = arith.sitofp %convert_element_type3A_171 : vector<2000x256xi32> to vector<2000x256xf32>
      %dot_general3A = arith.constant dense<0.000000e+00> : vector<256x1xf32>
      %dot_general3A_173 = tpu.matmul %convert_element_type3A_172, %broadcast_in_dim3A, %dot_general3A {dimension_numbers = #tpu.dot_dimension_numbers<[0], [0], [1], [1], [0, 1, 1, 1], [], []>, transpose_lhs_hint = false} : vector<2000x256xf32>, vector<2000x1xf32>, vector<256x1xf32> -> vector<256x1xf32>
      %get3A_174 = arith.index_cast %multiple_of3A_111 : i32 to index
      %get3A_175 = arith.constant 0 : index
      %get3A_176 = vector.load %arg5[%get3A_174, %get3A_175] : memref<1024x128xf32, #tpu.memory_space<vmem>>, vector<256x128xf32>
      %add3A_177 = vector.broadcast %dot_general3A_173 : vector<256x1xf32> to vector<256x128xf32>
      %add3A_178 = arith.addf %get3A_176, %add3A_177 : vector<256x128xf32>
      %swap3A = arith.index_cast %multiple_of3A_111 : i32 to index
      %swap3A_179 = arith.constant 0 : index
      %swap3A_180 = vector.load %arg5[%swap3A, %swap3A_179] : memref<1024x128xf32, #tpu.memory_space<vmem>>, vector<256x128xf32>
      tpu.vector_store %arg5[%swap3A, %swap3A_179], %add3A_178 {strides = array<i32>} : memref<1024x128xf32, #tpu.memory_space<vmem>>, vector<256x128xf32>,
    } else {
    }
    %add3A_136 = arith.constant 768 : i32
    %add3A_137 = arith.addi %min3A_58, %add3A_136 : i32
    %multiple_of3A_138 = tpu.assume_multiple %add3A_137, 8 : i32
    %sub3A_139 = vector.broadcast %multiple_of3A_138 : i32 to vector<2000xi32>
    %sub3A_140 = arith.subi %get3A_33, %sub3A_139 : vector<2000xi32>
    %ge3A_141 = arith.constant 0 : i32
    %ge3A_142 = vector.broadcast %ge3A_141 : i32 to vector<2000xi32>
    %ge3A_143 = arith.cmpi sge, %sub3A_140, %ge3A_142 : vector<2000xi32>
    %lt3A_144 = arith.constant 256 : i32
    %lt3A_145 = vector.broadcast %lt3A_144 : i32 to vector<2000xi32>
    %lt3A_146 = arith.cmpi slt, %sub3A_140, %lt3A_145 : vector<2000xi32>
    %and3A_147 = arith.andi %ge3A_143, %lt3A_146 : vector<2000xi1>
    %reduce_or3A_148 = arith.constant 1.000000e+00 : f32
    %reduce_or3A_149 = arith.constant 0.000000e+00 : f32
    %reduce_or3A_150 = vector.broadcast %reduce_or3A_148 : f32 to vector<2000xf32>
    %reduce_or3A_151 = vector.broadcast %reduce_or3A_149 : f32 to vector<2000xf32>
    %reduce_or3A_152 = arith.select %and3A_147, %reduce_or3A_150, %reduce_or3A_151 : vector<2000xi1>, vector<2000xf32>
    %reduce_or3A_153 = vector.shape_cast %reduce_or3A_152 : vector<2000xf32> to vector<1x2000xf32>
    %reduce_or3A_154 = arith.constant dense<0xFF800000> : vector<1xf32>
    %reduce_or3A_155 = vector.multi_reduction <maximumf>, %reduce_or3A_153, %reduce_or3A_154 [1] : vector<1x2000xf32> to vector<1xf32>
    %reduce_or3A_156 = vector.shape_cast %reduce_or3A_155 : vector<1xf32> to vector<1x1xf32>
    %reduce_or3A_157 = vector.extract %reduce_or3A_156[0, 0] : f32 from vector<1x1xf32>
    %reduce_or3A_158 = arith.constant 0.000000e+00 : f32
    %reduce_or3A_159 = arith.cmpf ogt, %reduce_or3A_157, %reduce_or3A_158 : f32
    %convert_element_type3A_160 = arith.extui %reduce_or3A_159 : i1 to i32
    %cond3A_161 = arith.constant 0 : i32
    %cond3A_162 = arith.cmpi ne, %convert_element_type3A_160, %cond3A_161 : i32
    scf.if %cond3A_162 {
      %broadcast_in_dim3A_168 = vector.shape_cast %sub3A_140 : vector<2000xi32> to vector<2000x1xi32>
      %iota3A = tpu.iota {dimensions = array<i32: 1>} : vector<2000x256xi32>
      %eq3A_169 = vector.broadcast %broadcast_in_dim3A_168 : vector<2000x1xi32> to vector<2000x256xi32>
      %eq3A_170 = arith.cmpi eq, %eq3A_169, %iota3A : vector<2000x256xi32>
      %convert_element_type3A_171 = arith.extui %eq3A_170 : vector<2000x256xi1> to vector<2000x256xi32>
      %convert_element_type3A_172 = arith.sitofp %convert_element_type3A_171 : vector<2000x256xi32> to vector<2000x256xf32>
      %dot_general3A = arith.constant dense<0.000000e+00> : vector<256x1xf32>
      %dot_general3A_173 = tpu.matmul %convert_element_type3A_172, %broadcast_in_dim3A, %dot_general3A {dimension_numbers = #tpu.dot_dimension_numbers<[0], [0], [1], [1], [0, 1, 1, 1], [], []>, transpose_lhs_hint = false} : vector<2000x256xf32>, vector<2000x1xf32>, vector<256x1xf32> -> vector<256x1xf32>
      %get3A_174 = arith.index_cast %multiple_of3A_138 : i32 to index
      %get3A_175 = arith.constant 0 : index
      %get3A_176 = vector.load %arg5[%get3A_174, %get3A_175] : memref<1024x128xf32, #tpu.memory_space<vmem>>, vector<256x128xf32>
      %add3A_177 = vector.broadcast %dot_general3A_173 : vector<256x1xf32> to vector<256x128xf32>
      %add3A_178 = arith.addf %get3A_176, %add3A_177 : vector<256x128xf32>
      %swap3A = arith.index_cast %multiple_of3A_138 : i32 to index
      %swap3A_179 = arith.constant 0 : index
      %swap3A_180 = vector.load %arg5[%swap3A, %swap3A_179] : memref<1024x128xf32, #tpu.memory_space<vmem>>, vector<256x128xf32>
      tpu.vector_store %arg5[%swap3A, %swap3A_179], %add3A_178 {strides = array<i32>} : memref<1024x128xf32, #tpu.memory_space<vmem>>, vector<256x128xf32>,
    } else {
    }
    %eq3A_163 = arith.constant 15 : i32
    %eq3A_164 = arith.cmpi eq, %arg0, %eq3A_163 : i32
    %convert_element_type3A_165 = arith.extui %eq3A_164 : i1 to i32
    %cond3A_166 = arith.constant 0 : i32
    %cond3A_167 = arith.cmpi ne, %convert_element_type3A_165, %cond3A_166 : i32
    scf.if %cond3A_167 {
      %get3A_168 = arith.constant 0 : index
      %get3A_169 = arith.constant 0 : index
      %get3A_170 = vector.load %arg5[%get3A_168, %get3A_169] : memref<1024x128xf32, #tpu.memory_space<vmem>>, vector<1024x128xf32>
      %swap3A = arith.constant 0 : index
      %swap3A_171 = arith.constant 0 : index
      %swap3A_172 = vector.load %arg4[%swap3A, %swap3A_171] : memref<1024x128xf32, #tpu.memory_space<vmem>>, vector<1024x128xf32>
      tpu.vector_store %arg4[%swap3A, %swap3A_171], %get3A_170 {strides = array<i32>} : memref<1024x128xf32, #tpu.memory_space<vmem>>, vector<1024x128xf32>,
    } else {
    }
    return
  }
  func.func @transform_0(%arg0: i32) -> (i32, i32) {
    %add3A = arith.constant 48 : i32
    %add3A_0 = arith.addi %add3A, %arg0 : i32
    %c0_i32 = arith.constant 0 : i32
    %c0_i32_1 = arith.constant 0 : i32
    return %add3A_0, %c0_i32 : i32, i32
  }
  func.func @transform_1(%arg0: i32) -> (i32, i32) {
    %c0_i32 = arith.constant 0 : i32
    %c0_i32_0 = arith.constant 0 : i32
    return %arg0, %c0_i32 : i32, i32
  }
  func.func @transform_2(%arg0: i32) -> (i32, i32, i32) {
    %add3A = arith.constant 48 : i32
    %add3A_0 = arith.addi %add3A, %arg0 : i32
    %c0_i32 = arith.constant 0 : i32
    %c0_i32_1 = arith.constant 0 : i32
    %c0_i32_2 = arith.constant 0 : i32
    return %add3A_0, %c0_i32, %c0_i32_1 : i32, i32, i32
  }
  func.func @transform_3(%arg0: i32) -> (i32, i32) {
    %c0_i32 = arith.constant 0 : i32
    %c0_i32_0 = arith.constant 0 : i32
    %c0_i32_1 = arith.constant 0 : i32
    return %c0_i32, %c0_i32_0 : i32, i32
  }
}

module attributes {stable_mosaic.version = 14 : i64} {
  func.func @_centers_body(%arg0: i32, %arg1: memref<2000x256xf32, #tpu.memory_space<vmem>>, %arg2: memref<1x1x2000xi32, #tpu.memory_space<vmem>>, %arg3: memref<1024x128xf32, #tpu.memory_space<vmem>>, %arg4: memref<1024x128xf32, #tpu.memory_space<vmem>>, %arg5: memref<1024x256xf32, #tpu.memory_space<vmem>>, %arg6: memref<1024x128xf32, #tpu.memory_space<vmem>>) attributes {dimension_semantics = [#tpu.dimension_semantics<arbitrary>], iteration_bounds = array<i64: 80>, scalar_prefetch = 0 : i64, scratch_operands = 2 : i64, tpu.core_type = #tpu.core_type<tc>, window_params = [{transform_indices = @transform_0, window_bounds = array<i64: 2000, 256>}, {transform_indices = @transform_1, window_bounds = array<i64: 1, 1, 2000>}, {pipeline_mode = #tpu.pipeline_mode<synchronous>, transform_indices = @transform_2, window_bounds = array<i64: 1024, 128>}, {pipeline_mode = #tpu.pipeline_mode<synchronous>, transform_indices = @transform_3, window_bounds = array<i64: 1024, 128>}]} {
    %eq3A = arith.constant 0 : i32
    %eq3A_0 = arith.cmpi eq, %arg0, %eq3A : i32
    %convert_element_type3A = arith.extui %eq3A_0 : i1 to i32
    %cond3A = arith.constant 0 : i32
    %cond3A_1 = arith.cmpi ne, %convert_element_type3A, %cond3A : i32
    scf.if %cond3A_1 {
      %broadcast_in_dim3A = arith.constant 0.000000e+00 : f32
      %broadcast_in_dim3A_140 = vector.broadcast %broadcast_in_dim3A : f32 to vector<1024x256xf32>
      %swap3A = arith.constant 0 : index
      %swap3A_141 = arith.constant 0 : index
      %swap3A_142 = vector.load %arg5[%swap3A, %swap3A_141] : memref<1024x256xf32, #tpu.memory_space<vmem>>, vector<1024x256xf32>
      tpu.vector_store %arg5[%swap3A, %swap3A_141], %broadcast_in_dim3A_140 {strides = array<i32>} : memref<1024x256xf32, #tpu.memory_space<vmem>>, vector<1024x256xf32>,
      %broadcast_in_dim3A_143 = arith.constant 0.000000e+00 : f32
      %broadcast_in_dim3A_144 = vector.broadcast %broadcast_in_dim3A_143 : f32 to vector<1024x128xf32>
      %swap3A_145 = arith.constant 0 : index
      %swap3A_146 = arith.constant 0 : index
      %swap3A_147 = vector.load %arg6[%swap3A_145, %swap3A_146] : memref<1024x128xf32, #tpu.memory_space<vmem>>, vector<1024x128xf32>
      tpu.vector_store %arg6[%swap3A_145, %swap3A_146], %broadcast_in_dim3A_144 {strides = array<i32>} : memref<1024x128xf32, #tpu.memory_space<vmem>>, vector<1024x128xf32>,
    } else {
    }
    %get3A = arith.constant 0 : index
    %get3A_2 = arith.constant 0 : index
    %get3A_3 = arith.constant 0 : index
    %get3A_4 = vector.load %arg2[%get3A, %get3A_2, %get3A_3] : memref<1x1x2000xi32, #tpu.memory_space<vmem>>, vector<1x1x2000xi32>
    %get3A_5 = vector.shape_cast %get3A_4 : vector<1x1x2000xi32> to vector<2000xi32>
    %get3A_6 = arith.constant 0 : index
    %get3A_7 = arith.constant 0 : index
    %get3A_8 = vector.load %arg1[%get3A_6, %get3A_7] : memref<2000x256xf32, #tpu.memory_space<vmem>>, vector<2000x256xf32>
    %convert_element_type3A_9 = arith.truncf %get3A_8 : vector<2000x256xf32> to vector<2000x256xbf16>
    %reduce_min3A = vector.shape_cast %get3A_5 : vector<2000xi32> to vector<1x2000xi32>
    %reduce_min3A_10 = arith.constant dense<2147483647> : vector<1xi32>
    %reduce_min3A_11 = vector.multi_reduction <minsi>, %reduce_min3A, %reduce_min3A_10 [1] : vector<1x2000xi32> to vector<1xi32>
    %reduce_min3A_12 = vector.shape_cast %reduce_min3A_11 : vector<1xi32> to vector<1x1xi32>
    %reduce_min3A_13 = vector.extract %reduce_min3A_12[0, 0] : i32 from vector<1x1xi32>
    %jit3A = arith.constant 8 : i32
    %div3A = arith.divsi %reduce_min3A_13, %jit3A : i32
    %sign3A = arith.constant 0 : i32
    %sign3A_14 = arith.cmpi sgt, %reduce_min3A_13, %sign3A : i32
    %sign3A_15 = arith.extui %sign3A_14 : i1 to i32
    %sign3A_16 = arith.constant 0 : i32
    %sign3A_17 = arith.cmpi slt, %reduce_min3A_13, %sign3A_16 : i32
    %sign3A_18 = arith.extui %sign3A_17 : i1 to i32
    %sign3A_19 = arith.subi %sign3A_15, %sign3A_18 : i32
    %sign3A_20 = arith.constant 0 : i32
    %sign3A_21 = arith.cmpi sgt, %jit3A, %sign3A_20 : i32
    %sign3A_22 = arith.extui %sign3A_21 : i1 to i32
    %sign3A_23 = arith.constant 0 : i32
    %sign3A_24 = arith.cmpi slt, %jit3A, %sign3A_23 : i32
    %sign3A_25 = arith.extui %sign3A_24 : i1 to i32
    %sign3A_26 = arith.subi %sign3A_22, %sign3A_25 : i32
    %ne3A = arith.cmpi ne, %sign3A_19, %sign3A_26 : i32
    %rem3A = arith.remsi %reduce_min3A_13, %jit3A : i32
    %ne3A_27 = arith.constant 0 : i32
    %ne3A_28 = arith.cmpi ne, %rem3A, %ne3A_27 : i32
    %and3A = arith.andi %ne3A, %ne3A_28 : i1
    %sub3A = arith.constant 1 : i32
    %sub3A_29 = arith.subi %div3A, %sub3A : i32
    %select_n3A = arith.select %and3A, %sub3A_29, %div3A : i32
    %mul3A = arith.constant 8 : i32
    %mul3A_30 = arith.muli %select_n3A, %mul3A : i32
    %min3A = arith.constant 768 : i32
    %min3A_31 = arith.minsi %mul3A_30, %min3A : i32
    %add3A = arith.constant 0 : i32
    %add3A_32 = arith.addi %min3A_31, %add3A : i32
    %multiple_of3A = tpu.assume_multiple %add3A_32, 8 : i32
    %sub3A_33 = vector.broadcast %multiple_of3A : i32 to vector<2000xi32>
    %sub3A_34 = arith.subi %get3A_5, %sub3A_33 : vector<2000xi32>
    %ge3A = arith.constant 0 : i32
    %ge3A_35 = vector.broadcast %ge3A : i32 to vector<2000xi32>
    %ge3A_36 = arith.cmpi sge, %sub3A_34, %ge3A_35 : vector<2000xi32>
    %lt3A = arith.constant 256 : i32
    %lt3A_37 = vector.broadcast %lt3A : i32 to vector<2000xi32>
    %lt3A_38 = arith.cmpi slt, %sub3A_34, %lt3A_37 : vector<2000xi32>
    %and3A_39 = arith.andi %ge3A_36, %lt3A_38 : vector<2000xi1>
    %reduce_or3A = arith.constant 1.000000e+00 : f32
    %reduce_or3A_40 = arith.constant 0.000000e+00 : f32
    %reduce_or3A_41 = vector.broadcast %reduce_or3A : f32 to vector<2000xf32>
    %reduce_or3A_42 = vector.broadcast %reduce_or3A_40 : f32 to vector<2000xf32>
    %reduce_or3A_43 = arith.select %and3A_39, %reduce_or3A_41, %reduce_or3A_42 : vector<2000xi1>, vector<2000xf32>
    %reduce_or3A_44 = vector.shape_cast %reduce_or3A_43 : vector<2000xf32> to vector<1x2000xf32>
    %reduce_or3A_45 = arith.constant dense<0xFF800000> : vector<1xf32>
    %reduce_or3A_46 = vector.multi_reduction <maximumf>, %reduce_or3A_44, %reduce_or3A_45 [1] : vector<1x2000xf32> to vector<1xf32>
    %reduce_or3A_47 = vector.shape_cast %reduce_or3A_46 : vector<1xf32> to vector<1x1xf32>
    %reduce_or3A_48 = vector.extract %reduce_or3A_47[0, 0] : f32 from vector<1x1xf32>
    %reduce_or3A_49 = arith.constant 0.000000e+00 : f32
    %reduce_or3A_50 = arith.cmpf ogt, %reduce_or3A_48, %reduce_or3A_49 : f32
    %convert_element_type3A_51 = arith.extui %reduce_or3A_50 : i1 to i32
    %cond3A_52 = arith.constant 0 : i32
    %cond3A_53 = arith.cmpi ne, %convert_element_type3A_51, %cond3A_52 : i32
    scf.if %cond3A_53 {
      %broadcast_in_dim3A = vector.shape_cast %sub3A_34 : vector<2000xi32> to vector<2000x1xi32>
      %iota3A = tpu.iota {dimensions = array<i32: 1>} : vector<2000x256xi32>
      %eq3A_140 = vector.broadcast %broadcast_in_dim3A : vector<2000x1xi32> to vector<2000x256xi32>
      %eq3A_141 = arith.cmpi eq, %eq3A_140, %iota3A : vector<2000x256xi32>
      %convert_element_type3A_142 = arith.extui %eq3A_141 : vector<2000x256xi1> to vector<2000x256xi32>
      %convert_element_type3A_143 = arith.sitofp %convert_element_type3A_142 : vector<2000x256xi32> to vector<2000x256xf32>
      %convert_element_type3A_144 = arith.truncf %convert_element_type3A_143 : vector<2000x256xf32> to vector<2000x256xbf16>
      %dot_general3A = arith.constant dense<0.000000e+00> : vector<256x256xf32>
      %dot_general3A_145 = tpu.matmul %convert_element_type3A_144, %convert_element_type3A_9, %dot_general3A {dimension_numbers = #tpu.dot_dimension_numbers<[0], [0], [1], [1], [0, 1, 1, 1], [], []>, transpose_lhs_hint = false} : vector<2000x256xbf16>, vector<2000x256xbf16>, vector<256x256xf32> -> vector<256x256xf32>
      %get3A_146 = arith.index_cast %multiple_of3A : i32 to index
      %get3A_147 = arith.constant 0 : index
      %get3A_148 = vector.load %arg5[%get3A_146, %get3A_147] : memref<1024x256xf32, #tpu.memory_space<vmem>>, vector<256x256xf32>
      %add3A_149 = arith.addf %get3A_148, %dot_general3A_145 : vector<256x256xf32>
      %swap3A = arith.index_cast %multiple_of3A : i32 to index
      %swap3A_150 = arith.constant 0 : index
      %swap3A_151 = vector.load %arg5[%swap3A, %swap3A_150] : memref<1024x256xf32, #tpu.memory_space<vmem>>, vector<256x256xf32>
      tpu.vector_store %arg5[%swap3A, %swap3A_150], %add3A_149 {strides = array<i32>} : memref<1024x256xf32, #tpu.memory_space<vmem>>, vector<256x256xf32>,
      %get3A_152 = arith.index_cast %multiple_of3A : i32 to index
      %get3A_153 = arith.constant 0 : index
      %get3A_154 = vector.load %arg6[%get3A_152, %get3A_153] : memref<1024x128xf32, #tpu.memory_space<vmem>>, vector<256x128xf32>
      %reduce_sum3A = arith.constant dense<0.000000e+00> : vector<256xf32>
      %reduce_sum3A_155 = vector.multi_reduction <add>, %convert_element_type3A_143, %reduce_sum3A [0] : vector<2000x256xf32> to vector<256xf32>
      %broadcast_in_dim3A_156 = vector.shape_cast %reduce_sum3A_155 : vector<256xf32> to vector<256x1xf32>
      %add3A_157 = vector.broadcast %broadcast_in_dim3A_156 : vector<256x1xf32> to vector<256x128xf32>
      %add3A_158 = arith.addf %get3A_154, %add3A_157 : vector<256x128xf32>
      %swap3A_159 = arith.index_cast %multiple_of3A : i32 to index
      %swap3A_160 = arith.constant 0 : index
      %swap3A_161 = vector.load %arg6[%swap3A_159, %swap3A_160] : memref<1024x128xf32, #tpu.memory_space<vmem>>, vector<256x128xf32>
      tpu.vector_store %arg6[%swap3A_159, %swap3A_160], %add3A_158 {strides = array<i32>} : memref<1024x128xf32, #tpu.memory_space<vmem>>, vector<256x128xf32>,
    } else {
    }
    %add3A_54 = arith.constant 256 : i32
    %add3A_55 = arith.addi %min3A_31, %add3A_54 : i32
    %multiple_of3A_56 = tpu.assume_multiple %add3A_55, 8 : i32
    %sub3A_57 = vector.broadcast %multiple_of3A_56 : i32 to vector<2000xi32>
    %sub3A_58 = arith.subi %get3A_5, %sub3A_57 : vector<2000xi32>
    %ge3A_59 = arith.constant 0 : i32
    %ge3A_60 = vector.broadcast %ge3A_59 : i32 to vector<2000xi32>
    %ge3A_61 = arith.cmpi sge, %sub3A_58, %ge3A_60 : vector<2000xi32>
    %lt3A_62 = arith.constant 256 : i32
    %lt3A_63 = vector.broadcast %lt3A_62 : i32 to vector<2000xi32>
    %lt3A_64 = arith.cmpi slt, %sub3A_58, %lt3A_63 : vector<2000xi32>
    %and3A_65 = arith.andi %ge3A_61, %lt3A_64 : vector<2000xi1>
    %reduce_or3A_66 = arith.constant 1.000000e+00 : f32
    %reduce_or3A_67 = arith.constant 0.000000e+00 : f32
    %reduce_or3A_68 = vector.broadcast %reduce_or3A_66 : f32 to vector<2000xf32>
    %reduce_or3A_69 = vector.broadcast %reduce_or3A_67 : f32 to vector<2000xf32>
    %reduce_or3A_70 = arith.select %and3A_65, %reduce_or3A_68, %reduce_or3A_69 : vector<2000xi1>, vector<2000xf32>
    %reduce_or3A_71 = vector.shape_cast %reduce_or3A_70 : vector<2000xf32> to vector<1x2000xf32>
    %reduce_or3A_72 = arith.constant dense<0xFF800000> : vector<1xf32>
    %reduce_or3A_73 = vector.multi_reduction <maximumf>, %reduce_or3A_71, %reduce_or3A_72 [1] : vector<1x2000xf32> to vector<1xf32>
    %reduce_or3A_74 = vector.shape_cast %reduce_or3A_73 : vector<1xf32> to vector<1x1xf32>
    %reduce_or3A_75 = vector.extract %reduce_or3A_74[0, 0] : f32 from vector<1x1xf32>
    %reduce_or3A_76 = arith.constant 0.000000e+00 : f32
    %reduce_or3A_77 = arith.cmpf ogt, %reduce_or3A_75, %reduce_or3A_76 : f32
    %convert_element_type3A_78 = arith.extui %reduce_or3A_77 : i1 to i32
    %cond3A_79 = arith.constant 0 : i32
    %cond3A_80 = arith.cmpi ne, %convert_element_type3A_78, %cond3A_79 : i32
    scf.if %cond3A_80 {
      %broadcast_in_dim3A = vector.shape_cast %sub3A_58 : vector<2000xi32> to vector<2000x1xi32>
      %iota3A = tpu.iota {dimensions = array<i32: 1>} : vector<2000x256xi32>
      %eq3A_140 = vector.broadcast %broadcast_in_dim3A : vector<2000x1xi32> to vector<2000x256xi32>
      %eq3A_141 = arith.cmpi eq, %eq3A_140, %iota3A : vector<2000x256xi32>
      %convert_element_type3A_142 = arith.extui %eq3A_141 : vector<2000x256xi1> to vector<2000x256xi32>
      %convert_element_type3A_143 = arith.sitofp %convert_element_type3A_142 : vector<2000x256xi32> to vector<2000x256xf32>
      %convert_element_type3A_144 = arith.truncf %convert_element_type3A_143 : vector<2000x256xf32> to vector<2000x256xbf16>
      %dot_general3A = arith.constant dense<0.000000e+00> : vector<256x256xf32>
      %dot_general3A_145 = tpu.matmul %convert_element_type3A_144, %convert_element_type3A_9, %dot_general3A {dimension_numbers = #tpu.dot_dimension_numbers<[0], [0], [1], [1], [0, 1, 1, 1], [], []>, transpose_lhs_hint = false} : vector<2000x256xbf16>, vector<2000x256xbf16>, vector<256x256xf32> -> vector<256x256xf32>
      %get3A_146 = arith.index_cast %multiple_of3A_56 : i32 to index
      %get3A_147 = arith.constant 0 : index
      %get3A_148 = vector.load %arg5[%get3A_146, %get3A_147] : memref<1024x256xf32, #tpu.memory_space<vmem>>, vector<256x256xf32>
      %add3A_149 = arith.addf %get3A_148, %dot_general3A_145 : vector<256x256xf32>
      %swap3A = arith.index_cast %multiple_of3A_56 : i32 to index
      %swap3A_150 = arith.constant 0 : index
      %swap3A_151 = vector.load %arg5[%swap3A, %swap3A_150] : memref<1024x256xf32, #tpu.memory_space<vmem>>, vector<256x256xf32>
      tpu.vector_store %arg5[%swap3A, %swap3A_150], %add3A_149 {strides = array<i32>} : memref<1024x256xf32, #tpu.memory_space<vmem>>, vector<256x256xf32>,
      %get3A_152 = arith.index_cast %multiple_of3A_56 : i32 to index
      %get3A_153 = arith.constant 0 : index
      %get3A_154 = vector.load %arg6[%get3A_152, %get3A_153] : memref<1024x128xf32, #tpu.memory_space<vmem>>, vector<256x128xf32>
      %reduce_sum3A = arith.constant dense<0.000000e+00> : vector<256xf32>
      %reduce_sum3A_155 = vector.multi_reduction <add>, %convert_element_type3A_143, %reduce_sum3A [0] : vector<2000x256xf32> to vector<256xf32>
      %broadcast_in_dim3A_156 = vector.shape_cast %reduce_sum3A_155 : vector<256xf32> to vector<256x1xf32>
      %add3A_157 = vector.broadcast %broadcast_in_dim3A_156 : vector<256x1xf32> to vector<256x128xf32>
      %add3A_158 = arith.addf %get3A_154, %add3A_157 : vector<256x128xf32>
      %swap3A_159 = arith.index_cast %multiple_of3A_56 : i32 to index
      %swap3A_160 = arith.constant 0 : index
      %swap3A_161 = vector.load %arg6[%swap3A_159, %swap3A_160] : memref<1024x128xf32, #tpu.memory_space<vmem>>, vector<256x128xf32>
      tpu.vector_store %arg6[%swap3A_159, %swap3A_160], %add3A_158 {strides = array<i32>} : memref<1024x128xf32, #tpu.memory_space<vmem>>, vector<256x128xf32>,
    } else {
    }
    %add3A_81 = arith.constant 512 : i32
    %add3A_82 = arith.addi %min3A_31, %add3A_81 : i32
    %multiple_of3A_83 = tpu.assume_multiple %add3A_82, 8 : i32
    %sub3A_84 = vector.broadcast %multiple_of3A_83 : i32 to vector<2000xi32>
    %sub3A_85 = arith.subi %get3A_5, %sub3A_84 : vector<2000xi32>
    %ge3A_86 = arith.constant 0 : i32
    %ge3A_87 = vector.broadcast %ge3A_86 : i32 to vector<2000xi32>
    %ge3A_88 = arith.cmpi sge, %sub3A_85, %ge3A_87 : vector<2000xi32>
    %lt3A_89 = arith.constant 256 : i32
    %lt3A_90 = vector.broadcast %lt3A_89 : i32 to vector<2000xi32>
    %lt3A_91 = arith.cmpi slt, %sub3A_85, %lt3A_90 : vector<2000xi32>
    %and3A_92 = arith.andi %ge3A_88, %lt3A_91 : vector<2000xi1>
    %reduce_or3A_93 = arith.constant 1.000000e+00 : f32
    %reduce_or3A_94 = arith.constant 0.000000e+00 : f32
    %reduce_or3A_95 = vector.broadcast %reduce_or3A_93 : f32 to vector<2000xf32>
    %reduce_or3A_96 = vector.broadcast %reduce_or3A_94 : f32 to vector<2000xf32>
    %reduce_or3A_97 = arith.select %and3A_92, %reduce_or3A_95, %reduce_or3A_96 : vector<2000xi1>, vector<2000xf32>
    %reduce_or3A_98 = vector.shape_cast %reduce_or3A_97 : vector<2000xf32> to vector<1x2000xf32>
    %reduce_or3A_99 = arith.constant dense<0xFF800000> : vector<1xf32>
    %reduce_or3A_100 = vector.multi_reduction <maximumf>, %reduce_or3A_98, %reduce_or3A_99 [1] : vector<1x2000xf32> to vector<1xf32>
    %reduce_or3A_101 = vector.shape_cast %reduce_or3A_100 : vector<1xf32> to vector<1x1xf32>
    %reduce_or3A_102 = vector.extract %reduce_or3A_101[0, 0] : f32 from vector<1x1xf32>
    %reduce_or3A_103 = arith.constant 0.000000e+00 : f32
    %reduce_or3A_104 = arith.cmpf ogt, %reduce_or3A_102, %reduce_or3A_103 : f32
    %convert_element_type3A_105 = arith.extui %reduce_or3A_104 : i1 to i32
    %cond3A_106 = arith.constant 0 : i32
    %cond3A_107 = arith.cmpi ne, %convert_element_type3A_105, %cond3A_106 : i32
    scf.if %cond3A_107 {
      %broadcast_in_dim3A = vector.shape_cast %sub3A_85 : vector<2000xi32> to vector<2000x1xi32>
      %iota3A = tpu.iota {dimensions = array<i32: 1>} : vector<2000x256xi32>
      %eq3A_140 = vector.broadcast %broadcast_in_dim3A : vector<2000x1xi32> to vector<2000x256xi32>
      %eq3A_141 = arith.cmpi eq, %eq3A_140, %iota3A : vector<2000x256xi32>
      %convert_element_type3A_142 = arith.extui %eq3A_141 : vector<2000x256xi1> to vector<2000x256xi32>
      %convert_element_type3A_143 = arith.sitofp %convert_element_type3A_142 : vector<2000x256xi32> to vector<2000x256xf32>
      %convert_element_type3A_144 = arith.truncf %convert_element_type3A_143 : vector<2000x256xf32> to vector<2000x256xbf16>
      %dot_general3A = arith.constant dense<0.000000e+00> : vector<256x256xf32>
      %dot_general3A_145 = tpu.matmul %convert_element_type3A_144, %convert_element_type3A_9, %dot_general3A {dimension_numbers = #tpu.dot_dimension_numbers<[0], [0], [1], [1], [0, 1, 1, 1], [], []>, transpose_lhs_hint = false} : vector<2000x256xbf16>, vector<2000x256xbf16>, vector<256x256xf32> -> vector<256x256xf32>
      %get3A_146 = arith.index_cast %multiple_of3A_83 : i32 to index
      %get3A_147 = arith.constant 0 : index
      %get3A_148 = vector.load %arg5[%get3A_146, %get3A_147] : memref<1024x256xf32, #tpu.memory_space<vmem>>, vector<256x256xf32>
      %add3A_149 = arith.addf %get3A_148, %dot_general3A_145 : vector<256x256xf32>
      %swap3A = arith.index_cast %multiple_of3A_83 : i32 to index
      %swap3A_150 = arith.constant 0 : index
      %swap3A_151 = vector.load %arg5[%swap3A, %swap3A_150] : memref<1024x256xf32, #tpu.memory_space<vmem>>, vector<256x256xf32>
      tpu.vector_store %arg5[%swap3A, %swap3A_150], %add3A_149 {strides = array<i32>} : memref<1024x256xf32, #tpu.memory_space<vmem>>, vector<256x256xf32>,
      %get3A_152 = arith.index_cast %multiple_of3A_83 : i32 to index
      %get3A_153 = arith.constant 0 : index
      %get3A_154 = vector.load %arg6[%get3A_152, %get3A_153] : memref<1024x128xf32, #tpu.memory_space<vmem>>, vector<256x128xf32>
      %reduce_sum3A = arith.constant dense<0.000000e+00> : vector<256xf32>
      %reduce_sum3A_155 = vector.multi_reduction <add>, %convert_element_type3A_143, %reduce_sum3A [0] : vector<2000x256xf32> to vector<256xf32>
      %broadcast_in_dim3A_156 = vector.shape_cast %reduce_sum3A_155 : vector<256xf32> to vector<256x1xf32>
      %add3A_157 = vector.broadcast %broadcast_in_dim3A_156 : vector<256x1xf32> to vector<256x128xf32>
      %add3A_158 = arith.addf %get3A_154, %add3A_157 : vector<256x128xf32>
      %swap3A_159 = arith.index_cast %multiple_of3A_83 : i32 to index
      %swap3A_160 = arith.constant 0 : index
      %swap3A_161 = vector.load %arg6[%swap3A_159, %swap3A_160] : memref<1024x128xf32, #tpu.memory_space<vmem>>, vector<256x128xf32>
      tpu.vector_store %arg6[%swap3A_159, %swap3A_160], %add3A_158 {strides = array<i32>} : memref<1024x128xf32, #tpu.memory_space<vmem>>, vector<256x128xf32>,
    } else {
    }
    %add3A_108 = arith.constant 768 : i32
    %add3A_109 = arith.addi %min3A_31, %add3A_108 : i32
    %multiple_of3A_110 = tpu.assume_multiple %add3A_109, 8 : i32
    %sub3A_111 = vector.broadcast %multiple_of3A_110 : i32 to vector<2000xi32>
    %sub3A_112 = arith.subi %get3A_5, %sub3A_111 : vector<2000xi32>
    %ge3A_113 = arith.constant 0 : i32
    %ge3A_114 = vector.broadcast %ge3A_113 : i32 to vector<2000xi32>
    %ge3A_115 = arith.cmpi sge, %sub3A_112, %ge3A_114 : vector<2000xi32>
    %lt3A_116 = arith.constant 256 : i32
    %lt3A_117 = vector.broadcast %lt3A_116 : i32 to vector<2000xi32>
    %lt3A_118 = arith.cmpi slt, %sub3A_112, %lt3A_117 : vector<2000xi32>
    %and3A_119 = arith.andi %ge3A_115, %lt3A_118 : vector<2000xi1>
    %reduce_or3A_120 = arith.constant 1.000000e+00 : f32
    %reduce_or3A_121 = arith.constant 0.000000e+00 : f32
    %reduce_or3A_122 = vector.broadcast %reduce_or3A_120 : f32 to vector<2000xf32>
    %reduce_or3A_123 = vector.broadcast %reduce_or3A_121 : f32 to vector<2000xf32>
    %reduce_or3A_124 = arith.select %and3A_119, %reduce_or3A_122, %reduce_or3A_123 : vector<2000xi1>, vector<2000xf32>
    %reduce_or3A_125 = vector.shape_cast %reduce_or3A_124 : vector<2000xf32> to vector<1x2000xf32>
    %reduce_or3A_126 = arith.constant dense<0xFF800000> : vector<1xf32>
    %reduce_or3A_127 = vector.multi_reduction <maximumf>, %reduce_or3A_125, %reduce_or3A_126 [1] : vector<1x2000xf32> to vector<1xf32>
    %reduce_or3A_128 = vector.shape_cast %reduce_or3A_127 : vector<1xf32> to vector<1x1xf32>
    %reduce_or3A_129 = vector.extract %reduce_or3A_128[0, 0] : f32 from vector<1x1xf32>
    %reduce_or3A_130 = arith.constant 0.000000e+00 : f32
    %reduce_or3A_131 = arith.cmpf ogt, %reduce_or3A_129, %reduce_or3A_130 : f32
    %convert_element_type3A_132 = arith.extui %reduce_or3A_131 : i1 to i32
    %cond3A_133 = arith.constant 0 : i32
    %cond3A_134 = arith.cmpi ne, %convert_element_type3A_132, %cond3A_133 : i32
    scf.if %cond3A_134 {
      %broadcast_in_dim3A = vector.shape_cast %sub3A_112 : vector<2000xi32> to vector<2000x1xi32>
      %iota3A = tpu.iota {dimensions = array<i32: 1>} : vector<2000x256xi32>
      %eq3A_140 = vector.broadcast %broadcast_in_dim3A : vector<2000x1xi32> to vector<2000x256xi32>
      %eq3A_141 = arith.cmpi eq, %eq3A_140, %iota3A : vector<2000x256xi32>
      %convert_element_type3A_142 = arith.extui %eq3A_141 : vector<2000x256xi1> to vector<2000x256xi32>
      %convert_element_type3A_143 = arith.sitofp %convert_element_type3A_142 : vector<2000x256xi32> to vector<2000x256xf32>
      %convert_element_type3A_144 = arith.truncf %convert_element_type3A_143 : vector<2000x256xf32> to vector<2000x256xbf16>
      %dot_general3A = arith.constant dense<0.000000e+00> : vector<256x256xf32>
      %dot_general3A_145 = tpu.matmul %convert_element_type3A_144, %convert_element_type3A_9, %dot_general3A {dimension_numbers = #tpu.dot_dimension_numbers<[0], [0], [1], [1], [0, 1, 1, 1], [], []>, transpose_lhs_hint = false} : vector<2000x256xbf16>, vector<2000x256xbf16>, vector<256x256xf32> -> vector<256x256xf32>
      %get3A_146 = arith.index_cast %multiple_of3A_110 : i32 to index
      %get3A_147 = arith.constant 0 : index
      %get3A_148 = vector.load %arg5[%get3A_146, %get3A_147] : memref<1024x256xf32, #tpu.memory_space<vmem>>, vector<256x256xf32>
      %add3A_149 = arith.addf %get3A_148, %dot_general3A_145 : vector<256x256xf32>
      %swap3A = arith.index_cast %multiple_of3A_110 : i32 to index
      %swap3A_150 = arith.constant 0 : index
      %swap3A_151 = vector.load %arg5[%swap3A, %swap3A_150] : memref<1024x256xf32, #tpu.memory_space<vmem>>, vector<256x256xf32>
      tpu.vector_store %arg5[%swap3A, %swap3A_150], %add3A_149 {strides = array<i32>} : memref<1024x256xf32, #tpu.memory_space<vmem>>, vector<256x256xf32>,
      %get3A_152 = arith.index_cast %multiple_of3A_110 : i32 to index
      %get3A_153 = arith.constant 0 : index
      %get3A_154 = vector.load %arg6[%get3A_152, %get3A_153] : memref<1024x128xf32, #tpu.memory_space<vmem>>, vector<256x128xf32>
      %reduce_sum3A = arith.constant dense<0.000000e+00> : vector<256xf32>
      %reduce_sum3A_155 = vector.multi_reduction <add>, %convert_element_type3A_143, %reduce_sum3A [0] : vector<2000x256xf32> to vector<256xf32>
      %broadcast_in_dim3A_156 = vector.shape_cast %reduce_sum3A_155 : vector<256xf32> to vector<256x1xf32>
      %add3A_157 = vector.broadcast %broadcast_in_dim3A_156 : vector<256x1xf32> to vector<256x128xf32>
      %add3A_158 = arith.addf %get3A_154, %add3A_157 : vector<256x128xf32>
      %swap3A_159 = arith.index_cast %multiple_of3A_110 : i32 to index
      %swap3A_160 = arith.constant 0 : index
      %swap3A_161 = vector.load %arg6[%swap3A_159, %swap3A_160] : memref<1024x128xf32, #tpu.memory_space<vmem>>, vector<256x128xf32>
      tpu.vector_store %arg6[%swap3A_159, %swap3A_160], %add3A_158 {strides = array<i32>} : memref<1024x128xf32, #tpu.memory_space<vmem>>, vector<256x128xf32>,
    } else {
    }
    %eq3A_135 = arith.constant 79 : i32
    %eq3A_136 = arith.cmpi eq, %arg0, %eq3A_135 : i32
    %convert_element_type3A_137 = arith.extui %eq3A_136 : i1 to i32
    %cond3A_138 = arith.constant 0 : i32
    %cond3A_139 = arith.cmpi ne, %convert_element_type3A_137, %cond3A_138 : i32
    scf.if %cond3A_139 {
      %get3A_140 = arith.constant 0 : index
      %get3A_141 = arith.constant 0 : index
      %get3A_142 = vector.load %arg6[%get3A_140, %get3A_141] : memref<1024x128xf32, #tpu.memory_space<vmem>>, vector<1024x128xf32>
      %slice3A = vector.extract_strided_slice %get3A_142 {offsets = [0, 0], sizes = [1024, 1], strides = [1, 1]} : vector<1024x128xf32> to vector<1024x1xf32>
      %gt3A = arith.constant 0.000000e+00 : f32
      %gt3A_143 = vector.broadcast %gt3A : f32 to vector<1024x1xf32>
      %gt3A_144 = arith.cmpf ogt, %slice3A, %gt3A_143 : vector<1024x1xf32>
      %jit3A_145 = arith.constant 1.000000e+00 : f32
      %broadcast_in_dim3A = vector.broadcast %jit3A_145 : f32 to vector<1024x1xf32>
      %select_n3A_146 = arith.select %gt3A_144, %slice3A, %broadcast_in_dim3A : vector<1024x1xi1>, vector<1024x1xf32>
      %gt3A_147 = arith.constant 0.000000e+00 : f32
      %gt3A_148 = vector.broadcast %gt3A_147 : f32 to vector<1024x1xf32>
      %gt3A_149 = arith.cmpf ogt, %slice3A, %gt3A_148 : vector<1024x1xf32>
      %get3A_150 = arith.constant 0 : index
      %get3A_151 = arith.constant 0 : index
      %get3A_152 = vector.load %arg5[%get3A_150, %get3A_151] : memref<1024x256xf32, #tpu.memory_space<vmem>>, vector<1024x256xf32>
      %div3A_153 = vector.broadcast %select_n3A_146 : vector<1024x1xf32> to vector<1024x256xf32>
      %div3A_154 = arith.divf %get3A_152, %div3A_153 : vector<1024x256xf32>
      %jit3A_155 = arith.constant 0.000000e+00 : f32
      %broadcast_in_dim3A_156 = vector.shape_cast %gt3A_149 : vector<1024x1xi1> to vector<1024x1xi1>
      %broadcast_in_dim3A_157 = vector.broadcast %broadcast_in_dim3A_156 : vector<1024x1xi1> to vector<1024x256xi1>
      %broadcast_in_dim3A_158 = vector.broadcast %jit3A_155 : f32 to vector<1024x256xf32>
      %select_n3A_159 = arith.select %broadcast_in_dim3A_157, %div3A_154, %broadcast_in_dim3A_158 : vector<1024x256xi1>, vector<1024x256xf32>
      %slice3A_160 = vector.extract_strided_slice %select_n3A_159 {offsets = [0, 0], sizes = [1024, 128], strides = [1, 1]} : vector<1024x256xf32> to vector<1024x128xf32>
      %convert_element_type3A_161 = arith.truncf %slice3A_160 : vector<1024x128xf32> to vector<1024x128xbf16>
      %bitcast_convert_type3A = tpu.bitcast %convert_element_type3A_161 : vector<1024x128xbf16> -> vector<1024x128xi16>
      %convert_element_type3A_162 = arith.extui %bitcast_convert_type3A : vector<1024x128xi16> to vector<1024x128xi32>
      %slice3A_163 = vector.extract_strided_slice %select_n3A_159 {offsets = [0, 128], sizes = [1024, 128], strides = [1, 1]} : vector<1024x256xf32> to vector<1024x128xf32>
      %convert_element_type3A_164 = arith.truncf %slice3A_163 : vector<1024x128xf32> to vector<1024x128xbf16>
      %bitcast_convert_type3A_165 = tpu.bitcast %convert_element_type3A_164 : vector<1024x128xbf16> -> vector<1024x128xi16>
      %convert_element_type3A_166 = arith.extui %bitcast_convert_type3A_165 : vector<1024x128xi16> to vector<1024x128xi32>
      %shift_left3A = arith.constant 16 : i32
      %shift_left3A_167 = vector.broadcast %shift_left3A : i32 to vector<1024x128xi32>
      %shift_left3A_168 = arith.shli %convert_element_type3A_166, %shift_left3A_167 : vector<1024x128xi32>
      %or3A = arith.ori %shift_left3A_168, %convert_element_type3A_162 : vector<1024x128xi32>
      %bitcast_convert_type3A_169 = tpu.bitcast %or3A : vector<1024x128xi32> -> vector<1024x128xf32>
      %swap3A = arith.constant 0 : index
      %swap3A_170 = arith.constant 0 : index
      %swap3A_171 = vector.load %arg3[%swap3A, %swap3A_170] : memref<1024x128xf32, #tpu.memory_space<vmem>>, vector<1024x128xf32>
      tpu.vector_store %arg3[%swap3A, %swap3A_170], %bitcast_convert_type3A_169 {strides = array<i32>} : memref<1024x128xf32, #tpu.memory_space<vmem>>, vector<1024x128xf32>,
      %get3A_172 = arith.constant 0 : index
      %get3A_173 = arith.constant 0 : index
      %get3A_174 = vector.load %arg6[%get3A_172, %get3A_173] : memref<1024x128xf32, #tpu.memory_space<vmem>>, vector<1024x128xf32>
      %swap3A_175 = arith.constant 0 : index
      %swap3A_176 = arith.constant 0 : index
      %swap3A_177 = vector.load %arg4[%swap3A_175, %swap3A_176] : memref<1024x128xf32, #tpu.memory_space<vmem>>, vector<1024x128xf32>
      tpu.vector_store %arg4[%swap3A_175, %swap3A_176], %get3A_174 {strides = array<i32>} : memref<1024x128xf32, #tpu.memory_space<vmem>>, vector<1024x128xf32>,
    } else {
    }
    return
  }
  func.func @transform_0(%arg0: i32) -> (i32, i32) {
    %c0_i32 = arith.constant 0 : i32
    %c0_i32_0 = arith.constant 0 : i32
    return %arg0, %c0_i32 : i32, i32
  }
  func.func @transform_1(%arg0: i32) -> (i32, i32, i32) {
    %c0_i32 = arith.constant 0 : i32
    %c0_i32_0 = arith.constant 0 : i32
    %c0_i32_1 = arith.constant 0 : i32
    return %arg0, %c0_i32, %c0_i32_0 : i32, i32, i32
  }
  func.func @transform_2(%arg0: i32) -> (i32, i32) {
    %c0_i32 = arith.constant 0 : i32
    %c0_i32_0 = arith.constant 0 : i32
    %c0_i32_1 = arith.constant 0 : i32
    return %c0_i32, %c0_i32_0 : i32, i32
  }
  func.func @transform_3(%arg0: i32) -> (i32, i32) {
    %c0_i32 = arith.constant 0 : i32
    %c0_i32_0 = arith.constant 0 : i32
    %c0_i32_1 = arith.constant 0 : i32
    return %c0_i32, %c0_i32_0 : i32, i32
  }
}

module attributes {stable_mosaic.version = 14 : i64} {
  func.func @_dist_body(%arg0: i32, %arg1: memref<2000x256xf32, #tpu.memory_space<vmem>>, %arg2: memref<2000x128xf32, #tpu.memory_space<vmem>>, %arg3: memref<1x1x2000xi32, #tpu.memory_space<vmem>>, %arg4: memref<1024x128xf32, #tpu.memory_space<vmem>>, %arg5: memref<1024x128xf32, #tpu.memory_space<vmem>>) attributes {dimension_semantics = [#tpu.dimension_semantics<arbitrary>], iteration_bounds = array<i64: 16>, scalar_prefetch = 0 : i64, scratch_operands = 1 : i64, tpu.core_type = #tpu.core_type<tc>, window_params = [{transform_indices = @transform_0, window_bounds = array<i64: 2000, 256>}, {transform_indices = @transform_1, window_bounds = array<i64: 2000, 128>}, {transform_indices = @transform_2, window_bounds = array<i64: 1, 1, 2000>}, {pipeline_mode = #tpu.pipeline_mode<synchronous>, transform_indices = @transform_3, window_bounds = array<i64: 1024, 128>}]} {
    %eq3A = arith.constant 0 : i32
    %eq3A_0 = arith.cmpi eq, %arg0, %eq3A : i32
    %convert_element_type3A = arith.extui %eq3A_0 : i1 to i32
    %cond3A = arith.constant 0 : i32
    %cond3A_1 = arith.cmpi ne, %convert_element_type3A, %cond3A : i32
    scf.if %cond3A_1 {
      %broadcast_in_dim3A_168 = arith.constant 0.000000e+00 : f32
      %broadcast_in_dim3A_169 = vector.broadcast %broadcast_in_dim3A_168 : f32 to vector<1024x128xf32>
      %swap3A = arith.constant 0 : index
      %swap3A_170 = arith.constant 0 : index
      %swap3A_171 = vector.load %arg5[%swap3A, %swap3A_170] : memref<1024x128xf32, #tpu.memory_space<vmem>>, vector<1024x128xf32>
      tpu.vector_store %arg5[%swap3A, %swap3A_170], %broadcast_in_dim3A_169 {strides = array<i32>} : memref<1024x128xf32, #tpu.memory_space<vmem>>, vector<1024x128xf32>,
    } else {
    }
    %get3A = arith.constant 0 : index
    %get3A_2 = arith.constant 0 : index
    %get3A_3 = vector.load %arg2[%get3A, %get3A_2] : memref<2000x128xf32, #tpu.memory_space<vmem>>, vector<2000x128xf32>
    %bitcast_convert_type3A = tpu.bitcast %get3A_3 : vector<2000x128xf32> -> vector<2000x128xi32>
    %and3A = arith.constant 65535 : i32
    %and3A_4 = vector.broadcast %and3A : i32 to vector<2000x128xi32>
    %and3A_5 = arith.andi %bitcast_convert_type3A, %and3A_4 : vector<2000x128xi32>
    %convert_element_type3A_6 = arith.trunci %and3A_5 : vector<2000x128xi32> to vector<2000x128xi16>
    %bitcast_convert_type3A_7 = tpu.bitcast %convert_element_type3A_6 : vector<2000x128xi16> -> vector<2000x128xbf16>
    %convert_element_type3A_8 = arith.extf %bitcast_convert_type3A_7 : vector<2000x128xbf16> to vector<2000x128xf32>
    %shift_right_logical3A = arith.constant 16 : i32
    %shift_right_logical3A_9 = vector.broadcast %shift_right_logical3A : i32 to vector<2000x128xi32>
    %shift_right_logical3A_10 = arith.shrui %bitcast_convert_type3A, %shift_right_logical3A_9 : vector<2000x128xi32>
    %convert_element_type3A_11 = arith.trunci %shift_right_logical3A_10 : vector<2000x128xi32> to vector<2000x128xi16>
    %bitcast_convert_type3A_12 = tpu.bitcast %convert_element_type3A_11 : vector<2000x128xi16> -> vector<2000x128xbf16>
    %convert_element_type3A_13 = arith.extf %bitcast_convert_type3A_12 : vector<2000x128xbf16> to vector<2000x128xf32>
    %get3A_14 = arith.constant 0 : index
    %get3A_15 = arith.constant 0 : index
    %get3A_16 = vector.load %arg1[%get3A_14, %get3A_15] : memref<2000x256xf32, #tpu.memory_space<vmem>>, vector<2000x256xf32>
    %slice3A = vector.extract_strided_slice %get3A_16 {offsets = [0, 0], sizes = [2000, 128], strides = [1, 1]} : vector<2000x256xf32> to vector<2000x128xf32>
    %sub3A = arith.subf %slice3A, %convert_element_type3A_8 : vector<2000x128xf32>
    %add3A = arith.constant 9.99999997E-7 : f32
    %add3A_17 = vector.broadcast %add3A : f32 to vector<2000x128xf32>
    %add3A_18 = arith.addf %sub3A, %add3A_17 : vector<2000x128xf32>
    %slice3A_19 = vector.extract_strided_slice %get3A_16 {offsets = [0, 128], sizes = [2000, 128], strides = [1, 1]} : vector<2000x256xf32> to vector<2000x128xf32>
    %sub3A_20 = arith.subf %slice3A_19, %convert_element_type3A_13 : vector<2000x128xf32>
    %add3A_21 = arith.constant 9.99999997E-7 : f32
    %add3A_22 = vector.broadcast %add3A_21 : f32 to vector<2000x128xf32>
    %add3A_23 = arith.addf %sub3A_20, %add3A_22 : vector<2000x128xf32>
    %mul3A = arith.mulf %add3A_18, %add3A_18 : vector<2000x128xf32>
    %reduce_sum3A = arith.constant dense<0.000000e+00> : vector<2000xf32>
    %reduce_sum3A_24 = vector.multi_reduction <add>, %mul3A, %reduce_sum3A [1] : vector<2000x128xf32> to vector<2000xf32>
    %mul3A_25 = arith.mulf %add3A_23, %add3A_23 : vector<2000x128xf32>
    %reduce_sum3A_26 = arith.constant dense<0.000000e+00> : vector<2000xf32>
    %reduce_sum3A_27 = vector.multi_reduction <add>, %mul3A_25, %reduce_sum3A_26 [1] : vector<2000x128xf32> to vector<2000xf32>
    %add3A_28 = arith.addf %reduce_sum3A_24, %reduce_sum3A_27 : vector<2000xf32>
    %sqrt3A = math.sqrt %add3A_28 : vector<2000xf32>
    %broadcast_in_dim3A = vector.shape_cast %sqrt3A : vector<2000xf32> to vector<2000x1xf32>
    %get3A_29 = arith.constant 0 : index
    %get3A_30 = arith.constant 0 : index
    %get3A_31 = arith.constant 0 : index
    %get3A_32 = vector.load %arg3[%get3A_29, %get3A_30, %get3A_31] : memref<1x1x2000xi32, #tpu.memory_space<vmem>>, vector<1x1x2000xi32>
    %get3A_33 = vector.shape_cast %get3A_32 : vector<1x1x2000xi32> to vector<2000xi32>
    %reduce_min3A = vector.shape_cast %get3A_33 : vector<2000xi32> to vector<1x2000xi32>
    %reduce_min3A_34 = arith.constant dense<2147483647> : vector<1xi32>
    %reduce_min3A_35 = vector.multi_reduction <minsi>, %reduce_min3A, %reduce_min3A_34 [1] : vector<1x2000xi32> to vector<1xi32>
    %reduce_min3A_36 = vector.shape_cast %reduce_min3A_35 : vector<1xi32> to vector<1x1xi32>
    %reduce_min3A_37 = vector.extract %reduce_min3A_36[0, 0] : i32 from vector<1x1xi32>
    %jit3A = arith.constant 8 : i32
    %div3A = arith.divsi %reduce_min3A_37, %jit3A : i32
    %sign3A = arith.constant 0 : i32
    %sign3A_38 = arith.cmpi sgt, %reduce_min3A_37, %sign3A : i32
    %sign3A_39 = arith.extui %sign3A_38 : i1 to i32
    %sign3A_40 = arith.constant 0 : i32
    %sign3A_41 = arith.cmpi slt, %reduce_min3A_37, %sign3A_40 : i32
    %sign3A_42 = arith.extui %sign3A_41 : i1 to i32
    %sign3A_43 = arith.subi %sign3A_39, %sign3A_42 : i32
    %sign3A_44 = arith.constant 0 : i32
    %sign3A_45 = arith.cmpi sgt, %jit3A, %sign3A_44 : i32
    %sign3A_46 = arith.extui %sign3A_45 : i1 to i32
    %sign3A_47 = arith.constant 0 : i32
    %sign3A_48 = arith.cmpi slt, %jit3A, %sign3A_47 : i32
    %sign3A_49 = arith.extui %sign3A_48 : i1 to i32
    %sign3A_50 = arith.subi %sign3A_46, %sign3A_49 : i32
    %ne3A = arith.cmpi ne, %sign3A_43, %sign3A_50 : i32
    %rem3A = arith.remsi %reduce_min3A_37, %jit3A : i32
    %ne3A_51 = arith.constant 0 : i32
    %ne3A_52 = arith.cmpi ne, %rem3A, %ne3A_51 : i32
    %and3A_53 = arith.andi %ne3A, %ne3A_52 : i1
    %sub3A_54 = arith.constant 1 : i32
    %sub3A_55 = arith.subi %div3A, %sub3A_54 : i32
    %select_n3A = arith.select %and3A_53, %sub3A_55, %div3A : i32
    %mul3A_56 = arith.constant 8 : i32
    %mul3A_57 = arith.muli %select_n3A, %mul3A_56 : i32
    %min3A = arith.constant 768 : i32
    %min3A_58 = arith.minsi %mul3A_57, %min3A : i32
    %add3A_59 = arith.constant 0 : i32
    %add3A_60 = arith.addi %min3A_58, %add3A_59 : i32
    %multiple_of3A = tpu.assume_multiple %add3A_60, 8 : i32
    %sub3A_61 = vector.broadcast %multiple_of3A : i32 to vector<2000xi32>
    %sub3A_62 = arith.subi %get3A_33, %sub3A_61 : vector<2000xi32>
    %ge3A = arith.constant 0 : i32
    %ge3A_63 = vector.broadcast %ge3A : i32 to vector<2000xi32>
    %ge3A_64 = arith.cmpi sge, %sub3A_62, %ge3A_63 : vector<2000xi32>
    %lt3A = arith.constant 256 : i32
    %lt3A_65 = vector.broadcast %lt3A : i32 to vector<2000xi32>
    %lt3A_66 = arith.cmpi slt, %sub3A_62, %lt3A_65 : vector<2000xi32>
    %and3A_67 = arith.andi %ge3A_64, %lt3A_66 : vector<2000xi1>
    %reduce_or3A = arith.constant 1.000000e+00 : f32
    %reduce_or3A_68 = arith.constant 0.000000e+00 : f32
    %reduce_or3A_69 = vector.broadcast %reduce_or3A : f32 to vector<2000xf32>
    %reduce_or3A_70 = vector.broadcast %reduce_or3A_68 : f32 to vector<2000xf32>
    %reduce_or3A_71 = arith.select %and3A_67, %reduce_or3A_69, %reduce_or3A_70 : vector<2000xi1>, vector<2000xf32>
    %reduce_or3A_72 = vector.shape_cast %reduce_or3A_71 : vector<2000xf32> to vector<1x2000xf32>
    %reduce_or3A_73 = arith.constant dense<0xFF800000> : vector<1xf32>
    %reduce_or3A_74 = vector.multi_reduction <maximumf>, %reduce_or3A_72, %reduce_or3A_73 [1] : vector<1x2000xf32> to vector<1xf32>
    %reduce_or3A_75 = vector.shape_cast %reduce_or3A_74 : vector<1xf32> to vector<1x1xf32>
    %reduce_or3A_76 = vector.extract %reduce_or3A_75[0, 0] : f32 from vector<1x1xf32>
    %reduce_or3A_77 = arith.constant 0.000000e+00 : f32
    %reduce_or3A_78 = arith.cmpf ogt, %reduce_or3A_76, %reduce_or3A_77 : f32
    %convert_element_type3A_79 = arith.extui %reduce_or3A_78 : i1 to i32
    %cond3A_80 = arith.constant 0 : i32
    %cond3A_81 = arith.cmpi ne, %convert_element_type3A_79, %cond3A_80 : i32
    scf.if %cond3A_81 {
      %broadcast_in_dim3A_168 = vector.shape_cast %sub3A_62 : vector<2000xi32> to vector<2000x1xi32>
      %iota3A = tpu.iota {dimensions = array<i32: 1>} : vector<2000x256xi32>
      %eq3A_169 = vector.broadcast %broadcast_in_dim3A_168 : vector<2000x1xi32> to vector<2000x256xi32>
      %eq3A_170 = arith.cmpi eq, %eq3A_169, %iota3A : vector<2000x256xi32>
      %convert_element_type3A_171 = arith.extui %eq3A_170 : vector<2000x256xi1> to vector<2000x256xi32>
      %convert_element_type3A_172 = arith.sitofp %convert_element_type3A_171 : vector<2000x256xi32> to vector<2000x256xf32>
      %dot_general3A = arith.constant dense<0.000000e+00> : vector<256x1xf32>
      %dot_general3A_173 = tpu.matmul %convert_element_type3A_172, %broadcast_in_dim3A, %dot_general3A {dimension_numbers = #tpu.dot_dimension_numbers<[0], [0], [1], [1], [0, 1, 1, 1], [], []>, transpose_lhs_hint = false} : vector<2000x256xf32>, vector<2000x1xf32>, vector<256x1xf32> -> vector<256x1xf32>
      %get3A_174 = arith.index_cast %multiple_of3A : i32 to index
      %get3A_175 = arith.constant 0 : index
      %get3A_176 = vector.load %arg5[%get3A_174, %get3A_175] : memref<1024x128xf32, #tpu.memory_space<vmem>>, vector<256x128xf32>
      %add3A_177 = vector.broadcast %dot_general3A_173 : vector<256x1xf32> to vector<256x128xf32>
      %add3A_178 = arith.addf %get3A_176, %add3A_177 : vector<256x128xf32>
      %swap3A = arith.index_cast %multiple_of3A : i32 to index
      %swap3A_179 = arith.constant 0 : index
      %swap3A_180 = vector.load %arg5[%swap3A, %swap3A_179] : memref<1024x128xf32, #tpu.memory_space<vmem>>, vector<256x128xf32>
      tpu.vector_store %arg5[%swap3A, %swap3A_179], %add3A_178 {strides = array<i32>} : memref<1024x128xf32, #tpu.memory_space<vmem>>, vector<256x128xf32>,
    } else {
    }
    %add3A_82 = arith.constant 256 : i32
    %add3A_83 = arith.addi %min3A_58, %add3A_82 : i32
    %multiple_of3A_84 = tpu.assume_multiple %add3A_83, 8 : i32
    %sub3A_85 = vector.broadcast %multiple_of3A_84 : i32 to vector<2000xi32>
    %sub3A_86 = arith.subi %get3A_33, %sub3A_85 : vector<2000xi32>
    %ge3A_87 = arith.constant 0 : i32
    %ge3A_88 = vector.broadcast %ge3A_87 : i32 to vector<2000xi32>
    %ge3A_89 = arith.cmpi sge, %sub3A_86, %ge3A_88 : vector<2000xi32>
    %lt3A_90 = arith.constant 256 : i32
    %lt3A_91 = vector.broadcast %lt3A_90 : i32 to vector<2000xi32>
    %lt3A_92 = arith.cmpi slt, %sub3A_86, %lt3A_91 : vector<2000xi32>
    %and3A_93 = arith.andi %ge3A_89, %lt3A_92 : vector<2000xi1>
    %reduce_or3A_94 = arith.constant 1.000000e+00 : f32
    %reduce_or3A_95 = arith.constant 0.000000e+00 : f32
    %reduce_or3A_96 = vector.broadcast %reduce_or3A_94 : f32 to vector<2000xf32>
    %reduce_or3A_97 = vector.broadcast %reduce_or3A_95 : f32 to vector<2000xf32>
    %reduce_or3A_98 = arith.select %and3A_93, %reduce_or3A_96, %reduce_or3A_97 : vector<2000xi1>, vector<2000xf32>
    %reduce_or3A_99 = vector.shape_cast %reduce_or3A_98 : vector<2000xf32> to vector<1x2000xf32>
    %reduce_or3A_100 = arith.constant dense<0xFF800000> : vector<1xf32>
    %reduce_or3A_101 = vector.multi_reduction <maximumf>, %reduce_or3A_99, %reduce_or3A_100 [1] : vector<1x2000xf32> to vector<1xf32>
    %reduce_or3A_102 = vector.shape_cast %reduce_or3A_101 : vector<1xf32> to vector<1x1xf32>
    %reduce_or3A_103 = vector.extract %reduce_or3A_102[0, 0] : f32 from vector<1x1xf32>
    %reduce_or3A_104 = arith.constant 0.000000e+00 : f32
    %reduce_or3A_105 = arith.cmpf ogt, %reduce_or3A_103, %reduce_or3A_104 : f32
    %convert_element_type3A_106 = arith.extui %reduce_or3A_105 : i1 to i32
    %cond3A_107 = arith.constant 0 : i32
    %cond3A_108 = arith.cmpi ne, %convert_element_type3A_106, %cond3A_107 : i32
    scf.if %cond3A_108 {
      %broadcast_in_dim3A_168 = vector.shape_cast %sub3A_86 : vector<2000xi32> to vector<2000x1xi32>
      %iota3A = tpu.iota {dimensions = array<i32: 1>} : vector<2000x256xi32>
      %eq3A_169 = vector.broadcast %broadcast_in_dim3A_168 : vector<2000x1xi32> to vector<2000x256xi32>
      %eq3A_170 = arith.cmpi eq, %eq3A_169, %iota3A : vector<2000x256xi32>
      %convert_element_type3A_171 = arith.extui %eq3A_170 : vector<2000x256xi1> to vector<2000x256xi32>
      %convert_element_type3A_172 = arith.sitofp %convert_element_type3A_171 : vector<2000x256xi32> to vector<2000x256xf32>
      %dot_general3A = arith.constant dense<0.000000e+00> : vector<256x1xf32>
      %dot_general3A_173 = tpu.matmul %convert_element_type3A_172, %broadcast_in_dim3A, %dot_general3A {dimension_numbers = #tpu.dot_dimension_numbers<[0], [0], [1], [1], [0, 1, 1, 1], [], []>, transpose_lhs_hint = false} : vector<2000x256xf32>, vector<2000x1xf32>, vector<256x1xf32> -> vector<256x1xf32>
      %get3A_174 = arith.index_cast %multiple_of3A_84 : i32 to index
      %get3A_175 = arith.constant 0 : index
      %get3A_176 = vector.load %arg5[%get3A_174, %get3A_175] : memref<1024x128xf32, #tpu.memory_space<vmem>>, vector<256x128xf32>
      %add3A_177 = vector.broadcast %dot_general3A_173 : vector<256x1xf32> to vector<256x128xf32>
      %add3A_178 = arith.addf %get3A_176, %add3A_177 : vector<256x128xf32>
      %swap3A = arith.index_cast %multiple_of3A_84 : i32 to index
      %swap3A_179 = arith.constant 0 : index
      %swap3A_180 = vector.load %arg5[%swap3A, %swap3A_179] : memref<1024x128xf32, #tpu.memory_space<vmem>>, vector<256x128xf32>
      tpu.vector_store %arg5[%swap3A, %swap3A_179], %add3A_178 {strides = array<i32>} : memref<1024x128xf32, #tpu.memory_space<vmem>>, vector<256x128xf32>,
    } else {
    }
    %add3A_109 = arith.constant 512 : i32
    %add3A_110 = arith.addi %min3A_58, %add3A_109 : i32
    %multiple_of3A_111 = tpu.assume_multiple %add3A_110, 8 : i32
    %sub3A_112 = vector.broadcast %multiple_of3A_111 : i32 to vector<2000xi32>
    %sub3A_113 = arith.subi %get3A_33, %sub3A_112 : vector<2000xi32>
    %ge3A_114 = arith.constant 0 : i32
    %ge3A_115 = vector.broadcast %ge3A_114 : i32 to vector<2000xi32>
    %ge3A_116 = arith.cmpi sge, %sub3A_113, %ge3A_115 : vector<2000xi32>
    %lt3A_117 = arith.constant 256 : i32
    %lt3A_118 = vector.broadcast %lt3A_117 : i32 to vector<2000xi32>
    %lt3A_119 = arith.cmpi slt, %sub3A_113, %lt3A_118 : vector<2000xi32>
    %and3A_120 = arith.andi %ge3A_116, %lt3A_119 : vector<2000xi1>
    %reduce_or3A_121 = arith.constant 1.000000e+00 : f32
    %reduce_or3A_122 = arith.constant 0.000000e+00 : f32
    %reduce_or3A_123 = vector.broadcast %reduce_or3A_121 : f32 to vector<2000xf32>
    %reduce_or3A_124 = vector.broadcast %reduce_or3A_122 : f32 to vector<2000xf32>
    %reduce_or3A_125 = arith.select %and3A_120, %reduce_or3A_123, %reduce_or3A_124 : vector<2000xi1>, vector<2000xf32>
    %reduce_or3A_126 = vector.shape_cast %reduce_or3A_125 : vector<2000xf32> to vector<1x2000xf32>
    %reduce_or3A_127 = arith.constant dense<0xFF800000> : vector<1xf32>
    %reduce_or3A_128 = vector.multi_reduction <maximumf>, %reduce_or3A_126, %reduce_or3A_127 [1] : vector<1x2000xf32> to vector<1xf32>
    %reduce_or3A_129 = vector.shape_cast %reduce_or3A_128 : vector<1xf32> to vector<1x1xf32>
    %reduce_or3A_130 = vector.extract %reduce_or3A_129[0, 0] : f32 from vector<1x1xf32>
    %reduce_or3A_131 = arith.constant 0.000000e+00 : f32
    %reduce_or3A_132 = arith.cmpf ogt, %reduce_or3A_130, %reduce_or3A_131 : f32
    %convert_element_type3A_133 = arith.extui %reduce_or3A_132 : i1 to i32
    %cond3A_134 = arith.constant 0 : i32
    %cond3A_135 = arith.cmpi ne, %convert_element_type3A_133, %cond3A_134 : i32
    scf.if %cond3A_135 {
      %broadcast_in_dim3A_168 = vector.shape_cast %sub3A_113 : vector<2000xi32> to vector<2000x1xi32>
      %iota3A = tpu.iota {dimensions = array<i32: 1>} : vector<2000x256xi32>
      %eq3A_169 = vector.broadcast %broadcast_in_dim3A_168 : vector<2000x1xi32> to vector<2000x256xi32>
      %eq3A_170 = arith.cmpi eq, %eq3A_169, %iota3A : vector<2000x256xi32>
      %convert_element_type3A_171 = arith.extui %eq3A_170 : vector<2000x256xi1> to vector<2000x256xi32>
      %convert_element_type3A_172 = arith.sitofp %convert_element_type3A_171 : vector<2000x256xi32> to vector<2000x256xf32>
      %dot_general3A = arith.constant dense<0.000000e+00> : vector<256x1xf32>
      %dot_general3A_173 = tpu.matmul %convert_element_type3A_172, %broadcast_in_dim3A, %dot_general3A {dimension_numbers = #tpu.dot_dimension_numbers<[0], [0], [1], [1], [0, 1, 1, 1], [], []>, transpose_lhs_hint = false} : vector<2000x256xf32>, vector<2000x1xf32>, vector<256x1xf32> -> vector<256x1xf32>
      %get3A_174 = arith.index_cast %multiple_of3A_111 : i32 to index
      %get3A_175 = arith.constant 0 : index
      %get3A_176 = vector.load %arg5[%get3A_174, %get3A_175] : memref<1024x128xf32, #tpu.memory_space<vmem>>, vector<256x128xf32>
      %add3A_177 = vector.broadcast %dot_general3A_173 : vector<256x1xf32> to vector<256x128xf32>
      %add3A_178 = arith.addf %get3A_176, %add3A_177 : vector<256x128xf32>
      %swap3A = arith.index_cast %multiple_of3A_111 : i32 to index
      %swap3A_179 = arith.constant 0 : index
      %swap3A_180 = vector.load %arg5[%swap3A, %swap3A_179] : memref<1024x128xf32, #tpu.memory_space<vmem>>, vector<256x128xf32>
      tpu.vector_store %arg5[%swap3A, %swap3A_179], %add3A_178 {strides = array<i32>} : memref<1024x128xf32, #tpu.memory_space<vmem>>, vector<256x128xf32>,
    } else {
    }
    %add3A_136 = arith.constant 768 : i32
    %add3A_137 = arith.addi %min3A_58, %add3A_136 : i32
    %multiple_of3A_138 = tpu.assume_multiple %add3A_137, 8 : i32
    %sub3A_139 = vector.broadcast %multiple_of3A_138 : i32 to vector<2000xi32>
    %sub3A_140 = arith.subi %get3A_33, %sub3A_139 : vector<2000xi32>
    %ge3A_141 = arith.constant 0 : i32
    %ge3A_142 = vector.broadcast %ge3A_141 : i32 to vector<2000xi32>
    %ge3A_143 = arith.cmpi sge, %sub3A_140, %ge3A_142 : vector<2000xi32>
    %lt3A_144 = arith.constant 256 : i32
    %lt3A_145 = vector.broadcast %lt3A_144 : i32 to vector<2000xi32>
    %lt3A_146 = arith.cmpi slt, %sub3A_140, %lt3A_145 : vector<2000xi32>
    %and3A_147 = arith.andi %ge3A_143, %lt3A_146 : vector<2000xi1>
    %reduce_or3A_148 = arith.constant 1.000000e+00 : f32
    %reduce_or3A_149 = arith.constant 0.000000e+00 : f32
    %reduce_or3A_150 = vector.broadcast %reduce_or3A_148 : f32 to vector<2000xf32>
    %reduce_or3A_151 = vector.broadcast %reduce_or3A_149 : f32 to vector<2000xf32>
    %reduce_or3A_152 = arith.select %and3A_147, %reduce_or3A_150, %reduce_or3A_151 : vector<2000xi1>, vector<2000xf32>
    %reduce_or3A_153 = vector.shape_cast %reduce_or3A_152 : vector<2000xf32> to vector<1x2000xf32>
    %reduce_or3A_154 = arith.constant dense<0xFF800000> : vector<1xf32>
    %reduce_or3A_155 = vector.multi_reduction <maximumf>, %reduce_or3A_153, %reduce_or3A_154 [1] : vector<1x2000xf32> to vector<1xf32>
    %reduce_or3A_156 = vector.shape_cast %reduce_or3A_155 : vector<1xf32> to vector<1x1xf32>
    %reduce_or3A_157 = vector.extract %reduce_or3A_156[0, 0] : f32 from vector<1x1xf32>
    %reduce_or3A_158 = arith.constant 0.000000e+00 : f32
    %reduce_or3A_159 = arith.cmpf ogt, %reduce_or3A_157, %reduce_or3A_158 : f32
    %convert_element_type3A_160 = arith.extui %reduce_or3A_159 : i1 to i32
    %cond3A_161 = arith.constant 0 : i32
    %cond3A_162 = arith.cmpi ne, %convert_element_type3A_160, %cond3A_161 : i32
    scf.if %cond3A_162 {
      %broadcast_in_dim3A_168 = vector.shape_cast %sub3A_140 : vector<2000xi32> to vector<2000x1xi32>
      %iota3A = tpu.iota {dimensions = array<i32: 1>} : vector<2000x256xi32>
      %eq3A_169 = vector.broadcast %broadcast_in_dim3A_168 : vector<2000x1xi32> to vector<2000x256xi32>
      %eq3A_170 = arith.cmpi eq, %eq3A_169, %iota3A : vector<2000x256xi32>
      %convert_element_type3A_171 = arith.extui %eq3A_170 : vector<2000x256xi1> to vector<2000x256xi32>
      %convert_element_type3A_172 = arith.sitofp %convert_element_type3A_171 : vector<2000x256xi32> to vector<2000x256xf32>
      %dot_general3A = arith.constant dense<0.000000e+00> : vector<256x1xf32>
      %dot_general3A_173 = tpu.matmul %convert_element_type3A_172, %broadcast_in_dim3A, %dot_general3A {dimension_numbers = #tpu.dot_dimension_numbers<[0], [0], [1], [1], [0, 1, 1, 1], [], []>, transpose_lhs_hint = false} : vector<2000x256xf32>, vector<2000x1xf32>, vector<256x1xf32> -> vector<256x1xf32>
      %get3A_174 = arith.index_cast %multiple_of3A_138 : i32 to index
      %get3A_175 = arith.constant 0 : index
      %get3A_176 = vector.load %arg5[%get3A_174, %get3A_175] : memref<1024x128xf32, #tpu.memory_space<vmem>>, vector<256x128xf32>
      %add3A_177 = vector.broadcast %dot_general3A_173 : vector<256x1xf32> to vector<256x128xf32>
      %add3A_178 = arith.addf %get3A_176, %add3A_177 : vector<256x128xf32>
      %swap3A = arith.index_cast %multiple_of3A_138 : i32 to index
      %swap3A_179 = arith.constant 0 : index
      %swap3A_180 = vector.load %arg5[%swap3A, %swap3A_179] : memref<1024x128xf32, #tpu.memory_space<vmem>>, vector<256x128xf32>
      tpu.vector_store %arg5[%swap3A, %swap3A_179], %add3A_178 {strides = array<i32>} : memref<1024x128xf32, #tpu.memory_space<vmem>>, vector<256x128xf32>,
    } else {
    }
    %eq3A_163 = arith.constant 15 : i32
    %eq3A_164 = arith.cmpi eq, %arg0, %eq3A_163 : i32
    %convert_element_type3A_165 = arith.extui %eq3A_164 : i1 to i32
    %cond3A_166 = arith.constant 0 : i32
    %cond3A_167 = arith.cmpi ne, %convert_element_type3A_165, %cond3A_166 : i32
    scf.if %cond3A_167 {
      %get3A_168 = arith.constant 0 : index
      %get3A_169 = arith.constant 0 : index
      %get3A_170 = vector.load %arg5[%get3A_168, %get3A_169] : memref<1024x128xf32, #tpu.memory_space<vmem>>, vector<1024x128xf32>
      %swap3A = arith.constant 0 : index
      %swap3A_171 = arith.constant 0 : index
      %swap3A_172 = vector.load %arg4[%swap3A, %swap3A_171] : memref<1024x128xf32, #tpu.memory_space<vmem>>, vector<1024x128xf32>
      tpu.vector_store %arg4[%swap3A, %swap3A_171], %get3A_170 {strides = array<i32>} : memref<1024x128xf32, #tpu.memory_space<vmem>>, vector<1024x128xf32>,
    } else {
    }
    return
  }
  func.func @transform_0(%arg0: i32) -> (i32, i32) {
    %add3A = arith.constant 16 : i32
    %add3A_0 = arith.addi %add3A, %arg0 : i32
    %c0_i32 = arith.constant 0 : i32
    %c0_i32_1 = arith.constant 0 : i32
    return %add3A_0, %c0_i32 : i32, i32
  }
  func.func @transform_1(%arg0: i32) -> (i32, i32) {
    %c0_i32 = arith.constant 0 : i32
    %c0_i32_0 = arith.constant 0 : i32
    return %arg0, %c0_i32 : i32, i32
  }
  func.func @transform_2(%arg0: i32) -> (i32, i32, i32) {
    %add3A = arith.constant 16 : i32
    %add3A_0 = arith.addi %add3A, %arg0 : i32
    %c0_i32 = arith.constant 0 : i32
    %c0_i32_1 = arith.constant 0 : i32
    %c0_i32_2 = arith.constant 0 : i32
    return %add3A_0, %c0_i32, %c0_i32_1 : i32, i32, i32
  }
  func.func @transform_3(%arg0: i32) -> (i32, i32) {
    %c0_i32 = arith.constant 0 : i32
    %c0_i32_0 = arith.constant 0 : i32
    %c0_i32_1 = arith.constant 0 : i32
    return %c0_i32, %c0_i32_0 : i32, i32
  }
}

module attributes {stable_mosaic.version = 14 : i64} {
  func.func @_dist_body(%arg0: i32, %arg1: memref<2000x256xf32, #tpu.memory_space<vmem>>, %arg2: memref<2000x128xf32, #tpu.memory_space<vmem>>, %arg3: memref<1x1x2000xi32, #tpu.memory_space<vmem>>, %arg4: memref<1024x128xf32, #tpu.memory_space<vmem>>, %arg5: memref<1024x128xf32, #tpu.memory_space<vmem>>) attributes {dimension_semantics = [#tpu.dimension_semantics<arbitrary>], iteration_bounds = array<i64: 16>, scalar_prefetch = 0 : i64, scratch_operands = 1 : i64, tpu.core_type = #tpu.core_type<tc>, window_params = [{transform_indices = @transform_0, window_bounds = array<i64: 2000, 256>}, {transform_indices = @transform_1, window_bounds = array<i64: 2000, 128>}, {transform_indices = @transform_2, window_bounds = array<i64: 1, 1, 2000>}, {pipeline_mode = #tpu.pipeline_mode<synchronous>, transform_indices = @transform_3, window_bounds = array<i64: 1024, 128>}]} {
    %eq3A = arith.constant 0 : i32
    %eq3A_0 = arith.cmpi eq, %arg0, %eq3A : i32
    %convert_element_type3A = arith.extui %eq3A_0 : i1 to i32
    %cond3A = arith.constant 0 : i32
    %cond3A_1 = arith.cmpi ne, %convert_element_type3A, %cond3A : i32
    scf.if %cond3A_1 {
      %broadcast_in_dim3A_168 = arith.constant 0.000000e+00 : f32
      %broadcast_in_dim3A_169 = vector.broadcast %broadcast_in_dim3A_168 : f32 to vector<1024x128xf32>
      %swap3A = arith.constant 0 : index
      %swap3A_170 = arith.constant 0 : index
      %swap3A_171 = vector.load %arg5[%swap3A, %swap3A_170] : memref<1024x128xf32, #tpu.memory_space<vmem>>, vector<1024x128xf32>
      tpu.vector_store %arg5[%swap3A, %swap3A_170], %broadcast_in_dim3A_169 {strides = array<i32>} : memref<1024x128xf32, #tpu.memory_space<vmem>>, vector<1024x128xf32>,
    } else {
    }
    %get3A = arith.constant 0 : index
    %get3A_2 = arith.constant 0 : index
    %get3A_3 = vector.load %arg2[%get3A, %get3A_2] : memref<2000x128xf32, #tpu.memory_space<vmem>>, vector<2000x128xf32>
    %bitcast_convert_type3A = tpu.bitcast %get3A_3 : vector<2000x128xf32> -> vector<2000x128xi32>
    %and3A = arith.constant 65535 : i32
    %and3A_4 = vector.broadcast %and3A : i32 to vector<2000x128xi32>
    %and3A_5 = arith.andi %bitcast_convert_type3A, %and3A_4 : vector<2000x128xi32>
    %convert_element_type3A_6 = arith.trunci %and3A_5 : vector<2000x128xi32> to vector<2000x128xi16>
    %bitcast_convert_type3A_7 = tpu.bitcast %convert_element_type3A_6 : vector<2000x128xi16> -> vector<2000x128xbf16>
    %convert_element_type3A_8 = arith.extf %bitcast_convert_type3A_7 : vector<2000x128xbf16> to vector<2000x128xf32>
    %shift_right_logical3A = arith.constant 16 : i32
    %shift_right_logical3A_9 = vector.broadcast %shift_right_logical3A : i32 to vector<2000x128xi32>
    %shift_right_logical3A_10 = arith.shrui %bitcast_convert_type3A, %shift_right_logical3A_9 : vector<2000x128xi32>
    %convert_element_type3A_11 = arith.trunci %shift_right_logical3A_10 : vector<2000x128xi32> to vector<2000x128xi16>
    %bitcast_convert_type3A_12 = tpu.bitcast %convert_element_type3A_11 : vector<2000x128xi16> -> vector<2000x128xbf16>
    %convert_element_type3A_13 = arith.extf %bitcast_convert_type3A_12 : vector<2000x128xbf16> to vector<2000x128xf32>
    %get3A_14 = arith.constant 0 : index
    %get3A_15 = arith.constant 0 : index
    %get3A_16 = vector.load %arg1[%get3A_14, %get3A_15] : memref<2000x256xf32, #tpu.memory_space<vmem>>, vector<2000x256xf32>
    %slice3A = vector.extract_strided_slice %get3A_16 {offsets = [0, 0], sizes = [2000, 128], strides = [1, 1]} : vector<2000x256xf32> to vector<2000x128xf32>
    %sub3A = arith.subf %slice3A, %convert_element_type3A_8 : vector<2000x128xf32>
    %add3A = arith.constant 9.99999997E-7 : f32
    %add3A_17 = vector.broadcast %add3A : f32 to vector<2000x128xf32>
    %add3A_18 = arith.addf %sub3A, %add3A_17 : vector<2000x128xf32>
    %slice3A_19 = vector.extract_strided_slice %get3A_16 {offsets = [0, 128], sizes = [2000, 128], strides = [1, 1]} : vector<2000x256xf32> to vector<2000x128xf32>
    %sub3A_20 = arith.subf %slice3A_19, %convert_element_type3A_13 : vector<2000x128xf32>
    %add3A_21 = arith.constant 9.99999997E-7 : f32
    %add3A_22 = vector.broadcast %add3A_21 : f32 to vector<2000x128xf32>
    %add3A_23 = arith.addf %sub3A_20, %add3A_22 : vector<2000x128xf32>
    %mul3A = arith.mulf %add3A_18, %add3A_18 : vector<2000x128xf32>
    %reduce_sum3A = arith.constant dense<0.000000e+00> : vector<2000xf32>
    %reduce_sum3A_24 = vector.multi_reduction <add>, %mul3A, %reduce_sum3A [1] : vector<2000x128xf32> to vector<2000xf32>
    %mul3A_25 = arith.mulf %add3A_23, %add3A_23 : vector<2000x128xf32>
    %reduce_sum3A_26 = arith.constant dense<0.000000e+00> : vector<2000xf32>
    %reduce_sum3A_27 = vector.multi_reduction <add>, %mul3A_25, %reduce_sum3A_26 [1] : vector<2000x128xf32> to vector<2000xf32>
    %add3A_28 = arith.addf %reduce_sum3A_24, %reduce_sum3A_27 : vector<2000xf32>
    %sqrt3A = math.sqrt %add3A_28 : vector<2000xf32>
    %broadcast_in_dim3A = vector.shape_cast %sqrt3A : vector<2000xf32> to vector<2000x1xf32>
    %get3A_29 = arith.constant 0 : index
    %get3A_30 = arith.constant 0 : index
    %get3A_31 = arith.constant 0 : index
    %get3A_32 = vector.load %arg3[%get3A_29, %get3A_30, %get3A_31] : memref<1x1x2000xi32, #tpu.memory_space<vmem>>, vector<1x1x2000xi32>
    %get3A_33 = vector.shape_cast %get3A_32 : vector<1x1x2000xi32> to vector<2000xi32>
    %reduce_min3A = vector.shape_cast %get3A_33 : vector<2000xi32> to vector<1x2000xi32>
    %reduce_min3A_34 = arith.constant dense<2147483647> : vector<1xi32>
    %reduce_min3A_35 = vector.multi_reduction <minsi>, %reduce_min3A, %reduce_min3A_34 [1] : vector<1x2000xi32> to vector<1xi32>
    %reduce_min3A_36 = vector.shape_cast %reduce_min3A_35 : vector<1xi32> to vector<1x1xi32>
    %reduce_min3A_37 = vector.extract %reduce_min3A_36[0, 0] : i32 from vector<1x1xi32>
    %jit3A = arith.constant 8 : i32
    %div3A = arith.divsi %reduce_min3A_37, %jit3A : i32
    %sign3A = arith.constant 0 : i32
    %sign3A_38 = arith.cmpi sgt, %reduce_min3A_37, %sign3A : i32
    %sign3A_39 = arith.extui %sign3A_38 : i1 to i32
    %sign3A_40 = arith.constant 0 : i32
    %sign3A_41 = arith.cmpi slt, %reduce_min3A_37, %sign3A_40 : i32
    %sign3A_42 = arith.extui %sign3A_41 : i1 to i32
    %sign3A_43 = arith.subi %sign3A_39, %sign3A_42 : i32
    %sign3A_44 = arith.constant 0 : i32
    %sign3A_45 = arith.cmpi sgt, %jit3A, %sign3A_44 : i32
    %sign3A_46 = arith.extui %sign3A_45 : i1 to i32
    %sign3A_47 = arith.constant 0 : i32
    %sign3A_48 = arith.cmpi slt, %jit3A, %sign3A_47 : i32
    %sign3A_49 = arith.extui %sign3A_48 : i1 to i32
    %sign3A_50 = arith.subi %sign3A_46, %sign3A_49 : i32
    %ne3A = arith.cmpi ne, %sign3A_43, %sign3A_50 : i32
    %rem3A = arith.remsi %reduce_min3A_37, %jit3A : i32
    %ne3A_51 = arith.constant 0 : i32
    %ne3A_52 = arith.cmpi ne, %rem3A, %ne3A_51 : i32
    %and3A_53 = arith.andi %ne3A, %ne3A_52 : i1
    %sub3A_54 = arith.constant 1 : i32
    %sub3A_55 = arith.subi %div3A, %sub3A_54 : i32
    %select_n3A = arith.select %and3A_53, %sub3A_55, %div3A : i32
    %mul3A_56 = arith.constant 8 : i32
    %mul3A_57 = arith.muli %select_n3A, %mul3A_56 : i32
    %min3A = arith.constant 768 : i32
    %min3A_58 = arith.minsi %mul3A_57, %min3A : i32
    %add3A_59 = arith.constant 0 : i32
    %add3A_60 = arith.addi %min3A_58, %add3A_59 : i32
    %multiple_of3A = tpu.assume_multiple %add3A_60, 8 : i32
    %sub3A_61 = vector.broadcast %multiple_of3A : i32 to vector<2000xi32>
    %sub3A_62 = arith.subi %get3A_33, %sub3A_61 : vector<2000xi32>
    %ge3A = arith.constant 0 : i32
    %ge3A_63 = vector.broadcast %ge3A : i32 to vector<2000xi32>
    %ge3A_64 = arith.cmpi sge, %sub3A_62, %ge3A_63 : vector<2000xi32>
    %lt3A = arith.constant 256 : i32
    %lt3A_65 = vector.broadcast %lt3A : i32 to vector<2000xi32>
    %lt3A_66 = arith.cmpi slt, %sub3A_62, %lt3A_65 : vector<2000xi32>
    %and3A_67 = arith.andi %ge3A_64, %lt3A_66 : vector<2000xi1>
    %reduce_or3A = arith.constant 1.000000e+00 : f32
    %reduce_or3A_68 = arith.constant 0.000000e+00 : f32
    %reduce_or3A_69 = vector.broadcast %reduce_or3A : f32 to vector<2000xf32>
    %reduce_or3A_70 = vector.broadcast %reduce_or3A_68 : f32 to vector<2000xf32>
    %reduce_or3A_71 = arith.select %and3A_67, %reduce_or3A_69, %reduce_or3A_70 : vector<2000xi1>, vector<2000xf32>
    %reduce_or3A_72 = vector.shape_cast %reduce_or3A_71 : vector<2000xf32> to vector<1x2000xf32>
    %reduce_or3A_73 = arith.constant dense<0xFF800000> : vector<1xf32>
    %reduce_or3A_74 = vector.multi_reduction <maximumf>, %reduce_or3A_72, %reduce_or3A_73 [1] : vector<1x2000xf32> to vector<1xf32>
    %reduce_or3A_75 = vector.shape_cast %reduce_or3A_74 : vector<1xf32> to vector<1x1xf32>
    %reduce_or3A_76 = vector.extract %reduce_or3A_75[0, 0] : f32 from vector<1x1xf32>
    %reduce_or3A_77 = arith.constant 0.000000e+00 : f32
    %reduce_or3A_78 = arith.cmpf ogt, %reduce_or3A_76, %reduce_or3A_77 : f32
    %convert_element_type3A_79 = arith.extui %reduce_or3A_78 : i1 to i32
    %cond3A_80 = arith.constant 0 : i32
    %cond3A_81 = arith.cmpi ne, %convert_element_type3A_79, %cond3A_80 : i32
    scf.if %cond3A_81 {
      %broadcast_in_dim3A_168 = vector.shape_cast %sub3A_62 : vector<2000xi32> to vector<2000x1xi32>
      %iota3A = tpu.iota {dimensions = array<i32: 1>} : vector<2000x256xi32>
      %eq3A_169 = vector.broadcast %broadcast_in_dim3A_168 : vector<2000x1xi32> to vector<2000x256xi32>
      %eq3A_170 = arith.cmpi eq, %eq3A_169, %iota3A : vector<2000x256xi32>
      %convert_element_type3A_171 = arith.extui %eq3A_170 : vector<2000x256xi1> to vector<2000x256xi32>
      %convert_element_type3A_172 = arith.sitofp %convert_element_type3A_171 : vector<2000x256xi32> to vector<2000x256xf32>
      %dot_general3A = arith.constant dense<0.000000e+00> : vector<256x1xf32>
      %dot_general3A_173 = tpu.matmul %convert_element_type3A_172, %broadcast_in_dim3A, %dot_general3A {dimension_numbers = #tpu.dot_dimension_numbers<[0], [0], [1], [1], [0, 1, 1, 1], [], []>, transpose_lhs_hint = false} : vector<2000x256xf32>, vector<2000x1xf32>, vector<256x1xf32> -> vector<256x1xf32>
      %get3A_174 = arith.index_cast %multiple_of3A : i32 to index
      %get3A_175 = arith.constant 0 : index
      %get3A_176 = vector.load %arg5[%get3A_174, %get3A_175] : memref<1024x128xf32, #tpu.memory_space<vmem>>, vector<256x128xf32>
      %add3A_177 = vector.broadcast %dot_general3A_173 : vector<256x1xf32> to vector<256x128xf32>
      %add3A_178 = arith.addf %get3A_176, %add3A_177 : vector<256x128xf32>
      %swap3A = arith.index_cast %multiple_of3A : i32 to index
      %swap3A_179 = arith.constant 0 : index
      %swap3A_180 = vector.load %arg5[%swap3A, %swap3A_179] : memref<1024x128xf32, #tpu.memory_space<vmem>>, vector<256x128xf32>
      tpu.vector_store %arg5[%swap3A, %swap3A_179], %add3A_178 {strides = array<i32>} : memref<1024x128xf32, #tpu.memory_space<vmem>>, vector<256x128xf32>,
    } else {
    }
    %add3A_82 = arith.constant 256 : i32
    %add3A_83 = arith.addi %min3A_58, %add3A_82 : i32
    %multiple_of3A_84 = tpu.assume_multiple %add3A_83, 8 : i32
    %sub3A_85 = vector.broadcast %multiple_of3A_84 : i32 to vector<2000xi32>
    %sub3A_86 = arith.subi %get3A_33, %sub3A_85 : vector<2000xi32>
    %ge3A_87 = arith.constant 0 : i32
    %ge3A_88 = vector.broadcast %ge3A_87 : i32 to vector<2000xi32>
    %ge3A_89 = arith.cmpi sge, %sub3A_86, %ge3A_88 : vector<2000xi32>
    %lt3A_90 = arith.constant 256 : i32
    %lt3A_91 = vector.broadcast %lt3A_90 : i32 to vector<2000xi32>
    %lt3A_92 = arith.cmpi slt, %sub3A_86, %lt3A_91 : vector<2000xi32>
    %and3A_93 = arith.andi %ge3A_89, %lt3A_92 : vector<2000xi1>
    %reduce_or3A_94 = arith.constant 1.000000e+00 : f32
    %reduce_or3A_95 = arith.constant 0.000000e+00 : f32
    %reduce_or3A_96 = vector.broadcast %reduce_or3A_94 : f32 to vector<2000xf32>
    %reduce_or3A_97 = vector.broadcast %reduce_or3A_95 : f32 to vector<2000xf32>
    %reduce_or3A_98 = arith.select %and3A_93, %reduce_or3A_96, %reduce_or3A_97 : vector<2000xi1>, vector<2000xf32>
    %reduce_or3A_99 = vector.shape_cast %reduce_or3A_98 : vector<2000xf32> to vector<1x2000xf32>
    %reduce_or3A_100 = arith.constant dense<0xFF800000> : vector<1xf32>
    %reduce_or3A_101 = vector.multi_reduction <maximumf>, %reduce_or3A_99, %reduce_or3A_100 [1] : vector<1x2000xf32> to vector<1xf32>
    %reduce_or3A_102 = vector.shape_cast %reduce_or3A_101 : vector<1xf32> to vector<1x1xf32>
    %reduce_or3A_103 = vector.extract %reduce_or3A_102[0, 0] : f32 from vector<1x1xf32>
    %reduce_or3A_104 = arith.constant 0.000000e+00 : f32
    %reduce_or3A_105 = arith.cmpf ogt, %reduce_or3A_103, %reduce_or3A_104 : f32
    %convert_element_type3A_106 = arith.extui %reduce_or3A_105 : i1 to i32
    %cond3A_107 = arith.constant 0 : i32
    %cond3A_108 = arith.cmpi ne, %convert_element_type3A_106, %cond3A_107 : i32
    scf.if %cond3A_108 {
      %broadcast_in_dim3A_168 = vector.shape_cast %sub3A_86 : vector<2000xi32> to vector<2000x1xi32>
      %iota3A = tpu.iota {dimensions = array<i32: 1>} : vector<2000x256xi32>
      %eq3A_169 = vector.broadcast %broadcast_in_dim3A_168 : vector<2000x1xi32> to vector<2000x256xi32>
      %eq3A_170 = arith.cmpi eq, %eq3A_169, %iota3A : vector<2000x256xi32>
      %convert_element_type3A_171 = arith.extui %eq3A_170 : vector<2000x256xi1> to vector<2000x256xi32>
      %convert_element_type3A_172 = arith.sitofp %convert_element_type3A_171 : vector<2000x256xi32> to vector<2000x256xf32>
      %dot_general3A = arith.constant dense<0.000000e+00> : vector<256x1xf32>
      %dot_general3A_173 = tpu.matmul %convert_element_type3A_172, %broadcast_in_dim3A, %dot_general3A {dimension_numbers = #tpu.dot_dimension_numbers<[0], [0], [1], [1], [0, 1, 1, 1], [], []>, transpose_lhs_hint = false} : vector<2000x256xf32>, vector<2000x1xf32>, vector<256x1xf32> -> vector<256x1xf32>
      %get3A_174 = arith.index_cast %multiple_of3A_84 : i32 to index
      %get3A_175 = arith.constant 0 : index
      %get3A_176 = vector.load %arg5[%get3A_174, %get3A_175] : memref<1024x128xf32, #tpu.memory_space<vmem>>, vector<256x128xf32>
      %add3A_177 = vector.broadcast %dot_general3A_173 : vector<256x1xf32> to vector<256x128xf32>
      %add3A_178 = arith.addf %get3A_176, %add3A_177 : vector<256x128xf32>
      %swap3A = arith.index_cast %multiple_of3A_84 : i32 to index
      %swap3A_179 = arith.constant 0 : index
      %swap3A_180 = vector.load %arg5[%swap3A, %swap3A_179] : memref<1024x128xf32, #tpu.memory_space<vmem>>, vector<256x128xf32>
      tpu.vector_store %arg5[%swap3A, %swap3A_179], %add3A_178 {strides = array<i32>} : memref<1024x128xf32, #tpu.memory_space<vmem>>, vector<256x128xf32>,
    } else {
    }
    %add3A_109 = arith.constant 512 : i32
    %add3A_110 = arith.addi %min3A_58, %add3A_109 : i32
    %multiple_of3A_111 = tpu.assume_multiple %add3A_110, 8 : i32
    %sub3A_112 = vector.broadcast %multiple_of3A_111 : i32 to vector<2000xi32>
    %sub3A_113 = arith.subi %get3A_33, %sub3A_112 : vector<2000xi32>
    %ge3A_114 = arith.constant 0 : i32
    %ge3A_115 = vector.broadcast %ge3A_114 : i32 to vector<2000xi32>
    %ge3A_116 = arith.cmpi sge, %sub3A_113, %ge3A_115 : vector<2000xi32>
    %lt3A_117 = arith.constant 256 : i32
    %lt3A_118 = vector.broadcast %lt3A_117 : i32 to vector<2000xi32>
    %lt3A_119 = arith.cmpi slt, %sub3A_113, %lt3A_118 : vector<2000xi32>
    %and3A_120 = arith.andi %ge3A_116, %lt3A_119 : vector<2000xi1>
    %reduce_or3A_121 = arith.constant 1.000000e+00 : f32
    %reduce_or3A_122 = arith.constant 0.000000e+00 : f32
    %reduce_or3A_123 = vector.broadcast %reduce_or3A_121 : f32 to vector<2000xf32>
    %reduce_or3A_124 = vector.broadcast %reduce_or3A_122 : f32 to vector<2000xf32>
    %reduce_or3A_125 = arith.select %and3A_120, %reduce_or3A_123, %reduce_or3A_124 : vector<2000xi1>, vector<2000xf32>
    %reduce_or3A_126 = vector.shape_cast %reduce_or3A_125 : vector<2000xf32> to vector<1x2000xf32>
    %reduce_or3A_127 = arith.constant dense<0xFF800000> : vector<1xf32>
    %reduce_or3A_128 = vector.multi_reduction <maximumf>, %reduce_or3A_126, %reduce_or3A_127 [1] : vector<1x2000xf32> to vector<1xf32>
    %reduce_or3A_129 = vector.shape_cast %reduce_or3A_128 : vector<1xf32> to vector<1x1xf32>
    %reduce_or3A_130 = vector.extract %reduce_or3A_129[0, 0] : f32 from vector<1x1xf32>
    %reduce_or3A_131 = arith.constant 0.000000e+00 : f32
    %reduce_or3A_132 = arith.cmpf ogt, %reduce_or3A_130, %reduce_or3A_131 : f32
    %convert_element_type3A_133 = arith.extui %reduce_or3A_132 : i1 to i32
    %cond3A_134 = arith.constant 0 : i32
    %cond3A_135 = arith.cmpi ne, %convert_element_type3A_133, %cond3A_134 : i32
    scf.if %cond3A_135 {
      %broadcast_in_dim3A_168 = vector.shape_cast %sub3A_113 : vector<2000xi32> to vector<2000x1xi32>
      %iota3A = tpu.iota {dimensions = array<i32: 1>} : vector<2000x256xi32>
      %eq3A_169 = vector.broadcast %broadcast_in_dim3A_168 : vector<2000x1xi32> to vector<2000x256xi32>
      %eq3A_170 = arith.cmpi eq, %eq3A_169, %iota3A : vector<2000x256xi32>
      %convert_element_type3A_171 = arith.extui %eq3A_170 : vector<2000x256xi1> to vector<2000x256xi32>
      %convert_element_type3A_172 = arith.sitofp %convert_element_type3A_171 : vector<2000x256xi32> to vector<2000x256xf32>
      %dot_general3A = arith.constant dense<0.000000e+00> : vector<256x1xf32>
      %dot_general3A_173 = tpu.matmul %convert_element_type3A_172, %broadcast_in_dim3A, %dot_general3A {dimension_numbers = #tpu.dot_dimension_numbers<[0], [0], [1], [1], [0, 1, 1, 1], [], []>, transpose_lhs_hint = false} : vector<2000x256xf32>, vector<2000x1xf32>, vector<256x1xf32> -> vector<256x1xf32>
      %get3A_174 = arith.index_cast %multiple_of3A_111 : i32 to index
      %get3A_175 = arith.constant 0 : index
      %get3A_176 = vector.load %arg5[%get3A_174, %get3A_175] : memref<1024x128xf32, #tpu.memory_space<vmem>>, vector<256x128xf32>
      %add3A_177 = vector.broadcast %dot_general3A_173 : vector<256x1xf32> to vector<256x128xf32>
      %add3A_178 = arith.addf %get3A_176, %add3A_177 : vector<256x128xf32>
      %swap3A = arith.index_cast %multiple_of3A_111 : i32 to index
      %swap3A_179 = arith.constant 0 : index
      %swap3A_180 = vector.load %arg5[%swap3A, %swap3A_179] : memref<1024x128xf32, #tpu.memory_space<vmem>>, vector<256x128xf32>
      tpu.vector_store %arg5[%swap3A, %swap3A_179], %add3A_178 {strides = array<i32>} : memref<1024x128xf32, #tpu.memory_space<vmem>>, vector<256x128xf32>,
    } else {
    }
    %add3A_136 = arith.constant 768 : i32
    %add3A_137 = arith.addi %min3A_58, %add3A_136 : i32
    %multiple_of3A_138 = tpu.assume_multiple %add3A_137, 8 : i32
    %sub3A_139 = vector.broadcast %multiple_of3A_138 : i32 to vector<2000xi32>
    %sub3A_140 = arith.subi %get3A_33, %sub3A_139 : vector<2000xi32>
    %ge3A_141 = arith.constant 0 : i32
    %ge3A_142 = vector.broadcast %ge3A_141 : i32 to vector<2000xi32>
    %ge3A_143 = arith.cmpi sge, %sub3A_140, %ge3A_142 : vector<2000xi32>
    %lt3A_144 = arith.constant 256 : i32
    %lt3A_145 = vector.broadcast %lt3A_144 : i32 to vector<2000xi32>
    %lt3A_146 = arith.cmpi slt, %sub3A_140, %lt3A_145 : vector<2000xi32>
    %and3A_147 = arith.andi %ge3A_143, %lt3A_146 : vector<2000xi1>
    %reduce_or3A_148 = arith.constant 1.000000e+00 : f32
    %reduce_or3A_149 = arith.constant 0.000000e+00 : f32
    %reduce_or3A_150 = vector.broadcast %reduce_or3A_148 : f32 to vector<2000xf32>
    %reduce_or3A_151 = vector.broadcast %reduce_or3A_149 : f32 to vector<2000xf32>
    %reduce_or3A_152 = arith.select %and3A_147, %reduce_or3A_150, %reduce_or3A_151 : vector<2000xi1>, vector<2000xf32>
    %reduce_or3A_153 = vector.shape_cast %reduce_or3A_152 : vector<2000xf32> to vector<1x2000xf32>
    %reduce_or3A_154 = arith.constant dense<0xFF800000> : vector<1xf32>
    %reduce_or3A_155 = vector.multi_reduction <maximumf>, %reduce_or3A_153, %reduce_or3A_154 [1] : vector<1x2000xf32> to vector<1xf32>
    %reduce_or3A_156 = vector.shape_cast %reduce_or3A_155 : vector<1xf32> to vector<1x1xf32>
    %reduce_or3A_157 = vector.extract %reduce_or3A_156[0, 0] : f32 from vector<1x1xf32>
    %reduce_or3A_158 = arith.constant 0.000000e+00 : f32
    %reduce_or3A_159 = arith.cmpf ogt, %reduce_or3A_157, %reduce_or3A_158 : f32
    %convert_element_type3A_160 = arith.extui %reduce_or3A_159 : i1 to i32
    %cond3A_161 = arith.constant 0 : i32
    %cond3A_162 = arith.cmpi ne, %convert_element_type3A_160, %cond3A_161 : i32
    scf.if %cond3A_162 {
      %broadcast_in_dim3A_168 = vector.shape_cast %sub3A_140 : vector<2000xi32> to vector<2000x1xi32>
      %iota3A = tpu.iota {dimensions = array<i32: 1>} : vector<2000x256xi32>
      %eq3A_169 = vector.broadcast %broadcast_in_dim3A_168 : vector<2000x1xi32> to vector<2000x256xi32>
      %eq3A_170 = arith.cmpi eq, %eq3A_169, %iota3A : vector<2000x256xi32>
      %convert_element_type3A_171 = arith.extui %eq3A_170 : vector<2000x256xi1> to vector<2000x256xi32>
      %convert_element_type3A_172 = arith.sitofp %convert_element_type3A_171 : vector<2000x256xi32> to vector<2000x256xf32>
      %dot_general3A = arith.constant dense<0.000000e+00> : vector<256x1xf32>
      %dot_general3A_173 = tpu.matmul %convert_element_type3A_172, %broadcast_in_dim3A, %dot_general3A {dimension_numbers = #tpu.dot_dimension_numbers<[0], [0], [1], [1], [0, 1, 1, 1], [], []>, transpose_lhs_hint = false} : vector<2000x256xf32>, vector<2000x1xf32>, vector<256x1xf32> -> vector<256x1xf32>
      %get3A_174 = arith.index_cast %multiple_of3A_138 : i32 to index
      %get3A_175 = arith.constant 0 : index
      %get3A_176 = vector.load %arg5[%get3A_174, %get3A_175] : memref<1024x128xf32, #tpu.memory_space<vmem>>, vector<256x128xf32>
      %add3A_177 = vector.broadcast %dot_general3A_173 : vector<256x1xf32> to vector<256x128xf32>
      %add3A_178 = arith.addf %get3A_176, %add3A_177 : vector<256x128xf32>
      %swap3A = arith.index_cast %multiple_of3A_138 : i32 to index
      %swap3A_179 = arith.constant 0 : index
      %swap3A_180 = vector.load %arg5[%swap3A, %swap3A_179] : memref<1024x128xf32, #tpu.memory_space<vmem>>, vector<256x128xf32>
      tpu.vector_store %arg5[%swap3A, %swap3A_179], %add3A_178 {strides = array<i32>} : memref<1024x128xf32, #tpu.memory_space<vmem>>, vector<256x128xf32>,
    } else {
    }
    %eq3A_163 = arith.constant 15 : i32
    %eq3A_164 = arith.cmpi eq, %arg0, %eq3A_163 : i32
    %convert_element_type3A_165 = arith.extui %eq3A_164 : i1 to i32
    %cond3A_166 = arith.constant 0 : i32
    %cond3A_167 = arith.cmpi ne, %convert_element_type3A_165, %cond3A_166 : i32
    scf.if %cond3A_167 {
      %get3A_168 = arith.constant 0 : index
      %get3A_169 = arith.constant 0 : index
      %get3A_170 = vector.load %arg5[%get3A_168, %get3A_169] : memref<1024x128xf32, #tpu.memory_space<vmem>>, vector<1024x128xf32>
      %swap3A = arith.constant 0 : index
      %swap3A_171 = arith.constant 0 : index
      %swap3A_172 = vector.load %arg4[%swap3A, %swap3A_171] : memref<1024x128xf32, #tpu.memory_space<vmem>>, vector<1024x128xf32>
      tpu.vector_store %arg4[%swap3A, %swap3A_171], %get3A_170 {strides = array<i32>} : memref<1024x128xf32, #tpu.memory_space<vmem>>, vector<1024x128xf32>,
    } else {
    }
    return
  }
  func.func @transform_0(%arg0: i32) -> (i32, i32) {
    %add3A = arith.constant 0 : i32
    %add3A_0 = arith.addi %add3A, %arg0 : i32
    %c0_i32 = arith.constant 0 : i32
    %c0_i32_1 = arith.constant 0 : i32
    return %add3A_0, %c0_i32 : i32, i32
  }
  func.func @transform_1(%arg0: i32) -> (i32, i32) {
    %c0_i32 = arith.constant 0 : i32
    %c0_i32_0 = arith.constant 0 : i32
    return %arg0, %c0_i32 : i32, i32
  }
  func.func @transform_2(%arg0: i32) -> (i32, i32, i32) {
    %add3A = arith.constant 0 : i32
    %add3A_0 = arith.addi %add3A, %arg0 : i32
    %c0_i32 = arith.constant 0 : i32
    %c0_i32_1 = arith.constant 0 : i32
    %c0_i32_2 = arith.constant 0 : i32
    return %add3A_0, %c0_i32, %c0_i32_1 : i32, i32, i32
  }
  func.func @transform_3(%arg0: i32) -> (i32, i32) {
    %c0_i32 = arith.constant 0 : i32
    %c0_i32_0 = arith.constant 0 : i32
    %c0_i32_1 = arith.constant 0 : i32
    return %c0_i32, %c0_i32_0 : i32, i32
  }
}

module attributes {stable_mosaic.version = 14 : i64} {
  func.func @_dist_body(%arg0: i32, %arg1: memref<2000x256xf32, #tpu.memory_space<vmem>>, %arg2: memref<2000x128xf32, #tpu.memory_space<vmem>>, %arg3: memref<1x1x2000xi32, #tpu.memory_space<vmem>>, %arg4: memref<1024x128xf32, #tpu.memory_space<vmem>>, %arg5: memref<1024x128xf32, #tpu.memory_space<vmem>>) attributes {dimension_semantics = [#tpu.dimension_semantics<arbitrary>], iteration_bounds = array<i64: 16>, scalar_prefetch = 0 : i64, scratch_operands = 1 : i64, tpu.core_type = #tpu.core_type<tc>, window_params = [{transform_indices = @transform_0, window_bounds = array<i64: 2000, 256>}, {transform_indices = @transform_1, window_bounds = array<i64: 2000, 128>}, {transform_indices = @transform_2, window_bounds = array<i64: 1, 1, 2000>}, {pipeline_mode = #tpu.pipeline_mode<synchronous>, transform_indices = @transform_3, window_bounds = array<i64: 1024, 128>}]} {
    %eq3A = arith.constant 0 : i32
    %eq3A_0 = arith.cmpi eq, %arg0, %eq3A : i32
    %convert_element_type3A = arith.extui %eq3A_0 : i1 to i32
    %cond3A = arith.constant 0 : i32
    %cond3A_1 = arith.cmpi ne, %convert_element_type3A, %cond3A : i32
    scf.if %cond3A_1 {
      %broadcast_in_dim3A_168 = arith.constant 0.000000e+00 : f32
      %broadcast_in_dim3A_169 = vector.broadcast %broadcast_in_dim3A_168 : f32 to vector<1024x128xf32>
      %swap3A = arith.constant 0 : index
      %swap3A_170 = arith.constant 0 : index
      %swap3A_171 = vector.load %arg5[%swap3A, %swap3A_170] : memref<1024x128xf32, #tpu.memory_space<vmem>>, vector<1024x128xf32>
      tpu.vector_store %arg5[%swap3A, %swap3A_170], %broadcast_in_dim3A_169 {strides = array<i32>} : memref<1024x128xf32, #tpu.memory_space<vmem>>, vector<1024x128xf32>,
    } else {
    }
    %get3A = arith.constant 0 : index
    %get3A_2 = arith.constant 0 : index
    %get3A_3 = vector.load %arg2[%get3A, %get3A_2] : memref<2000x128xf32, #tpu.memory_space<vmem>>, vector<2000x128xf32>
    %bitcast_convert_type3A = tpu.bitcast %get3A_3 : vector<2000x128xf32> -> vector<2000x128xi32>
    %and3A = arith.constant 65535 : i32
    %and3A_4 = vector.broadcast %and3A : i32 to vector<2000x128xi32>
    %and3A_5 = arith.andi %bitcast_convert_type3A, %and3A_4 : vector<2000x128xi32>
    %convert_element_type3A_6 = arith.trunci %and3A_5 : vector<2000x128xi32> to vector<2000x128xi16>
    %bitcast_convert_type3A_7 = tpu.bitcast %convert_element_type3A_6 : vector<2000x128xi16> -> vector<2000x128xbf16>
    %convert_element_type3A_8 = arith.extf %bitcast_convert_type3A_7 : vector<2000x128xbf16> to vector<2000x128xf32>
    %shift_right_logical3A = arith.constant 16 : i32
    %shift_right_logical3A_9 = vector.broadcast %shift_right_logical3A : i32 to vector<2000x128xi32>
    %shift_right_logical3A_10 = arith.shrui %bitcast_convert_type3A, %shift_right_logical3A_9 : vector<2000x128xi32>
    %convert_element_type3A_11 = arith.trunci %shift_right_logical3A_10 : vector<2000x128xi32> to vector<2000x128xi16>
    %bitcast_convert_type3A_12 = tpu.bitcast %convert_element_type3A_11 : vector<2000x128xi16> -> vector<2000x128xbf16>
    %convert_element_type3A_13 = arith.extf %bitcast_convert_type3A_12 : vector<2000x128xbf16> to vector<2000x128xf32>
    %get3A_14 = arith.constant 0 : index
    %get3A_15 = arith.constant 0 : index
    %get3A_16 = vector.load %arg1[%get3A_14, %get3A_15] : memref<2000x256xf32, #tpu.memory_space<vmem>>, vector<2000x256xf32>
    %slice3A = vector.extract_strided_slice %get3A_16 {offsets = [0, 0], sizes = [2000, 128], strides = [1, 1]} : vector<2000x256xf32> to vector<2000x128xf32>
    %sub3A = arith.subf %slice3A, %convert_element_type3A_8 : vector<2000x128xf32>
    %add3A = arith.constant 9.99999997E-7 : f32
    %add3A_17 = vector.broadcast %add3A : f32 to vector<2000x128xf32>
    %add3A_18 = arith.addf %sub3A, %add3A_17 : vector<2000x128xf32>
    %slice3A_19 = vector.extract_strided_slice %get3A_16 {offsets = [0, 128], sizes = [2000, 128], strides = [1, 1]} : vector<2000x256xf32> to vector<2000x128xf32>
    %sub3A_20 = arith.subf %slice3A_19, %convert_element_type3A_13 : vector<2000x128xf32>
    %add3A_21 = arith.constant 9.99999997E-7 : f32
    %add3A_22 = vector.broadcast %add3A_21 : f32 to vector<2000x128xf32>
    %add3A_23 = arith.addf %sub3A_20, %add3A_22 : vector<2000x128xf32>
    %mul3A = arith.mulf %add3A_18, %add3A_18 : vector<2000x128xf32>
    %reduce_sum3A = arith.constant dense<0.000000e+00> : vector<2000xf32>
    %reduce_sum3A_24 = vector.multi_reduction <add>, %mul3A, %reduce_sum3A [1] : vector<2000x128xf32> to vector<2000xf32>
    %mul3A_25 = arith.mulf %add3A_23, %add3A_23 : vector<2000x128xf32>
    %reduce_sum3A_26 = arith.constant dense<0.000000e+00> : vector<2000xf32>
    %reduce_sum3A_27 = vector.multi_reduction <add>, %mul3A_25, %reduce_sum3A_26 [1] : vector<2000x128xf32> to vector<2000xf32>
    %add3A_28 = arith.addf %reduce_sum3A_24, %reduce_sum3A_27 : vector<2000xf32>
    %sqrt3A = math.sqrt %add3A_28 : vector<2000xf32>
    %broadcast_in_dim3A = vector.shape_cast %sqrt3A : vector<2000xf32> to vector<2000x1xf32>
    %get3A_29 = arith.constant 0 : index
    %get3A_30 = arith.constant 0 : index
    %get3A_31 = arith.constant 0 : index
    %get3A_32 = vector.load %arg3[%get3A_29, %get3A_30, %get3A_31] : memref<1x1x2000xi32, #tpu.memory_space<vmem>>, vector<1x1x2000xi32>
    %get3A_33 = vector.shape_cast %get3A_32 : vector<1x1x2000xi32> to vector<2000xi32>
    %reduce_min3A = vector.shape_cast %get3A_33 : vector<2000xi32> to vector<1x2000xi32>
    %reduce_min3A_34 = arith.constant dense<2147483647> : vector<1xi32>
    %reduce_min3A_35 = vector.multi_reduction <minsi>, %reduce_min3A, %reduce_min3A_34 [1] : vector<1x2000xi32> to vector<1xi32>
    %reduce_min3A_36 = vector.shape_cast %reduce_min3A_35 : vector<1xi32> to vector<1x1xi32>
    %reduce_min3A_37 = vector.extract %reduce_min3A_36[0, 0] : i32 from vector<1x1xi32>
    %jit3A = arith.constant 8 : i32
    %div3A = arith.divsi %reduce_min3A_37, %jit3A : i32
    %sign3A = arith.constant 0 : i32
    %sign3A_38 = arith.cmpi sgt, %reduce_min3A_37, %sign3A : i32
    %sign3A_39 = arith.extui %sign3A_38 : i1 to i32
    %sign3A_40 = arith.constant 0 : i32
    %sign3A_41 = arith.cmpi slt, %reduce_min3A_37, %sign3A_40 : i32
    %sign3A_42 = arith.extui %sign3A_41 : i1 to i32
    %sign3A_43 = arith.subi %sign3A_39, %sign3A_42 : i32
    %sign3A_44 = arith.constant 0 : i32
    %sign3A_45 = arith.cmpi sgt, %jit3A, %sign3A_44 : i32
    %sign3A_46 = arith.extui %sign3A_45 : i1 to i32
    %sign3A_47 = arith.constant 0 : i32
    %sign3A_48 = arith.cmpi slt, %jit3A, %sign3A_47 : i32
    %sign3A_49 = arith.extui %sign3A_48 : i1 to i32
    %sign3A_50 = arith.subi %sign3A_46, %sign3A_49 : i32
    %ne3A = arith.cmpi ne, %sign3A_43, %sign3A_50 : i32
    %rem3A = arith.remsi %reduce_min3A_37, %jit3A : i32
    %ne3A_51 = arith.constant 0 : i32
    %ne3A_52 = arith.cmpi ne, %rem3A, %ne3A_51 : i32
    %and3A_53 = arith.andi %ne3A, %ne3A_52 : i1
    %sub3A_54 = arith.constant 1 : i32
    %sub3A_55 = arith.subi %div3A, %sub3A_54 : i32
    %select_n3A = arith.select %and3A_53, %sub3A_55, %div3A : i32
    %mul3A_56 = arith.constant 8 : i32
    %mul3A_57 = arith.muli %select_n3A, %mul3A_56 : i32
    %min3A = arith.constant 768 : i32
    %min3A_58 = arith.minsi %mul3A_57, %min3A : i32
    %add3A_59 = arith.constant 0 : i32
    %add3A_60 = arith.addi %min3A_58, %add3A_59 : i32
    %multiple_of3A = tpu.assume_multiple %add3A_60, 8 : i32
    %sub3A_61 = vector.broadcast %multiple_of3A : i32 to vector<2000xi32>
    %sub3A_62 = arith.subi %get3A_33, %sub3A_61 : vector<2000xi32>
    %ge3A = arith.constant 0 : i32
    %ge3A_63 = vector.broadcast %ge3A : i32 to vector<2000xi32>
    %ge3A_64 = arith.cmpi sge, %sub3A_62, %ge3A_63 : vector<2000xi32>
    %lt3A = arith.constant 256 : i32
    %lt3A_65 = vector.broadcast %lt3A : i32 to vector<2000xi32>
    %lt3A_66 = arith.cmpi slt, %sub3A_62, %lt3A_65 : vector<2000xi32>
    %and3A_67 = arith.andi %ge3A_64, %lt3A_66 : vector<2000xi1>
    %reduce_or3A = arith.constant 1.000000e+00 : f32
    %reduce_or3A_68 = arith.constant 0.000000e+00 : f32
    %reduce_or3A_69 = vector.broadcast %reduce_or3A : f32 to vector<2000xf32>
    %reduce_or3A_70 = vector.broadcast %reduce_or3A_68 : f32 to vector<2000xf32>
    %reduce_or3A_71 = arith.select %and3A_67, %reduce_or3A_69, %reduce_or3A_70 : vector<2000xi1>, vector<2000xf32>
    %reduce_or3A_72 = vector.shape_cast %reduce_or3A_71 : vector<2000xf32> to vector<1x2000xf32>
    %reduce_or3A_73 = arith.constant dense<0xFF800000> : vector<1xf32>
    %reduce_or3A_74 = vector.multi_reduction <maximumf>, %reduce_or3A_72, %reduce_or3A_73 [1] : vector<1x2000xf32> to vector<1xf32>
    %reduce_or3A_75 = vector.shape_cast %reduce_or3A_74 : vector<1xf32> to vector<1x1xf32>
    %reduce_or3A_76 = vector.extract %reduce_or3A_75[0, 0] : f32 from vector<1x1xf32>
    %reduce_or3A_77 = arith.constant 0.000000e+00 : f32
    %reduce_or3A_78 = arith.cmpf ogt, %reduce_or3A_76, %reduce_or3A_77 : f32
    %convert_element_type3A_79 = arith.extui %reduce_or3A_78 : i1 to i32
    %cond3A_80 = arith.constant 0 : i32
    %cond3A_81 = arith.cmpi ne, %convert_element_type3A_79, %cond3A_80 : i32
    scf.if %cond3A_81 {
      %broadcast_in_dim3A_168 = vector.shape_cast %sub3A_62 : vector<2000xi32> to vector<2000x1xi32>
      %iota3A = tpu.iota {dimensions = array<i32: 1>} : vector<2000x256xi32>
      %eq3A_169 = vector.broadcast %broadcast_in_dim3A_168 : vector<2000x1xi32> to vector<2000x256xi32>
      %eq3A_170 = arith.cmpi eq, %eq3A_169, %iota3A : vector<2000x256xi32>
      %convert_element_type3A_171 = arith.extui %eq3A_170 : vector<2000x256xi1> to vector<2000x256xi32>
      %convert_element_type3A_172 = arith.sitofp %convert_element_type3A_171 : vector<2000x256xi32> to vector<2000x256xf32>
      %dot_general3A = arith.constant dense<0.000000e+00> : vector<256x1xf32>
      %dot_general3A_173 = tpu.matmul %convert_element_type3A_172, %broadcast_in_dim3A, %dot_general3A {dimension_numbers = #tpu.dot_dimension_numbers<[0], [0], [1], [1], [0, 1, 1, 1], [], []>, transpose_lhs_hint = false} : vector<2000x256xf32>, vector<2000x1xf32>, vector<256x1xf32> -> vector<256x1xf32>
      %get3A_174 = arith.index_cast %multiple_of3A : i32 to index
      %get3A_175 = arith.constant 0 : index
      %get3A_176 = vector.load %arg5[%get3A_174, %get3A_175] : memref<1024x128xf32, #tpu.memory_space<vmem>>, vector<256x128xf32>
      %add3A_177 = vector.broadcast %dot_general3A_173 : vector<256x1xf32> to vector<256x128xf32>
      %add3A_178 = arith.addf %get3A_176, %add3A_177 : vector<256x128xf32>
      %swap3A = arith.index_cast %multiple_of3A : i32 to index
      %swap3A_179 = arith.constant 0 : index
      %swap3A_180 = vector.load %arg5[%swap3A, %swap3A_179] : memref<1024x128xf32, #tpu.memory_space<vmem>>, vector<256x128xf32>
      tpu.vector_store %arg5[%swap3A, %swap3A_179], %add3A_178 {strides = array<i32>} : memref<1024x128xf32, #tpu.memory_space<vmem>>, vector<256x128xf32>,
    } else {
    }
    %add3A_82 = arith.constant 256 : i32
    %add3A_83 = arith.addi %min3A_58, %add3A_82 : i32
    %multiple_of3A_84 = tpu.assume_multiple %add3A_83, 8 : i32
    %sub3A_85 = vector.broadcast %multiple_of3A_84 : i32 to vector<2000xi32>
    %sub3A_86 = arith.subi %get3A_33, %sub3A_85 : vector<2000xi32>
    %ge3A_87 = arith.constant 0 : i32
    %ge3A_88 = vector.broadcast %ge3A_87 : i32 to vector<2000xi32>
    %ge3A_89 = arith.cmpi sge, %sub3A_86, %ge3A_88 : vector<2000xi32>
    %lt3A_90 = arith.constant 256 : i32
    %lt3A_91 = vector.broadcast %lt3A_90 : i32 to vector<2000xi32>
    %lt3A_92 = arith.cmpi slt, %sub3A_86, %lt3A_91 : vector<2000xi32>
    %and3A_93 = arith.andi %ge3A_89, %lt3A_92 : vector<2000xi1>
    %reduce_or3A_94 = arith.constant 1.000000e+00 : f32
    %reduce_or3A_95 = arith.constant 0.000000e+00 : f32
    %reduce_or3A_96 = vector.broadcast %reduce_or3A_94 : f32 to vector<2000xf32>
    %reduce_or3A_97 = vector.broadcast %reduce_or3A_95 : f32 to vector<2000xf32>
    %reduce_or3A_98 = arith.select %and3A_93, %reduce_or3A_96, %reduce_or3A_97 : vector<2000xi1>, vector<2000xf32>
    %reduce_or3A_99 = vector.shape_cast %reduce_or3A_98 : vector<2000xf32> to vector<1x2000xf32>
    %reduce_or3A_100 = arith.constant dense<0xFF800000> : vector<1xf32>
    %reduce_or3A_101 = vector.multi_reduction <maximumf>, %reduce_or3A_99, %reduce_or3A_100 [1] : vector<1x2000xf32> to vector<1xf32>
    %reduce_or3A_102 = vector.shape_cast %reduce_or3A_101 : vector<1xf32> to vector<1x1xf32>
    %reduce_or3A_103 = vector.extract %reduce_or3A_102[0, 0] : f32 from vector<1x1xf32>
    %reduce_or3A_104 = arith.constant 0.000000e+00 : f32
    %reduce_or3A_105 = arith.cmpf ogt, %reduce_or3A_103, %reduce_or3A_104 : f32
    %convert_element_type3A_106 = arith.extui %reduce_or3A_105 : i1 to i32
    %cond3A_107 = arith.constant 0 : i32
    %cond3A_108 = arith.cmpi ne, %convert_element_type3A_106, %cond3A_107 : i32
    scf.if %cond3A_108 {
      %broadcast_in_dim3A_168 = vector.shape_cast %sub3A_86 : vector<2000xi32> to vector<2000x1xi32>
      %iota3A = tpu.iota {dimensions = array<i32: 1>} : vector<2000x256xi32>
      %eq3A_169 = vector.broadcast %broadcast_in_dim3A_168 : vector<2000x1xi32> to vector<2000x256xi32>
      %eq3A_170 = arith.cmpi eq, %eq3A_169, %iota3A : vector<2000x256xi32>
      %convert_element_type3A_171 = arith.extui %eq3A_170 : vector<2000x256xi1> to vector<2000x256xi32>
      %convert_element_type3A_172 = arith.sitofp %convert_element_type3A_171 : vector<2000x256xi32> to vector<2000x256xf32>
      %dot_general3A = arith.constant dense<0.000000e+00> : vector<256x1xf32>
      %dot_general3A_173 = tpu.matmul %convert_element_type3A_172, %broadcast_in_dim3A, %dot_general3A {dimension_numbers = #tpu.dot_dimension_numbers<[0], [0], [1], [1], [0, 1, 1, 1], [], []>, transpose_lhs_hint = false} : vector<2000x256xf32>, vector<2000x1xf32>, vector<256x1xf32> -> vector<256x1xf32>
      %get3A_174 = arith.index_cast %multiple_of3A_84 : i32 to index
      %get3A_175 = arith.constant 0 : index
      %get3A_176 = vector.load %arg5[%get3A_174, %get3A_175] : memref<1024x128xf32, #tpu.memory_space<vmem>>, vector<256x128xf32>
      %add3A_177 = vector.broadcast %dot_general3A_173 : vector<256x1xf32> to vector<256x128xf32>
      %add3A_178 = arith.addf %get3A_176, %add3A_177 : vector<256x128xf32>
      %swap3A = arith.index_cast %multiple_of3A_84 : i32 to index
      %swap3A_179 = arith.constant 0 : index
      %swap3A_180 = vector.load %arg5[%swap3A, %swap3A_179] : memref<1024x128xf32, #tpu.memory_space<vmem>>, vector<256x128xf32>
      tpu.vector_store %arg5[%swap3A, %swap3A_179], %add3A_178 {strides = array<i32>} : memref<1024x128xf32, #tpu.memory_space<vmem>>, vector<256x128xf32>,
    } else {
    }
    %add3A_109 = arith.constant 512 : i32
    %add3A_110 = arith.addi %min3A_58, %add3A_109 : i32
    %multiple_of3A_111 = tpu.assume_multiple %add3A_110, 8 : i32
    %sub3A_112 = vector.broadcast %multiple_of3A_111 : i32 to vector<2000xi32>
    %sub3A_113 = arith.subi %get3A_33, %sub3A_112 : vector<2000xi32>
    %ge3A_114 = arith.constant 0 : i32
    %ge3A_115 = vector.broadcast %ge3A_114 : i32 to vector<2000xi32>
    %ge3A_116 = arith.cmpi sge, %sub3A_113, %ge3A_115 : vector<2000xi32>
    %lt3A_117 = arith.constant 256 : i32
    %lt3A_118 = vector.broadcast %lt3A_117 : i32 to vector<2000xi32>
    %lt3A_119 = arith.cmpi slt, %sub3A_113, %lt3A_118 : vector<2000xi32>
    %and3A_120 = arith.andi %ge3A_116, %lt3A_119 : vector<2000xi1>
    %reduce_or3A_121 = arith.constant 1.000000e+00 : f32
    %reduce_or3A_122 = arith.constant 0.000000e+00 : f32
    %reduce_or3A_123 = vector.broadcast %reduce_or3A_121 : f32 to vector<2000xf32>
    %reduce_or3A_124 = vector.broadcast %reduce_or3A_122 : f32 to vector<2000xf32>
    %reduce_or3A_125 = arith.select %and3A_120, %reduce_or3A_123, %reduce_or3A_124 : vector<2000xi1>, vector<2000xf32>
    %reduce_or3A_126 = vector.shape_cast %reduce_or3A_125 : vector<2000xf32> to vector<1x2000xf32>
    %reduce_or3A_127 = arith.constant dense<0xFF800000> : vector<1xf32>
    %reduce_or3A_128 = vector.multi_reduction <maximumf>, %reduce_or3A_126, %reduce_or3A_127 [1] : vector<1x2000xf32> to vector<1xf32>
    %reduce_or3A_129 = vector.shape_cast %reduce_or3A_128 : vector<1xf32> to vector<1x1xf32>
    %reduce_or3A_130 = vector.extract %reduce_or3A_129[0, 0] : f32 from vector<1x1xf32>
    %reduce_or3A_131 = arith.constant 0.000000e+00 : f32
    %reduce_or3A_132 = arith.cmpf ogt, %reduce_or3A_130, %reduce_or3A_131 : f32
    %convert_element_type3A_133 = arith.extui %reduce_or3A_132 : i1 to i32
    %cond3A_134 = arith.constant 0 : i32
    %cond3A_135 = arith.cmpi ne, %convert_element_type3A_133, %cond3A_134 : i32
    scf.if %cond3A_135 {
      %broadcast_in_dim3A_168 = vector.shape_cast %sub3A_113 : vector<2000xi32> to vector<2000x1xi32>
      %iota3A = tpu.iota {dimensions = array<i32: 1>} : vector<2000x256xi32>
      %eq3A_169 = vector.broadcast %broadcast_in_dim3A_168 : vector<2000x1xi32> to vector<2000x256xi32>
      %eq3A_170 = arith.cmpi eq, %eq3A_169, %iota3A : vector<2000x256xi32>
      %convert_element_type3A_171 = arith.extui %eq3A_170 : vector<2000x256xi1> to vector<2000x256xi32>
      %convert_element_type3A_172 = arith.sitofp %convert_element_type3A_171 : vector<2000x256xi32> to vector<2000x256xf32>
      %dot_general3A = arith.constant dense<0.000000e+00> : vector<256x1xf32>
      %dot_general3A_173 = tpu.matmul %convert_element_type3A_172, %broadcast_in_dim3A, %dot_general3A {dimension_numbers = #tpu.dot_dimension_numbers<[0], [0], [1], [1], [0, 1, 1, 1], [], []>, transpose_lhs_hint = false} : vector<2000x256xf32>, vector<2000x1xf32>, vector<256x1xf32> -> vector<256x1xf32>
      %get3A_174 = arith.index_cast %multiple_of3A_111 : i32 to index
      %get3A_175 = arith.constant 0 : index
      %get3A_176 = vector.load %arg5[%get3A_174, %get3A_175] : memref<1024x128xf32, #tpu.memory_space<vmem>>, vector<256x128xf32>
      %add3A_177 = vector.broadcast %dot_general3A_173 : vector<256x1xf32> to vector<256x128xf32>
      %add3A_178 = arith.addf %get3A_176, %add3A_177 : vector<256x128xf32>
      %swap3A = arith.index_cast %multiple_of3A_111 : i32 to index
      %swap3A_179 = arith.constant 0 : index
      %swap3A_180 = vector.load %arg5[%swap3A, %swap3A_179] : memref<1024x128xf32, #tpu.memory_space<vmem>>, vector<256x128xf32>
      tpu.vector_store %arg5[%swap3A, %swap3A_179], %add3A_178 {strides = array<i32>} : memref<1024x128xf32, #tpu.memory_space<vmem>>, vector<256x128xf32>,
    } else {
    }
    %add3A_136 = arith.constant 768 : i32
    %add3A_137 = arith.addi %min3A_58, %add3A_136 : i32
    %multiple_of3A_138 = tpu.assume_multiple %add3A_137, 8 : i32
    %sub3A_139 = vector.broadcast %multiple_of3A_138 : i32 to vector<2000xi32>
    %sub3A_140 = arith.subi %get3A_33, %sub3A_139 : vector<2000xi32>
    %ge3A_141 = arith.constant 0 : i32
    %ge3A_142 = vector.broadcast %ge3A_141 : i32 to vector<2000xi32>
    %ge3A_143 = arith.cmpi sge, %sub3A_140, %ge3A_142 : vector<2000xi32>
    %lt3A_144 = arith.constant 256 : i32
    %lt3A_145 = vector.broadcast %lt3A_144 : i32 to vector<2000xi32>
    %lt3A_146 = arith.cmpi slt, %sub3A_140, %lt3A_145 : vector<2000xi32>
    %and3A_147 = arith.andi %ge3A_143, %lt3A_146 : vector<2000xi1>
    %reduce_or3A_148 = arith.constant 1.000000e+00 : f32
    %reduce_or3A_149 = arith.constant 0.000000e+00 : f32
    %reduce_or3A_150 = vector.broadcast %reduce_or3A_148 : f32 to vector<2000xf32>
    %reduce_or3A_151 = vector.broadcast %reduce_or3A_149 : f32 to vector<2000xf32>
    %reduce_or3A_152 = arith.select %and3A_147, %reduce_or3A_150, %reduce_or3A_151 : vector<2000xi1>, vector<2000xf32>
    %reduce_or3A_153 = vector.shape_cast %reduce_or3A_152 : vector<2000xf32> to vector<1x2000xf32>
    %reduce_or3A_154 = arith.constant dense<0xFF800000> : vector<1xf32>
    %reduce_or3A_155 = vector.multi_reduction <maximumf>, %reduce_or3A_153, %reduce_or3A_154 [1] : vector<1x2000xf32> to vector<1xf32>
    %reduce_or3A_156 = vector.shape_cast %reduce_or3A_155 : vector<1xf32> to vector<1x1xf32>
    %reduce_or3A_157 = vector.extract %reduce_or3A_156[0, 0] : f32 from vector<1x1xf32>
    %reduce_or3A_158 = arith.constant 0.000000e+00 : f32
    %reduce_or3A_159 = arith.cmpf ogt, %reduce_or3A_157, %reduce_or3A_158 : f32
    %convert_element_type3A_160 = arith.extui %reduce_or3A_159 : i1 to i32
    %cond3A_161 = arith.constant 0 : i32
    %cond3A_162 = arith.cmpi ne, %convert_element_type3A_160, %cond3A_161 : i32
    scf.if %cond3A_162 {
      %broadcast_in_dim3A_168 = vector.shape_cast %sub3A_140 : vector<2000xi32> to vector<2000x1xi32>
      %iota3A = tpu.iota {dimensions = array<i32: 1>} : vector<2000x256xi32>
      %eq3A_169 = vector.broadcast %broadcast_in_dim3A_168 : vector<2000x1xi32> to vector<2000x256xi32>
      %eq3A_170 = arith.cmpi eq, %eq3A_169, %iota3A : vector<2000x256xi32>
      %convert_element_type3A_171 = arith.extui %eq3A_170 : vector<2000x256xi1> to vector<2000x256xi32>
      %convert_element_type3A_172 = arith.sitofp %convert_element_type3A_171 : vector<2000x256xi32> to vector<2000x256xf32>
      %dot_general3A = arith.constant dense<0.000000e+00> : vector<256x1xf32>
      %dot_general3A_173 = tpu.matmul %convert_element_type3A_172, %broadcast_in_dim3A, %dot_general3A {dimension_numbers = #tpu.dot_dimension_numbers<[0], [0], [1], [1], [0, 1, 1, 1], [], []>, transpose_lhs_hint = false} : vector<2000x256xf32>, vector<2000x1xf32>, vector<256x1xf32> -> vector<256x1xf32>
      %get3A_174 = arith.index_cast %multiple_of3A_138 : i32 to index
      %get3A_175 = arith.constant 0 : index
      %get3A_176 = vector.load %arg5[%get3A_174, %get3A_175] : memref<1024x128xf32, #tpu.memory_space<vmem>>, vector<256x128xf32>
      %add3A_177 = vector.broadcast %dot_general3A_173 : vector<256x1xf32> to vector<256x128xf32>
      %add3A_178 = arith.addf %get3A_176, %add3A_177 : vector<256x128xf32>
      %swap3A = arith.index_cast %multiple_of3A_138 : i32 to index
      %swap3A_179 = arith.constant 0 : index
      %swap3A_180 = vector.load %arg5[%swap3A, %swap3A_179] : memref<1024x128xf32, #tpu.memory_space<vmem>>, vector<256x128xf32>
      tpu.vector_store %arg5[%swap3A, %swap3A_179], %add3A_178 {strides = array<i32>} : memref<1024x128xf32, #tpu.memory_space<vmem>>, vector<256x128xf32>,
    } else {
    }
    %eq3A_163 = arith.constant 15 : i32
    %eq3A_164 = arith.cmpi eq, %arg0, %eq3A_163 : i32
    %convert_element_type3A_165 = arith.extui %eq3A_164 : i1 to i32
    %cond3A_166 = arith.constant 0 : i32
    %cond3A_167 = arith.cmpi ne, %convert_element_type3A_165, %cond3A_166 : i32
    scf.if %cond3A_167 {
      %get3A_168 = arith.constant 0 : index
      %get3A_169 = arith.constant 0 : index
      %get3A_170 = vector.load %arg5[%get3A_168, %get3A_169] : memref<1024x128xf32, #tpu.memory_space<vmem>>, vector<1024x128xf32>
      %swap3A = arith.constant 0 : index
      %swap3A_171 = arith.constant 0 : index
      %swap3A_172 = vector.load %arg4[%swap3A, %swap3A_171] : memref<1024x128xf32, #tpu.memory_space<vmem>>, vector<1024x128xf32>
      tpu.vector_store %arg4[%swap3A, %swap3A_171], %get3A_170 {strides = array<i32>} : memref<1024x128xf32, #tpu.memory_space<vmem>>, vector<1024x128xf32>,
    } else {
    }
    return
  }
  func.func @transform_0(%arg0: i32) -> (i32, i32) {
    %add3A = arith.constant 64 : i32
    %add3A_0 = arith.addi %add3A, %arg0 : i32
    %c0_i32 = arith.constant 0 : i32
    %c0_i32_1 = arith.constant 0 : i32
    return %add3A_0, %c0_i32 : i32, i32
  }
  func.func @transform_1(%arg0: i32) -> (i32, i32) {
    %c0_i32 = arith.constant 0 : i32
    %c0_i32_0 = arith.constant 0 : i32
    return %arg0, %c0_i32 : i32, i32
  }
  func.func @transform_2(%arg0: i32) -> (i32, i32, i32) {
    %add3A = arith.constant 64 : i32
    %add3A_0 = arith.addi %add3A, %arg0 : i32
    %c0_i32 = arith.constant 0 : i32
    %c0_i32_1 = arith.constant 0 : i32
    %c0_i32_2 = arith.constant 0 : i32
    return %add3A_0, %c0_i32, %c0_i32_1 : i32, i32, i32
  }
  func.func @transform_3(%arg0: i32) -> (i32, i32) {
    %c0_i32 = arith.constant 0 : i32
    %c0_i32_0 = arith.constant 0 : i32
    %c0_i32_1 = arith.constant 0 : i32
    return %c0_i32, %c0_i32_0 : i32, i32
  }
}

module attributes {stable_mosaic.version = 14 : i64} {
  func.func @_final_body(%arg0: memref<5120x128xf32, #tpu.memory_space<vmem>>, %arg1: memref<1024x128xf32, #tpu.memory_space<vmem>>, %arg2: memref<1x1xf32, #tpu.memory_space<vmem>>) attributes {dimension_semantics = [], scalar_prefetch = 0 : i64, scratch_operands = 0 : i64, tpu.core_type = #tpu.core_type<tc>} {
    %get3A = arith.constant 0 : index
    %get3A_0 = arith.constant 0 : index
    %get3A_1 = vector.load %arg1[%get3A, %get3A_0] : memref<1024x128xf32, #tpu.memory_space<vmem>>, vector<1024x128xf32>
    %slice3A = vector.extract_strided_slice %get3A_1 {offsets = [0, 0], sizes = [1024, 1], strides = [1, 1]} : vector<1024x128xf32> to vector<1024x1xf32>
    %squeeze3A = vector.shape_cast %slice3A : vector<1024x1xf32> to vector<1024xf32>
    %get3A_2 = arith.constant 0 : index
    %get3A_3 = arith.constant 0 : index
    %get3A_4 = vector.load %arg0[%get3A_2, %get3A_3] : memref<5120x128xf32, #tpu.memory_space<vmem>>, vector<5120x128xf32>
    %slice3A_5 = vector.extract_strided_slice %get3A_4 {offsets = [0, 0], sizes = [5120, 1], strides = [1, 1]} : vector<5120x128xf32> to vector<5120x1xf32>
    %squeeze3A_6 = vector.shape_cast %slice3A_5 : vector<5120x1xf32> to vector<5120xf32>
    %reshape3A = vector.shape_cast %squeeze3A_6 : vector<5120xf32> to vector<5x1024xf32>
    %reduce_sum3A = arith.constant dense<0.000000e+00> : vector<1024xf32>
    %reduce_sum3A_7 = vector.multi_reduction <add>, %reshape3A, %reduce_sum3A [0] : vector<5x1024xf32> to vector<1024xf32>
    %gt3A = arith.constant 0.000000e+00 : f32
    %gt3A_8 = vector.broadcast %gt3A : f32 to vector<1024xf32>
    %gt3A_9 = arith.cmpf ogt, %squeeze3A, %gt3A_8 : vector<1024xf32>
    %jit3A = arith.constant 1.000000e+00 : f32
    %broadcast_in_dim3A = vector.broadcast %jit3A : f32 to vector<1024xf32>
    %select_n3A = arith.select %gt3A_9, %squeeze3A, %broadcast_in_dim3A : vector<1024xi1>, vector<1024xf32>
    %gt3A_10 = arith.constant 0.000000e+00 : f32
    %gt3A_11 = vector.broadcast %gt3A_10 : f32 to vector<1024xf32>
    %gt3A_12 = arith.cmpf ogt, %squeeze3A, %gt3A_11 : vector<1024xf32>
    %div3A = arith.divf %reduce_sum3A_7, %select_n3A : vector<1024xf32>
    %jit3A_13 = arith.constant 0.000000e+00 : f32
    %broadcast_in_dim3A_14 = vector.broadcast %jit3A_13 : f32 to vector<1024xf32>
    %select_n3A_15 = arith.select %gt3A_12, %div3A, %broadcast_in_dim3A_14 : vector<1024xi1>, vector<1024xf32>
    %reduce_sum3A_16 = vector.shape_cast %select_n3A_15 : vector<1024xf32> to vector<1x1024xf32>
    %reduce_sum3A_17 = arith.constant dense<0.000000e+00> : vector<1xf32>
    %reduce_sum3A_18 = vector.multi_reduction <add>, %reduce_sum3A_16, %reduce_sum3A_17 [1] : vector<1x1024xf32> to vector<1xf32>
    %reduce_sum3A_19 = vector.shape_cast %reduce_sum3A_18 : vector<1xf32> to vector<1x1xf32>
    %reduce_sum3A_20 = vector.extract %reduce_sum3A_19[0, 0] : f32 from vector<1x1xf32>
    %broadcast_in_dim3A_21 = vector.broadcast %reduce_sum3A_20 : f32 to vector<1x1xf32>
    %swap3A = arith.constant 0 : index
    %swap3A_22 = arith.constant 0 : index
    %swap3A_23 = vector.load %arg2[%swap3A, %swap3A_22] : memref<1x1xf32, #tpu.memory_space<vmem>>, vector<1x1xf32>
    tpu.vector_store %arg2[%swap3A, %swap3A_22], %broadcast_in_dim3A_21 {strides = array<i32>} : memref<1x1xf32, #tpu.memory_space<vmem>>, vector<1x1xf32>,
    return
  }
}

</mosaic_0001>

<sc_bundles>
// kernel: kernel.14.cloned.1.call-start
scs
__scs_entry_jumppad:
0x0: {  	(pc) =	sbr.rel $0x88, $3  }
0x1: {  	(tag) =	ssettag $0x0;
	lr =	simm.s32 $0x1  }
0x2: {  	[smem:$0x3F9F] =	sst lr;
	_ =	strace $0xD0000000  }
0x3: {  	_ = 	snop  }
0x4: {  	_ = 	snop  }
0x5: {  	_ = 	snop  }
0x6: {  	_ = 	snop  }
0x7: {  	_ = 	snop  }
__scs_overlays_trampoline_lowered:
0x8: {  	[smem:$0x3FAE] =	sst s0  }
0x9: {  	[smem:$0x3FAF] =	sst s1  }
0xa: {  	[smem:$0x3FB0] =	sst s2  }
0xb: {  	[smem:$0x3FB1] =	sst s3  }
0xc: {  	[smem:$0x3FB2] =	sst s4  }
0xd: {  	[smem:$0x3FB3] =	sst s5  }
0xe: {  	[smem:$0x3FB4] =	sst s6  }
0xf: {  	[smem:$0x3FB5] =	sst s7  }
0x10: {  	[smem:$0x3FB6] =	sst s8  }
0x11: {  	[smem:$0x3FB7] =	sst s9;
	s0 =	simm.s32 @!p0 $0x0  }
0x12: {  	s1 =	sld [smem:$0x3F9D];
	s0 =	simm.s32 @p0 $0x1  }
0x13: {  	[smem:$0x3FB8] =	sst s0;
	s0 =	simm.s32 @!p1 $0x0  }
0x14: {  	s2 =	sld [smem:$0x3F9C];
	s0 =	simm.s32 @p1 $0x1  }
0x15: {  	[smem:$0x3FB9] =	sst s0;
	s0 =	simm.s32 @!p2 $0x0  }
0x16: {  	s3 =	sld [smem:$0x3FDB];
	s0 =	simm.s32 @p2 $0x1  }
0x17: {  	s4 =	simm.s32 $0x1BF5;
	[smem:$0x3FBB] =	sst s0  }
0x18: {  	s0 =	sld [smem:$0x3F9E];
	_ =	swait.ge [sflag:s4], $0x0  }
0x19: {  	s7 =	sld [smem:$0x3F9F]  }
0x1a: {  	s8 =	sadd.s32 $0xFFFFE003, lr  }
0x1b: {  	s9 =	sadd.s32 $0xFFFFFEF7, lr;
	s5 =	simm.s32 $0xFFFFFFFF;
	p2 =	slt.u32 s8, $0xFFFFF086  }
0x1c: {  	p1 =	slt.u32 s9, $0xF7A;
	s5 =	simm.s32 @!p2 $0x0  }
0x1d: {  	s5 =	simm.s32 @p1 $0x1;
	p0 =	seq.s32 s7, s2  }
0x1e: {  	s7 =	smul.u32 @!p0 $0xF7A, s2;
	p2 =	seq.s32 @!p0 s5, $0x0  }
0x1f: {  	s9 =	smul.u32 $0xF7A, s1;
	s8 =	simm.s32 @!p0 $0x1BF5;
	p2 =	por !p2, p0  }
0x20: {  	[sflag:s8] =	ssyncset.s32 @!p0 $0xFFFFF086;
	s6 =	sadd.s32 @!p0 s3, s7;
	s7 =	simm.s32 @!p0 $0x108  }
0x21: {  	s3 =	sadd.s32 s3, s9;
	s6 =	sadd.s32 @!p0 $0x88, s6;
	s7 =	simm.s32 @p2 $0x1082  }
0x22: {  	[simem:s7], [sflag:s8] =	dma.local @!p0 [hbm:s6], $0xF7A  }
0x23: {  	s9 =	sor.u32 $0xD0000000, s2;
	s6 =	simm.s32 $0x108;
	_ =	swait.ge @!p0 [sflag:s8], $0x0  }
0x24: {  	s3 =	sadd.s32 $0x88, s3;
	s6 =	simm.s32 @!p1 $0x1082;
	[sflag:s4] =	ssyncset.s32 $0xFFFFF086  }
0x25: {  	[simem:s6], [sflag:s4] =	dma.local [hbm:s3], $0xF7A  }
0x26: {  	[smem:$0x3F9F] =	sst s1;
	(tag) =	ssettag s2;
	_ =	strace s9  }
0x27: {  	s1 =	sld [smem:$0x3FAF]  }
0x28: {  	s2 =	sld [smem:$0x3FB0]  }
0x29: {  	s4 =	sld [smem:$0x3FB2]  }
0x2a: {  	p0 =	seq.s32 s5, $0x0;
	s5 =	sld [smem:$0x3FB3]  }
0x2b: {  	s6 =	sld [smem:$0x3FB4]  }
0x2c: {  	s7 =	sld [smem:$0x3FB5]  }
0x2d: {  	s3 =	simm.s32 $0x108;
	s8 =	sld [smem:$0x3FB6]  }
0x2e: {  	s3 =	simm.s32 @!p0 $0x1082;
	s9 =	sld [smem:$0x3FB7]  }
0x2f: {  	lr =	sadd.s32 s0, s3;
	s0 =	sld [smem:$0x3FAE]  }
0x30: {  	s3 =	sld [smem:$0x3FB1]  }
0x31: {  	[smem:$0x3FBA] =	sst s10  }
0x32: {  	s10 =	sld [smem:$0x3FB8];
	_ =	sdelay $0x3  }
0x33: {  	p0 =	seq.s32 s10, $0x1;
	s10 =	sld [smem:$0x3FBA];
	_ =	sdelay $0x3  }
0x34: {  	[smem:$0x3FBA] =	sst s10  }
0x35: {  	s10 =	sld [smem:$0x3FB9];
	_ =	sdelay $0x3  }
0x36: {  	p1 =	seq.s32 s10, $0x1;
	s10 =	sld [smem:$0x3FBA];
	_ =	sdelay $0x3  }
0x37: {  	[smem:$0x3FBA] =	sst s10  }
0x38: {  	s10 =	sld [smem:$0x3FBB]  }
0x39: {  	_ = 	snop;
	(pc) =	sbr.ind lr, $3  }
0x3a: {  	_ = 	snop  }
0x3b: {  	_ = 	snop  }
0x3c: {  	p2 =	seq.s32 s10, $0x1;
	s10 =	sld [smem:$0x3FBA]  }
0x3d: {  	_ =	shalt  }
0x3e: {  	_ =	shalt  }
0x3f: {  	_ =	shalt  }
0x40: {  	_ =	shalt  }
0x41: {  	_ =	shalt  }
0x42: {  	_ =	shalt  }
0x43: {  	_ =	shalt  }
0x44: {  	_ =	shalt  }
0x45: {  	_ =	shalt  }
0x46: {  	_ =	shalt  }
0x47: {  	_ =	shalt  }
0x48: {  	_ =	shalt  }
0x49: {  	_ =	shalt  }
0x4a: {  	_ =	shalt  }
0x4b: {  	_ =	shalt  }
0x4c: {  	_ =	shalt  }
0x4d: {  	_ =	shalt  }
0x4e: {  	_ =	shalt  }
0x4f: {  	_ =	shalt  }
0x50: {  	_ =	shalt  }
0x51: {  	_ =	shalt  }
0x52: {  	_ =	shalt  }
0x53: {  	_ =	shalt  }
0x54: {  	_ =	shalt  }
0x55: {  	_ =	shalt  }
0x56: {  	_ =	shalt  }
0x57: {  	_ =	shalt  }
0x58: {  	_ =	shalt  }
0x59: {  	_ =	shalt  }
0x5a: {  	_ =	shalt  }
0x5b: {  	_ =	shalt  }
0x5c: {  	_ =	shalt  }
0x5d: {  	_ =	shalt  }
0x5e: {  	_ =	shalt  }
0x5f: {  	_ =	shalt  }
0x60: {  	_ =	shalt  }
0x61: {  	_ =	shalt  }
0x62: {  	_ =	shalt  }
0x63: {  	_ =	shalt  }
0x64: {  	_ =	shalt  }
0x65: {  	_ =	shalt  }
0x66: {  	_ =	shalt  }
0x67: {  	_ =	shalt  }
0x68: {  	_ =	shalt  }
0x69: {  	_ =	shalt  }
0x6a: {  	_ =	shalt  }
0x6b: {  	_ =	shalt  }
0x6c: {  	_ =	shalt  }
0x6d: {  	_ =	shalt  }
0x6e: {  	_ =	shalt  }
0x6f: {  	_ =	shalt  }
0x70: {  	_ =	shalt  }
0x71: {  	_ =	shalt  }
0x72: {  	_ =	shalt  }
0x73: {  	_ =	shalt  }
0x74: {  	_ =	shalt  }
0x75: {  	_ =	shalt  }
0x76: {  	_ =	shalt  }
0x77: {  	_ =	shalt  }
0x78: {  	_ =	shalt  }
0x79: {  	_ =	shalt  }
0x7a: {  	_ =	shalt  }
0x7b: {  	_ =	shalt  }
0x7c: {  	_ =	shalt  }
0x7d: {  	_ =	shalt  }
0x7e: {  	_ =	shalt  }
0x7f: {  	_ =	shalt  }
0x80: {  	_ =	shalt  }
0x81: {  	_ =	shalt  }
0x82: {  	_ =	shalt  }
0x83: {  	_ =	shalt  }
0x84: {  	_ =	shalt  }
0x85: {  	_ =	shalt  }
0x86: {  	_ =	shalt  }
0x87: {  	_ =	shalt  }
.Lfunc_end0:
.L_simem_size_0:
called_computation_lowered:
.L_overlay_start_0:
0x88: {  	s2 =	sld [smem:$0x3FD9]  }
0x89: {  	s3 =	sld [smem:$0x3FFE];
	_ =	sdelay $0x1  }
0x8a: {  	s1 =	srdreg.scid  }
0x8b: {  	s0 =	sand.u32 $0x1, s1  }
0x8c: {  	s17 =	sshll.u32 s0, $0xA;
	s2 =	sadd.s32 s3, s2  }
0x8d: {  	s2 =	sadd.s32 s2, s17  }
0x8e: {  	[smem:$0x3FC6] =	sst s2  }
0x8f: {  	_ = 	snop  }
0x90: {  	s18 =	sld [smem:$0x3FC8];
	(tm) =	ssettm $0x1  }
0x91: {  	s19 =	sld [smem:$0x3FFB];
	_ =	sdelay $0x3  }
0x92: {  	_ =	strace s19  }
0x93: {  	s2 =	sld [smem:$0x3FFC];
	_ =	sdelay $0x3  }
0x94: {  	_ =	strace s2  }
0x95: {  	s2 =	sld [smem:$0x3FFD];
	_ =	sdelay $0x3  }
0x96: {  	_ =	strace s2  }
0x97: {  	_ =	strace $0x8FFFFFFF  }
0x98: {  	s20 =	sld [smem:$0x3FDB];
	_ =	sdelay $0x1  }
0x99: {  	s4 =	simm.s32 $_scs_section_size  }
0x9a: {  	s5 =	simm.s32 $_size__tile_overlayer_lowered;
	s6 =	simm.s32 $_tile_overlayer_lowered  }
0x9b: {  	s7 =	simm.s32 $0x1BFF;
	s21 =	sshll.u32 s6, $0x1;
	s4 =	sadd.s32 s4, s20  }
0x9c: {  	s22 =	simm.s32 $0x0;
	s5 =	sshll.u32 s5, $0x1;
	s6 =	sadd.s32 s21, s4  }
0x9d: {  	[timem:s22], [sflag:s7] =	dma.local [hbm:s6], s5  }
0x9e: {  	_ =	swait.ge [sflag:s7], s5  }
0x9f: {  	s5 =	ssub.s32 $0x0, s5;
	[sflag:s7] =	ssyncset.done $0x0  }
0xa0: {  	[sflag:s7] =	ssyncadd.s32 s5;
	_ =	sdelay $0x1  }
0xa1: {  	s23 =	simm.s32 $0x1B8B  }
0xa2: {  	_ =	swait.ge [sflag:s23], $0x1  }
0xa3: {  	[sflag:s23] =	ssyncset.done $0x0  }
0xa4: {  	[sflag:s23] =	ssyncadd.s32 $0xFFFFFFFF  }
0xa5: {  	s5 =	sld [smem:$0x0]  }
0xa6: {  	s6 =	sand.u32 $0xFFFFFFFE, s1  }
0xa7: {  	p0 =	sne.s32 s1, s6  }
0xa8: {  	s6 =	sshll.u32 @p0 s6, $0xE  }
0xa9: {  	s6 =	sadd.s32 @p0 $0x11B8D, s6;
	s7 =	sshll.u32 @p0 s5, $0x11  }
0xaa: {  	s6 =	sor.u32 @p0 s7, s6  }
0xab: {  	[sflag:s6] =	ssyncadd.remote.s32 @p0 $0x1;
	_ =	sdelay $0x1  }
0xac: {  	s6 =	simm.s32 @p0 $0x1B8D  }
0xad: {  	_ =	swait.eq @p0 [sflag:s6], $0x1  }
0xae: {  	[sflag:s6] =	ssyncadd.s32 @p0 $0xFFFFFFFF  }
0xaf: {  	s7 =	sshll.u32 @!p0 s1, $0xE  }
0xb0: {  	s7 =	sor.u32 @!p0 $0x4000, s7;
	s6 =	simm.s32 @!p0 $0x1B8D  }
0xb1: {  	s5 =	sshll.u32 @!p0 s5, $0x11;
	s7 =	sadd.s32 @!p0 $0x11B8D, s7;
	_ =	swait.eq @!p0 [sflag:s6], $0x1  }
0xb2: {  	s5 =	sor.u32 @!p0 s5, s7;
	[sflag:s6] =	ssyncadd.s32 @!p0 $0xFFFFFFFF  }
0xb3: {  	s25 =	simm.s32 $0x1B8E;
	s24 =	sld [smem:$0x3FFE];
	[sflag:s5] =	ssyncadd.remote.s32 @!p0 $0x1  }
0xb4: {  	s26 =	simm.s32 $execute0_lowered;
	[smem:$0x3FD2] =	sst s25  }
0xb5: {  	s6 =	sshll.u32 s26, $0x1;
	_ =	strace $0x8000004F;
	[dreg:$0x1] =	wrdreg $0xFFFFFFFF  }
0xb6: {  	s28 =	simm.s32 $_size_execute0_lowered;
	s4 =	sadd.s32 s4, s6;
	[dreg:$0x0] =	wrdreg $0x0  }
0xb7: {  	s6 =	sshll.u32 s28, $0x1;
	[dreg:$0x2] =	wrdreg s4  }
0xb8: {  	[dreg:$0x3] =	wrdreg s6  }
0xb9: {  	[dreg:$0x4] =	wrdreg $0xC0  }
0xba: {  	_ =	task [dreg:s22], $0x5FFFF  }
0xbb: {  	[dreg:$0x1] =	wrdreg $0xFFFFFFFF  }
0xbc: {  	[dreg:$0x0] =	wrdreg $0x60  }
0xbd: {  	[dreg:$0x2] =	wrdreg s24  }
0xbe: {  	[dreg:$0x3] =	wrdreg s18  }
0xbf: {  	[dreg:$0x4] =	wrdreg $0x9  }
0xc0: {  	_ =	task.clear_ibuf [dreg:s22], $0x5FFFF;
	_ =	strace $0x9000004F  }
0xc1: {  	s29 =	simm.s32 $0x9;
	_ =	strace $0x80000051  }
0xc2: {  	_ =	swait.ge [sflag:s29], $0x1  }
0xc3: {  	[sflag:s29] =	ssyncadd.s32 $0xFFFFFFFF  }
0xc4: {  	_ =	strace $0x90000051  }
0xc5: {  	_ =	sfence  }
0xc6: {  	s30 =	sld [smem:$0x0];
	_ =	sdelay $0x2  }
0xc7: {  	s31 =	sshll.u32 s1, $0xD;
	s1 =	sshrl.u32 s1, $0x2  }
0xc8: {  	s4 =	sand.u32 $0x4000, s31;
	s1 =	sadd.s32 s1, s30  }
0xc9: {  	s0 =	sor.u32 s4, s0;
	s1 =	sshll.u32 s1, $0x11  }
0xca: {  	s0 =	sor.u32 s1, s0  }
0xcb: {  	s0 =	sadd.s32 $0x8F2B, s0  }
0xcc: {  	[sflag:s0] =	ssyncadd.remote.s32 $0x1  }
0xcd: {  	_ =	sfence.sel $0xFFFF  }
0xce: {  	[dreg:$0x0] =	wrdreg $0xFFFFFFFF;
	(pc) =	sbr.abs _section_cstart, $3  }
0xcf: {  	[dreg:$0x1] =	wrdreg $0xFFFFFFFF  }
0xd0: {  	_ =	task.clear_ibuf [dreg:s22], $0x2FFFF;
	_ =	strace $0x9FFFFFFF  }
0xd1: {  	(tm) =	ssettm $0x7FFFFFFF  }
tec
execute0_lowered:
.L_overlay_start_1:
0x0: {  	(tag) =	ssettag $0x1  }
0x1: {  	s1 =	srdreg.scid;
	s0 =	stileid.u32  }
0x2: {  	s24 =	sand.u32 $0x1, s1;
	s31 =	sshll.u32 s0, $0x1  }
0x3: {  	s1 =	sor.u32 s24, s31  }
0x4: {  	s14 =	rddreg [dreg:$0x0];
	s7 =	smul.u32 $0xFA, s1  }
0x5: {  	s3 =	rddreg [dreg:$0x1];
	s2 =	simm.s32 $0x0  }
0x6: {  	[smem:$0x7FF] =	sst s2;
	s4 =	sshrl.u32 s7, $0x1  }
0x7: {  	s5 =	simm.s32 $0x8;
	s1 =	rddreg [dreg:$0x2];
	s4 =	sand.u32 $0xFF0, s4  }
0x8: {  	_ =	strace $0x80000050;
	s3 =	sadd.s32 s3, s4;
	s4 =	simm.s32 $0x1C000  }
0x9: {  	[tilespmem:s4], [sflag:$0x8] =	stream.linear.gather [hbm4b:s3+s2], $0x400, $0x38;
	[tilespmem:$0x1C400] =	vst v63  }
0xa: {  	_ =	swait.ge [sflag:s5], $0x400  }
0xb: {  	s6 =	sadd.s32 $0x2A00, s14;
	[sflag:s5] =	ssyncset.done $0x0  }
0xc: {  	s15 =	sshll.u32 s7, $0x6;
	s7 =	simm.s32 $0x180;
	[sflag:s5] =	ssyncadd.s32 $0xFFFFFC00  }
0xd: {  	[tilespmem:s2], [sflag:$0x1] =	stream.indirect.gather [hbm4b:s6+s7], $0x80, s4, s7, $0xb8;
	[tilespmem:$0x1C400] =	vst v63  }
0xe: {  	s8 =	simm.s32 $0x1C180;
	s9 =	simm.s32 $0x10000;
	s10 =	simm.s32 $0x80  }
0xf: {  	[tilespmem:s9], [sflag:$0x2] =	stream.indirect.gather [hbm4b:s6+s7], $0x80, s8, s7, $0xb8;
	[tilespmem:$0x1C400] =	vst v63  }
0x10: {  	s11 =	simm.s32 $0x1C300;
	s12 =	simm.s32 $0xC000;
	s13 =	simm.s32 $0x1  }
0x11: {  	[tilespmem:s12], [sflag:$0x3] =	stream.indirect.gather [hbm4b:s6+s10], $0x80, s11, s10, $0xb8;
	[tilespmem:$0x1C400] =	vst v63  }
0x12: {  	s15 =	sand.u32 $0x7F800, s15;
	_ =	swait.ge [sflag:s13], $0xC000  }
0x13: {  	s22 =	sadd.s32 s15, s14;
	[sflag:s13] =	ssyncset.done $0x0  }
0x14: {  	s15 =	simm.s32 $0x2;
	s14 =	sadd.s32 $0x181A00, s22;
	[sflag:s13] =	ssyncadd.s32 $0xFFFF4000  }
0x15: {  	[hbm4b:s14+s2] =	stream.linear.scatter [tilespmem:s2], [sflag:$0x5], $0xC000, $0x38;
	[tilespmem:$0x1C400] =	vst v63  }
0x16: {  	_ =	swait.ge [sflag:s15], $0xC000  }
0x17: {  	[sflag:s15] =	ssyncset.done $0x0  }
0x18: {  	s17 =	simm.s32 $0x3;
	s16 =	sadd.s32 $0x183200, s22;
	[sflag:s15] =	ssyncadd.s32 $0xFFFF4000  }
0x19: {  	[hbm4b:s16+s2] =	stream.linear.scatter [tilespmem:s9], [sflag:$0x6], $0xC000, $0x38;
	[tilespmem:$0x1C400] =	vst v63  }
0x1a: {  	_ =	swait.ge [sflag:s17], $0x4000  }
0x1b: {  	[sflag:s17] =	ssyncset.done $0x0  }
0x1c: {  	s18 =	simm.s32 $0x5;
	s19 =	sadd.s32 $0x184A00, s22;
	[sflag:s17] =	ssyncadd.s32 $0xFFFFC000  }
0x1d: {  	[hbm4b:s19+s2] =	stream.linear.scatter [tilespmem:s12], [sflag:$0x7], $0x4000, $0x38;
	[tilespmem:$0x1C400] =	vst v63  }
0x1e: {  	_ =	swait.ge [sflag:s18], $0xC000  }
0x1f: {  	[sflag:s18] =	ssyncset.done $0x0  }
0x20: {  	s20 =	simm.s32 $0x1C380;
	s21 =	simm.s32 $0x4;
	[sflag:s18] =	ssyncadd.s32 $0xFFFF4000  }
0x21: {  	[tilespmem:s2], [sflag:$0x4] =	stream.indirect.gather [hbm4b:s6+s10], $0x80, s20, s10, $0xb8;
	[tilespmem:$0x1C400] =	vst v63  }
0x22: {  	_ =	swait.ge [sflag:s21], $0x4000  }
0x23: {  	s23 =	simm.s32 $0x6;
	s25 =	ssub.s32 $0x2, s24;
	[sflag:s21] =	ssyncset.done $0x0  }
0x24: {  	s26 =	sshrl.u32 s25, $0x1;
	s22 =	sadd.s32 $0x185200, s22;
	[sflag:s21] =	ssyncadd.s32 $0xFFFFC000  }
0x25: {  	[hbm4b:s22+s2] =	stream.linear.scatter [tilespmem:s2], [sflag:$0x5], $0x4000, $0x38;
	[tilespmem:$0x1C400] =	vst v63  }
0x26: {  	s25 =	ssub.s32 s25, s26;
	_ =	swait.ge [sflag:s23], $0xC000  }
0x27: {  	s25 =	smax.u32 s25, $0x1;
	[sflag:s23] =	ssyncset.done $0x0  }
0x28: {  	s24 =	simm.s32 $0x7;
	p0 =	sne.s32 s25, $0x1;
	[sflag:s23] =	ssyncadd.s32 $0xFFFF4000  }
.Ltmp0:
0x29: {  	_ =	swait.ge [sflag:s24], $0x4000;
	(pc) =	sbr.rel @!p0 .LBB2_2-.Ltmp0, $4  }
0x2a: {  	[sflag:s24] =	ssyncset.done $0x0  }
0x2b: {  	[sflag:s24] =	ssyncadd.s32 $0xFFFFC000  }
0x2c: {  	_ =	swait.ge [sflag:s18], $0x4000  }
0x2d: {  	s25 =	sadd.s32 $0xFFFFFFFF, s25;
	[sflag:s18] =	ssyncset.done $0x0  }
.LBB2_1:
0x2e: {  	p0 =	sne.s32 s25, $0x1;
	s25 =	sadd.s32 $0xFFFFFFFF, s25;
	[sflag:s18] =	ssyncadd.s32 $0xFFFFC000  }
0x2f: {  	[tilespmem:s4], [sflag:$0x8] =	stream.linear.gather [hbm4b:s3+s2], $0x400, $0x38;
	[tilespmem:$0x1C400] =	vst v63  }
0x30: {  	_ =	swait.ge [sflag:s5], $0x400  }
0x31: {  	[sflag:s5] =	ssyncset.done $0x0  }
0x32: {  	[sflag:s5] =	ssyncadd.s32 $0xFFFFFC00  }
0x33: {  	[tilespmem:s2], [sflag:$0x1] =	stream.indirect.gather [hbm4b:s6+s7], $0x80, s4, s7, $0xb8;
	[tilespmem:$0x1C400] =	vst v63  }
0x34: {  	_ = 	snop  }
0x35: {  	[tilespmem:s9], [sflag:$0x2] =	stream.indirect.gather [hbm4b:s6+s7], $0x80, s8, s7, $0xb8;
	[tilespmem:$0x1C400] =	vst v63  }
0x36: {  	_ = 	snop  }
0x37: {  	[tilespmem:s12], [sflag:$0x3] =	stream.indirect.gather [hbm4b:s6+s10], $0x80, s11, s10, $0xb8;
	[tilespmem:$0x1C400] =	vst v63  }
0x38: {  	_ =	swait.ge [sflag:s13], $0xC000  }
0x39: {  	[sflag:s13] =	ssyncset.done $0x0  }
0x3a: {  	[sflag:s13] =	ssyncadd.s32 $0xFFFF4000  }
0x3b: {  	[hbm4b:s14+s2] =	stream.linear.scatter [tilespmem:s2], [sflag:$0x5], $0xC000, $0x38;
	[tilespmem:$0x1C400] =	vst v63  }
0x3c: {  	_ =	swait.ge [sflag:s15], $0xC000  }
0x3d: {  	[sflag:s15] =	ssyncset.done $0x0  }
0x3e: {  	[sflag:s15] =	ssyncadd.s32 $0xFFFF4000  }
0x3f: {  	[hbm4b:s16+s2] =	stream.linear.scatter [tilespmem:s9], [sflag:$0x6], $0xC000, $0x38;
	[tilespmem:$0x1C400] =	vst v63  }
0x40: {  	_ =	swait.ge [sflag:s17], $0x4000  }
0x41: {  	[sflag:s17] =	ssyncset.done $0x0  }
0x42: {  	[sflag:s17] =	ssyncadd.s32 $0xFFFFC000  }
0x43: {  	[hbm4b:s19+s2] =	stream.linear.scatter [tilespmem:s12], [sflag:$0x7], $0x4000, $0x38;
	[tilespmem:$0x1C400] =	vst v63  }
0x44: {  	_ =	swait.ge [sflag:s18], $0xC000  }
0x45: {  	[sflag:s18] =	ssyncset.done $0x0  }
0x46: {  	[sflag:s18] =	ssyncadd.s32 $0xFFFF4000  }
0x47: {  	[tilespmem:s2], [sflag:$0x4] =	stream.indirect.gather [hbm4b:s6+s10], $0x80, s20, s10, $0xb8;
	[tilespmem:$0x1C400] =	vst v63  }
0x48: {  	_ =	swait.ge [sflag:s21], $0x4000  }
0x49: {  	[sflag:s21] =	ssyncset.done $0x0  }
0x4a: {  	[sflag:s21] =	ssyncadd.s32 $0xFFFFC000  }
0x4b: {  	[hbm4b:s22+s2] =	stream.linear.scatter [tilespmem:s2], [sflag:$0x5], $0x4000, $0x38;
	[tilespmem:$0x1C400] =	vst v63  }
0x4c: {  	_ =	swait.ge [sflag:s23], $0xC000  }
0x4d: {  	[sflag:s23] =	ssyncset.done $0x0  }
0x4e: {  	[sflag:s23] =	ssyncadd.s32 $0xFFFF4000  }
.Ltmp1:
0x4f: {  	_ =	swait.ge [sflag:s24], $0x4000;
	(pc) =	sbr.rel @p0 .LBB2_1-.Ltmp1, $4  }
0x50: {  	[sflag:s24] =	ssyncset.done $0x0  }
0x51: {  	[sflag:s24] =	ssyncadd.s32 $0xFFFFC000  }
0x52: {  	_ =	swait.ge [sflag:s18], $0x4000  }
0x53: {  	[sflag:s18] =	ssyncset.done $0x0  }
.LBB2_2:
0x54: {  	[sflag:s18] =	ssyncadd.s32 $0xFFFFC000  }
0x55: {  	_ =	sfence.sel $0x180000  }
0x56: {  	[bflag:$0x0] =	sbarrier.arrive $0xFFFF  }
0x57: {  	p0 =	sne.s32 s0, $0x0;
	_ =	strace $0x90000050  }
0x58: {  	s0 =	sadd.s32 @!p0 $0x100000, s1;
	[bflag:$0x2] =	sbarrier.arrive $0xFFFF  }
0x59: {  	[sflag:s0] =	ssyncadd.tile.s32 @!p0 $0x1;
	_ =	shalt  }
.Lfunc_end2:
_tile_overlayer_lowered:
.L_overlay_start_2:
0x5a: {  	(tag) =	ssettag $0x2  }
0x5b: {  	s0 =	rddreg [dreg:$0x0];
	s2 =	stileid.u32  }
0x5c: {  	s1 =	rddreg [dreg:$0x1];
	p0 =	sne.s32 s2, $0x0  }
0x5d: {  	s3 =	rddreg [dreg:$0x2];
	[bflag:$0x3] =	sbarrier.arrive $0xFFFF;
	s2 =	simm.s32 @!p0 $0x1C08  }
0x5e: {  	[timem:s3], [sflag:s2] =	dma.local @!p0 [hbm:s0], s1  }
0x5f: {  	s0 =	simm.s32 @!p0 $0x8  }
0x60: {  	_ =	swait.ge @!p0 [sflag:s0], s1  }
0x61: {  	s1 =	ssub.s32 @!p0 $0x0, s1;
	[sflag:s0] =	ssyncset.done @!p0 $0x0  }
0x62: {  	[sflag:s0] =	ssyncadd.s32 @!p0 s1  }
0x63: {  	[bflag:$0x3] =	sbarrier.arrive $0xFFFF  }
0x64: {  	_ =	shalt  }

// kernel: kernel.17.cloned.1.call-start
scs
__scs_entry_jumppad:
0x0: {  	(pc) =	sbr.rel $0x88, $3  }
0x1: {  	(tag) =	ssettag $0x0;
	lr =	simm.s32 $0x1  }
0x2: {  	[smem:$0x3F9F] =	sst lr;
	_ =	strace $0xD0000000  }
0x3: {  	_ = 	snop  }
0x4: {  	_ = 	snop  }
0x5: {  	_ = 	snop  }
0x6: {  	_ = 	snop  }
0x7: {  	_ = 	snop  }
__scs_overlays_trampoline_lowered:
0x8: {  	[smem:$0x3FAE] =	sst s0  }
0x9: {  	[smem:$0x3FAF] =	sst s1  }
0xa: {  	[smem:$0x3FB0] =	sst s2  }
0xb: {  	[smem:$0x3FB1] =	sst s3  }
0xc: {  	[smem:$0x3FB2] =	sst s4  }
0xd: {  	[smem:$0x3FB3] =	sst s5  }
0xe: {  	[smem:$0x3FB4] =	sst s6  }
0xf: {  	[smem:$0x3FB5] =	sst s7  }
0x10: {  	[smem:$0x3FB6] =	sst s8  }
0x11: {  	[smem:$0x3FB7] =	sst s9;
	s0 =	simm.s32 @!p0 $0x0  }
0x12: {  	s1 =	sld [smem:$0x3F9D];
	s0 =	simm.s32 @p0 $0x1  }
0x13: {  	[smem:$0x3FB8] =	sst s0;
	s0 =	simm.s32 @!p1 $0x0  }
0x14: {  	s2 =	sld [smem:$0x3F9C];
	s0 =	simm.s32 @p1 $0x1  }
0x15: {  	[smem:$0x3FB9] =	sst s0;
	s0 =	simm.s32 @!p2 $0x0  }
0x16: {  	s3 =	sld [smem:$0x3FDB];
	s0 =	simm.s32 @p2 $0x1  }
0x17: {  	s4 =	simm.s32 $0x1BF5;
	[smem:$0x3FBB] =	sst s0  }
0x18: {  	s0 =	sld [smem:$0x3F9E];
	_ =	swait.ge [sflag:s4], $0x0  }
0x19: {  	s7 =	sld [smem:$0x3F9F]  }
0x1a: {  	s8 =	sadd.s32 $0xFFFFE003, lr  }
0x1b: {  	s9 =	sadd.s32 $0xFFFFFEF7, lr;
	s5 =	simm.s32 $0xFFFFFFFF;
	p2 =	slt.u32 s8, $0xFFFFF086  }
0x1c: {  	p1 =	slt.u32 s9, $0xF7A;
	s5 =	simm.s32 @!p2 $0x0  }
0x1d: {  	s5 =	simm.s32 @p1 $0x1;
	p0 =	seq.s32 s7, s2  }
0x1e: {  	s7 =	smul.u32 @!p0 $0xF7A, s2;
	p2 =	seq.s32 @!p0 s5, $0x0  }
0x1f: {  	s9 =	smul.u32 $0xF7A, s1;
	s8 =	simm.s32 @!p0 $0x1BF5;
	p2 =	por !p2, p0  }
0x20: {  	[sflag:s8] =	ssyncset.s32 @!p0 $0xFFFFF086;
	s6 =	sadd.s32 @!p0 s3, s7;
	s7 =	simm.s32 @!p0 $0x108  }
0x21: {  	s3 =	sadd.s32 s3, s9;
	s6 =	sadd.s32 @!p0 $0x88, s6;
	s7 =	simm.s32 @p2 $0x1082  }
0x22: {  	[simem:s7], [sflag:s8] =	dma.local @!p0 [hbm:s6], $0xF7A  }
0x23: {  	s9 =	sor.u32 $0xD0000000, s2;
	s6 =	simm.s32 $0x108;
	_ =	swait.ge @!p0 [sflag:s8], $0x0  }
0x24: {  	s3 =	sadd.s32 $0x88, s3;
	s6 =	simm.s32 @!p1 $0x1082;
	[sflag:s4] =	ssyncset.s32 $0xFFFFF086  }
0x25: {  	[simem:s6], [sflag:s4] =	dma.local [hbm:s3], $0xF7A  }
0x26: {  	[smem:$0x3F9F] =	sst s1;
	(tag) =	ssettag s2;
	_ =	strace s9  }
0x27: {  	s1 =	sld [smem:$0x3FAF]  }
0x28: {  	s2 =	sld [smem:$0x3FB0]  }
0x29: {  	s4 =	sld [smem:$0x3FB2]  }
0x2a: {  	p0 =	seq.s32 s5, $0x0;
	s5 =	sld [smem:$0x3FB3]  }
0x2b: {  	s6 =	sld [smem:$0x3FB4]  }
0x2c: {  	s7 =	sld [smem:$0x3FB5]  }
0x2d: {  	s3 =	simm.s32 $0x108;
	s8 =	sld [smem:$0x3FB6]  }
0x2e: {  	s3 =	simm.s32 @!p0 $0x1082;
	s9 =	sld [smem:$0x3FB7]  }
0x2f: {  	lr =	sadd.s32 s0, s3;
	s0 =	sld [smem:$0x3FAE]  }
0x30: {  	s3 =	sld [smem:$0x3FB1]  }
0x31: {  	[smem:$0x3FBA] =	sst s10  }
0x32: {  	s10 =	sld [smem:$0x3FB8];
	_ =	sdelay $0x3  }
0x33: {  	p0 =	seq.s32 s10, $0x1;
	s10 =	sld [smem:$0x3FBA];
	_ =	sdelay $0x3  }
0x34: {  	[smem:$0x3FBA] =	sst s10  }
0x35: {  	s10 =	sld [smem:$0x3FB9];
	_ =	sdelay $0x3  }
0x36: {  	p1 =	seq.s32 s10, $0x1;
	s10 =	sld [smem:$0x3FBA];
	_ =	sdelay $0x3  }
0x37: {  	[smem:$0x3FBA] =	sst s10  }
0x38: {  	s10 =	sld [smem:$0x3FBB]  }
0x39: {  	_ = 	snop;
	(pc) =	sbr.ind lr, $3  }
0x3a: {  	_ = 	snop  }
0x3b: {  	_ = 	snop  }
0x3c: {  	p2 =	seq.s32 s10, $0x1;
	s10 =	sld [smem:$0x3FBA]  }
0x3d: {  	_ =	shalt  }
0x3e: {  	_ =	shalt  }
0x3f: {  	_ =	shalt  }
0x40: {  	_ =	shalt  }
0x41: {  	_ =	shalt  }
0x42: {  	_ =	shalt  }
0x43: {  	_ =	shalt  }
0x44: {  	_ =	shalt  }
0x45: {  	_ =	shalt  }
0x46: {  	_ =	shalt  }
0x47: {  	_ =	shalt  }
0x48: {  	_ =	shalt  }
0x49: {  	_ =	shalt  }
0x4a: {  	_ =	shalt  }
0x4b: {  	_ =	shalt  }
0x4c: {  	_ =	shalt  }
0x4d: {  	_ =	shalt  }
0x4e: {  	_ =	shalt  }
0x4f: {  	_ =	shalt  }
0x50: {  	_ =	shalt  }
0x51: {  	_ =	shalt  }
0x52: {  	_ =	shalt  }
0x53: {  	_ =	shalt  }
0x54: {  	_ =	shalt  }
0x55: {  	_ =	shalt  }
0x56: {  	_ =	shalt  }
0x57: {  	_ =	shalt  }
0x58: {  	_ =	shalt  }
0x59: {  	_ =	shalt  }
0x5a: {  	_ =	shalt  }
0x5b: {  	_ =	shalt  }
0x5c: {  	_ =	shalt  }
0x5d: {  	_ =	shalt  }
0x5e: {  	_ =	shalt  }
0x5f: {  	_ =	shalt  }
0x60: {  	_ =	shalt  }
0x61: {  	_ =	shalt  }
0x62: {  	_ =	shalt  }
0x63: {  	_ =	shalt  }
0x64: {  	_ =	shalt  }
0x65: {  	_ =	shalt  }
0x66: {  	_ =	shalt  }
0x67: {  	_ =	shalt  }
0x68: {  	_ =	shalt  }
0x69: {  	_ =	shalt  }
0x6a: {  	_ =	shalt  }
0x6b: {  	_ =	shalt  }
0x6c: {  	_ =	shalt  }
0x6d: {  	_ =	shalt  }
0x6e: {  	_ =	shalt  }
0x6f: {  	_ =	shalt  }
0x70: {  	_ =	shalt  }
0x71: {  	_ =	shalt  }
0x72: {  	_ =	shalt  }
0x73: {  	_ =	shalt  }
0x74: {  	_ =	shalt  }
0x75: {  	_ =	shalt  }
0x76: {  	_ =	shalt  }
0x77: {  	_ =	shalt  }
0x78: {  	_ =	shalt  }
0x79: {  	_ =	shalt  }
0x7a: {  	_ =	shalt  }
0x7b: {  	_ =	shalt  }
0x7c: {  	_ =	shalt  }
0x7d: {  	_ =	shalt  }
0x7e: {  	_ =	shalt  }
0x7f: {  	_ =	shalt  }
0x80: {  	_ =	shalt  }
0x81: {  	_ =	shalt  }
0x82: {  	_ =	shalt  }
0x83: {  	_ =	shalt  }
0x84: {  	_ =	shalt  }
0x85: {  	_ =	shalt  }
0x86: {  	_ =	shalt  }
0x87: {  	_ =	shalt  }
.Lfunc_end0:
.L_simem_size_0:
called_computation.1_lowered:
.L_overlay_start_0:
0x88: {  	s2 =	sld [smem:$0x3FD9]  }
0x89: {  	s3 =	sld [smem:$0x3FFE];
	_ =	sdelay $0x1  }
0x8a: {  	s1 =	srdreg.scid  }
0x8b: {  	s0 =	sand.u32 $0x1, s1  }
0x8c: {  	s17 =	sshll.u32 s0, $0xA;
	s2 =	sadd.s32 s3, s2  }
0x8d: {  	s2 =	sadd.s32 s2, s17  }
0x8e: {  	[smem:$0x3FC6] =	sst s2  }
0x8f: {  	_ = 	snop  }
0x90: {  	s18 =	sld [smem:$0x3FC8];
	(tm) =	ssettm $0x1  }
0x91: {  	s19 =	sld [smem:$0x3FFB];
	_ =	sdelay $0x3  }
0x92: {  	_ =	strace s19  }
0x93: {  	s2 =	sld [smem:$0x3FFC];
	_ =	sdelay $0x3  }
0x94: {  	_ =	strace s2  }
0x95: {  	s2 =	sld [smem:$0x3FFD];
	_ =	sdelay $0x3  }
0x96: {  	_ =	strace s2  }
0x97: {  	_ =	strace $0x8FFFFFFF  }
0x98: {  	s20 =	sld [smem:$0x3FDB];
	_ =	sdelay $0x1  }
0x99: {  	s4 =	simm.s32 $_scs_section_size  }
0x9a: {  	s5 =	simm.s32 $_size__tile_overlayer_lowered;
	s6 =	simm.s32 $_tile_overlayer_lowered  }
0x9b: {  	s7 =	simm.s32 $0x1BFF;
	s21 =	sshll.u32 s6, $0x1;
	s4 =	sadd.s32 s4, s20  }
0x9c: {  	s22 =	simm.s32 $0x0;
	s5 =	sshll.u32 s5, $0x1;
	s6 =	sadd.s32 s21, s4  }
0x9d: {  	[timem:s22], [sflag:s7] =	dma.local [hbm:s6], s5  }
0x9e: {  	_ =	swait.ge [sflag:s7], s5  }
0x9f: {  	s5 =	ssub.s32 $0x0, s5;
	[sflag:s7] =	ssyncset.done $0x0  }
0xa0: {  	[sflag:s7] =	ssyncadd.s32 s5;
	_ =	sdelay $0x1  }
0xa1: {  	s23 =	simm.s32 $0x1B8B  }
0xa2: {  	_ =	swait.ge [sflag:s23], $0x1  }
0xa3: {  	[sflag:s23] =	ssyncset.done $0x0  }
0xa4: {  	[sflag:s23] =	ssyncadd.s32 $0xFFFFFFFF  }
0xa5: {  	s5 =	sld [smem:$0x0]  }
0xa6: {  	s6 =	sand.u32 $0xFFFFFFFE, s1  }
0xa7: {  	p0 =	sne.s32 s1, s6  }
0xa8: {  	s6 =	sshll.u32 @p0 s6, $0xE  }
0xa9: {  	s6 =	sadd.s32 @p0 $0x11B8D, s6;
	s7 =	sshll.u32 @p0 s5, $0x11  }
0xaa: {  	s6 =	sor.u32 @p0 s7, s6  }
0xab: {  	[sflag:s6] =	ssyncadd.remote.s32 @p0 $0x1;
	_ =	sdelay $0x1  }
0xac: {  	s6 =	simm.s32 @p0 $0x1B8D  }
0xad: {  	_ =	swait.eq @p0 [sflag:s6], $0x1  }
0xae: {  	[sflag:s6] =	ssyncadd.s32 @p0 $0xFFFFFFFF  }
0xaf: {  	s7 =	sshll.u32 @!p0 s1, $0xE  }
0xb0: {  	s7 =	sor.u32 @!p0 $0x4000, s7;
	s6 =	simm.s32 @!p0 $0x1B8D  }
0xb1: {  	s5 =	sshll.u32 @!p0 s5, $0x11;
	s7 =	sadd.s32 @!p0 $0x11B8D, s7;
	_ =	swait.eq @!p0 [sflag:s6], $0x1  }
0xb2: {  	s5 =	sor.u32 @!p0 s5, s7;
	[sflag:s6] =	ssyncadd.s32 @!p0 $0xFFFFFFFF  }
0xb3: {  	s25 =	simm.s32 $0x1B8E;
	s24 =	sld [smem:$0x3FFE];
	[sflag:s5] =	ssyncadd.remote.s32 @!p0 $0x1  }
0xb4: {  	s26 =	simm.s32 $execute0_lowered;
	[smem:$0x3FD2] =	sst s25  }
0xb5: {  	s6 =	sshll.u32 s26, $0x1;
	_ =	strace $0x8000004C;
	[dreg:$0x1] =	wrdreg $0xFFFFFFFF  }
0xb6: {  	s28 =	simm.s32 $_size_execute0_lowered;
	s4 =	sadd.s32 s4, s6;
	[dreg:$0x0] =	wrdreg $0x0  }
0xb7: {  	s6 =	sshll.u32 s28, $0x1;
	[dreg:$0x2] =	wrdreg s4  }
0xb8: {  	[dreg:$0x3] =	wrdreg s6  }
0xb9: {  	[dreg:$0x4] =	wrdreg $0xC0  }
0xba: {  	_ =	task [dreg:s22], $0x5FFFF  }
0xbb: {  	[dreg:$0x1] =	wrdreg $0xFFFFFFFF  }
0xbc: {  	[dreg:$0x0] =	wrdreg $0x60  }
0xbd: {  	[dreg:$0x2] =	wrdreg s24  }
0xbe: {  	[dreg:$0x3] =	wrdreg s18  }
0xbf: {  	[dreg:$0x4] =	wrdreg $0xA  }
0xc0: {  	_ =	task.clear_ibuf [dreg:s22], $0x5FFFF;
	_ =	strace $0x9000004C  }
0xc1: {  	s29 =	simm.s32 $0xA;
	_ =	strace $0x8000004E  }
0xc2: {  	_ =	swait.ge [sflag:s29], $0x1  }
0xc3: {  	[sflag:s29] =	ssyncadd.s32 $0xFFFFFFFF  }
0xc4: {  	_ =	strace $0x9000004E  }
0xc5: {  	_ =	sfence  }
0xc6: {  	s30 =	sld [smem:$0x0];
	_ =	sdelay $0x2  }
0xc7: {  	s31 =	sshll.u32 s1, $0xD;
	s1 =	sshrl.u32 s1, $0x2  }
0xc8: {  	s4 =	sand.u32 $0x4000, s31;
	s1 =	sadd.s32 s1, s30  }
0xc9: {  	s0 =	sor.u32 s4, s0;
	s1 =	sshll.u32 s1, $0x11  }
0xca: {  	s0 =	sor.u32 s1, s0  }
0xcb: {  	s0 =	sadd.s32 $0x8F2B, s0  }
0xcc: {  	[sflag:s0] =	ssyncadd.remote.s32 $0x1  }
0xcd: {  	_ =	sfence.sel $0xFFFF  }
0xce: {  	[dreg:$0x0] =	wrdreg $0xFFFFFFFF;
	(pc) =	sbr.abs _section_cstart, $3  }
0xcf: {  	[dreg:$0x1] =	wrdreg $0xFFFFFFFF  }
0xd0: {  	_ =	task.clear_ibuf [dreg:s22], $0x2FFFF;
	_ =	strace $0x9FFFFFFF  }
0xd1: {  	(tm) =	ssettm $0x7FFFFFFF  }
tec
execute0_lowered:
.L_overlay_start_1:
0x0: {  	(tag) =	ssettag $0x1  }
0x1: {  	s1 =	srdreg.scid;
	s0 =	stileid.u32  }
0x2: {  	s24 =	sand.u32 $0x1, s1;
	s31 =	sshll.u32 s0, $0x1  }
0x3: {  	s1 =	sor.u32 s24, s31  }
0x4: {  	s7 =	smul.u32 $0xFA, s1  }
0x5: {  	s14 =	rddreg [dreg:$0x0]  }
0x6: {  	s3 =	rddreg [dreg:$0x1];
	s2 =	simm.s32 $0x0;
	s4 =	sshrl.u32 s7, $0x1  }
0x7: {  	[smem:$0x7FF] =	sst s2;
	s4 =	sand.u32 $0xFF0, s4  }
0x8: {  	s5 =	simm.s32 $0x8;
	s1 =	rddreg [dreg:$0x2];
	s3 =	sadd.s32 s4, s3  }
0x9: {  	_ =	strace $0x8000004D;
	s4 =	simm.s32 $0x1C000;
	s3 =	sadd.s32 $0xFA0, s3  }
0xa: {  	[tilespmem:s4], [sflag:$0x8] =	stream.linear.gather [hbm4b:s3+s2], $0x400, $0x38;
	[tilespmem:$0x1C400] =	vst v63  }
0xb: {  	_ =	swait.ge [sflag:s5], $0x400  }
0xc: {  	s6 =	sadd.s32 $0x2A00, s14;
	[sflag:s5] =	ssyncset.done $0x0  }
0xd: {  	s15 =	sshll.u32 s7, $0x6;
	s7 =	simm.s32 $0x180;
	[sflag:s5] =	ssyncadd.s32 $0xFFFFFC00  }
0xe: {  	[tilespmem:s2], [sflag:$0x1] =	stream.indirect.gather [hbm4b:s6+s7], $0x80, s4, s7, $0xb8;
	[tilespmem:$0x1C400] =	vst v63  }
0xf: {  	s8 =	simm.s32 $0x1C180;
	s9 =	simm.s32 $0x10000;
	s10 =	simm.s32 $0x80  }
0x10: {  	[tilespmem:s9], [sflag:$0x2] =	stream.indirect.gather [hbm4b:s6+s7], $0x80, s8, s7, $0xb8;
	[tilespmem:$0x1C400] =	vst v63  }
0x11: {  	s11 =	simm.s32 $0x1C300;
	s12 =	simm.s32 $0xC000;
	s13 =	simm.s32 $0x1  }
0x12: {  	[tilespmem:s12], [sflag:$0x3] =	stream.indirect.gather [hbm4b:s6+s10], $0x80, s11, s10, $0xb8;
	[tilespmem:$0x1C400] =	vst v63  }
0x13: {  	s15 =	sand.u32 $0x7F800, s15;
	_ =	swait.ge [sflag:s13], $0xC000  }
0x14: {  	s22 =	sadd.s32 s15, s14;
	[sflag:s13] =	ssyncset.done $0x0  }
0x15: {  	s15 =	simm.s32 $0x2;
	s14 =	sadd.s32 $0x104A00, s22;
	[sflag:s13] =	ssyncadd.s32 $0xFFFF4000  }
0x16: {  	[hbm4b:s14+s2] =	stream.linear.scatter [tilespmem:s2], [sflag:$0x5], $0xC000, $0x38;
	[tilespmem:$0x1C400] =	vst v63  }
0x17: {  	_ =	swait.ge [sflag:s15], $0xC000  }
0x18: {  	[sflag:s15] =	ssyncset.done $0x0  }
0x19: {  	s17 =	simm.s32 $0x3;
	s16 =	sadd.s32 $0x106200, s22;
	[sflag:s15] =	ssyncadd.s32 $0xFFFF4000  }
0x1a: {  	[hbm4b:s16+s2] =	stream.linear.scatter [tilespmem:s9], [sflag:$0x6], $0xC000, $0x38;
	[tilespmem:$0x1C400] =	vst v63  }
0x1b: {  	_ =	swait.ge [sflag:s17], $0x4000  }
0x1c: {  	[sflag:s17] =	ssyncset.done $0x0  }
0x1d: {  	s18 =	simm.s32 $0x5;
	s19 =	sadd.s32 $0x107A00, s22;
	[sflag:s17] =	ssyncadd.s32 $0xFFFFC000  }
0x1e: {  	[hbm4b:s19+s2] =	stream.linear.scatter [tilespmem:s12], [sflag:$0x7], $0x4000, $0x38;
	[tilespmem:$0x1C400] =	vst v63  }
0x1f: {  	_ =	swait.ge [sflag:s18], $0xC000  }
0x20: {  	[sflag:s18] =	ssyncset.done $0x0  }
0x21: {  	s20 =	simm.s32 $0x1C380;
	s21 =	simm.s32 $0x4;
	[sflag:s18] =	ssyncadd.s32 $0xFFFF4000  }
0x22: {  	[tilespmem:s2], [sflag:$0x4] =	stream.indirect.gather [hbm4b:s6+s10], $0x80, s20, s10, $0xb8;
	[tilespmem:$0x1C400] =	vst v63  }
0x23: {  	_ =	swait.ge [sflag:s21], $0x4000  }
0x24: {  	s23 =	simm.s32 $0x6;
	s25 =	ssub.s32 $0x2, s24;
	[sflag:s21] =	ssyncset.done $0x0  }
0x25: {  	s26 =	sshrl.u32 s25, $0x1;
	s22 =	sadd.s32 $0x108200, s22;
	[sflag:s21] =	ssyncadd.s32 $0xFFFFC000  }
0x26: {  	[hbm4b:s22+s2] =	stream.linear.scatter [tilespmem:s2], [sflag:$0x5], $0x4000, $0x38;
	[tilespmem:$0x1C400] =	vst v63  }
0x27: {  	s25 =	ssub.s32 s25, s26;
	_ =	swait.ge [sflag:s23], $0xC000  }
0x28: {  	s25 =	smax.u32 s25, $0x1;
	[sflag:s23] =	ssyncset.done $0x0  }
0x29: {  	s24 =	simm.s32 $0x7;
	p0 =	sne.s32 s25, $0x1;
	[sflag:s23] =	ssyncadd.s32 $0xFFFF4000  }
.Ltmp0:
0x2a: {  	_ =	swait.ge [sflag:s24], $0x4000;
	(pc) =	sbr.rel @!p0 .LBB2_2-.Ltmp0, $4  }
0x2b: {  	[sflag:s24] =	ssyncset.done $0x0  }
0x2c: {  	[sflag:s24] =	ssyncadd.s32 $0xFFFFC000  }
0x2d: {  	_ =	swait.ge [sflag:s18], $0x4000  }
0x2e: {  	s25 =	sadd.s32 $0xFFFFFFFF, s25;
	[sflag:s18] =	ssyncset.done $0x0  }
.LBB2_1:
0x2f: {  	p0 =	sne.s32 s25, $0x1;
	s25 =	sadd.s32 $0xFFFFFFFF, s25;
	[sflag:s18] =	ssyncadd.s32 $0xFFFFC000  }
0x30: {  	[tilespmem:s4], [sflag:$0x8] =	stream.linear.gather [hbm4b:s3+s2], $0x400, $0x38;
	[tilespmem:$0x1C400] =	vst v63  }
0x31: {  	_ =	swait.ge [sflag:s5], $0x400  }
0x32: {  	[sflag:s5] =	ssyncset.done $0x0  }
0x33: {  	[sflag:s5] =	ssyncadd.s32 $0xFFFFFC00  }
0x34: {  	[tilespmem:s2], [sflag:$0x1] =	stream.indirect.gather [hbm4b:s6+s7], $0x80, s4, s7, $0xb8;
	[tilespmem:$0x1C400] =	vst v63  }
0x35: {  	_ = 	snop  }
0x36: {  	[tilespmem:s9], [sflag:$0x2] =	stream.indirect.gather [hbm4b:s6+s7], $0x80, s8, s7, $0xb8;
	[tilespmem:$0x1C400] =	vst v63  }
0x37: {  	_ = 	snop  }
0x38: {  	[tilespmem:s12], [sflag:$0x3] =	stream.indirect.gather [hbm4b:s6+s10], $0x80, s11, s10, $0xb8;
	[tilespmem:$0x1C400] =	vst v63  }
0x39: {  	_ =	swait.ge [sflag:s13], $0xC000  }
0x3a: {  	[sflag:s13] =	ssyncset.done $0x0  }
0x3b: {  	[sflag:s13] =	ssyncadd.s32 $0xFFFF4000  }
0x3c: {  	[hbm4b:s14+s2] =	stream.linear.scatter [tilespmem:s2], [sflag:$0x5], $0xC000, $0x38;
	[tilespmem:$0x1C400] =	vst v63  }
0x3d: {  	_ =	swait.ge [sflag:s15], $0xC000  }
0x3e: {  	[sflag:s15] =	ssyncset.done $0x0  }
0x3f: {  	[sflag:s15] =	ssyncadd.s32 $0xFFFF4000  }
0x40: {  	[hbm4b:s16+s2] =	stream.linear.scatter [tilespmem:s9], [sflag:$0x6], $0xC000, $0x38;
	[tilespmem:$0x1C400] =	vst v63  }
0x41: {  	_ =	swait.ge [sflag:s17], $0x4000  }
0x42: {  	[sflag:s17] =	ssyncset.done $0x0  }
0x43: {  	[sflag:s17] =	ssyncadd.s32 $0xFFFFC000  }
0x44: {  	[hbm4b:s19+s2] =	stream.linear.scatter [tilespmem:s12], [sflag:$0x7], $0x4000, $0x38;
	[tilespmem:$0x1C400] =	vst v63  }
0x45: {  	_ =	swait.ge [sflag:s18], $0xC000  }
0x46: {  	[sflag:s18] =	ssyncset.done $0x0  }
0x47: {  	[sflag:s18] =	ssyncadd.s32 $0xFFFF4000  }
0x48: {  	[tilespmem:s2], [sflag:$0x4] =	stream.indirect.gather [hbm4b:s6+s10], $0x80, s20, s10, $0xb8;
	[tilespmem:$0x1C400] =	vst v63  }
0x49: {  	_ =	swait.ge [sflag:s21], $0x4000  }
0x4a: {  	[sflag:s21] =	ssyncset.done $0x0  }
0x4b: {  	[sflag:s21] =	ssyncadd.s32 $0xFFFFC000  }
0x4c: {  	[hbm4b:s22+s2] =	stream.linear.scatter [tilespmem:s2], [sflag:$0x5], $0x4000, $0x38;
	[tilespmem:$0x1C400] =	vst v63  }
0x4d: {  	_ =	swait.ge [sflag:s23], $0xC000  }
0x4e: {  	[sflag:s23] =	ssyncset.done $0x0  }
0x4f: {  	[sflag:s23] =	ssyncadd.s32 $0xFFFF4000  }
.Ltmp1:
0x50: {  	_ =	swait.ge [sflag:s24], $0x4000;
	(pc) =	sbr.rel @p0 .LBB2_1-.Ltmp1, $4  }
0x51: {  	[sflag:s24] =	ssyncset.done $0x0  }
0x52: {  	[sflag:s24] =	ssyncadd.s32 $0xFFFFC000  }
0x53: {  	_ =	swait.ge [sflag:s18], $0x4000  }
0x54: {  	[sflag:s18] =	ssyncset.done $0x0  }
.LBB2_2:
0x55: {  	[sflag:s18] =	ssyncadd.s32 $0xFFFFC000  }
0x56: {  	_ =	sfence.sel $0x180000  }
0x57: {  	[bflag:$0x0] =	sbarrier.arrive $0xFFFF  }
0x58: {  	p0 =	sne.s32 s0, $0x0;
	_ =	strace $0x9000004D  }
0x59: {  	s0 =	sadd.s32 @!p0 $0x100000, s1;
	[bflag:$0x2] =	sbarrier.arrive $0xFFFF  }
0x5a: {  	[sflag:s0] =	ssyncadd.tile.s32 @!p0 $0x1;
	_ =	shalt  }
.Lfunc_end2:
_tile_overlayer_lowered:
.L_overlay_start_2:
0x5b: {  	(tag) =	ssettag $0x2  }
0x5c: {  	s0 =	rddreg [dreg:$0x0];
	s2 =	stileid.u32  }
0x5d: {  	s1 =	rddreg [dreg:$0x1];
	p0 =	sne.s32 s2, $0x0  }
0x5e: {  	s3 =	rddreg [dreg:$0x2];
	[bflag:$0x3] =	sbarrier.arrive $0xFFFF;
	s2 =	simm.s32 @!p0 $0x1C08  }
0x5f: {  	[timem:s3], [sflag:s2] =	dma.local @!p0 [hbm:s0], s1  }
0x60: {  	s0 =	simm.s32 @!p0 $0x8  }
0x61: {  	_ =	swait.ge @!p0 [sflag:s0], s1  }
0x62: {  	s1 =	ssub.s32 @!p0 $0x0, s1;
	[sflag:s0] =	ssyncset.done @!p0 $0x0  }
0x63: {  	[sflag:s0] =	ssyncadd.s32 @!p0 s1  }
0x64: {  	[bflag:$0x3] =	sbarrier.arrive $0xFFFF  }
0x65: {  	_ =	shalt  }

// kernel: kernel.20.cloned.1.call-start
scs
__scs_entry_jumppad:
0x0: {  	(pc) =	sbr.rel $0x88, $3  }
0x1: {  	(tag) =	ssettag $0x0;
	lr =	simm.s32 $0x1  }
0x2: {  	[smem:$0x3F9F] =	sst lr;
	_ =	strace $0xD0000000  }
0x3: {  	_ = 	snop  }
0x4: {  	_ = 	snop  }
0x5: {  	_ = 	snop  }
0x6: {  	_ = 	snop  }
0x7: {  	_ = 	snop  }
__scs_overlays_trampoline_lowered:
0x8: {  	[smem:$0x3FAE] =	sst s0  }
0x9: {  	[smem:$0x3FAF] =	sst s1  }
0xa: {  	[smem:$0x3FB0] =	sst s2  }
0xb: {  	[smem:$0x3FB1] =	sst s3  }
0xc: {  	[smem:$0x3FB2] =	sst s4  }
0xd: {  	[smem:$0x3FB3] =	sst s5  }
0xe: {  	[smem:$0x3FB4] =	sst s6  }
0xf: {  	[smem:$0x3FB5] =	sst s7  }
0x10: {  	[smem:$0x3FB6] =	sst s8  }
0x11: {  	[smem:$0x3FB7] =	sst s9;
	s0 =	simm.s32 @!p0 $0x0  }
0x12: {  	s1 =	sld [smem:$0x3F9D];
	s0 =	simm.s32 @p0 $0x1  }
0x13: {  	[smem:$0x3FB8] =	sst s0;
	s0 =	simm.s32 @!p1 $0x0  }
0x14: {  	s2 =	sld [smem:$0x3F9C];
	s0 =	simm.s32 @p1 $0x1  }
0x15: {  	[smem:$0x3FB9] =	sst s0;
	s0 =	simm.s32 @!p2 $0x0  }
0x16: {  	s3 =	sld [smem:$0x3FDB];
	s0 =	simm.s32 @p2 $0x1  }
0x17: {  	s4 =	simm.s32 $0x1BF5;
	[smem:$0x3FBB] =	sst s0  }
0x18: {  	s0 =	sld [smem:$0x3F9E];
	_ =	swait.ge [sflag:s4], $0x0  }
0x19: {  	s7 =	sld [smem:$0x3F9F]  }
0x1a: {  	s8 =	sadd.s32 $0xFFFFE003, lr  }
0x1b: {  	s9 =	sadd.s32 $0xFFFFFEF7, lr;
	s5 =	simm.s32 $0xFFFFFFFF;
	p2 =	slt.u32 s8, $0xFFFFF086  }
0x1c: {  	p1 =	slt.u32 s9, $0xF7A;
	s5 =	simm.s32 @!p2 $0x0  }
0x1d: {  	s5 =	simm.s32 @p1 $0x1;
	p0 =	seq.s32 s7, s2  }
0x1e: {  	s7 =	smul.u32 @!p0 $0xF7A, s2;
	p2 =	seq.s32 @!p0 s5, $0x0  }
0x1f: {  	s9 =	smul.u32 $0xF7A, s1;
	s8 =	simm.s32 @!p0 $0x1BF5;
	p2 =	por !p2, p0  }
0x20: {  	[sflag:s8] =	ssyncset.s32 @!p0 $0xFFFFF086;
	s6 =	sadd.s32 @!p0 s3, s7;
	s7 =	simm.s32 @!p0 $0x108  }
0x21: {  	s3 =	sadd.s32 s3, s9;
	s6 =	sadd.s32 @!p0 $0x88, s6;
	s7 =	simm.s32 @p2 $0x1082  }
0x22: {  	[simem:s7], [sflag:s8] =	dma.local @!p0 [hbm:s6], $0xF7A  }
0x23: {  	s9 =	sor.u32 $0xD0000000, s2;
	s6 =	simm.s32 $0x108;
	_ =	swait.ge @!p0 [sflag:s8], $0x0  }
0x24: {  	s3 =	sadd.s32 $0x88, s3;
	s6 =	simm.s32 @!p1 $0x1082;
	[sflag:s4] =	ssyncset.s32 $0xFFFFF086  }
0x25: {  	[simem:s6], [sflag:s4] =	dma.local [hbm:s3], $0xF7A  }
0x26: {  	[smem:$0x3F9F] =	sst s1;
	(tag) =	ssettag s2;
	_ =	strace s9  }
0x27: {  	s1 =	sld [smem:$0x3FAF]  }
0x28: {  	s2 =	sld [smem:$0x3FB0]  }
0x29: {  	s4 =	sld [smem:$0x3FB2]  }
0x2a: {  	p0 =	seq.s32 s5, $0x0;
	s5 =	sld [smem:$0x3FB3]  }
0x2b: {  	s6 =	sld [smem:$0x3FB4]  }
0x2c: {  	s7 =	sld [smem:$0x3FB5]  }
0x2d: {  	s3 =	simm.s32 $0x108;
	s8 =	sld [smem:$0x3FB6]  }
0x2e: {  	s3 =	simm.s32 @!p0 $0x1082;
	s9 =	sld [smem:$0x3FB7]  }
0x2f: {  	lr =	sadd.s32 s0, s3;
	s0 =	sld [smem:$0x3FAE]  }
0x30: {  	s3 =	sld [smem:$0x3FB1]  }
0x31: {  	[smem:$0x3FBA] =	sst s10  }
0x32: {  	s10 =	sld [smem:$0x3FB8];
	_ =	sdelay $0x3  }
0x33: {  	p0 =	seq.s32 s10, $0x1;
	s10 =	sld [smem:$0x3FBA];
	_ =	sdelay $0x3  }
0x34: {  	[smem:$0x3FBA] =	sst s10  }
0x35: {  	s10 =	sld [smem:$0x3FB9];
	_ =	sdelay $0x3  }
0x36: {  	p1 =	seq.s32 s10, $0x1;
	s10 =	sld [smem:$0x3FBA];
	_ =	sdelay $0x3  }
0x37: {  	[smem:$0x3FBA] =	sst s10  }
0x38: {  	s10 =	sld [smem:$0x3FBB]  }
0x39: {  	_ = 	snop;
	(pc) =	sbr.ind lr, $3  }
0x3a: {  	_ = 	snop  }
0x3b: {  	_ = 	snop  }
0x3c: {  	p2 =	seq.s32 s10, $0x1;
	s10 =	sld [smem:$0x3FBA]  }
0x3d: {  	_ =	shalt  }
0x3e: {  	_ =	shalt  }
0x3f: {  	_ =	shalt  }
0x40: {  	_ =	shalt  }
0x41: {  	_ =	shalt  }
0x42: {  	_ =	shalt  }
0x43: {  	_ =	shalt  }
0x44: {  	_ =	shalt  }
0x45: {  	_ =	shalt  }
0x46: {  	_ =	shalt  }
0x47: {  	_ =	shalt  }
0x48: {  	_ =	shalt  }
0x49: {  	_ =	shalt  }
0x4a: {  	_ =	shalt  }
0x4b: {  	_ =	shalt  }
0x4c: {  	_ =	shalt  }
0x4d: {  	_ =	shalt  }
0x4e: {  	_ =	shalt  }
0x4f: {  	_ =	shalt  }
0x50: {  	_ =	shalt  }
0x51: {  	_ =	shalt  }
0x52: {  	_ =	shalt  }
0x53: {  	_ =	shalt  }
0x54: {  	_ =	shalt  }
0x55: {  	_ =	shalt  }
0x56: {  	_ =	shalt  }
0x57: {  	_ =	shalt  }
0x58: {  	_ =	shalt  }
0x59: {  	_ =	shalt  }
0x5a: {  	_ =	shalt  }
0x5b: {  	_ =	shalt  }
0x5c: {  	_ =	shalt  }
0x5d: {  	_ =	shalt  }
0x5e: {  	_ =	shalt  }
0x5f: {  	_ =	shalt  }
0x60: {  	_ =	shalt  }
0x61: {  	_ =	shalt  }
0x62: {  	_ =	shalt  }
0x63: {  	_ =	shalt  }
0x64: {  	_ =	shalt  }
0x65: {  	_ =	shalt  }
0x66: {  	_ =	shalt  }
0x67: {  	_ =	shalt  }
0x68: {  	_ =	shalt  }
0x69: {  	_ =	shalt  }
0x6a: {  	_ =	shalt  }
0x6b: {  	_ =	shalt  }
0x6c: {  	_ =	shalt  }
0x6d: {  	_ =	shalt  }
0x6e: {  	_ =	shalt  }
0x6f: {  	_ =	shalt  }
0x70: {  	_ =	shalt  }
0x71: {  	_ =	shalt  }
0x72: {  	_ =	shalt  }
0x73: {  	_ =	shalt  }
0x74: {  	_ =	shalt  }
0x75: {  	_ =	shalt  }
0x76: {  	_ =	shalt  }
0x77: {  	_ =	shalt  }
0x78: {  	_ =	shalt  }
0x79: {  	_ =	shalt  }
0x7a: {  	_ =	shalt  }
0x7b: {  	_ =	shalt  }
0x7c: {  	_ =	shalt  }
0x7d: {  	_ =	shalt  }
0x7e: {  	_ =	shalt  }
0x7f: {  	_ =	shalt  }
0x80: {  	_ =	shalt  }
0x81: {  	_ =	shalt  }
0x82: {  	_ =	shalt  }
0x83: {  	_ =	shalt  }
0x84: {  	_ =	shalt  }
0x85: {  	_ =	shalt  }
0x86: {  	_ =	shalt  }
0x87: {  	_ =	shalt  }
.Lfunc_end0:
.L_simem_size_0:
called_computation.2_lowered:
.L_overlay_start_0:
0x88: {  	s2 =	sld [smem:$0x3FD9]  }
0x89: {  	s3 =	sld [smem:$0x3FFE];
	_ =	sdelay $0x1  }
0x8a: {  	s1 =	srdreg.scid  }
0x8b: {  	s0 =	sand.u32 $0x1, s1  }
0x8c: {  	s17 =	sshll.u32 s0, $0xA;
	s2 =	sadd.s32 s3, s2  }
0x8d: {  	s2 =	sadd.s32 s2, s17  }
0x8e: {  	[smem:$0x3FC6] =	sst s2  }
0x8f: {  	_ = 	snop  }
0x90: {  	s18 =	sld [smem:$0x3FC8];
	(tm) =	ssettm $0x1  }
0x91: {  	s19 =	sld [smem:$0x3FFB];
	_ =	sdelay $0x3  }
0x92: {  	_ =	strace s19  }
0x93: {  	s2 =	sld [smem:$0x3FFC];
	_ =	sdelay $0x3  }
0x94: {  	_ =	strace s2  }
0x95: {  	s2 =	sld [smem:$0x3FFD];
	_ =	sdelay $0x3  }
0x96: {  	_ =	strace s2  }
0x97: {  	_ =	strace $0x8FFFFFFF  }
0x98: {  	s20 =	sld [smem:$0x3FDB];
	_ =	sdelay $0x1  }
0x99: {  	s4 =	simm.s32 $_scs_section_size  }
0x9a: {  	s5 =	simm.s32 $_size__tile_overlayer_lowered;
	s6 =	simm.s32 $_tile_overlayer_lowered  }
0x9b: {  	s7 =	simm.s32 $0x1BFF;
	s21 =	sshll.u32 s6, $0x1;
	s4 =	sadd.s32 s4, s20  }
0x9c: {  	s22 =	simm.s32 $0x0;
	s5 =	sshll.u32 s5, $0x1;
	s6 =	sadd.s32 s21, s4  }
0x9d: {  	[timem:s22], [sflag:s7] =	dma.local [hbm:s6], s5  }
0x9e: {  	_ =	swait.ge [sflag:s7], s5  }
0x9f: {  	s5 =	ssub.s32 $0x0, s5;
	[sflag:s7] =	ssyncset.done $0x0  }
0xa0: {  	[sflag:s7] =	ssyncadd.s32 s5;
	_ =	sdelay $0x1  }
0xa1: {  	s23 =	simm.s32 $0x1B8B  }
0xa2: {  	_ =	swait.ge [sflag:s23], $0x1  }
0xa3: {  	[sflag:s23] =	ssyncset.done $0x0  }
0xa4: {  	[sflag:s23] =	ssyncadd.s32 $0xFFFFFFFF  }
0xa5: {  	s5 =	sld [smem:$0x0]  }
0xa6: {  	s6 =	sand.u32 $0xFFFFFFFE, s1  }
0xa7: {  	p0 =	sne.s32 s1, s6  }
0xa8: {  	s6 =	sshll.u32 @p0 s6, $0xE  }
0xa9: {  	s6 =	sadd.s32 @p0 $0x11B8D, s6;
	s7 =	sshll.u32 @p0 s5, $0x11  }
0xaa: {  	s6 =	sor.u32 @p0 s7, s6  }
0xab: {  	[sflag:s6] =	ssyncadd.remote.s32 @p0 $0x1;
	_ =	sdelay $0x1  }
0xac: {  	s6 =	simm.s32 @p0 $0x1B8D  }
0xad: {  	_ =	swait.eq @p0 [sflag:s6], $0x1  }
0xae: {  	[sflag:s6] =	ssyncadd.s32 @p0 $0xFFFFFFFF  }
0xaf: {  	s7 =	sshll.u32 @!p0 s1, $0xE  }
0xb0: {  	s7 =	sor.u32 @!p0 $0x4000, s7;
	s6 =	simm.s32 @!p0 $0x1B8D  }
0xb1: {  	s5 =	sshll.u32 @!p0 s5, $0x11;
	s7 =	sadd.s32 @!p0 $0x11B8D, s7;
	_ =	swait.eq @!p0 [sflag:s6], $0x1  }
0xb2: {  	s5 =	sor.u32 @!p0 s5, s7;
	[sflag:s6] =	ssyncadd.s32 @!p0 $0xFFFFFFFF  }
0xb3: {  	s25 =	simm.s32 $0x1B8E;
	s24 =	sld [smem:$0x3FFE];
	[sflag:s5] =	ssyncadd.remote.s32 @!p0 $0x1  }
0xb4: {  	s26 =	simm.s32 $execute0_lowered;
	[smem:$0x3FD2] =	sst s25  }
0xb5: {  	s6 =	sshll.u32 s26, $0x1;
	_ =	strace $0x80000049;
	[dreg:$0x1] =	wrdreg $0xFFFFFFFF  }
0xb6: {  	s28 =	simm.s32 $_size_execute0_lowered;
	s4 =	sadd.s32 s4, s6;
	[dreg:$0x0] =	wrdreg $0x0  }
0xb7: {  	s6 =	sshll.u32 s28, $0x1;
	[dreg:$0x2] =	wrdreg s4  }
0xb8: {  	[dreg:$0x3] =	wrdreg s6  }
0xb9: {  	[dreg:$0x4] =	wrdreg $0xC0  }
0xba: {  	_ =	task [dreg:s22], $0x5FFFF  }
0xbb: {  	[dreg:$0x1] =	wrdreg $0xFFFFFFFF  }
0xbc: {  	[dreg:$0x0] =	wrdreg $0x60  }
0xbd: {  	[dreg:$0x2] =	wrdreg s24  }
0xbe: {  	[dreg:$0x3] =	wrdreg s18  }
0xbf: {  	[dreg:$0x4] =	wrdreg $0xB  }
0xc0: {  	_ =	task.clear_ibuf [dreg:s22], $0x5FFFF;
	_ =	strace $0x90000049  }
0xc1: {  	s29 =	simm.s32 $0xB;
	_ =	strace $0x8000004B  }
0xc2: {  	_ =	swait.ge [sflag:s29], $0x1  }
0xc3: {  	[sflag:s29] =	ssyncadd.s32 $0xFFFFFFFF  }
0xc4: {  	_ =	strace $0x9000004B  }
0xc5: {  	_ =	sfence  }
0xc6: {  	s30 =	sld [smem:$0x0];
	_ =	sdelay $0x2  }
0xc7: {  	s31 =	sshll.u32 s1, $0xD;
	s1 =	sshrl.u32 s1, $0x2  }
0xc8: {  	s4 =	sand.u32 $0x4000, s31;
	s1 =	sadd.s32 s1, s30  }
0xc9: {  	s0 =	sor.u32 s4, s0;
	s1 =	sshll.u32 s1, $0x11  }
0xca: {  	s0 =	sor.u32 s1, s0  }
0xcb: {  	s0 =	sadd.s32 $0x8F2B, s0  }
0xcc: {  	[sflag:s0] =	ssyncadd.remote.s32 $0x1  }
0xcd: {  	_ =	sfence.sel $0xFFFF  }
0xce: {  	[dreg:$0x0] =	wrdreg $0xFFFFFFFF;
	(pc) =	sbr.abs _section_cstart, $3  }
0xcf: {  	[dreg:$0x1] =	wrdreg $0xFFFFFFFF  }
0xd0: {  	_ =	task.clear_ibuf [dreg:s22], $0x2FFFF;
	_ =	strace $0x9FFFFFFF  }
0xd1: {  	(tm) =	ssettm $0x7FFFFFFF  }
tec
execute0_lowered:
.L_overlay_start_1:
0x0: {  	(tag) =	ssettag $0x1  }
0x1: {  	s1 =	srdreg.scid;
	s0 =	stileid.u32  }
0x2: {  	s24 =	sand.u32 $0x1, s1;
	s31 =	sshll.u32 s0, $0x1  }
0x3: {  	s1 =	sor.u32 s24, s31  }
0x4: {  	s7 =	smul.u32 $0xFA, s1  }
0x5: {  	s14 =	rddreg [dreg:$0x0]  }
0x6: {  	s3 =	rddreg [dreg:$0x1];
	s2 =	simm.s32 $0x0;
	s4 =	sshrl.u32 s7, $0x1  }
0x7: {  	[smem:$0x7FF] =	sst s2;
	s4 =	sand.u32 $0xFF0, s4  }
0x8: {  	s5 =	simm.s32 $0x8;
	s1 =	rddreg [dreg:$0x2];
	s3 =	sadd.s32 s4, s3  }
0x9: {  	_ =	strace $0x8000004A;
	s4 =	simm.s32 $0x1C000;
	s3 =	sadd.s32 $0x1F40, s3  }
0xa: {  	[tilespmem:s4], [sflag:$0x8] =	stream.linear.gather [hbm4b:s3+s2], $0x400, $0x38;
	[tilespmem:$0x1C400] =	vst v63  }
0xb: {  	_ =	swait.ge [sflag:s5], $0x400  }
0xc: {  	s6 =	sadd.s32 $0x2A00, s14;
	[sflag:s5] =	ssyncset.done $0x0  }
0xd: {  	s15 =	sshll.u32 s7, $0x6;
	s7 =	simm.s32 $0x180;
	[sflag:s5] =	ssyncadd.s32 $0xFFFFFC00  }
0xe: {  	[tilespmem:s2], [sflag:$0x1] =	stream.indirect.gather [hbm4b:s6+s7], $0x80, s4, s7, $0xb8;
	[tilespmem:$0x1C400] =	vst v63  }
0xf: {  	s8 =	simm.s32 $0x1C180;
	s9 =	simm.s32 $0x10000;
	s10 =	simm.s32 $0x80  }
0x10: {  	[tilespmem:s9], [sflag:$0x2] =	stream.indirect.gather [hbm4b:s6+s7], $0x80, s8, s7, $0xb8;
	[tilespmem:$0x1C400] =	vst v63  }
0x11: {  	s11 =	simm.s32 $0x1C300;
	s12 =	simm.s32 $0xC000;
	s13 =	simm.s32 $0x1  }
0x12: {  	[tilespmem:s12], [sflag:$0x3] =	stream.indirect.gather [hbm4b:s6+s10], $0x80, s11, s10, $0xb8;
	[tilespmem:$0x1C400] =	vst v63  }
0x13: {  	s15 =	sand.u32 $0x7F800, s15;
	_ =	swait.ge [sflag:s13], $0xC000  }
0x14: {  	s22 =	sadd.s32 s15, s14;
	[sflag:s13] =	ssyncset.done $0x0  }
0x15: {  	s15 =	simm.s32 $0x2;
	s14 =	sadd.s32 $0x87A00, s22;
	[sflag:s13] =	ssyncadd.s32 $0xFFFF4000  }
0x16: {  	[hbm4b:s14+s2] =	stream.linear.scatter [tilespmem:s2], [sflag:$0x5], $0xC000, $0x38;
	[tilespmem:$0x1C400] =	vst v63  }
0x17: {  	_ =	swait.ge [sflag:s15], $0xC000  }
0x18: {  	[sflag:s15] =	ssyncset.done $0x0  }
0x19: {  	s17 =	simm.s32 $0x3;
	s16 =	sadd.s32 $0x89200, s22;
	[sflag:s15] =	ssyncadd.s32 $0xFFFF4000  }
0x1a: {  	[hbm4b:s16+s2] =	stream.linear.scatter [tilespmem:s9], [sflag:$0x6], $0xC000, $0x38;
	[tilespmem:$0x1C400] =	vst v63  }
0x1b: {  	_ =	swait.ge [sflag:s17], $0x4000  }
0x1c: {  	[sflag:s17] =	ssyncset.done $0x0  }
0x1d: {  	s18 =	simm.s32 $0x5;
	s19 =	sadd.s32 $0x8AA00, s22;
	[sflag:s17] =	ssyncadd.s32 $0xFFFFC000  }
0x1e: {  	[hbm4b:s19+s2] =	stream.linear.scatter [tilespmem:s12], [sflag:$0x7], $0x4000, $0x38;
	[tilespmem:$0x1C400] =	vst v63  }
0x1f: {  	_ =	swait.ge [sflag:s18], $0xC000  }
0x20: {  	[sflag:s18] =	ssyncset.done $0x0  }
0x21: {  	s20 =	simm.s32 $0x1C380;
	s21 =	simm.s32 $0x4;
	[sflag:s18] =	ssyncadd.s32 $0xFFFF4000  }
0x22: {  	[tilespmem:s2], [sflag:$0x4] =	stream.indirect.gather [hbm4b:s6+s10], $0x80, s20, s10, $0xb8;
	[tilespmem:$0x1C400] =	vst v63  }
0x23: {  	_ =	swait.ge [sflag:s21], $0x4000  }
0x24: {  	s23 =	simm.s32 $0x6;
	s25 =	ssub.s32 $0x2, s24;
	[sflag:s21] =	ssyncset.done $0x0  }
0x25: {  	s26 =	sshrl.u32 s25, $0x1;
	s22 =	sadd.s32 $0x8B200, s22;
	[sflag:s21] =	ssyncadd.s32 $0xFFFFC000  }
0x26: {  	[hbm4b:s22+s2] =	stream.linear.scatter [tilespmem:s2], [sflag:$0x5], $0x4000, $0x38;
	[tilespmem:$0x1C400] =	vst v63  }
0x27: {  	s25 =	ssub.s32 s25, s26;
	_ =	swait.ge [sflag:s23], $0xC000  }
0x28: {  	s25 =	smax.u32 s25, $0x1;
	[sflag:s23] =	ssyncset.done $0x0  }
0x29: {  	s24 =	simm.s32 $0x7;
	p0 =	sne.s32 s25, $0x1;
	[sflag:s23] =	ssyncadd.s32 $0xFFFF4000  }
.Ltmp0:
0x2a: {  	_ =	swait.ge [sflag:s24], $0x4000;
	(pc) =	sbr.rel @!p0 .LBB2_2-.Ltmp0, $4  }
0x2b: {  	[sflag:s24] =	ssyncset.done $0x0  }
0x2c: {  	[sflag:s24] =	ssyncadd.s32 $0xFFFFC000  }
0x2d: {  	_ =	swait.ge [sflag:s18], $0x4000  }
0x2e: {  	s25 =	sadd.s32 $0xFFFFFFFF, s25;
	[sflag:s18] =	ssyncset.done $0x0  }
.LBB2_1:
0x2f: {  	p0 =	sne.s32 s25, $0x1;
	s25 =	sadd.s32 $0xFFFFFFFF, s25;
	[sflag:s18] =	ssyncadd.s32 $0xFFFFC000  }
0x30: {  	[tilespmem:s4], [sflag:$0x8] =	stream.linear.gather [hbm4b:s3+s2], $0x400, $0x38;
	[tilespmem:$0x1C400] =	vst v63  }
0x31: {  	_ =	swait.ge [sflag:s5], $0x400  }
0x32: {  	[sflag:s5] =	ssyncset.done $0x0  }
0x33: {  	[sflag:s5] =	ssyncadd.s32 $0xFFFFFC00  }
0x34: {  	[tilespmem:s2], [sflag:$0x1] =	stream.indirect.gather [hbm4b:s6+s7], $0x80, s4, s7, $0xb8;
	[tilespmem:$0x1C400] =	vst v63  }
0x35: {  	_ = 	snop  }
0x36: {  	[tilespmem:s9], [sflag:$0x2] =	stream.indirect.gather [hbm4b:s6+s7], $0x80, s8, s7, $0xb8;
	[tilespmem:$0x1C400] =	vst v63  }
0x37: {  	_ = 	snop  }
0x38: {  	[tilespmem:s12], [sflag:$0x3] =	stream.indirect.gather [hbm4b:s6+s10], $0x80, s11, s10, $0xb8;
	[tilespmem:$0x1C400] =	vst v63  }
0x39: {  	_ =	swait.ge [sflag:s13], $0xC000  }
0x3a: {  	[sflag:s13] =	ssyncset.done $0x0  }
0x3b: {  	[sflag:s13] =	ssyncadd.s32 $0xFFFF4000  }
0x3c: {  	[hbm4b:s14+s2] =	stream.linear.scatter [tilespmem:s2], [sflag:$0x5], $0xC000, $0x38;
	[tilespmem:$0x1C400] =	vst v63  }
0x3d: {  	_ =	swait.ge [sflag:s15], $0xC000  }
0x3e: {  	[sflag:s15] =	ssyncset.done $0x0  }
0x3f: {  	[sflag:s15] =	ssyncadd.s32 $0xFFFF4000  }
0x40: {  	[hbm4b:s16+s2] =	stream.linear.scatter [tilespmem:s9], [sflag:$0x6], $0xC000, $0x38;
	[tilespmem:$0x1C400] =	vst v63  }
0x41: {  	_ =	swait.ge [sflag:s17], $0x4000  }
0x42: {  	[sflag:s17] =	ssyncset.done $0x0  }
0x43: {  	[sflag:s17] =	ssyncadd.s32 $0xFFFFC000  }
0x44: {  	[hbm4b:s19+s2] =	stream.linear.scatter [tilespmem:s12], [sflag:$0x7], $0x4000, $0x38;
	[tilespmem:$0x1C400] =	vst v63  }
0x45: {  	_ =	swait.ge [sflag:s18], $0xC000  }
0x46: {  	[sflag:s18] =	ssyncset.done $0x0  }
0x47: {  	[sflag:s18] =	ssyncadd.s32 $0xFFFF4000  }
0x48: {  	[tilespmem:s2], [sflag:$0x4] =	stream.indirect.gather [hbm4b:s6+s10], $0x80, s20, s10, $0xb8;
	[tilespmem:$0x1C400] =	vst v63  }
0x49: {  	_ =	swait.ge [sflag:s21], $0x4000  }
0x4a: {  	[sflag:s21] =	ssyncset.done $0x0  }
0x4b: {  	[sflag:s21] =	ssyncadd.s32 $0xFFFFC000  }
0x4c: {  	[hbm4b:s22+s2] =	stream.linear.scatter [tilespmem:s2], [sflag:$0x5], $0x4000, $0x38;
	[tilespmem:$0x1C400] =	vst v63  }
0x4d: {  	_ =	swait.ge [sflag:s23], $0xC000  }
0x4e: {  	[sflag:s23] =	ssyncset.done $0x0  }
0x4f: {  	[sflag:s23] =	ssyncadd.s32 $0xFFFF4000  }
.Ltmp1:
0x50: {  	_ =	swait.ge [sflag:s24], $0x4000;
	(pc) =	sbr.rel @p0 .LBB2_1-.Ltmp1, $4  }
0x51: {  	[sflag:s24] =	ssyncset.done $0x0  }
0x52: {  	[sflag:s24] =	ssyncadd.s32 $0xFFFFC000  }
0x53: {  	_ =	swait.ge [sflag:s18], $0x4000  }
0x54: {  	[sflag:s18] =	ssyncset.done $0x0  }
.LBB2_2:
0x55: {  	[sflag:s18] =	ssyncadd.s32 $0xFFFFC000  }
0x56: {  	_ =	sfence.sel $0x180000  }
0x57: {  	[bflag:$0x0] =	sbarrier.arrive $0xFFFF  }
0x58: {  	p0 =	sne.s32 s0, $0x0;
	_ =	strace $0x9000004A  }
0x59: {  	s0 =	sadd.s32 @!p0 $0x100000, s1;
	[bflag:$0x2] =	sbarrier.arrive $0xFFFF  }
0x5a: {  	[sflag:s0] =	ssyncadd.tile.s32 @!p0 $0x1;
	_ =	shalt  }
.Lfunc_end2:
_tile_overlayer_lowered:
.L_overlay_start_2:
0x5b: {  	(tag) =	ssettag $0x2  }
0x5c: {  	s0 =	rddreg [dreg:$0x0];
	s2 =	stileid.u32  }
0x5d: {  	s1 =	rddreg [dreg:$0x1];
	p0 =	sne.s32 s2, $0x0  }
0x5e: {  	s3 =	rddreg [dreg:$0x2];
	[bflag:$0x3] =	sbarrier.arrive $0xFFFF;
	s2 =	simm.s32 @!p0 $0x1C08  }
0x5f: {  	[timem:s3], [sflag:s2] =	dma.local @!p0 [hbm:s0], s1  }
0x60: {  	s0 =	simm.s32 @!p0 $0x8  }
0x61: {  	_ =	swait.ge @!p0 [sflag:s0], s1  }
0x62: {  	s1 =	ssub.s32 @!p0 $0x0, s1;
	[sflag:s0] =	ssyncset.done @!p0 $0x0  }
0x63: {  	[sflag:s0] =	ssyncadd.s32 @!p0 s1  }
0x64: {  	[bflag:$0x3] =	sbarrier.arrive $0xFFFF  }
0x65: {  	_ =	shalt  }

// kernel: kernel.23.cloned.1.call-start
scs
__scs_entry_jumppad:
0x0: {  	(pc) =	sbr.rel $0x88, $3  }
0x1: {  	(tag) =	ssettag $0x0;
	lr =	simm.s32 $0x1  }
0x2: {  	[smem:$0x3F9F] =	sst lr;
	_ =	strace $0xD0000000  }
0x3: {  	_ = 	snop  }
0x4: {  	_ = 	snop  }
0x5: {  	_ = 	snop  }
0x6: {  	_ = 	snop  }
0x7: {  	_ = 	snop  }
__scs_overlays_trampoline_lowered:
0x8: {  	[smem:$0x3FAE] =	sst s0  }
0x9: {  	[smem:$0x3FAF] =	sst s1  }
0xa: {  	[smem:$0x3FB0] =	sst s2  }
0xb: {  	[smem:$0x3FB1] =	sst s3  }
0xc: {  	[smem:$0x3FB2] =	sst s4  }
0xd: {  	[smem:$0x3FB3] =	sst s5  }
0xe: {  	[smem:$0x3FB4] =	sst s6  }
0xf: {  	[smem:$0x3FB5] =	sst s7  }
0x10: {  	[smem:$0x3FB6] =	sst s8  }
0x11: {  	[smem:$0x3FB7] =	sst s9;
	s0 =	simm.s32 @!p0 $0x0  }
0x12: {  	s1 =	sld [smem:$0x3F9D];
	s0 =	simm.s32 @p0 $0x1  }
0x13: {  	[smem:$0x3FB8] =	sst s0;
	s0 =	simm.s32 @!p1 $0x0  }
0x14: {  	s2 =	sld [smem:$0x3F9C];
	s0 =	simm.s32 @p1 $0x1  }
0x15: {  	[smem:$0x3FB9] =	sst s0;
	s0 =	simm.s32 @!p2 $0x0  }
0x16: {  	s3 =	sld [smem:$0x3FDB];
	s0 =	simm.s32 @p2 $0x1  }
0x17: {  	s4 =	simm.s32 $0x1BF5;
	[smem:$0x3FBB] =	sst s0  }
0x18: {  	s0 =	sld [smem:$0x3F9E];
	_ =	swait.ge [sflag:s4], $0x0  }
0x19: {  	s7 =	sld [smem:$0x3F9F]  }
0x1a: {  	s8 =	sadd.s32 $0xFFFFE003, lr  }
0x1b: {  	s9 =	sadd.s32 $0xFFFFFEF7, lr;
	s5 =	simm.s32 $0xFFFFFFFF;
	p2 =	slt.u32 s8, $0xFFFFF086  }
0x1c: {  	p1 =	slt.u32 s9, $0xF7A;
	s5 =	simm.s32 @!p2 $0x0  }
0x1d: {  	s5 =	simm.s32 @p1 $0x1;
	p0 =	seq.s32 s7, s2  }
0x1e: {  	s7 =	smul.u32 @!p0 $0xF7A, s2;
	p2 =	seq.s32 @!p0 s5, $0x0  }
0x1f: {  	s9 =	smul.u32 $0xF7A, s1;
	s8 =	simm.s32 @!p0 $0x1BF5;
	p2 =	por !p2, p0  }
0x20: {  	[sflag:s8] =	ssyncset.s32 @!p0 $0xFFFFF086;
	s6 =	sadd.s32 @!p0 s3, s7;
	s7 =	simm.s32 @!p0 $0x108  }
0x21: {  	s3 =	sadd.s32 s3, s9;
	s6 =	sadd.s32 @!p0 $0x88, s6;
	s7 =	simm.s32 @p2 $0x1082  }
0x22: {  	[simem:s7], [sflag:s8] =	dma.local @!p0 [hbm:s6], $0xF7A  }
0x23: {  	s9 =	sor.u32 $0xD0000000, s2;
	s6 =	simm.s32 $0x108;
	_ =	swait.ge @!p0 [sflag:s8], $0x0  }
0x24: {  	s3 =	sadd.s32 $0x88, s3;
	s6 =	simm.s32 @!p1 $0x1082;
	[sflag:s4] =	ssyncset.s32 $0xFFFFF086  }
0x25: {  	[simem:s6], [sflag:s4] =	dma.local [hbm:s3], $0xF7A  }
0x26: {  	[smem:$0x3F9F] =	sst s1;
	(tag) =	ssettag s2;
	_ =	strace s9  }
0x27: {  	s1 =	sld [smem:$0x3FAF]  }
0x28: {  	s2 =	sld [smem:$0x3FB0]  }
0x29: {  	s4 =	sld [smem:$0x3FB2]  }
0x2a: {  	p0 =	seq.s32 s5, $0x0;
	s5 =	sld [smem:$0x3FB3]  }
0x2b: {  	s6 =	sld [smem:$0x3FB4]  }
0x2c: {  	s7 =	sld [smem:$0x3FB5]  }
0x2d: {  	s3 =	simm.s32 $0x108;
	s8 =	sld [smem:$0x3FB6]  }
0x2e: {  	s3 =	simm.s32 @!p0 $0x1082;
	s9 =	sld [smem:$0x3FB7]  }
0x2f: {  	lr =	sadd.s32 s0, s3;
	s0 =	sld [smem:$0x3FAE]  }
0x30: {  	s3 =	sld [smem:$0x3FB1]  }
0x31: {  	[smem:$0x3FBA] =	sst s10  }
0x32: {  	s10 =	sld [smem:$0x3FB8];
	_ =	sdelay $0x3  }
0x33: {  	p0 =	seq.s32 s10, $0x1;
	s10 =	sld [smem:$0x3FBA];
	_ =	sdelay $0x3  }
0x34: {  	[smem:$0x3FBA] =	sst s10  }
0x35: {  	s10 =	sld [smem:$0x3FB9];
	_ =	sdelay $0x3  }
0x36: {  	p1 =	seq.s32 s10, $0x1;
	s10 =	sld [smem:$0x3FBA];
	_ =	sdelay $0x3  }
0x37: {  	[smem:$0x3FBA] =	sst s10  }
0x38: {  	s10 =	sld [smem:$0x3FBB]  }
0x39: {  	_ = 	snop;
	(pc) =	sbr.ind lr, $3  }
0x3a: {  	_ = 	snop  }
0x3b: {  	_ = 	snop  }
0x3c: {  	p2 =	seq.s32 s10, $0x1;
	s10 =	sld [smem:$0x3FBA]  }
0x3d: {  	_ =	shalt  }
0x3e: {  	_ =	shalt  }
0x3f: {  	_ =	shalt  }
0x40: {  	_ =	shalt  }
0x41: {  	_ =	shalt  }
0x42: {  	_ =	shalt  }
0x43: {  	_ =	shalt  }
0x44: {  	_ =	shalt  }
0x45: {  	_ =	shalt  }
0x46: {  	_ =	shalt  }
0x47: {  	_ =	shalt  }
0x48: {  	_ =	shalt  }
0x49: {  	_ =	shalt  }
0x4a: {  	_ =	shalt  }
0x4b: {  	_ =	shalt  }
0x4c: {  	_ =	shalt  }
0x4d: {  	_ =	shalt  }
0x4e: {  	_ =	shalt  }
0x4f: {  	_ =	shalt  }
0x50: {  	_ =	shalt  }
0x51: {  	_ =	shalt  }
0x52: {  	_ =	shalt  }
0x53: {  	_ =	shalt  }
0x54: {  	_ =	shalt  }
0x55: {  	_ =	shalt  }
0x56: {  	_ =	shalt  }
0x57: {  	_ =	shalt  }
0x58: {  	_ =	shalt  }
0x59: {  	_ =	shalt  }
0x5a: {  	_ =	shalt  }
0x5b: {  	_ =	shalt  }
0x5c: {  	_ =	shalt  }
0x5d: {  	_ =	shalt  }
0x5e: {  	_ =	shalt  }
0x5f: {  	_ =	shalt  }
0x60: {  	_ =	shalt  }
0x61: {  	_ =	shalt  }
0x62: {  	_ =	shalt  }
0x63: {  	_ =	shalt  }
0x64: {  	_ =	shalt  }
0x65: {  	_ =	shalt  }
0x66: {  	_ =	shalt  }
0x67: {  	_ =	shalt  }
0x68: {  	_ =	shalt  }
0x69: {  	_ =	shalt  }
0x6a: {  	_ =	shalt  }
0x6b: {  	_ =	shalt  }
0x6c: {  	_ =	shalt  }
0x6d: {  	_ =	shalt  }
0x6e: {  	_ =	shalt  }
0x6f: {  	_ =	shalt  }
0x70: {  	_ =	shalt  }
0x71: {  	_ =	shalt  }
0x72: {  	_ =	shalt  }
0x73: {  	_ =	shalt  }
0x74: {  	_ =	shalt  }
0x75: {  	_ =	shalt  }
0x76: {  	_ =	shalt  }
0x77: {  	_ =	shalt  }
0x78: {  	_ =	shalt  }
0x79: {  	_ =	shalt  }
0x7a: {  	_ =	shalt  }
0x7b: {  	_ =	shalt  }
0x7c: {  	_ =	shalt  }
0x7d: {  	_ =	shalt  }
0x7e: {  	_ =	shalt  }
0x7f: {  	_ =	shalt  }
0x80: {  	_ =	shalt  }
0x81: {  	_ =	shalt  }
0x82: {  	_ =	shalt  }
0x83: {  	_ =	shalt  }
0x84: {  	_ =	shalt  }
0x85: {  	_ =	shalt  }
0x86: {  	_ =	shalt  }
0x87: {  	_ =	shalt  }
.Lfunc_end0:
.L_simem_size_0:
called_computation.3_lowered:
.L_overlay_start_0:
0x88: {  	s2 =	sld [smem:$0x3FD9]  }
0x89: {  	s3 =	sld [smem:$0x3FFE];
	_ =	sdelay $0x1  }
0x8a: {  	s1 =	srdreg.scid  }
0x8b: {  	s0 =	sand.u32 $0x1, s1  }
0x8c: {  	s17 =	sshll.u32 s0, $0xA;
	s2 =	sadd.s32 s3, s2  }
0x8d: {  	s2 =	sadd.s32 s2, s17  }
0x8e: {  	[smem:$0x3FC6] =	sst s2  }
0x8f: {  	_ = 	snop  }
0x90: {  	s2 =	sld [smem:$0x3FC8];
	(tm) =	ssettm $0x1  }
0x91: {  	s18 =	sld [smem:$0x3FFB];
	_ =	sdelay $0x3  }
0x92: {  	_ =	strace s18  }
0x93: {  	s3 =	sld [smem:$0x3FFC];
	_ =	sdelay $0x3  }
0x94: {  	_ =	strace s3  }
0x95: {  	s3 =	sld [smem:$0x3FFD];
	_ =	sdelay $0x3  }
0x96: {  	_ =	strace s3  }
0x97: {  	_ =	strace $0x8FFFFFFF  }
0x98: {  	s19 =	sld [smem:$0x3FDB];
	_ =	sdelay $0x1  }
0x99: {  	s4 =	simm.s32 $_scs_section_size  }
0x9a: {  	s5 =	simm.s32 $_size__tile_overlayer_lowered;
	s6 =	simm.s32 $_tile_overlayer_lowered  }
0x9b: {  	s22 =	simm.s32 $0x1BFF;
	s21 =	sshll.u32 s6, $0x1;
	s3 =	sadd.s32 s4, s19  }
0x9c: {  	s7 =	simm.s32 $0x0;
	s20 =	sshll.u32 s5, $0x1;
	s5 =	sadd.s32 s21, s3  }
0x9d: {  	[timem:s7], [sflag:s22] =	dma.local [hbm:s5], s20  }
0x9e: {  	_ =	swait.ge [sflag:s22], s20  }
0x9f: {  	s4 =	ssub.s32 $0x0, s20;
	[sflag:s22] =	ssyncset.done $0x0  }
0xa0: {  	[sflag:s22] =	ssyncadd.s32 s4;
	_ =	sdelay $0x1  }
0xa1: {  	s23 =	simm.s32 $0x1B8B  }
0xa2: {  	_ =	swait.ge [sflag:s23], $0x1  }
0xa3: {  	[sflag:s23] =	ssyncset.done $0x0  }
0xa4: {  	s25 =	simm.s32 $0x1B8E;
	s24 =	sld [smem:$0x3FFE];
	[sflag:s23] =	ssyncadd.s32 $0xFFFFFFFF  }
0xa5: {  	s26 =	simm.s32 $execute0_lowered;
	[smem:$0x3FD2] =	sst s25  }
0xa6: {  	s5 =	sshll.u32 s26, $0x1;
	_ =	strace $0x80000046;
	[dreg:$0x1] =	wrdreg $0xFFFFFFFF  }
0xa7: {  	s28 =	simm.s32 $_size_execute0_lowered;
	s3 =	sadd.s32 s3, s5;
	[dreg:$0x0] =	wrdreg $0x0  }
0xa8: {  	s5 =	sshll.u32 s28, $0x1;
	[dreg:$0x2] =	wrdreg s3  }
0xa9: {  	[dreg:$0x3] =	wrdreg s5  }
0xaa: {  	[dreg:$0x4] =	wrdreg $0xC0  }
0xab: {  	_ =	task [dreg:s7], $0x5FFFF  }
0xac: {  	[dreg:$0x1] =	wrdreg $0xFFFFFFFF  }
0xad: {  	[dreg:$0x0] =	wrdreg $0x60  }
0xae: {  	[dreg:$0x2] =	wrdreg s24  }
0xaf: {  	[dreg:$0x3] =	wrdreg s2  }
0xb0: {  	[dreg:$0x4] =	wrdreg $0xC  }
0xb1: {  	_ =	task.clear_ibuf [dreg:s7], $0x5FFFF;
	_ =	strace $0x90000046  }
0xb2: {  	s29 =	simm.s32 $0xC;
	_ =	strace $0x80000048  }
0xb3: {  	_ =	swait.ge [sflag:s29], $0x1  }
0xb4: {  	[sflag:s29] =	ssyncadd.s32 $0xFFFFFFFF  }
0xb5: {  	_ =	strace $0x90000048  }
0xb6: {  	_ =	sfence  }
0xb7: {  	s30 =	sld [smem:$0x0];
	_ =	sdelay $0x2  }
0xb8: {  	s31 =	sshll.u32 s1, $0xD;
	s1 =	sshrl.u32 s1, $0x2  }
0xb9: {  	s3 =	sand.u32 $0x4000, s31;
	s1 =	sadd.s32 s1, s30  }
0xba: {  	s0 =	sor.u32 s3, s0;
	s1 =	sshll.u32 s1, $0x11  }
0xbb: {  	s0 =	sor.u32 s1, s0  }
0xbc: {  	s0 =	sadd.s32 $0x8F2B, s0  }
0xbd: {  	[sflag:s0] =	ssyncadd.remote.s32 $0x1  }
0xbe: {  	_ =	sfence.sel $0xFFFF  }
0xbf: {  	[dreg:$0x0] =	wrdreg $0xFFFFFFFF;
	(pc) =	sbr.abs _section_cstart, $3  }
0xc0: {  	[dreg:$0x1] =	wrdreg $0xFFFFFFFF  }
0xc1: {  	_ =	task.clear_ibuf [dreg:s7], $0x2FFFF;
	_ =	strace $0x9FFFFFFF  }
0xc2: {  	(tm) =	ssettm $0x7FFFFFFF  }
0xc3: {  	_ =	shalt  }
tec
execute0_lowered:
.L_overlay_start_1:
0x0: {  	(tag) =	ssettag $0x1  }
0x1: {  	s1 =	srdreg.scid;
	s0 =	stileid.u32  }
0x2: {  	s24 =	sand.u32 $0x1, s1;
	s31 =	sshll.u32 s0, $0x1  }
0x3: {  	s1 =	sor.u32 s24, s31  }
0x4: {  	s7 =	smul.u32 $0xFA, s1  }
0x5: {  	s14 =	rddreg [dreg:$0x0]  }
0x6: {  	s3 =	rddreg [dreg:$0x1];
	s2 =	simm.s32 $0x0;
	s4 =	sshrl.u32 s7, $0x1  }
0x7: {  	[smem:$0x7FF] =	sst s2;
	s4 =	sand.u32 $0xFF0, s4  }
0x8: {  	s5 =	simm.s32 $0x8;
	s1 =	rddreg [dreg:$0x2];
	s3 =	sadd.s32 s4, s3  }
0x9: {  	_ =	strace $0x80000047;
	s4 =	simm.s32 $0x1C000;
	s3 =	sadd.s32 $0x2EE0, s3  }
0xa: {  	[tilespmem:s4], [sflag:$0x8] =	stream.linear.gather [hbm4b:s3+s2], $0x400, $0x38;
	[tilespmem:$0x1C400] =	vst v63  }
0xb: {  	_ =	swait.ge [sflag:s5], $0x400  }
0xc: {  	s6 =	sadd.s32 $0x2A00, s14;
	[sflag:s5] =	ssyncset.done $0x0  }
0xd: {  	s15 =	sshll.u32 s7, $0x6;
	s7 =	simm.s32 $0x180;
	[sflag:s5] =	ssyncadd.s32 $0xFFFFFC00  }
0xe: {  	[tilespmem:s2], [sflag:$0x1] =	stream.indirect.gather [hbm4b:s6+s7], $0x80, s4, s7, $0xb8;
	[tilespmem:$0x1C400] =	vst v63  }
0xf: {  	s8 =	simm.s32 $0x1C180;
	s9 =	simm.s32 $0x10000;
	s10 =	simm.s32 $0x80  }
0x10: {  	[tilespmem:s9], [sflag:$0x2] =	stream.indirect.gather [hbm4b:s6+s7], $0x80, s8, s7, $0xb8;
	[tilespmem:$0x1C400] =	vst v63  }
0x11: {  	s11 =	simm.s32 $0x1C300;
	s12 =	simm.s32 $0xC000;
	s13 =	simm.s32 $0x1  }
0x12: {  	[tilespmem:s12], [sflag:$0x3] =	stream.indirect.gather [hbm4b:s6+s10], $0x80, s11, s10, $0xb8;
	[tilespmem:$0x1C400] =	vst v63  }
0x13: {  	s15 =	sand.u32 $0x7F800, s15;
	_ =	swait.ge [sflag:s13], $0xC000  }
0x14: {  	s22 =	sadd.s32 s15, s14;
	[sflag:s13] =	ssyncset.done $0x0  }
0x15: {  	s15 =	simm.s32 $0x2;
	s14 =	sadd.s32 $0xAA00, s22;
	[sflag:s13] =	ssyncadd.s32 $0xFFFF4000  }
0x16: {  	[hbm4b:s14+s2] =	stream.linear.scatter [tilespmem:s2], [sflag:$0x5], $0xC000, $0x38;
	[tilespmem:$0x1C400] =	vst v63  }
0x17: {  	_ =	swait.ge [sflag:s15], $0xC000  }
0x18: {  	[sflag:s15] =	ssyncset.done $0x0  }
0x19: {  	s17 =	simm.s32 $0x3;
	s16 =	sadd.s32 $0xC200, s22;
	[sflag:s15] =	ssyncadd.s32 $0xFFFF4000  }
0x1a: {  	[hbm4b:s16+s2] =	stream.linear.scatter [tilespmem:s9], [sflag:$0x6], $0xC000, $0x38;
	[tilespmem:$0x1C400] =	vst v63  }
0x1b: {  	_ =	swait.ge [sflag:s17], $0x4000  }
0x1c: {  	[sflag:s17] =	ssyncset.done $0x0  }
0x1d: {  	s18 =	simm.s32 $0x5;
	s19 =	sadd.s32 $0xDA00, s22;
	[sflag:s17] =	ssyncadd.s32 $0xFFFFC000  }
0x1e: {  	[hbm4b:s19+s2] =	stream.linear.scatter [tilespmem:s12], [sflag:$0x7], $0x4000, $0x38;
	[tilespmem:$0x1C400] =	vst v63  }
0x1f: {  	_ =	swait.ge [sflag:s18], $0xC000  }
0x20: {  	[sflag:s18] =	ssyncset.done $0x0  }
0x21: {  	s20 =	simm.s32 $0x1C380;
	s21 =	simm.s32 $0x4;
	[sflag:s18] =	ssyncadd.s32 $0xFFFF4000  }
0x22: {  	[tilespmem:s2], [sflag:$0x4] =	stream.indirect.gather [hbm4b:s6+s10], $0x80, s20, s10, $0xb8;
	[tilespmem:$0x1C400] =	vst v63  }
0x23: {  	_ =	swait.ge [sflag:s21], $0x4000  }
0x24: {  	s23 =	simm.s32 $0x6;
	s25 =	ssub.s32 $0x2, s24;
	[sflag:s21] =	ssyncset.done $0x0  }
0x25: {  	s26 =	sshrl.u32 s25, $0x1;
	s22 =	sadd.s32 $0xE200, s22;
	[sflag:s21] =	ssyncadd.s32 $0xFFFFC000  }
0x26: {  	[hbm4b:s22+s2] =	stream.linear.scatter [tilespmem:s2], [sflag:$0x5], $0x4000, $0x38;
	[tilespmem:$0x1C400] =	vst v63  }
0x27: {  	s25 =	ssub.s32 s25, s26;
	_ =	swait.ge [sflag:s23], $0xC000  }
0x28: {  	s25 =	smax.u32 s25, $0x1;
	[sflag:s23] =	ssyncset.done $0x0  }
0x29: {  	s24 =	simm.s32 $0x7;
	p0 =	sne.s32 s25, $0x1;
	[sflag:s23] =	ssyncadd.s32 $0xFFFF4000  }
.Ltmp0:
0x2a: {  	_ =	swait.ge [sflag:s24], $0x4000;
	(pc) =	sbr.rel @!p0 .LBB2_2-.Ltmp0, $4  }
0x2b: {  	[sflag:s24] =	ssyncset.done $0x0  }
0x2c: {  	[sflag:s24] =	ssyncadd.s32 $0xFFFFC000  }
0x2d: {  	_ =	swait.ge [sflag:s18], $0x4000  }
0x2e: {  	s25 =	sadd.s32 $0xFFFFFFFF, s25;
	[sflag:s18] =	ssyncset.done $0x0  }
.LBB2_1:
0x2f: {  	p0 =	sne.s32 s25, $0x1;
	s25 =	sadd.s32 $0xFFFFFFFF, s25;
	[sflag:s18] =	ssyncadd.s32 $0xFFFFC000  }
0x30: {  	[tilespmem:s4], [sflag:$0x8] =	stream.linear.gather [hbm4b:s3+s2], $0x400, $0x38;
	[tilespmem:$0x1C400] =	vst v63  }
0x31: {  	_ =	swait.ge [sflag:s5], $0x400  }
0x32: {  	[sflag:s5] =	ssyncset.done $0x0  }
0x33: {  	[sflag:s5] =	ssyncadd.s32 $0xFFFFFC00  }
0x34: {  	[tilespmem:s2], [sflag:$0x1] =	stream.indirect.gather [hbm4b:s6+s7], $0x80, s4, s7, $0xb8;
	[tilespmem:$0x1C400] =	vst v63  }
0x35: {  	_ = 	snop  }
0x36: {  	[tilespmem:s9], [sflag:$0x2] =	stream.indirect.gather [hbm4b:s6+s7], $0x80, s8, s7, $0xb8;
	[tilespmem:$0x1C400] =	vst v63  }
0x37: {  	_ = 	snop  }
0x38: {  	[tilespmem:s12], [sflag:$0x3] =	stream.indirect.gather [hbm4b:s6+s10], $0x80, s11, s10, $0xb8;
	[tilespmem:$0x1C400] =	vst v63  }
0x39: {  	_ =	swait.ge [sflag:s13], $0xC000  }
0x3a: {  	[sflag:s13] =	ssyncset.done $0x0  }
0x3b: {  	[sflag:s13] =	ssyncadd.s32 $0xFFFF4000  }
0x3c: {  	[hbm4b:s14+s2] =	stream.linear.scatter [tilespmem:s2], [sflag:$0x5], $0xC000, $0x38;
	[tilespmem:$0x1C400] =	vst v63  }
0x3d: {  	_ =	swait.ge [sflag:s15], $0xC000  }
0x3e: {  	[sflag:s15] =	ssyncset.done $0x0  }
0x3f: {  	[sflag:s15] =	ssyncadd.s32 $0xFFFF4000  }
0x40: {  	[hbm4b:s16+s2] =	stream.linear.scatter [tilespmem:s9], [sflag:$0x6], $0xC000, $0x38;
	[tilespmem:$0x1C400] =	vst v63  }
0x41: {  	_ =	swait.ge [sflag:s17], $0x4000  }
0x42: {  	[sflag:s17] =	ssyncset.done $0x0  }
0x43: {  	[sflag:s17] =	ssyncadd.s32 $0xFFFFC000  }
0x44: {  	[hbm4b:s19+s2] =	stream.linear.scatter [tilespmem:s12], [sflag:$0x7], $0x4000, $0x38;
	[tilespmem:$0x1C400] =	vst v63  }
0x45: {  	_ =	swait.ge [sflag:s18], $0xC000  }
0x46: {  	[sflag:s18] =	ssyncset.done $0x0  }
0x47: {  	[sflag:s18] =	ssyncadd.s32 $0xFFFF4000  }
0x48: {  	[tilespmem:s2], [sflag:$0x4] =	stream.indirect.gather [hbm4b:s6+s10], $0x80, s20, s10, $0xb8;
	[tilespmem:$0x1C400] =	vst v63  }
0x49: {  	_ =	swait.ge [sflag:s21], $0x4000  }
0x4a: {  	[sflag:s21] =	ssyncset.done $0x0  }
0x4b: {  	[sflag:s21] =	ssyncadd.s32 $0xFFFFC000  }
0x4c: {  	[hbm4b:s22+s2] =	stream.linear.scatter [tilespmem:s2], [sflag:$0x5], $0x4000, $0x38;
	[tilespmem:$0x1C400] =	vst v63  }
0x4d: {  	_ =	swait.ge [sflag:s23], $0xC000  }
0x4e: {  	[sflag:s23] =	ssyncset.done $0x0  }
0x4f: {  	[sflag:s23] =	ssyncadd.s32 $0xFFFF4000  }
.Ltmp1:
0x50: {  	_ =	swait.ge [sflag:s24], $0x4000;
	(pc) =	sbr.rel @p0 .LBB2_1-.Ltmp1, $4  }
0x51: {  	[sflag:s24] =	ssyncset.done $0x0  }
0x52: {  	[sflag:s24] =	ssyncadd.s32 $0xFFFFC000  }
0x53: {  	_ =	swait.ge [sflag:s18], $0x4000  }
0x54: {  	[sflag:s18] =	ssyncset.done $0x0  }
.LBB2_2:
0x55: {  	[sflag:s18] =	ssyncadd.s32 $0xFFFFC000  }
0x56: {  	_ =	sfence.sel $0x180000  }
0x57: {  	[bflag:$0x0] =	sbarrier.arrive $0xFFFF  }
0x58: {  	p0 =	sne.s32 s0, $0x0;
	_ =	strace $0x90000047  }
0x59: {  	s0 =	sadd.s32 @!p0 $0x100000, s1;
	[bflag:$0x2] =	sbarrier.arrive $0xFFFF  }
0x5a: {  	[sflag:s0] =	ssyncadd.tile.s32 @!p0 $0x1;
	_ =	shalt  }
.Lfunc_end2:
_tile_overlayer_lowered:
.L_overlay_start_2:
0x5b: {  	(tag) =	ssettag $0x2  }
0x5c: {  	s0 =	rddreg [dreg:$0x0];
	s2 =	stileid.u32  }
0x5d: {  	s1 =	rddreg [dreg:$0x1];
	p0 =	sne.s32 s2, $0x0  }
0x5e: {  	s3 =	rddreg [dreg:$0x2];
	[bflag:$0x3] =	sbarrier.arrive $0xFFFF;
	s2 =	simm.s32 @!p0 $0x1C08  }
0x5f: {  	[timem:s3], [sflag:s2] =	dma.local @!p0 [hbm:s0], s1  }
0x60: {  	s0 =	simm.s32 @!p0 $0x8  }
0x61: {  	_ =	swait.ge @!p0 [sflag:s0], s1  }
0x62: {  	s1 =	ssub.s32 @!p0 $0x0, s1;
	[sflag:s0] =	ssyncset.done @!p0 $0x0  }
0x63: {  	[sflag:s0] =	ssyncadd.s32 @!p0 s1  }
0x64: {  	[bflag:$0x3] =	sbarrier.arrive $0xFFFF  }
0x65: {  	_ =	shalt  }

// kernel: kernel.26.cloned.1.call-start
scs
__scs_entry_jumppad:
0x0: {  	(pc) =	sbr.rel $0x88, $3  }
0x1: {  	(tag) =	ssettag $0x0;
	lr =	simm.s32 $0x1  }
0x2: {  	[smem:$0x3F9F] =	sst lr;
	_ =	strace $0xD0000000  }
0x3: {  	_ = 	snop  }
0x4: {  	_ = 	snop  }
0x5: {  	_ = 	snop  }
0x6: {  	_ = 	snop  }
0x7: {  	_ = 	snop  }
__scs_overlays_trampoline_lowered:
0x8: {  	[smem:$0x3FAE] =	sst s0  }
0x9: {  	[smem:$0x3FAF] =	sst s1  }
0xa: {  	[smem:$0x3FB0] =	sst s2  }
0xb: {  	[smem:$0x3FB1] =	sst s3  }
0xc: {  	[smem:$0x3FB2] =	sst s4  }
0xd: {  	[smem:$0x3FB3] =	sst s5  }
0xe: {  	[smem:$0x3FB4] =	sst s6  }
0xf: {  	[smem:$0x3FB5] =	sst s7  }
0x10: {  	[smem:$0x3FB6] =	sst s8  }
0x11: {  	[smem:$0x3FB7] =	sst s9;
	s0 =	simm.s32 @!p0 $0x0  }
0x12: {  	s1 =	sld [smem:$0x3F9D];
	s0 =	simm.s32 @p0 $0x1  }
0x13: {  	[smem:$0x3FB8] =	sst s0;
	s0 =	simm.s32 @!p1 $0x0  }
0x14: {  	s2 =	sld [smem:$0x3F9C];
	s0 =	simm.s32 @p1 $0x1  }
0x15: {  	[smem:$0x3FB9] =	sst s0;
	s0 =	simm.s32 @!p2 $0x0  }
0x16: {  	s3 =	sld [smem:$0x3FDB];
	s0 =	simm.s32 @p2 $0x1  }
0x17: {  	s4 =	simm.s32 $0x1BF5;
	[smem:$0x3FBB] =	sst s0  }
0x18: {  	s0 =	sld [smem:$0x3F9E];
	_ =	swait.ge [sflag:s4], $0x0  }
0x19: {  	s7 =	sld [smem:$0x3F9F]  }
0x1a: {  	s8 =	sadd.s32 $0xFFFFE003, lr  }
0x1b: {  	s9 =	sadd.s32 $0xFFFFFEF7, lr;
	s5 =	simm.s32 $0xFFFFFFFF;
	p2 =	slt.u32 s8, $0xFFFFF086  }
0x1c: {  	p1 =	slt.u32 s9, $0xF7A;
	s5 =	simm.s32 @!p2 $0x0  }
0x1d: {  	s5 =	simm.s32 @p1 $0x1;
	p0 =	seq.s32 s7, s2  }
0x1e: {  	s7 =	smul.u32 @!p0 $0xF7A, s2;
	p2 =	seq.s32 @!p0 s5, $0x0  }
0x1f: {  	s9 =	smul.u32 $0xF7A, s1;
	s8 =	simm.s32 @!p0 $0x1BF5;
	p2 =	por !p2, p0  }
0x20: {  	[sflag:s8] =	ssyncset.s32 @!p0 $0xFFFFF086;
	s6 =	sadd.s32 @!p0 s3, s7;
	s7 =	simm.s32 @!p0 $0x108  }
0x21: {  	s3 =	sadd.s32 s3, s9;
	s6 =	sadd.s32 @!p0 $0x88, s6;
	s7 =	simm.s32 @p2 $0x1082  }
0x22: {  	[simem:s7], [sflag:s8] =	dma.local @!p0 [hbm:s6], $0xF7A  }
0x23: {  	s9 =	sor.u32 $0xD0000000, s2;
	s6 =	simm.s32 $0x108;
	_ =	swait.ge @!p0 [sflag:s8], $0x0  }
0x24: {  	s3 =	sadd.s32 $0x88, s3;
	s6 =	simm.s32 @!p1 $0x1082;
	[sflag:s4] =	ssyncset.s32 $0xFFFFF086  }
0x25: {  	[simem:s6], [sflag:s4] =	dma.local [hbm:s3], $0xF7A  }
0x26: {  	[smem:$0x3F9F] =	sst s1;
	(tag) =	ssettag s2;
	_ =	strace s9  }
0x27: {  	s1 =	sld [smem:$0x3FAF]  }
0x28: {  	s2 =	sld [smem:$0x3FB0]  }
0x29: {  	s4 =	sld [smem:$0x3FB2]  }
0x2a: {  	p0 =	seq.s32 s5, $0x0;
	s5 =	sld [smem:$0x3FB3]  }
0x2b: {  	s6 =	sld [smem:$0x3FB4]  }
0x2c: {  	s7 =	sld [smem:$0x3FB5]  }
0x2d: {  	s3 =	simm.s32 $0x108;
	s8 =	sld [smem:$0x3FB6]  }
0x2e: {  	s3 =	simm.s32 @!p0 $0x1082;
	s9 =	sld [smem:$0x3FB7]  }
0x2f: {  	lr =	sadd.s32 s0, s3;
	s0 =	sld [smem:$0x3FAE]  }
0x30: {  	s3 =	sld [smem:$0x3FB1]  }
0x31: {  	[smem:$0x3FBA] =	sst s10  }
0x32: {  	s10 =	sld [smem:$0x3FB8];
	_ =	sdelay $0x3  }
0x33: {  	p0 =	seq.s32 s10, $0x1;
	s10 =	sld [smem:$0x3FBA];
	_ =	sdelay $0x3  }
0x34: {  	[smem:$0x3FBA] =	sst s10  }
0x35: {  	s10 =	sld [smem:$0x3FB9];
	_ =	sdelay $0x3  }
0x36: {  	p1 =	seq.s32 s10, $0x1;
	s10 =	sld [smem:$0x3FBA];
	_ =	sdelay $0x3  }
0x37: {  	[smem:$0x3FBA] =	sst s10  }
0x38: {  	s10 =	sld [smem:$0x3FBB]  }
0x39: {  	_ = 	snop;
	(pc) =	sbr.ind lr, $3  }
0x3a: {  	_ = 	snop  }
0x3b: {  	_ = 	snop  }
0x3c: {  	p2 =	seq.s32 s10, $0x1;
	s10 =	sld [smem:$0x3FBA]  }
0x3d: {  	_ =	shalt  }
0x3e: {  	_ =	shalt  }
0x3f: {  	_ =	shalt  }
0x40: {  	_ =	shalt  }
0x41: {  	_ =	shalt  }
0x42: {  	_ =	shalt  }
0x43: {  	_ =	shalt  }
0x44: {  	_ =	shalt  }
0x45: {  	_ =	shalt  }
0x46: {  	_ =	shalt  }
0x47: {  	_ =	shalt  }
0x48: {  	_ =	shalt  }
0x49: {  	_ =	shalt  }
0x4a: {  	_ =	shalt  }
0x4b: {  	_ =	shalt  }
0x4c: {  	_ =	shalt  }
0x4d: {  	_ =	shalt  }
0x4e: {  	_ =	shalt  }
0x4f: {  	_ =	shalt  }
0x50: {  	_ =	shalt  }
0x51: {  	_ =	shalt  }
0x52: {  	_ =	shalt  }
0x53: {  	_ =	shalt  }
0x54: {  	_ =	shalt  }
0x55: {  	_ =	shalt  }
0x56: {  	_ =	shalt  }
0x57: {  	_ =	shalt  }
0x58: {  	_ =	shalt  }
0x59: {  	_ =	shalt  }
0x5a: {  	_ =	shalt  }
0x5b: {  	_ =	shalt  }
0x5c: {  	_ =	shalt  }
0x5d: {  	_ =	shalt  }
0x5e: {  	_ =	shalt  }
0x5f: {  	_ =	shalt  }
0x60: {  	_ =	shalt  }
0x61: {  	_ =	shalt  }
0x62: {  	_ =	shalt  }
0x63: {  	_ =	shalt  }
0x64: {  	_ =	shalt  }
0x65: {  	_ =	shalt  }
0x66: {  	_ =	shalt  }
0x67: {  	_ =	shalt  }
0x68: {  	_ =	shalt  }
0x69: {  	_ =	shalt  }
0x6a: {  	_ =	shalt  }
0x6b: {  	_ =	shalt  }
0x6c: {  	_ =	shalt  }
0x6d: {  	_ =	shalt  }
0x6e: {  	_ =	shalt  }
0x6f: {  	_ =	shalt  }
0x70: {  	_ =	shalt  }
0x71: {  	_ =	shalt  }
0x72: {  	_ =	shalt  }
0x73: {  	_ =	shalt  }
0x74: {  	_ =	shalt  }
0x75: {  	_ =	shalt  }
0x76: {  	_ =	shalt  }
0x77: {  	_ =	shalt  }
0x78: {  	_ =	shalt  }
0x79: {  	_ =	shalt  }
0x7a: {  	_ =	shalt  }
0x7b: {  	_ =	shalt  }
0x7c: {  	_ =	shalt  }
0x7d: {  	_ =	shalt  }
0x7e: {  	_ =	shalt  }
0x7f: {  	_ =	shalt  }
0x80: {  	_ =	shalt  }
0x81: {  	_ =	shalt  }
0x82: {  	_ =	shalt  }
0x83: {  	_ =	shalt  }
0x84: {  	_ =	shalt  }
0x85: {  	_ =	shalt  }
0x86: {  	_ =	shalt  }
0x87: {  	_ =	shalt  }
.Lfunc_end0:
.L_simem_size_0:
called_computation.4_lowered:
.L_overlay_start_0:
0x88: {  	s2 =	sld [smem:$0x3FD9]  }
0x89: {  	s3 =	sld [smem:$0x3FFE];
	_ =	sdelay $0x1  }
0x8a: {  	s1 =	srdreg.scid  }
0x8b: {  	s0 =	sand.u32 $0x1, s1  }
0x8c: {  	s17 =	sshll.u32 s0, $0xA;
	s2 =	sadd.s32 s3, s2  }
0x8d: {  	s2 =	sadd.s32 s2, s17  }
0x8e: {  	[smem:$0x3FC6] =	sst s2  }
0x8f: {  	_ = 	snop  }
0x90: {  	s18 =	sld [smem:$0x3FC8];
	(tm) =	ssettm $0x1  }
0x91: {  	s19 =	sld [smem:$0x3FFB];
	_ =	sdelay $0x3  }
0x92: {  	_ =	strace s19  }
0x93: {  	s2 =	sld [smem:$0x3FFC];
	_ =	sdelay $0x3  }
0x94: {  	_ =	strace s2  }
0x95: {  	s2 =	sld [smem:$0x3FFD];
	_ =	sdelay $0x3  }
0x96: {  	_ =	strace s2  }
0x97: {  	_ =	strace $0x8FFFFFFF  }
0x98: {  	s20 =	sld [smem:$0x3FDB];
	_ =	sdelay $0x1  }
0x99: {  	s4 =	simm.s32 $_scs_section_size  }
0x9a: {  	s5 =	simm.s32 $_size__tile_overlayer_lowered;
	s6 =	simm.s32 $_tile_overlayer_lowered  }
0x9b: {  	s7 =	simm.s32 $0x1BFF;
	s21 =	sshll.u32 s6, $0x1;
	s4 =	sadd.s32 s4, s20  }
0x9c: {  	s22 =	simm.s32 $0x0;
	s5 =	sshll.u32 s5, $0x1;
	s6 =	sadd.s32 s21, s4  }
0x9d: {  	[timem:s22], [sflag:s7] =	dma.local [hbm:s6], s5  }
0x9e: {  	_ =	swait.ge [sflag:s7], s5  }
0x9f: {  	s5 =	ssub.s32 $0x0, s5;
	[sflag:s7] =	ssyncset.done $0x0  }
0xa0: {  	[sflag:s7] =	ssyncadd.s32 s5;
	_ =	sdelay $0x1  }
0xa1: {  	s23 =	simm.s32 $0x1B8B  }
0xa2: {  	_ =	swait.ge [sflag:s23], $0x1  }
0xa3: {  	[sflag:s23] =	ssyncset.done $0x0  }
0xa4: {  	[sflag:s23] =	ssyncadd.s32 $0xFFFFFFFF  }
0xa5: {  	s5 =	sld [smem:$0x0]  }
0xa6: {  	s6 =	sand.u32 $0xFFFFFFFE, s1  }
0xa7: {  	p0 =	sne.s32 s1, s6  }
0xa8: {  	s6 =	sshll.u32 @p0 s6, $0xE  }
0xa9: {  	s6 =	sadd.s32 @p0 $0x11B8D, s6;
	s7 =	sshll.u32 @p0 s5, $0x11  }
0xaa: {  	s6 =	sor.u32 @p0 s7, s6  }
0xab: {  	[sflag:s6] =	ssyncadd.remote.s32 @p0 $0x1;
	_ =	sdelay $0x1  }
0xac: {  	s6 =	simm.s32 @p0 $0x1B8D  }
0xad: {  	_ =	swait.eq @p0 [sflag:s6], $0x1  }
0xae: {  	[sflag:s6] =	ssyncadd.s32 @p0 $0xFFFFFFFF  }
0xaf: {  	s7 =	sshll.u32 @!p0 s1, $0xE  }
0xb0: {  	s7 =	sor.u32 @!p0 $0x4000, s7;
	s6 =	simm.s32 @!p0 $0x1B8D  }
0xb1: {  	s5 =	sshll.u32 @!p0 s5, $0x11;
	s7 =	sadd.s32 @!p0 $0x11B8D, s7;
	_ =	swait.eq @!p0 [sflag:s6], $0x1  }
0xb2: {  	s5 =	sor.u32 @!p0 s5, s7;
	[sflag:s6] =	ssyncadd.s32 @!p0 $0xFFFFFFFF  }
0xb3: {  	s25 =	simm.s32 $0x1B8E;
	s24 =	sld [smem:$0x3FFE];
	[sflag:s5] =	ssyncadd.remote.s32 @!p0 $0x1  }
0xb4: {  	s26 =	simm.s32 $execute0_lowered;
	[smem:$0x3FD2] =	sst s25  }
0xb5: {  	s6 =	sshll.u32 s26, $0x1;
	_ =	strace $0x80000052;
	[dreg:$0x1] =	wrdreg $0xFFFFFFFF  }
0xb6: {  	s28 =	simm.s32 $_size_execute0_lowered;
	s4 =	sadd.s32 s4, s6;
	[dreg:$0x0] =	wrdreg $0x0  }
0xb7: {  	s6 =	sshll.u32 s28, $0x1;
	[dreg:$0x2] =	wrdreg s4  }
0xb8: {  	[dreg:$0x3] =	wrdreg s6  }
0xb9: {  	[dreg:$0x4] =	wrdreg $0xC0  }
0xba: {  	_ =	task [dreg:s22], $0x5FFFF  }
0xbb: {  	[dreg:$0x1] =	wrdreg $0xFFFFFFFF  }
0xbc: {  	[dreg:$0x0] =	wrdreg $0x60  }
0xbd: {  	[dreg:$0x2] =	wrdreg s24  }
0xbe: {  	[dreg:$0x3] =	wrdreg s18  }
0xbf: {  	[dreg:$0x4] =	wrdreg $0xD  }
0xc0: {  	_ =	task.clear_ibuf [dreg:s22], $0x5FFFF;
	_ =	strace $0x90000052  }
0xc1: {  	s29 =	simm.s32 $0xD;
	_ =	strace $0x80000054  }
0xc2: {  	_ =	swait.ge [sflag:s29], $0x1  }
0xc3: {  	[sflag:s29] =	ssyncadd.s32 $0xFFFFFFFF  }
0xc4: {  	_ =	strace $0x90000054  }
0xc5: {  	_ =	sfence  }
0xc6: {  	s30 =	sld [smem:$0x0];
	_ =	sdelay $0x2  }
0xc7: {  	s31 =	sshll.u32 s1, $0xD;
	s1 =	sshrl.u32 s1, $0x2  }
0xc8: {  	s4 =	sand.u32 $0x4000, s31;
	s1 =	sadd.s32 s1, s30  }
0xc9: {  	s0 =	sor.u32 s4, s0;
	s1 =	sshll.u32 s1, $0x11  }
0xca: {  	s0 =	sor.u32 s1, s0  }
0xcb: {  	s0 =	sadd.s32 $0x8F2B, s0  }
0xcc: {  	[sflag:s0] =	ssyncadd.remote.s32 $0x1  }
0xcd: {  	_ =	sfence.sel $0xFFFF  }
0xce: {  	[dreg:$0x0] =	wrdreg $0xFFFFFFFF;
	(pc) =	sbr.abs _section_cstart, $3  }
0xcf: {  	[dreg:$0x1] =	wrdreg $0xFFFFFFFF  }
0xd0: {  	_ =	task.clear_ibuf [dreg:s22], $0x2FFFF;
	_ =	strace $0x9FFFFFFF  }
0xd1: {  	(tm) =	ssettm $0x7FFFFFFF  }
tec
execute0_lowered:
.L_overlay_start_1:
0x0: {  	(tag) =	ssettag $0x1  }
0x1: {  	s1 =	srdreg.scid;
	s0 =	stileid.u32  }
0x2: {  	s24 =	sand.u32 $0x1, s1;
	s31 =	sshll.u32 s0, $0x1  }
0x3: {  	s1 =	sor.u32 s24, s31  }
0x4: {  	s7 =	smul.u32 $0xFA, s1  }
0x5: {  	s14 =	rddreg [dreg:$0x0]  }
0x6: {  	s3 =	rddreg [dreg:$0x1];
	s2 =	simm.s32 $0x0;
	s4 =	sshrl.u32 s7, $0x1  }
0x7: {  	[smem:$0x7FF] =	sst s2;
	s4 =	sand.u32 $0xFF0, s4  }
0x8: {  	s5 =	simm.s32 $0x8;
	s1 =	rddreg [dreg:$0x2];
	s3 =	sadd.s32 s4, s3  }
0x9: {  	_ =	strace $0x80000053;
	s4 =	simm.s32 $0x1C000;
	s3 =	sadd.s32 $0x3E80, s3  }
0xa: {  	[tilespmem:s4], [sflag:$0x8] =	stream.linear.gather [hbm4b:s3+s2], $0x400, $0x38;
	[tilespmem:$0x1C400] =	vst v63  }
0xb: {  	_ =	swait.ge [sflag:s5], $0x400  }
0xc: {  	s6 =	sadd.s32 $0x2A00, s14;
	[sflag:s5] =	ssyncset.done $0x0  }
0xd: {  	s15 =	sshll.u32 s7, $0x6;
	s7 =	simm.s32 $0x180;
	[sflag:s5] =	ssyncadd.s32 $0xFFFFFC00  }
0xe: {  	[tilespmem:s2], [sflag:$0x1] =	stream.indirect.gather [hbm4b:s6+s7], $0x80, s4, s7, $0xb8;
	[tilespmem:$0x1C400] =	vst v63  }
0xf: {  	s8 =	simm.s32 $0x1C180;
	s9 =	simm.s32 $0x10000;
	s10 =	simm.s32 $0x80  }
0x10: {  	[tilespmem:s9], [sflag:$0x2] =	stream.indirect.gather [hbm4b:s6+s7], $0x80, s8, s7, $0xb8;
	[tilespmem:$0x1C400] =	vst v63  }
0x11: {  	s11 =	simm.s32 $0x1C300;
	s12 =	simm.s32 $0xC000;
	s13 =	simm.s32 $0x1  }
0x12: {  	[tilespmem:s12], [sflag:$0x3] =	stream.indirect.gather [hbm4b:s6+s10], $0x80, s11, s10, $0xb8;
	[tilespmem:$0x1C400] =	vst v63  }
0x13: {  	s15 =	sand.u32 $0x7F800, s15;
	_ =	swait.ge [sflag:s13], $0xC000  }
0x14: {  	s22 =	sadd.s32 s15, s14;
	[sflag:s13] =	ssyncset.done $0x0  }
0x15: {  	s15 =	simm.s32 $0x2;
	s14 =	sadd.s32 $0x1FEA00, s22;
	[sflag:s13] =	ssyncadd.s32 $0xFFFF4000  }
0x16: {  	[hbm4b:s14+s2] =	stream.linear.scatter [tilespmem:s2], [sflag:$0x5], $0xC000, $0x38;
	[tilespmem:$0x1C400] =	vst v63  }
0x17: {  	_ =	swait.ge [sflag:s15], $0xC000  }
0x18: {  	[sflag:s15] =	ssyncset.done $0x0  }
0x19: {  	s17 =	simm.s32 $0x3;
	s16 =	sadd.s32 $0x200200, s22;
	[sflag:s15] =	ssyncadd.s32 $0xFFFF4000  }
0x1a: {  	[hbm4b:s16+s2] =	stream.linear.scatter [tilespmem:s9], [sflag:$0x6], $0xC000, $0x38;
	[tilespmem:$0x1C400] =	vst v63  }
0x1b: {  	_ =	swait.ge [sflag:s17], $0x4000  }
0x1c: {  	[sflag:s17] =	ssyncset.done $0x0  }
0x1d: {  	s18 =	simm.s32 $0x5;
	s19 =	sadd.s32 $0x201A00, s22;
	[sflag:s17] =	ssyncadd.s32 $0xFFFFC000  }
0x1e: {  	[hbm4b:s19+s2] =	stream.linear.scatter [tilespmem:s12], [sflag:$0x7], $0x4000, $0x38;
	[tilespmem:$0x1C400] =	vst v63  }
0x1f: {  	_ =	swait.ge [sflag:s18], $0xC000  }
0x20: {  	[sflag:s18] =	ssyncset.done $0x0  }
0x21: {  	s20 =	simm.s32 $0x1C380;
	s21 =	simm.s32 $0x4;
	[sflag:s18] =	ssyncadd.s32 $0xFFFF4000  }
0x22: {  	[tilespmem:s2], [sflag:$0x4] =	stream.indirect.gather [hbm4b:s6+s10], $0x80, s20, s10, $0xb8;
	[tilespmem:$0x1C400] =	vst v63  }
0x23: {  	_ =	swait.ge [sflag:s21], $0x4000  }
0x24: {  	s23 =	simm.s32 $0x6;
	s25 =	ssub.s32 $0x2, s24;
	[sflag:s21] =	ssyncset.done $0x0  }
0x25: {  	s26 =	sshrl.u32 s25, $0x1;
	s22 =	sadd.s32 $0x202200, s22;
	[sflag:s21] =	ssyncadd.s32 $0xFFFFC000  }
0x26: {  	[hbm4b:s22+s2] =	stream.linear.scatter [tilespmem:s2], [sflag:$0x5], $0x4000, $0x38;
	[tilespmem:$0x1C400] =	vst v63  }
0x27: {  	s25 =	ssub.s32 s25, s26;
	_ =	swait.ge [sflag:s23], $0xC000  }
0x28: {  	s25 =	smax.u32 s25, $0x1;
	[sflag:s23] =	ssyncset.done $0x0  }
0x29: {  	s24 =	simm.s32 $0x7;
	p0 =	sne.s32 s25, $0x1;
	[sflag:s23] =	ssyncadd.s32 $0xFFFF4000  }
.Ltmp0:
0x2a: {  	_ =	swait.ge [sflag:s24], $0x4000;
	(pc) =	sbr.rel @!p0 .LBB2_2-.Ltmp0, $4  }
0x2b: {  	[sflag:s24] =	ssyncset.done $0x0  }
0x2c: {  	[sflag:s24] =	ssyncadd.s32 $0xFFFFC000  }
0x2d: {  	_ =	swait.ge [sflag:s18], $0x4000  }
0x2e: {  	s25 =	sadd.s32 $0xFFFFFFFF, s25;
	[sflag:s18] =	ssyncset.done $0x0  }
.LBB2_1:
0x2f: {  	p0 =	sne.s32 s25, $0x1;
	s25 =	sadd.s32 $0xFFFFFFFF, s25;
	[sflag:s18] =	ssyncadd.s32 $0xFFFFC000  }
0x30: {  	[tilespmem:s4], [sflag:$0x8] =	stream.linear.gather [hbm4b:s3+s2], $0x400, $0x38;
	[tilespmem:$0x1C400] =	vst v63  }
0x31: {  	_ =	swait.ge [sflag:s5], $0x400  }
0x32: {  	[sflag:s5] =	ssyncset.done $0x0  }
0x33: {  	[sflag:s5] =	ssyncadd.s32 $0xFFFFFC00  }
0x34: {  	[tilespmem:s2], [sflag:$0x1] =	stream.indirect.gather [hbm4b:s6+s7], $0x80, s4, s7, $0xb8;
	[tilespmem:$0x1C400] =	vst v63  }
0x35: {  	_ = 	snop  }
0x36: {  	[tilespmem:s9], [sflag:$0x2] =	stream.indirect.gather [hbm4b:s6+s7], $0x80, s8, s7, $0xb8;
	[tilespmem:$0x1C400] =	vst v63  }
0x37: {  	_ = 	snop  }
0x38: {  	[tilespmem:s12], [sflag:$0x3] =	stream.indirect.gather [hbm4b:s6+s10], $0x80, s11, s10, $0xb8;
	[tilespmem:$0x1C400] =	vst v63  }
0x39: {  	_ =	swait.ge [sflag:s13], $0xC000  }
0x3a: {  	[sflag:s13] =	ssyncset.done $0x0  }
0x3b: {  	[sflag:s13] =	ssyncadd.s32 $0xFFFF4000  }
0x3c: {  	[hbm4b:s14+s2] =	stream.linear.scatter [tilespmem:s2], [sflag:$0x5], $0xC000, $0x38;
	[tilespmem:$0x1C400] =	vst v63  }
0x3d: {  	_ =	swait.ge [sflag:s15], $0xC000  }
0x3e: {  	[sflag:s15] =	ssyncset.done $0x0  }
0x3f: {  	[sflag:s15] =	ssyncadd.s32 $0xFFFF4000  }
0x40: {  	[hbm4b:s16+s2] =	stream.linear.scatter [tilespmem:s9], [sflag:$0x6], $0xC000, $0x38;
	[tilespmem:$0x1C400] =	vst v63  }
0x41: {  	_ =	swait.ge [sflag:s17], $0x4000  }
0x42: {  	[sflag:s17] =	ssyncset.done $0x0  }
0x43: {  	[sflag:s17] =	ssyncadd.s32 $0xFFFFC000  }
0x44: {  	[hbm4b:s19+s2] =	stream.linear.scatter [tilespmem:s12], [sflag:$0x7], $0x4000, $0x38;
	[tilespmem:$0x1C400] =	vst v63  }
0x45: {  	_ =	swait.ge [sflag:s18], $0xC000  }
0x46: {  	[sflag:s18] =	ssyncset.done $0x0  }
0x47: {  	[sflag:s18] =	ssyncadd.s32 $0xFFFF4000  }
0x48: {  	[tilespmem:s2], [sflag:$0x4] =	stream.indirect.gather [hbm4b:s6+s10], $0x80, s20, s10, $0xb8;
	[tilespmem:$0x1C400] =	vst v63  }
0x49: {  	_ =	swait.ge [sflag:s21], $0x4000  }
0x4a: {  	[sflag:s21] =	ssyncset.done $0x0  }
0x4b: {  	[sflag:s21] =	ssyncadd.s32 $0xFFFFC000  }
0x4c: {  	[hbm4b:s22+s2] =	stream.linear.scatter [tilespmem:s2], [sflag:$0x5], $0x4000, $0x38;
	[tilespmem:$0x1C400] =	vst v63  }
0x4d: {  	_ =	swait.ge [sflag:s23], $0xC000  }
0x4e: {  	[sflag:s23] =	ssyncset.done $0x0  }
0x4f: {  	[sflag:s23] =	ssyncadd.s32 $0xFFFF4000  }
.Ltmp1:
0x50: {  	_ =	swait.ge [sflag:s24], $0x4000;
	(pc) =	sbr.rel @p0 .LBB2_1-.Ltmp1, $4  }
0x51: {  	[sflag:s24] =	ssyncset.done $0x0  }
0x52: {  	[sflag:s24] =	ssyncadd.s32 $0xFFFFC000  }
0x53: {  	_ =	swait.ge [sflag:s18], $0x4000  }
0x54: {  	[sflag:s18] =	ssyncset.done $0x0  }
.LBB2_2:
0x55: {  	[sflag:s18] =	ssyncadd.s32 $0xFFFFC000  }
0x56: {  	_ =	sfence.sel $0x180000  }
0x57: {  	[bflag:$0x0] =	sbarrier.arrive $0xFFFF  }
0x58: {  	p0 =	sne.s32 s0, $0x0;
	_ =	strace $0x90000053  }
0x59: {  	s0 =	sadd.s32 @!p0 $0x100000, s1;
	[bflag:$0x2] =	sbarrier.arrive $0xFFFF  }
0x5a: {  	[sflag:s0] =	ssyncadd.tile.s32 @!p0 $0x1;
	_ =	shalt  }
.Lfunc_end2:
_tile_overlayer_lowered:
.L_overlay_start_2:
0x5b: {  	(tag) =	ssettag $0x2  }
0x5c: {  	s0 =	rddreg [dreg:$0x0];
	s2 =	stileid.u32  }
0x5d: {  	s1 =	rddreg [dreg:$0x1];
	p0 =	sne.s32 s2, $0x0  }
0x5e: {  	s3 =	rddreg [dreg:$0x2];
	[bflag:$0x3] =	sbarrier.arrive $0xFFFF;
	s2 =	simm.s32 @!p0 $0x1C08  }
0x5f: {  	[timem:s3], [sflag:s2] =	dma.local @!p0 [hbm:s0], s1  }
0x60: {  	s0 =	simm.s32 @!p0 $0x8  }
0x61: {  	_ =	swait.ge @!p0 [sflag:s0], s1  }
0x62: {  	s1 =	ssub.s32 @!p0 $0x0, s1;
	[sflag:s0] =	ssyncset.done @!p0 $0x0  }
0x63: {  	[sflag:s0] =	ssyncadd.s32 @!p0 s1  }
0x64: {  	[bflag:$0x3] =	sbarrier.arrive $0xFFFF  }
0x65: {  	_ =	shalt  }

</sc_bundles>
